<compile_context>
chip_gen: v7x
topology: tpu7x:2x2x1
jax: 0.10.2.dev20260603
libtpu: 0.0.44.dev20260713+nightly
codegen_flags: <defaults>
</compile_context>

<pallas_src>
import functools

import jax
import jax.numpy as jnp
from jax import lax
from jax.experimental import pallas as pl
from jax.experimental.pallas import tpu as pltpu
from jax.experimental.pallas import tpu_sc as plsc

LMAX = 2
L2 = (LMAX + 1) ** 2
C = 32
H = 64
EC = 64
N = 10000
E = 160000
F = L2 * C

_DEG = [(l * l * C, (l + 1) * (l + 1) * C) for l in range(LMAX + 1)]

BN = 1000
BE = 640
CHUNK = 128
NCHUNKS = E // CHUNK
NW = 32
HALF = F // 2
EPS = 1e-6


def _rms_norm_cols(x, gamma_row):
    outs = []
    for s, e in _DEG:
        xl = x[:, s:e]
        ms = jnp.mean(xl * xl, axis=1, keepdims=True)
        outs.append(xl * lax.rsqrt(ms + EPS))
    return jnp.concatenate(outs, axis=1) * gamma_row


def _k1_body(nf_ref, g_ref, out_ref):
    out_ref[...] = _rms_norm_cols(nf_ref[...], g_ref[...])


def _k1(nf2, gamma_row):
    return pl.pallas_call(
        _k1_body,
        grid=(N // BN,),
        in_specs=[
            pl.BlockSpec((BN, F), lambda i: (i, 0)),
            pl.BlockSpec((1, F), lambda i: (0, 0)),
        ],
        out_specs=pl.BlockSpec((BN, F), lambda i: (i, 0)),
        out_shape=jax.ShapeDtypeStruct((N, F), jnp.float32),
    )(nf2, gamma_row)


def _k2_body(nchunks, table, snd, rcv, out_s, out_r, idx_s, idx_r,
             buf_s, buf_r, sem_s, sem_r):
    wid = lax.axis_index("s") * 2 + lax.axis_index("c")

    def step(k, carry):
        cid = wid + NW * k

        @pl.when(cid < nchunks)
        def _():
            base = cid * CHUNK
            pltpu.sync_copy(snd.at[pl.ds(base, CHUNK)], idx_s)
            pltpu.sync_copy(rcv.at[pl.ds(base, CHUNK)], idx_r)
            a = pltpu.async_copy(table.at[idx_s], buf_s, sem_s)
            b = pltpu.async_copy(table.at[idx_r], buf_r, sem_r)
            a.wait()
            b.wait()
            pltpu.sync_copy(buf_s, out_s.at[pl.ds(base, CHUNK)])
            pltpu.sync_copy(buf_r, out_r.at[pl.ds(base, CHUNK)])

        return carry

    lax.fori_loop(0, (nchunks + NW - 1) // NW, step, 0)


def _k2(xhat, senders, receivers, ecount):
    nchunks = ecount // CHUNK
    mesh = plsc.VectorSubcoreMesh(core_axis_name="c", subcore_axis_name="s")
    fn = functools.partial(
        pl.kernel,
        mesh=mesh,
        compiler_params=pltpu.CompilerParams(use_tc_tiling_on_sc=False),
        out_type=(
            jax.ShapeDtypeStruct((ecount, F), jnp.float32),
            jax.ShapeDtypeStruct((ecount, F), jnp.float32),
        ),
        scratch_types=[
            pltpu.VMEM((CHUNK,), jnp.int32),
            pltpu.VMEM((CHUNK,), jnp.int32),
            pltpu.VMEM((CHUNK, F), jnp.float32),
            pltpu.VMEM((CHUNK, F), jnp.float32),
            pltpu.SemaphoreType.DMA,
            pltpu.SemaphoreType.DMA,
        ],
    )(functools.partial(_k2_body, nchunks))
    return fn(xhat, senders, receivers)


def _k3_body(xs_ref, xr_ref, wigT_ref, ee_ref, envT_ref,
             we1_ref, be1_ref, we2_ref, be2_ref,
             wtop_ref, wbot_ref, wout_ref, out_ref):
    mm = functools.partial(lax.dot_general,
                           preferred_element_type=jnp.float32)
    c_maj_min = (((0,), (1,)), ((), ()))
    c_maj_maj = (((0,), (0,)), ((), ()))

    xs = xs_ref[...]
    xr = xr_ref[...]
    envT = envT_ref[...]

    e = mm(we1_ref[...], ee_ref[...], c_maj_min)
    e = e + be1_ref[...]
    e = e * jax.nn.sigmoid(e)
    e = mm(we2_ref[...], e, c_maj_maj)
    e = e + be2_ref[...]
    e = e * jax.nn.sigmoid(e)

    wtop = wtop_ref[...]
    wbot = wbot_ref[...]
    m = [
        mm(wtop, xs[:, j * C:(j + 1) * C], c_maj_min)
        + mm(wbot, xr[:, j * C:(j + 1) * C], c_maj_min)
        for j in range(L2)
    ]
    t = []
    for i in range(L2):
        acc = wigT_ref[i * L2:i * L2 + 1, :] * m[0]
        for j in range(1, L2):
            acc = acc + wigT_ref[i * L2 + j:i * L2 + j + 1, :] * m[j]
        t.append(acc * e)
    wout = wout_ref[...]
    outs = []
    for i in range(L2):
        acc = wigT_ref[i:i + 1, :] * t[0]
        for j in range(1, L2):
            acc = acc + wigT_ref[j * L2 + i:j * L2 + i + 1, :] * t[j]
        outs.append(mm(acc * envT, wout, c_maj_maj))
    out_ref[...] = jnp.concatenate(outs, axis=1)


def _k3(xs, xr, wigT, ee, envT, W_e1, b_e1, W_e2, b_e2, Wtop, Wbot, W_out):
    ecount = xs.shape[0]
    full = lambda shape: pl.BlockSpec(shape, lambda i: (0, 0))
    return pl.pallas_call(
        _k3_body,
        grid=(ecount // BE,),
        in_specs=[
            pl.BlockSpec((BE, F), lambda i: (i, 0)),
            pl.BlockSpec((BE, F), lambda i: (i, 0)),
            pl.BlockSpec((L2 * L2, BE), lambda i: (0, i)),
            pl.BlockSpec((BE, EC), lambda i: (i, 0)),
            pl.BlockSpec((1, BE), lambda i: (0, i)),
            full((EC, EC)), full((EC, 1)), full((EC, H)), full((H, 1)),
            full((C, H)), full((C, H)), full((H, C)),
        ],
        out_specs=pl.BlockSpec((BE, F), lambda i: (i, 0)),
        out_shape=jax.ShapeDtypeStruct((ecount, F), jnp.float32),
    )(xs, xr, wigT, ee, envT, W_e1, b_e1, W_e2, b_e2, Wtop, Wbot, W_out)


def _k4_body(nchunks, p, rcv, zeros, agg, idx_v, rows_v, acc_sh, sem):
    cid = lax.axis_index("c")
    sid = lax.axis_index("s")
    col = cid * HALF
    rows_per_sub = N // 16

    pltpu.sync_copy(
        zeros.at[pl.ds(sid * rows_per_sub, rows_per_sub), pl.ds(col, HALF)],
        acc_sh.at[pl.ds(sid * rows_per_sub, rows_per_sub)])
    plsc.subcore_barrier()

    def step(k, carry):
        c = sid + 16 * k

        @pl.when(c < nchunks)
        def _():
            base = c * CHUNK
            pltpu.sync_copy(rcv.at[pl.ds(base, CHUNK)], idx_v)
            pltpu.sync_copy(p.at[pl.ds(base, CHUNK), pl.ds(col, HALF)],
                            rows_v)
            pltpu.sync_copy(rows_v, acc_sh.at[idx_v], add=True)

        return carry

    lax.fori_loop(0, (nchunks + 15) // 16, step, 0)
    plsc.subcore_barrier()

    pltpu.sync_copy(
        acc_sh.at[pl.ds(sid * rows_per_sub, rows_per_sub)],
        agg.at[pl.ds(sid * rows_per_sub, rows_per_sub), pl.ds(col, HALF)])


def _k4(p, receivers, zeros):
    nchunks = p.shape[0] // CHUNK
    mesh = plsc.VectorSubcoreMesh(core_axis_name="c", subcore_axis_name="s")
    fn = functools.partial(
        pl.kernel,
        mesh=mesh,
        compiler_params=pltpu.CompilerParams(use_tc_tiling_on_sc=False),
        out_type=jax.ShapeDtypeStruct((N, F), jnp.float32),
        scratch_types=[
            pltpu.VMEM((CHUNK,), jnp.int32),
            pltpu.VMEM((CHUNK, HALF), jnp.float32),
            pltpu.VMEM_SHARED((N, HALF), jnp.float32),
            pltpu.SemaphoreType.DMA,
        ],
    )(functools.partial(_k4_body, nchunks))
    return fn(p, receivers, zeros)


def _k5_body(agga_ref, aggb_ref, aggc_ref, aggd_ref, nf_ref, g_ref,
             w1_ref, w2_ref, out_ref):
    x = ((agga_ref[...] + aggb_ref[...]) + (aggc_ref[...] + aggd_ref[...])
         + nf_ref[...])
    xh = _rms_norm_cols(x, g_ref[...])
    mm = functools.partial(lax.dot_general,
                           preferred_element_type=jnp.float32)
    c_maj_min = (((0,), (1,)), ((), ()))
    c_maj_maj = (((0,), (0,)), ((), ()))
    w1 = w1_ref[...]
    w2 = w2_ref[...]
    h = [mm(w1, xh[:, j * C:(j + 1) * C], c_maj_min) for j in range(L2)]
    gate = jax.nn.sigmoid(h[0])
    outs = [mm(h[j] * gate, w2, c_maj_maj) for j in range(L2)]
    out_ref[...] = jnp.concatenate(outs, axis=1) + x


def _k5(aggs, nf2, gamma_row, W1, W2):
    full = lambda shape: pl.BlockSpec(shape, lambda i: (0, 0))
    blk = lambda: pl.BlockSpec((BN, F), lambda i: (i, 0))
    return pl.pallas_call(
        _k5_body,
        grid=(N // BN,),
        in_specs=[
            blk(), blk(), blk(), blk(), blk(),
            full((1, F)), full((C, H)), full((H, C)),
        ],
        out_specs=pl.BlockSpec((BN, F), lambda i: (i, 0)),
        out_shape=jax.ShapeDtypeStruct((N, F), jnp.float32),
    )(*aggs, nf2, gamma_row, W1, W2)


def _gamma_row(gamma):
    parts = [
        jnp.broadcast_to(gamma[l], ((l + 1) ** 2 - l * l, C))
        for l in range(LMAX + 1)
    ]
    return jnp.concatenate(parts, axis=0).reshape(1, F)


def kernel(node_feats, edge_embeds, senders, receivers, wigner_matrices,
           edge_envelope, gamma1, gamma2, W_e1, b_e1, W_e2, b_e2, W_in,
           W_out, W1, W2):
    nf2 = node_feats.reshape(N, F)
    wigT = wigner_matrices.reshape(E, L2 * L2).T
    envT = edge_envelope.reshape(1, E)
    g1 = _gamma_row(gamma1)
    g2 = _gamma_row(gamma2)
    Wtop = W_in[:C]
    Wbot = W_in[C:]
    zeros = jnp.zeros((N, F), jnp.float32)

    be1c = b_e1.reshape(EC, 1)
    be2c = b_e2.reshape(H, 1)
    sizes = (40960, 40960, 40960, 37120)
    offs = (0, 40960, 81920, 122880)

    xhat = _k1(nf2, g1)
    gathered = [
        _k2(xhat, senders[o:o + n], receivers[o:o + n], n)
        for o, n in zip(offs, sizes)
    ]
    ps = [
        _k3(xs, xr, wigT[:, o:o + n], edge_embeds[o:o + n],
            envT[:, o:o + n], W_e1, be1c, W_e2, be2c, Wtop, Wbot, W_out)
        for (xs, xr), o, n in zip(gathered, offs, sizes)
    ]
    aggs = [
        _k4(pp, receivers[o:o + n], zeros)
        for pp, o, n in zip(ps, offs, sizes)
    ]
    out = _k5(aggs, nf2, g2, W1, W2)
    return out.reshape(N, L2, C)

# --- scband reference (transcript-rebuilt; emitter-appended) ---
"""Pipeline reference for scband-umalayer-74328704024964 (READ-ONLY COPY).

The authoritative reference and input builder live on the scoring server;
editing this copy changes nothing except your own understanding.
"""

import jax, jax.numpy as jnp
import numpy as np

LMAX = 2
L2 = (LMAX + 1) ** 2  # 9
C = 32   # sphere_channels
H = 64   # hidden_channels
EC = 64  # edge embedding channels
N = 10000
E = 160000


def _deg_slices():
    return [(l * l, (l + 1) * (l + 1)) for l in range(LMAX + 1)]


def rms_norm_sh(x, gamma, eps=1e-6):
    # Equivariant RMS layer norm: per-degree RMS over (m, channels), learned per-degree/channel scale.
    outs = []
    for l, (s, e) in enumerate(_deg_slices()):
        xl = x[:, s:e, :]
        nrm = jnp.sqrt(jnp.mean(xl * xl, axis=(1, 2), keepdims=True) + eps)
        outs.append(xl / nrm * gamma[l][None, None, :])
    return jnp.concatenate(outs, axis=1)


def setup_inputs(seed: int = 0) -> dict:
    key = jax.random.key(seed)
    ks = [jax.random.fold_in(key, i) for i in range(20)]
    inp = {}
    inp['node_feats'] = jax.random.normal(ks[0], (N, L2, C), dtype=jnp.float32)
    inp['edge_embeds'] = jax.random.normal(ks[1], (E, EC), dtype=jnp.float32)
    inp['senders'] = jax.random.randint(ks[2], (E,), 0, N, dtype=jnp.int32)
    inp['receivers'] = jax.random.randint(ks[3], (E,), 0, N, dtype=jnp.int32)
    inp['wigner_matrices'] = jax.random.normal(ks[4], (E, L2, L2), dtype=jnp.float32) / np.sqrt(L2)
    inp['edge_envelope'] = jax.random.uniform(ks[5], (E,), dtype=jnp.float32)
    # learned parameters
    inp['gamma1'] = jnp.ones((LMAX + 1, C), dtype=jnp.float32)
    inp['gamma2'] = jnp.ones((LMAX + 1, C), dtype=jnp.float32)
    inp['W_e1'] = jax.random.normal(ks[6], (EC, EC), dtype=jnp.float32) / np.sqrt(EC)
    inp['b_e1'] = jnp.zeros((EC,), dtype=jnp.float32)
    inp['W_e2'] = jax.random.normal(ks[7], (EC, H), dtype=jnp.float32) / np.sqrt(EC)
    inp['b_e2'] = jnp.zeros((H,), dtype=jnp.float32)
    inp['W_in'] = jax.random.normal(ks[8], (2 * C, H), dtype=jnp.float32) / np.sqrt(2 * C)
    inp['W_out'] = jax.random.normal(ks[9], (H, C), dtype=jnp.float32) / np.sqrt(H)
    inp['W1'] = jax.random.normal(ks[10], (C, H), dtype=jnp.float32) / np.sqrt(C)
    inp['W2'] = jax.random.normal(ks[11], (H, C), dtype=jnp.float32) / np.sqrt(H)
    return inp


def reference(node_feats, edge_embeds, senders, receivers, wigner_matrices, edge_envelope,
              gamma1, gamma2, W_e1, b_e1, W_e2, b_e2, W_in, W_out, W1, W2):
    n = node_feats.shape[0]
    # --- block 1: norm + edgewise message passing + residual ---
    res = node_feats
    x = rms_norm_sh(node_feats, gamma1)
    x_s = jnp.take(x, senders, axis=0)       # [E, L2, C] gather
    x_r = jnp.take(x, receivers, axis=0)     # [E, L2, C] gather
    m = jnp.concatenate([x_s, x_r], axis=-1)  # [E, L2, 2C]
    m = jnp.einsum('eij,ejc->eic', wigner_matrices, m)  # rotate into edge frame
    e = jax.nn.silu(edge_embeds @ W_e1 + b_e1)
    e = jax.nn.silu(e @ W_e2 + b_e2)          # [E, H] edge-conditioned gate
    m = m @ W_in                               # [E, L2, H]
    m = m * e[:, None, :]
    m = m @ W_out                              # [E, L2, C]
    m = jnp.einsum('eji,ejc->eic', wigner_matrices, m)  # rotate back (inverse = transpose)
    m = m * edge_envelope[:, None, None]
    agg = jax.ops.segment_sum(m, receivers, num_segments=n)  # scatter-add
    x = agg + res
    # --- block 2: norm + spectral atomwise FF + residual ---
    res = x
    x = rms_norm_sh(x, gamma2)
    h = x @ W1                                 # [N, L2, H]
    scalar = h[:, 0, :]
    gate = jax.nn.sigmoid(scalar)
    h0 = jax.nn.silu(scalar)[:, None, :]
    hl = h[:, 1:, :] * gate[:, None, :]
    h = jnp.concatenate([h0, hl], axis=1)
    x = h @ W2                                 # [N, L2, C]
    return x + res

if __name__ == "__main__":
    import jax
    _d = setup_inputs()
    print(jax.jit(kernel)(*tuple(_d.values())))

</pallas_src>

<mosaic_0001>
#map = affine_map<(d0, d1) -> (0, 0)>
#map1 = affine_map<(d0, d1) -> (0)>
module attributes {stable_mosaic.version = 14 : i64} {
  func.func @_k2_body(%arg0: i32, %arg1: i32, %arg2: memref<10000x288xf32, #tpu.memory_space<hbm>>, %arg3: memref<40960xi32, #tpu.memory_space<hbm>>, %arg4: memref<40960xi32, #tpu.memory_space<hbm>>, %arg5: memref<40960x288xf32, #tpu.memory_space<hbm>>, %arg6: memref<40960x288xf32, #tpu.memory_space<hbm>>, %arg7: memref<128xi32, #tpu.memory_space<vmem>>, %arg8: memref<128xi32, #tpu.memory_space<vmem>>, %arg9: memref<128x288xf32, #tpu.memory_space<vmem>>, %arg10: memref<128x288xf32, #tpu.memory_space<vmem>>, %arg11: memref<!tpu.dma_semaphore, #tpu.memory_space<semaphore_mem>>, %arg12: memref<!tpu.dma_semaphore, #tpu.memory_space<semaphore_mem>>) attributes {dimension_semantics = [#tpu.dimension_semantics<core_parallel>, #tpu.dimension_semantics<subcore_parallel>], iteration_bounds = array<i64: 2, 16>, scalar_prefetch = 0 : i64, scratch_operands = 6 : i64, tpu.core_type = #tpu.core_type<sc_vector_subcore>, window_params = [{transform_indices = #map}, {transform_indices = #map1}, {transform_indices = #map1}, {transform_indices = #map}, {transform_indices = #map}]} {
    %mul3A = arith.constant 2 : i32
    %mul3A_0 = arith.muli %arg1, %mul3A : i32
    %add3A = arith.addi %mul3A_0, %arg0 : i32
    %scan3A = arith.constant 0 : i32
    %scan3A_1 = arith.constant 0 : i32
    %scan3A_2 = arith.constant 10 : i32
    %scan3A_3 = arith.addi %scan3A_1, %scan3A_2 : i32
    %scan3A_4 = arith.constant 1 : i32
    scf.for %scan3A_6 = %scan3A_1 to %scan3A_3 step %scan3A_4  : i32 {
      %mul3A_7 = arith.constant 32 : i32
      %mul3A_8 = arith.muli %mul3A_7, %scan3A_6 : i32
      %add3A_9 = arith.addi %add3A, %mul3A_8 : i32
      %lt3A = arith.constant 320 : i32
      %lt3A_10 = arith.cmpi slt, %add3A_9, %lt3A : i32
      %convert_element_type3A = arith.extui %lt3A_10 : i1 to i32
      %cond3A = arith.constant 0 : i32
      %cond3A_11 = arith.cmpi ne, %convert_element_type3A, %cond3A : i32
      scf.if %cond3A_11 {
        %mul3A_12 = arith.constant 128 : i32
        %mul3A_13 = arith.muli %add3A_9, %mul3A_12 : i32
        "tpu.region"() ({
          %run_scoped3A = tpu.sem_alloc : memref<!tpu.dma_semaphore, #tpu.memory_space<semaphore_mem>>
          %dma_start3A_24 = tpu.memref_slice %arg3[%mul3A_13] : memref<40960xi32, #tpu.memory_space<hbm>> -> memref<128xi32, #tpu.memory_space<hbm>>
          %dma_start3A_25 = tpu.memref_slice %arg3[%mul3A_13] : memref<40960xi32, #tpu.memory_space<hbm>> -> memref<128xi32, #tpu.memory_space<hbm>>
          tpu.enqueue_dma source(%dma_start3A_25 : memref<128xi32, #tpu.memory_space<hbm>>) target(%arg7 : memref<128xi32, #tpu.memory_space<vmem>>) target_semaphore(%run_scoped3A : memref<!tpu.dma_semaphore, #tpu.memory_space<semaphore_mem>>)
          %dma_wait3A_26 = tpu.memref_slice %arg3[%mul3A_13] : memref<40960xi32, #tpu.memory_space<hbm>> -> memref<128xi32, #tpu.memory_space<hbm>>
          %dma_wait3A_27 = tpu.memref_slice %arg3[%mul3A_13] : memref<40960xi32, #tpu.memory_space<hbm>> -> memref<128xi32, #tpu.memory_space<hbm>>
          tpu.wait_dma2 semaphore(%run_scoped3A : memref<!tpu.dma_semaphore, #tpu.memory_space<semaphore_mem>>) src(%dma_wait3A_27 : memref<128xi32, #tpu.memory_space<hbm>>) dst(%arg7 : memref<128xi32, #tpu.memory_space<vmem>>)
          tpu.yield
        }) : () -> ()
        "tpu.region"() ({
          %run_scoped3A = tpu.sem_alloc : memref<!tpu.dma_semaphore, #tpu.memory_space<semaphore_mem>>
          %dma_start3A_24 = tpu.memref_slice %arg4[%mul3A_13] : memref<40960xi32, #tpu.memory_space<hbm>> -> memref<128xi32, #tpu.memory_space<hbm>>
          %dma_start3A_25 = tpu.memref_slice %arg4[%mul3A_13] : memref<40960xi32, #tpu.memory_space<hbm>> -> memref<128xi32, #tpu.memory_space<hbm>>
          tpu.enqueue_dma source(%dma_start3A_25 : memref<128xi32, #tpu.memory_space<hbm>>) target(%arg8 : memref<128xi32, #tpu.memory_space<vmem>>) target_semaphore(%run_scoped3A : memref<!tpu.dma_semaphore, #tpu.memory_space<semaphore_mem>>)
          %dma_wait3A_26 = tpu.memref_slice %arg4[%mul3A_13] : memref<40960xi32, #tpu.memory_space<hbm>> -> memref<128xi32, #tpu.memory_space<hbm>>
          %dma_wait3A_27 = tpu.memref_slice %arg4[%mul3A_13] : memref<40960xi32, #tpu.memory_space<hbm>> -> memref<128xi32, #tpu.memory_space<hbm>>
          tpu.wait_dma2 semaphore(%run_scoped3A : memref<!tpu.dma_semaphore, #tpu.memory_space<semaphore_mem>>) src(%dma_wait3A_27 : memref<128xi32, #tpu.memory_space<hbm>>) dst(%arg8 : memref<128xi32, #tpu.memory_space<vmem>>)
          tpu.yield
        }) : () -> ()
        %dma_start3A = arith.constant 0 : i32
        %dma_start3A_14 = arith.constant 0 : i32
        %dma_start3A_15 = tpu.memref_slice %arg2[%dma_start3A, %dma_start3A_14] : memref<10000x288xf32, #tpu.memory_space<hbm>> -> memref<10000x288xf32, #tpu.memory_space<hbm>>
        tpu.enqueue_indirect_dma source(%dma_start3A_15 : memref<10000x288xf32, #tpu.memory_space<hbm>>) target(%arg9 : memref<128x288xf32, #tpu.memory_space<vmem>>) offsets(%arg7 : memref<128xi32, #tpu.memory_space<vmem>>) semaphore(%arg11 : memref<!tpu.dma_semaphore, #tpu.memory_space<semaphore_mem>>)
        %dma_start3A_16 = arith.constant 0 : i32
        %dma_start3A_17 = arith.constant 0 : i32
        %dma_start3A_18 = tpu.memref_slice %arg2[%dma_start3A_16, %dma_start3A_17] : memref<10000x288xf32, #tpu.memory_space<hbm>> -> memref<10000x288xf32, #tpu.memory_space<hbm>>
        tpu.enqueue_indirect_dma source(%dma_start3A_18 : memref<10000x288xf32, #tpu.memory_space<hbm>>) target(%arg10 : memref<128x288xf32, #tpu.memory_space<vmem>>) offsets(%arg8 : memref<128xi32, #tpu.memory_space<vmem>>) semaphore(%arg12 : memref<!tpu.dma_semaphore, #tpu.memory_space<semaphore_mem>>)
        %dma_wait3A = arith.constant 0 : i32
        %dma_wait3A_19 = arith.constant 0 : i32
        %dma_wait3A_20 = tpu.memref_slice %arg2[%dma_wait3A, %dma_wait3A_19] : memref<10000x288xf32, #tpu.memory_space<hbm>> -> memref<10000x288xf32, #tpu.memory_space<hbm>>
        tpu.wait_indirect_dma semaphore(%arg11 : memref<!tpu.dma_semaphore, #tpu.memory_space<semaphore_mem>>) src(%dma_wait3A_20 : memref<10000x288xf32, #tpu.memory_space<hbm>>) dst(%arg9 : memref<128x288xf32, #tpu.memory_space<vmem>>)
        %dma_wait3A_21 = arith.constant 0 : i32
        %dma_wait3A_22 = arith.constant 0 : i32
        %dma_wait3A_23 = tpu.memref_slice %arg2[%dma_wait3A_21, %dma_wait3A_22] : memref<10000x288xf32, #tpu.memory_space<hbm>> -> memref<10000x288xf32, #tpu.memory_space<hbm>>
        tpu.wait_indirect_dma semaphore(%arg12 : memref<!tpu.dma_semaphore, #tpu.memory_space<semaphore_mem>>) src(%dma_wait3A_23 : memref<10000x288xf32, #tpu.memory_space<hbm>>) dst(%arg10 : memref<128x288xf32, #tpu.memory_space<vmem>>)
        "tpu.region"() ({
          %run_scoped3A = tpu.sem_alloc : memref<!tpu.dma_semaphore, #tpu.memory_space<semaphore_mem>>
          %dma_start3A_24 = arith.constant 0 : i32
          %dma_start3A_25 = tpu.memref_slice %arg5[%mul3A_13, %dma_start3A_24] : memref<40960x288xf32, #tpu.memory_space<hbm>> -> memref<128x288xf32, #tpu.memory_space<hbm>>
          %dma_start3A_26 = arith.constant 0 : i32
          %dma_start3A_27 = tpu.memref_slice %arg5[%mul3A_13, %dma_start3A_26] : memref<40960x288xf32, #tpu.memory_space<hbm>> -> memref<128x288xf32, #tpu.memory_space<hbm>>
          tpu.enqueue_dma source(%arg9 : memref<128x288xf32, #tpu.memory_space<vmem>>) target(%dma_start3A_27 : memref<128x288xf32, #tpu.memory_space<hbm>>) target_semaphore(%run_scoped3A : memref<!tpu.dma_semaphore, #tpu.memory_space<semaphore_mem>>)
          %dma_wait3A_28 = arith.constant 0 : i32
          %dma_wait3A_29 = tpu.memref_slice %arg5[%mul3A_13, %dma_wait3A_28] : memref<40960x288xf32, #tpu.memory_space<hbm>> -> memref<128x288xf32, #tpu.memory_space<hbm>>
          %dma_wait3A_30 = arith.constant 0 : i32
          %dma_wait3A_31 = tpu.memref_slice %arg5[%mul3A_13, %dma_wait3A_30] : memref<40960x288xf32, #tpu.memory_space<hbm>> -> memref<128x288xf32, #tpu.memory_space<hbm>>
          tpu.wait_dma2 semaphore(%run_scoped3A : memref<!tpu.dma_semaphore, #tpu.memory_space<semaphore_mem>>) src(%arg9 : memref<128x288xf32, #tpu.memory_space<vmem>>) dst(%dma_wait3A_31 : memref<128x288xf32, #tpu.memory_space<hbm>>)
          tpu.yield
        }) : () -> ()
        "tpu.region"() ({
          %run_scoped3A = tpu.sem_alloc : memref<!tpu.dma_semaphore, #tpu.memory_space<semaphore_mem>>
          %dma_start3A_24 = arith.constant 0 : i32
          %dma_start3A_25 = tpu.memref_slice %arg6[%mul3A_13, %dma_start3A_24] : memref<40960x288xf32, #tpu.memory_space<hbm>> -> memref<128x288xf32, #tpu.memory_space<hbm>>
          %dma_start3A_26 = arith.constant 0 : i32
          %dma_start3A_27 = tpu.memref_slice %arg6[%mul3A_13, %dma_start3A_26] : memref<40960x288xf32, #tpu.memory_space<hbm>> -> memref<128x288xf32, #tpu.memory_space<hbm>>
          tpu.enqueue_dma source(%arg10 : memref<128x288xf32, #tpu.memory_space<vmem>>) target(%dma_start3A_27 : memref<128x288xf32, #tpu.memory_space<hbm>>) target_semaphore(%run_scoped3A : memref<!tpu.dma_semaphore, #tpu.memory_space<semaphore_mem>>)
          %dma_wait3A_28 = arith.constant 0 : i32
          %dma_wait3A_29 = tpu.memref_slice %arg6[%mul3A_13, %dma_wait3A_28] : memref<40960x288xf32, #tpu.memory_space<hbm>> -> memref<128x288xf32, #tpu.memory_space<hbm>>
          %dma_wait3A_30 = arith.constant 0 : i32
          %dma_wait3A_31 = tpu.memref_slice %arg6[%mul3A_13, %dma_wait3A_30] : memref<40960x288xf32, #tpu.memory_space<hbm>> -> memref<128x288xf32, #tpu.memory_space<hbm>>
          tpu.wait_dma2 semaphore(%run_scoped3A : memref<!tpu.dma_semaphore, #tpu.memory_space<semaphore_mem>>) src(%arg10 : memref<128x288xf32, #tpu.memory_space<vmem>>) dst(%dma_wait3A_31 : memref<128x288xf32, #tpu.memory_space<hbm>>)
          tpu.yield
        }) : () -> ()
      } else {
      }
    }
    %scan3A_5 = arith.constant 10 : i32
    return
  }
}

#map = affine_map<(d0, d1) -> (0, 0)>
#map1 = affine_map<(d0, d1) -> (0)>
module attributes {stable_mosaic.version = 14 : i64} {
  func.func @_k2_body(%arg0: i32, %arg1: i32, %arg2: memref<10000x288xf32, #tpu.memory_space<hbm>>, %arg3: memref<40960xi32, #tpu.memory_space<hbm>>, %arg4: memref<40960xi32, #tpu.memory_space<hbm>>, %arg5: memref<40960x288xf32, #tpu.memory_space<hbm>>, %arg6: memref<40960x288xf32, #tpu.memory_space<hbm>>, %arg7: memref<128xi32, #tpu.memory_space<vmem>>, %arg8: memref<128xi32, #tpu.memory_space<vmem>>, %arg9: memref<128x288xf32, #tpu.memory_space<vmem>>, %arg10: memref<128x288xf32, #tpu.memory_space<vmem>>, %arg11: memref<!tpu.dma_semaphore, #tpu.memory_space<semaphore_mem>>, %arg12: memref<!tpu.dma_semaphore, #tpu.memory_space<semaphore_mem>>) attributes {dimension_semantics = [#tpu.dimension_semantics<core_parallel>, #tpu.dimension_semantics<subcore_parallel>], iteration_bounds = array<i64: 2, 16>, scalar_prefetch = 0 : i64, scratch_operands = 6 : i64, tpu.core_type = #tpu.core_type<sc_vector_subcore>, window_params = [{transform_indices = #map}, {transform_indices = #map1}, {transform_indices = #map1}, {transform_indices = #map}, {transform_indices = #map}]} {
    %mul3A = arith.constant 2 : i32
    %mul3A_0 = arith.muli %arg1, %mul3A : i32
    %add3A = arith.addi %mul3A_0, %arg0 : i32
    %scan3A = arith.constant 0 : i32
    %scan3A_1 = arith.constant 0 : i32
    %scan3A_2 = arith.constant 10 : i32
    %scan3A_3 = arith.addi %scan3A_1, %scan3A_2 : i32
    %scan3A_4 = arith.constant 1 : i32
    scf.for %scan3A_6 = %scan3A_1 to %scan3A_3 step %scan3A_4  : i32 {
      %mul3A_7 = arith.constant 32 : i32
      %mul3A_8 = arith.muli %mul3A_7, %scan3A_6 : i32
      %add3A_9 = arith.addi %add3A, %mul3A_8 : i32
      %lt3A = arith.constant 320 : i32
      %lt3A_10 = arith.cmpi slt, %add3A_9, %lt3A : i32
      %convert_element_type3A = arith.extui %lt3A_10 : i1 to i32
      %cond3A = arith.constant 0 : i32
      %cond3A_11 = arith.cmpi ne, %convert_element_type3A, %cond3A : i32
      scf.if %cond3A_11 {
        %mul3A_12 = arith.constant 128 : i32
        %mul3A_13 = arith.muli %add3A_9, %mul3A_12 : i32
        "tpu.region"() ({
          %run_scoped3A = tpu.sem_alloc : memref<!tpu.dma_semaphore, #tpu.memory_space<semaphore_mem>>
          %dma_start3A_24 = tpu.memref_slice %arg3[%mul3A_13] : memref<40960xi32, #tpu.memory_space<hbm>> -> memref<128xi32, #tpu.memory_space<hbm>>
          %dma_start3A_25 = tpu.memref_slice %arg3[%mul3A_13] : memref<40960xi32, #tpu.memory_space<hbm>> -> memref<128xi32, #tpu.memory_space<hbm>>
          tpu.enqueue_dma source(%dma_start3A_25 : memref<128xi32, #tpu.memory_space<hbm>>) target(%arg7 : memref<128xi32, #tpu.memory_space<vmem>>) target_semaphore(%run_scoped3A : memref<!tpu.dma_semaphore, #tpu.memory_space<semaphore_mem>>)
          %dma_wait3A_26 = tpu.memref_slice %arg3[%mul3A_13] : memref<40960xi32, #tpu.memory_space<hbm>> -> memref<128xi32, #tpu.memory_space<hbm>>
          %dma_wait3A_27 = tpu.memref_slice %arg3[%mul3A_13] : memref<40960xi32, #tpu.memory_space<hbm>> -> memref<128xi32, #tpu.memory_space<hbm>>
          tpu.wait_dma2 semaphore(%run_scoped3A : memref<!tpu.dma_semaphore, #tpu.memory_space<semaphore_mem>>) src(%dma_wait3A_27 : memref<128xi32, #tpu.memory_space<hbm>>) dst(%arg7 : memref<128xi32, #tpu.memory_space<vmem>>)
          tpu.yield
        }) : () -> ()
        "tpu.region"() ({
          %run_scoped3A = tpu.sem_alloc : memref<!tpu.dma_semaphore, #tpu.memory_space<semaphore_mem>>
          %dma_start3A_24 = tpu.memref_slice %arg4[%mul3A_13] : memref<40960xi32, #tpu.memory_space<hbm>> -> memref<128xi32, #tpu.memory_space<hbm>>
          %dma_start3A_25 = tpu.memref_slice %arg4[%mul3A_13] : memref<40960xi32, #tpu.memory_space<hbm>> -> memref<128xi32, #tpu.memory_space<hbm>>
          tpu.enqueue_dma source(%dma_start3A_25 : memref<128xi32, #tpu.memory_space<hbm>>) target(%arg8 : memref<128xi32, #tpu.memory_space<vmem>>) target_semaphore(%run_scoped3A : memref<!tpu.dma_semaphore, #tpu.memory_space<semaphore_mem>>)
          %dma_wait3A_26 = tpu.memref_slice %arg4[%mul3A_13] : memref<40960xi32, #tpu.memory_space<hbm>> -> memref<128xi32, #tpu.memory_space<hbm>>
          %dma_wait3A_27 = tpu.memref_slice %arg4[%mul3A_13] : memref<40960xi32, #tpu.memory_space<hbm>> -> memref<128xi32, #tpu.memory_space<hbm>>
          tpu.wait_dma2 semaphore(%run_scoped3A : memref<!tpu.dma_semaphore, #tpu.memory_space<semaphore_mem>>) src(%dma_wait3A_27 : memref<128xi32, #tpu.memory_space<hbm>>) dst(%arg8 : memref<128xi32, #tpu.memory_space<vmem>>)
          tpu.yield
        }) : () -> ()
        %dma_start3A = arith.constant 0 : i32
        %dma_start3A_14 = arith.constant 0 : i32
        %dma_start3A_15 = tpu.memref_slice %arg2[%dma_start3A, %dma_start3A_14] : memref<10000x288xf32, #tpu.memory_space<hbm>> -> memref<10000x288xf32, #tpu.memory_space<hbm>>
        tpu.enqueue_indirect_dma source(%dma_start3A_15 : memref<10000x288xf32, #tpu.memory_space<hbm>>) target(%arg9 : memref<128x288xf32, #tpu.memory_space<vmem>>) offsets(%arg7 : memref<128xi32, #tpu.memory_space<vmem>>) semaphore(%arg11 : memref<!tpu.dma_semaphore, #tpu.memory_space<semaphore_mem>>)
        %dma_start3A_16 = arith.constant 0 : i32
        %dma_start3A_17 = arith.constant 0 : i32
        %dma_start3A_18 = tpu.memref_slice %arg2[%dma_start3A_16, %dma_start3A_17] : memref<10000x288xf32, #tpu.memory_space<hbm>> -> memref<10000x288xf32, #tpu.memory_space<hbm>>
        tpu.enqueue_indirect_dma source(%dma_start3A_18 : memref<10000x288xf32, #tpu.memory_space<hbm>>) target(%arg10 : memref<128x288xf32, #tpu.memory_space<vmem>>) offsets(%arg8 : memref<128xi32, #tpu.memory_space<vmem>>) semaphore(%arg12 : memref<!tpu.dma_semaphore, #tpu.memory_space<semaphore_mem>>)
        %dma_wait3A = arith.constant 0 : i32
        %dma_wait3A_19 = arith.constant 0 : i32
        %dma_wait3A_20 = tpu.memref_slice %arg2[%dma_wait3A, %dma_wait3A_19] : memref<10000x288xf32, #tpu.memory_space<hbm>> -> memref<10000x288xf32, #tpu.memory_space<hbm>>
        tpu.wait_indirect_dma semaphore(%arg11 : memref<!tpu.dma_semaphore, #tpu.memory_space<semaphore_mem>>) src(%dma_wait3A_20 : memref<10000x288xf32, #tpu.memory_space<hbm>>) dst(%arg9 : memref<128x288xf32, #tpu.memory_space<vmem>>)
        %dma_wait3A_21 = arith.constant 0 : i32
        %dma_wait3A_22 = arith.constant 0 : i32
        %dma_wait3A_23 = tpu.memref_slice %arg2[%dma_wait3A_21, %dma_wait3A_22] : memref<10000x288xf32, #tpu.memory_space<hbm>> -> memref<10000x288xf32, #tpu.memory_space<hbm>>
        tpu.wait_indirect_dma semaphore(%arg12 : memref<!tpu.dma_semaphore, #tpu.memory_space<semaphore_mem>>) src(%dma_wait3A_23 : memref<10000x288xf32, #tpu.memory_space<hbm>>) dst(%arg10 : memref<128x288xf32, #tpu.memory_space<vmem>>)
        "tpu.region"() ({
          %run_scoped3A = tpu.sem_alloc : memref<!tpu.dma_semaphore, #tpu.memory_space<semaphore_mem>>
          %dma_start3A_24 = arith.constant 0 : i32
          %dma_start3A_25 = tpu.memref_slice %arg5[%mul3A_13, %dma_start3A_24] : memref<40960x288xf32, #tpu.memory_space<hbm>> -> memref<128x288xf32, #tpu.memory_space<hbm>>
          %dma_start3A_26 = arith.constant 0 : i32
          %dma_start3A_27 = tpu.memref_slice %arg5[%mul3A_13, %dma_start3A_26] : memref<40960x288xf32, #tpu.memory_space<hbm>> -> memref<128x288xf32, #tpu.memory_space<hbm>>
          tpu.enqueue_dma source(%arg9 : memref<128x288xf32, #tpu.memory_space<vmem>>) target(%dma_start3A_27 : memref<128x288xf32, #tpu.memory_space<hbm>>) target_semaphore(%run_scoped3A : memref<!tpu.dma_semaphore, #tpu.memory_space<semaphore_mem>>)
          %dma_wait3A_28 = arith.constant 0 : i32
          %dma_wait3A_29 = tpu.memref_slice %arg5[%mul3A_13, %dma_wait3A_28] : memref<40960x288xf32, #tpu.memory_space<hbm>> -> memref<128x288xf32, #tpu.memory_space<hbm>>
          %dma_wait3A_30 = arith.constant 0 : i32
          %dma_wait3A_31 = tpu.memref_slice %arg5[%mul3A_13, %dma_wait3A_30] : memref<40960x288xf32, #tpu.memory_space<hbm>> -> memref<128x288xf32, #tpu.memory_space<hbm>>
          tpu.wait_dma2 semaphore(%run_scoped3A : memref<!tpu.dma_semaphore, #tpu.memory_space<semaphore_mem>>) src(%arg9 : memref<128x288xf32, #tpu.memory_space<vmem>>) dst(%dma_wait3A_31 : memref<128x288xf32, #tpu.memory_space<hbm>>)
          tpu.yield
        }) : () -> ()
        "tpu.region"() ({
          %run_scoped3A = tpu.sem_alloc : memref<!tpu.dma_semaphore, #tpu.memory_space<semaphore_mem>>
          %dma_start3A_24 = arith.constant 0 : i32
          %dma_start3A_25 = tpu.memref_slice %arg6[%mul3A_13, %dma_start3A_24] : memref<40960x288xf32, #tpu.memory_space<hbm>> -> memref<128x288xf32, #tpu.memory_space<hbm>>
          %dma_start3A_26 = arith.constant 0 : i32
          %dma_start3A_27 = tpu.memref_slice %arg6[%mul3A_13, %dma_start3A_26] : memref<40960x288xf32, #tpu.memory_space<hbm>> -> memref<128x288xf32, #tpu.memory_space<hbm>>
          tpu.enqueue_dma source(%arg10 : memref<128x288xf32, #tpu.memory_space<vmem>>) target(%dma_start3A_27 : memref<128x288xf32, #tpu.memory_space<hbm>>) target_semaphore(%run_scoped3A : memref<!tpu.dma_semaphore, #tpu.memory_space<semaphore_mem>>)
          %dma_wait3A_28 = arith.constant 0 : i32
          %dma_wait3A_29 = tpu.memref_slice %arg6[%mul3A_13, %dma_wait3A_28] : memref<40960x288xf32, #tpu.memory_space<hbm>> -> memref<128x288xf32, #tpu.memory_space<hbm>>
          %dma_wait3A_30 = arith.constant 0 : i32
          %dma_wait3A_31 = tpu.memref_slice %arg6[%mul3A_13, %dma_wait3A_30] : memref<40960x288xf32, #tpu.memory_space<hbm>> -> memref<128x288xf32, #tpu.memory_space<hbm>>
          tpu.wait_dma2 semaphore(%run_scoped3A : memref<!tpu.dma_semaphore, #tpu.memory_space<semaphore_mem>>) src(%arg10 : memref<128x288xf32, #tpu.memory_space<vmem>>) dst(%dma_wait3A_31 : memref<128x288xf32, #tpu.memory_space<hbm>>)
          tpu.yield
        }) : () -> ()
      } else {
      }
    }
    %scan3A_5 = arith.constant 10 : i32
    return
  }
}

#map = affine_map<(d0, d1) -> (0, 0)>
#map1 = affine_map<(d0, d1) -> (0)>
module attributes {stable_mosaic.version = 14 : i64} {
  func.func @_k2_body(%arg0: i32, %arg1: i32, %arg2: memref<10000x288xf32, #tpu.memory_space<hbm>>, %arg3: memref<37120xi32, #tpu.memory_space<hbm>>, %arg4: memref<37120xi32, #tpu.memory_space<hbm>>, %arg5: memref<37120x288xf32, #tpu.memory_space<hbm>>, %arg6: memref<37120x288xf32, #tpu.memory_space<hbm>>, %arg7: memref<128xi32, #tpu.memory_space<vmem>>, %arg8: memref<128xi32, #tpu.memory_space<vmem>>, %arg9: memref<128x288xf32, #tpu.memory_space<vmem>>, %arg10: memref<128x288xf32, #tpu.memory_space<vmem>>, %arg11: memref<!tpu.dma_semaphore, #tpu.memory_space<semaphore_mem>>, %arg12: memref<!tpu.dma_semaphore, #tpu.memory_space<semaphore_mem>>) attributes {dimension_semantics = [#tpu.dimension_semantics<core_parallel>, #tpu.dimension_semantics<subcore_parallel>], iteration_bounds = array<i64: 2, 16>, scalar_prefetch = 0 : i64, scratch_operands = 6 : i64, tpu.core_type = #tpu.core_type<sc_vector_subcore>, window_params = [{transform_indices = #map}, {transform_indices = #map1}, {transform_indices = #map1}, {transform_indices = #map}, {transform_indices = #map}]} {
    %mul3A = arith.constant 2 : i32
    %mul3A_0 = arith.muli %arg1, %mul3A : i32
    %add3A = arith.addi %mul3A_0, %arg0 : i32
    %scan3A = arith.constant 0 : i32
    %scan3A_1 = arith.constant 0 : i32
    %scan3A_2 = arith.constant 10 : i32
    %scan3A_3 = arith.addi %scan3A_1, %scan3A_2 : i32
    %scan3A_4 = arith.constant 1 : i32
    scf.for %scan3A_6 = %scan3A_1 to %scan3A_3 step %scan3A_4  : i32 {
      %mul3A_7 = arith.constant 32 : i32
      %mul3A_8 = arith.muli %mul3A_7, %scan3A_6 : i32
      %add3A_9 = arith.addi %add3A, %mul3A_8 : i32
      %lt3A = arith.constant 290 : i32
      %lt3A_10 = arith.cmpi slt, %add3A_9, %lt3A : i32
      %convert_element_type3A = arith.extui %lt3A_10 : i1 to i32
      %cond3A = arith.constant 0 : i32
      %cond3A_11 = arith.cmpi ne, %convert_element_type3A, %cond3A : i32
      scf.if %cond3A_11 {
        %mul3A_12 = arith.constant 128 : i32
        %mul3A_13 = arith.muli %add3A_9, %mul3A_12 : i32
        "tpu.region"() ({
          %run_scoped3A = tpu.sem_alloc : memref<!tpu.dma_semaphore, #tpu.memory_space<semaphore_mem>>
          %dma_start3A_24 = tpu.memref_slice %arg3[%mul3A_13] : memref<37120xi32, #tpu.memory_space<hbm>> -> memref<128xi32, #tpu.memory_space<hbm>>
          %dma_start3A_25 = tpu.memref_slice %arg3[%mul3A_13] : memref<37120xi32, #tpu.memory_space<hbm>> -> memref<128xi32, #tpu.memory_space<hbm>>
          tpu.enqueue_dma source(%dma_start3A_25 : memref<128xi32, #tpu.memory_space<hbm>>) target(%arg7 : memref<128xi32, #tpu.memory_space<vmem>>) target_semaphore(%run_scoped3A : memref<!tpu.dma_semaphore, #tpu.memory_space<semaphore_mem>>)
          %dma_wait3A_26 = tpu.memref_slice %arg3[%mul3A_13] : memref<37120xi32, #tpu.memory_space<hbm>> -> memref<128xi32, #tpu.memory_space<hbm>>
          %dma_wait3A_27 = tpu.memref_slice %arg3[%mul3A_13] : memref<37120xi32, #tpu.memory_space<hbm>> -> memref<128xi32, #tpu.memory_space<hbm>>
          tpu.wait_dma2 semaphore(%run_scoped3A : memref<!tpu.dma_semaphore, #tpu.memory_space<semaphore_mem>>) src(%dma_wait3A_27 : memref<128xi32, #tpu.memory_space<hbm>>) dst(%arg7 : memref<128xi32, #tpu.memory_space<vmem>>)
          tpu.yield
        }) : () -> ()
        "tpu.region"() ({
          %run_scoped3A = tpu.sem_alloc : memref<!tpu.dma_semaphore, #tpu.memory_space<semaphore_mem>>
          %dma_start3A_24 = tpu.memref_slice %arg4[%mul3A_13] : memref<37120xi32, #tpu.memory_space<hbm>> -> memref<128xi32, #tpu.memory_space<hbm>>
          %dma_start3A_25 = tpu.memref_slice %arg4[%mul3A_13] : memref<37120xi32, #tpu.memory_space<hbm>> -> memref<128xi32, #tpu.memory_space<hbm>>
          tpu.enqueue_dma source(%dma_start3A_25 : memref<128xi32, #tpu.memory_space<hbm>>) target(%arg8 : memref<128xi32, #tpu.memory_space<vmem>>) target_semaphore(%run_scoped3A : memref<!tpu.dma_semaphore, #tpu.memory_space<semaphore_mem>>)
          %dma_wait3A_26 = tpu.memref_slice %arg4[%mul3A_13] : memref<37120xi32, #tpu.memory_space<hbm>> -> memref<128xi32, #tpu.memory_space<hbm>>
          %dma_wait3A_27 = tpu.memref_slice %arg4[%mul3A_13] : memref<37120xi32, #tpu.memory_space<hbm>> -> memref<128xi32, #tpu.memory_space<hbm>>
          tpu.wait_dma2 semaphore(%run_scoped3A : memref<!tpu.dma_semaphore, #tpu.memory_space<semaphore_mem>>) src(%dma_wait3A_27 : memref<128xi32, #tpu.memory_space<hbm>>) dst(%arg8 : memref<128xi32, #tpu.memory_space<vmem>>)
          tpu.yield
        }) : () -> ()
        %dma_start3A = arith.constant 0 : i32
        %dma_start3A_14 = arith.constant 0 : i32
        %dma_start3A_15 = tpu.memref_slice %arg2[%dma_start3A, %dma_start3A_14] : memref<10000x288xf32, #tpu.memory_space<hbm>> -> memref<10000x288xf32, #tpu.memory_space<hbm>>
        tpu.enqueue_indirect_dma source(%dma_start3A_15 : memref<10000x288xf32, #tpu.memory_space<hbm>>) target(%arg9 : memref<128x288xf32, #tpu.memory_space<vmem>>) offsets(%arg7 : memref<128xi32, #tpu.memory_space<vmem>>) semaphore(%arg11 : memref<!tpu.dma_semaphore, #tpu.memory_space<semaphore_mem>>)
        %dma_start3A_16 = arith.constant 0 : i32
        %dma_start3A_17 = arith.constant 0 : i32
        %dma_start3A_18 = tpu.memref_slice %arg2[%dma_start3A_16, %dma_start3A_17] : memref<10000x288xf32, #tpu.memory_space<hbm>> -> memref<10000x288xf32, #tpu.memory_space<hbm>>
        tpu.enqueue_indirect_dma source(%dma_start3A_18 : memref<10000x288xf32, #tpu.memory_space<hbm>>) target(%arg10 : memref<128x288xf32, #tpu.memory_space<vmem>>) offsets(%arg8 : memref<128xi32, #tpu.memory_space<vmem>>) semaphore(%arg12 : memref<!tpu.dma_semaphore, #tpu.memory_space<semaphore_mem>>)
        %dma_wait3A = arith.constant 0 : i32
        %dma_wait3A_19 = arith.constant 0 : i32
        %dma_wait3A_20 = tpu.memref_slice %arg2[%dma_wait3A, %dma_wait3A_19] : memref<10000x288xf32, #tpu.memory_space<hbm>> -> memref<10000x288xf32, #tpu.memory_space<hbm>>
        tpu.wait_indirect_dma semaphore(%arg11 : memref<!tpu.dma_semaphore, #tpu.memory_space<semaphore_mem>>) src(%dma_wait3A_20 : memref<10000x288xf32, #tpu.memory_space<hbm>>) dst(%arg9 : memref<128x288xf32, #tpu.memory_space<vmem>>)
        %dma_wait3A_21 = arith.constant 0 : i32
        %dma_wait3A_22 = arith.constant 0 : i32
        %dma_wait3A_23 = tpu.memref_slice %arg2[%dma_wait3A_21, %dma_wait3A_22] : memref<10000x288xf32, #tpu.memory_space<hbm>> -> memref<10000x288xf32, #tpu.memory_space<hbm>>
        tpu.wait_indirect_dma semaphore(%arg12 : memref<!tpu.dma_semaphore, #tpu.memory_space<semaphore_mem>>) src(%dma_wait3A_23 : memref<10000x288xf32, #tpu.memory_space<hbm>>) dst(%arg10 : memref<128x288xf32, #tpu.memory_space<vmem>>)
        "tpu.region"() ({
          %run_scoped3A = tpu.sem_alloc : memref<!tpu.dma_semaphore, #tpu.memory_space<semaphore_mem>>
          %dma_start3A_24 = arith.constant 0 : i32
          %dma_start3A_25 = tpu.memref_slice %arg5[%mul3A_13, %dma_start3A_24] : memref<37120x288xf32, #tpu.memory_space<hbm>> -> memref<128x288xf32, #tpu.memory_space<hbm>>
          %dma_start3A_26 = arith.constant 0 : i32
          %dma_start3A_27 = tpu.memref_slice %arg5[%mul3A_13, %dma_start3A_26] : memref<37120x288xf32, #tpu.memory_space<hbm>> -> memref<128x288xf32, #tpu.memory_space<hbm>>
          tpu.enqueue_dma source(%arg9 : memref<128x288xf32, #tpu.memory_space<vmem>>) target(%dma_start3A_27 : memref<128x288xf32, #tpu.memory_space<hbm>>) target_semaphore(%run_scoped3A : memref<!tpu.dma_semaphore, #tpu.memory_space<semaphore_mem>>)
          %dma_wait3A_28 = arith.constant 0 : i32
          %dma_wait3A_29 = tpu.memref_slice %arg5[%mul3A_13, %dma_wait3A_28] : memref<37120x288xf32, #tpu.memory_space<hbm>> -> memref<128x288xf32, #tpu.memory_space<hbm>>
          %dma_wait3A_30 = arith.constant 0 : i32
          %dma_wait3A_31 = tpu.memref_slice %arg5[%mul3A_13, %dma_wait3A_30] : memref<37120x288xf32, #tpu.memory_space<hbm>> -> memref<128x288xf32, #tpu.memory_space<hbm>>
          tpu.wait_dma2 semaphore(%run_scoped3A : memref<!tpu.dma_semaphore, #tpu.memory_space<semaphore_mem>>) src(%arg9 : memref<128x288xf32, #tpu.memory_space<vmem>>) dst(%dma_wait3A_31 : memref<128x288xf32, #tpu.memory_space<hbm>>)
          tpu.yield
        }) : () -> ()
        "tpu.region"() ({
          %run_scoped3A = tpu.sem_alloc : memref<!tpu.dma_semaphore, #tpu.memory_space<semaphore_mem>>
          %dma_start3A_24 = arith.constant 0 : i32
          %dma_start3A_25 = tpu.memref_slice %arg6[%mul3A_13, %dma_start3A_24] : memref<37120x288xf32, #tpu.memory_space<hbm>> -> memref<128x288xf32, #tpu.memory_space<hbm>>
          %dma_start3A_26 = arith.constant 0 : i32
          %dma_start3A_27 = tpu.memref_slice %arg6[%mul3A_13, %dma_start3A_26] : memref<37120x288xf32, #tpu.memory_space<hbm>> -> memref<128x288xf32, #tpu.memory_space<hbm>>
          tpu.enqueue_dma source(%arg10 : memref<128x288xf32, #tpu.memory_space<vmem>>) target(%dma_start3A_27 : memref<128x288xf32, #tpu.memory_space<hbm>>) target_semaphore(%run_scoped3A : memref<!tpu.dma_semaphore, #tpu.memory_space<semaphore_mem>>)
          %dma_wait3A_28 = arith.constant 0 : i32
          %dma_wait3A_29 = tpu.memref_slice %arg6[%mul3A_13, %dma_wait3A_28] : memref<37120x288xf32, #tpu.memory_space<hbm>> -> memref<128x288xf32, #tpu.memory_space<hbm>>
          %dma_wait3A_30 = arith.constant 0 : i32
          %dma_wait3A_31 = tpu.memref_slice %arg6[%mul3A_13, %dma_wait3A_30] : memref<37120x288xf32, #tpu.memory_space<hbm>> -> memref<128x288xf32, #tpu.memory_space<hbm>>
          tpu.wait_dma2 semaphore(%run_scoped3A : memref<!tpu.dma_semaphore, #tpu.memory_space<semaphore_mem>>) src(%arg10 : memref<128x288xf32, #tpu.memory_space<vmem>>) dst(%dma_wait3A_31 : memref<128x288xf32, #tpu.memory_space<hbm>>)
          tpu.yield
        }) : () -> ()
      } else {
      }
    }
    %scan3A_5 = arith.constant 10 : i32
    return
  }
}

#map = affine_map<(d0, d1) -> (0, 0)>
#map1 = affine_map<(d0, d1) -> (0)>
module attributes {stable_mosaic.version = 14 : i64} {
  func.func @_k2_body(%arg0: i32, %arg1: i32, %arg2: memref<10000x288xf32, #tpu.memory_space<hbm>>, %arg3: memref<40960xi32, #tpu.memory_space<hbm>>, %arg4: memref<40960xi32, #tpu.memory_space<hbm>>, %arg5: memref<40960x288xf32, #tpu.memory_space<hbm>>, %arg6: memref<40960x288xf32, #tpu.memory_space<hbm>>, %arg7: memref<128xi32, #tpu.memory_space<vmem>>, %arg8: memref<128xi32, #tpu.memory_space<vmem>>, %arg9: memref<128x288xf32, #tpu.memory_space<vmem>>, %arg10: memref<128x288xf32, #tpu.memory_space<vmem>>, %arg11: memref<!tpu.dma_semaphore, #tpu.memory_space<semaphore_mem>>, %arg12: memref<!tpu.dma_semaphore, #tpu.memory_space<semaphore_mem>>) attributes {dimension_semantics = [#tpu.dimension_semantics<core_parallel>, #tpu.dimension_semantics<subcore_parallel>], iteration_bounds = array<i64: 2, 16>, scalar_prefetch = 0 : i64, scratch_operands = 6 : i64, tpu.core_type = #tpu.core_type<sc_vector_subcore>, window_params = [{transform_indices = #map}, {transform_indices = #map1}, {transform_indices = #map1}, {transform_indices = #map}, {transform_indices = #map}]} {
    %mul3A = arith.constant 2 : i32
    %mul3A_0 = arith.muli %arg1, %mul3A : i32
    %add3A = arith.addi %mul3A_0, %arg0 : i32
    %scan3A = arith.constant 0 : i32
    %scan3A_1 = arith.constant 0 : i32
    %scan3A_2 = arith.constant 10 : i32
    %scan3A_3 = arith.addi %scan3A_1, %scan3A_2 : i32
    %scan3A_4 = arith.constant 1 : i32
    scf.for %scan3A_6 = %scan3A_1 to %scan3A_3 step %scan3A_4  : i32 {
      %mul3A_7 = arith.constant 32 : i32
      %mul3A_8 = arith.muli %mul3A_7, %scan3A_6 : i32
      %add3A_9 = arith.addi %add3A, %mul3A_8 : i32
      %lt3A = arith.constant 320 : i32
      %lt3A_10 = arith.cmpi slt, %add3A_9, %lt3A : i32
      %convert_element_type3A = arith.extui %lt3A_10 : i1 to i32
      %cond3A = arith.constant 0 : i32
      %cond3A_11 = arith.cmpi ne, %convert_element_type3A, %cond3A : i32
      scf.if %cond3A_11 {
        %mul3A_12 = arith.constant 128 : i32
        %mul3A_13 = arith.muli %add3A_9, %mul3A_12 : i32
        "tpu.region"() ({
          %run_scoped3A = tpu.sem_alloc : memref<!tpu.dma_semaphore, #tpu.memory_space<semaphore_mem>>
          %dma_start3A_24 = tpu.memref_slice %arg3[%mul3A_13] : memref<40960xi32, #tpu.memory_space<hbm>> -> memref<128xi32, #tpu.memory_space<hbm>>
          %dma_start3A_25 = tpu.memref_slice %arg3[%mul3A_13] : memref<40960xi32, #tpu.memory_space<hbm>> -> memref<128xi32, #tpu.memory_space<hbm>>
          tpu.enqueue_dma source(%dma_start3A_25 : memref<128xi32, #tpu.memory_space<hbm>>) target(%arg7 : memref<128xi32, #tpu.memory_space<vmem>>) target_semaphore(%run_scoped3A : memref<!tpu.dma_semaphore, #tpu.memory_space<semaphore_mem>>)
          %dma_wait3A_26 = tpu.memref_slice %arg3[%mul3A_13] : memref<40960xi32, #tpu.memory_space<hbm>> -> memref<128xi32, #tpu.memory_space<hbm>>
          %dma_wait3A_27 = tpu.memref_slice %arg3[%mul3A_13] : memref<40960xi32, #tpu.memory_space<hbm>> -> memref<128xi32, #tpu.memory_space<hbm>>
          tpu.wait_dma2 semaphore(%run_scoped3A : memref<!tpu.dma_semaphore, #tpu.memory_space<semaphore_mem>>) src(%dma_wait3A_27 : memref<128xi32, #tpu.memory_space<hbm>>) dst(%arg7 : memref<128xi32, #tpu.memory_space<vmem>>)
          tpu.yield
        }) : () -> ()
        "tpu.region"() ({
          %run_scoped3A = tpu.sem_alloc : memref<!tpu.dma_semaphore, #tpu.memory_space<semaphore_mem>>
          %dma_start3A_24 = tpu.memref_slice %arg4[%mul3A_13] : memref<40960xi32, #tpu.memory_space<hbm>> -> memref<128xi32, #tpu.memory_space<hbm>>
          %dma_start3A_25 = tpu.memref_slice %arg4[%mul3A_13] : memref<40960xi32, #tpu.memory_space<hbm>> -> memref<128xi32, #tpu.memory_space<hbm>>
          tpu.enqueue_dma source(%dma_start3A_25 : memref<128xi32, #tpu.memory_space<hbm>>) target(%arg8 : memref<128xi32, #tpu.memory_space<vmem>>) target_semaphore(%run_scoped3A : memref<!tpu.dma_semaphore, #tpu.memory_space<semaphore_mem>>)
          %dma_wait3A_26 = tpu.memref_slice %arg4[%mul3A_13] : memref<40960xi32, #tpu.memory_space<hbm>> -> memref<128xi32, #tpu.memory_space<hbm>>
          %dma_wait3A_27 = tpu.memref_slice %arg4[%mul3A_13] : memref<40960xi32, #tpu.memory_space<hbm>> -> memref<128xi32, #tpu.memory_space<hbm>>
          tpu.wait_dma2 semaphore(%run_scoped3A : memref<!tpu.dma_semaphore, #tpu.memory_space<semaphore_mem>>) src(%dma_wait3A_27 : memref<128xi32, #tpu.memory_space<hbm>>) dst(%arg8 : memref<128xi32, #tpu.memory_space<vmem>>)
          tpu.yield
        }) : () -> ()
        %dma_start3A = arith.constant 0 : i32
        %dma_start3A_14 = arith.constant 0 : i32
        %dma_start3A_15 = tpu.memref_slice %arg2[%dma_start3A, %dma_start3A_14] : memref<10000x288xf32, #tpu.memory_space<hbm>> -> memref<10000x288xf32, #tpu.memory_space<hbm>>
        tpu.enqueue_indirect_dma source(%dma_start3A_15 : memref<10000x288xf32, #tpu.memory_space<hbm>>) target(%arg9 : memref<128x288xf32, #tpu.memory_space<vmem>>) offsets(%arg7 : memref<128xi32, #tpu.memory_space<vmem>>) semaphore(%arg11 : memref<!tpu.dma_semaphore, #tpu.memory_space<semaphore_mem>>)
        %dma_start3A_16 = arith.constant 0 : i32
        %dma_start3A_17 = arith.constant 0 : i32
        %dma_start3A_18 = tpu.memref_slice %arg2[%dma_start3A_16, %dma_start3A_17] : memref<10000x288xf32, #tpu.memory_space<hbm>> -> memref<10000x288xf32, #tpu.memory_space<hbm>>
        tpu.enqueue_indirect_dma source(%dma_start3A_18 : memref<10000x288xf32, #tpu.memory_space<hbm>>) target(%arg10 : memref<128x288xf32, #tpu.memory_space<vmem>>) offsets(%arg8 : memref<128xi32, #tpu.memory_space<vmem>>) semaphore(%arg12 : memref<!tpu.dma_semaphore, #tpu.memory_space<semaphore_mem>>)
        %dma_wait3A = arith.constant 0 : i32
        %dma_wait3A_19 = arith.constant 0 : i32
        %dma_wait3A_20 = tpu.memref_slice %arg2[%dma_wait3A, %dma_wait3A_19] : memref<10000x288xf32, #tpu.memory_space<hbm>> -> memref<10000x288xf32, #tpu.memory_space<hbm>>
        tpu.wait_indirect_dma semaphore(%arg11 : memref<!tpu.dma_semaphore, #tpu.memory_space<semaphore_mem>>) src(%dma_wait3A_20 : memref<10000x288xf32, #tpu.memory_space<hbm>>) dst(%arg9 : memref<128x288xf32, #tpu.memory_space<vmem>>)
        %dma_wait3A_21 = arith.constant 0 : i32
        %dma_wait3A_22 = arith.constant 0 : i32
        %dma_wait3A_23 = tpu.memref_slice %arg2[%dma_wait3A_21, %dma_wait3A_22] : memref<10000x288xf32, #tpu.memory_space<hbm>> -> memref<10000x288xf32, #tpu.memory_space<hbm>>
        tpu.wait_indirect_dma semaphore(%arg12 : memref<!tpu.dma_semaphore, #tpu.memory_space<semaphore_mem>>) src(%dma_wait3A_23 : memref<10000x288xf32, #tpu.memory_space<hbm>>) dst(%arg10 : memref<128x288xf32, #tpu.memory_space<vmem>>)
        "tpu.region"() ({
          %run_scoped3A = tpu.sem_alloc : memref<!tpu.dma_semaphore, #tpu.memory_space<semaphore_mem>>
          %dma_start3A_24 = arith.constant 0 : i32
          %dma_start3A_25 = tpu.memref_slice %arg5[%mul3A_13, %dma_start3A_24] : memref<40960x288xf32, #tpu.memory_space<hbm>> -> memref<128x288xf32, #tpu.memory_space<hbm>>
          %dma_start3A_26 = arith.constant 0 : i32
          %dma_start3A_27 = tpu.memref_slice %arg5[%mul3A_13, %dma_start3A_26] : memref<40960x288xf32, #tpu.memory_space<hbm>> -> memref<128x288xf32, #tpu.memory_space<hbm>>
          tpu.enqueue_dma source(%arg9 : memref<128x288xf32, #tpu.memory_space<vmem>>) target(%dma_start3A_27 : memref<128x288xf32, #tpu.memory_space<hbm>>) target_semaphore(%run_scoped3A : memref<!tpu.dma_semaphore, #tpu.memory_space<semaphore_mem>>)
          %dma_wait3A_28 = arith.constant 0 : i32
          %dma_wait3A_29 = tpu.memref_slice %arg5[%mul3A_13, %dma_wait3A_28] : memref<40960x288xf32, #tpu.memory_space<hbm>> -> memref<128x288xf32, #tpu.memory_space<hbm>>
          %dma_wait3A_30 = arith.constant 0 : i32
          %dma_wait3A_31 = tpu.memref_slice %arg5[%mul3A_13, %dma_wait3A_30] : memref<40960x288xf32, #tpu.memory_space<hbm>> -> memref<128x288xf32, #tpu.memory_space<hbm>>
          tpu.wait_dma2 semaphore(%run_scoped3A : memref<!tpu.dma_semaphore, #tpu.memory_space<semaphore_mem>>) src(%arg9 : memref<128x288xf32, #tpu.memory_space<vmem>>) dst(%dma_wait3A_31 : memref<128x288xf32, #tpu.memory_space<hbm>>)
          tpu.yield
        }) : () -> ()
        "tpu.region"() ({
          %run_scoped3A = tpu.sem_alloc : memref<!tpu.dma_semaphore, #tpu.memory_space<semaphore_mem>>
          %dma_start3A_24 = arith.constant 0 : i32
          %dma_start3A_25 = tpu.memref_slice %arg6[%mul3A_13, %dma_start3A_24] : memref<40960x288xf32, #tpu.memory_space<hbm>> -> memref<128x288xf32, #tpu.memory_space<hbm>>
          %dma_start3A_26 = arith.constant 0 : i32
          %dma_start3A_27 = tpu.memref_slice %arg6[%mul3A_13, %dma_start3A_26] : memref<40960x288xf32, #tpu.memory_space<hbm>> -> memref<128x288xf32, #tpu.memory_space<hbm>>
          tpu.enqueue_dma source(%arg10 : memref<128x288xf32, #tpu.memory_space<vmem>>) target(%dma_start3A_27 : memref<128x288xf32, #tpu.memory_space<hbm>>) target_semaphore(%run_scoped3A : memref<!tpu.dma_semaphore, #tpu.memory_space<semaphore_mem>>)
          %dma_wait3A_28 = arith.constant 0 : i32
          %dma_wait3A_29 = tpu.memref_slice %arg6[%mul3A_13, %dma_wait3A_28] : memref<40960x288xf32, #tpu.memory_space<hbm>> -> memref<128x288xf32, #tpu.memory_space<hbm>>
          %dma_wait3A_30 = arith.constant 0 : i32
          %dma_wait3A_31 = tpu.memref_slice %arg6[%mul3A_13, %dma_wait3A_30] : memref<40960x288xf32, #tpu.memory_space<hbm>> -> memref<128x288xf32, #tpu.memory_space<hbm>>
          tpu.wait_dma2 semaphore(%run_scoped3A : memref<!tpu.dma_semaphore, #tpu.memory_space<semaphore_mem>>) src(%arg10 : memref<128x288xf32, #tpu.memory_space<vmem>>) dst(%dma_wait3A_31 : memref<128x288xf32, #tpu.memory_space<hbm>>)
          tpu.yield
        }) : () -> ()
      } else {
      }
    }
    %scan3A_5 = arith.constant 10 : i32
    return
  }
}

#map = affine_map<(d0, d1) -> (0, 0)>
#map1 = affine_map<(d0, d1) -> (0)>
module attributes {stable_mosaic.version = 14 : i64} {
  func.func @_k4_body(%arg0: i32, %arg1: i32, %arg2: memref<37120x288xf32, #tpu.memory_space<hbm>>, %arg3: memref<37120xi32, #tpu.memory_space<hbm>>, %arg4: memref<10000x288xf32, #tpu.memory_space<hbm>>, %arg5: memref<10000x288xf32, #tpu.memory_space<hbm>>, %arg6: memref<128xi32, #tpu.memory_space<vmem>>, %arg7: memref<128x144xf32, #tpu.memory_space<vmem>>, %arg8: memref<10000x144xf32, #tpu.memory_space<vmem_shared>>, %arg9: memref<!tpu.dma_semaphore, #tpu.memory_space<semaphore_mem>>) attributes {dimension_semantics = [#tpu.dimension_semantics<core_parallel>, #tpu.dimension_semantics<subcore_parallel>], iteration_bounds = array<i64: 2, 16>, scalar_prefetch = 0 : i64, scratch_operands = 4 : i64, tpu.core_type = #tpu.core_type<sc_vector_subcore>, window_params = [{transform_indices = #map}, {transform_indices = #map1}, {transform_indices = #map}, {transform_indices = #map}]} {
    %mul3A = arith.constant 144 : i32
    %mul3A_0 = arith.muli %arg0, %mul3A : i32
    %mul3A_1 = arith.constant 625 : i32
    %mul3A_2 = arith.muli %arg1, %mul3A_1 : i32
    %mul3A_3 = arith.constant 625 : i32
    %mul3A_4 = arith.muli %arg1, %mul3A_3 : i32
    "tpu.region"() ({
      %run_scoped3A = tpu.sem_alloc : memref<!tpu.dma_semaphore, #tpu.memory_space<semaphore_mem>>
      %dma_start3A = arith.constant 0 : i32
      %dma_start3A_15 = tpu.memref_slice %arg8[%mul3A_4, %dma_start3A] : memref<10000x144xf32, #tpu.memory_space<vmem_shared>> -> memref<625x144xf32, #tpu.memory_space<vmem_shared>>
      %dma_start3A_16 = tpu.memref_slice %arg4[%mul3A_2, %mul3A_0] : memref<10000x288xf32, #tpu.memory_space<hbm>> -> memref<625x144xf32, #tpu.memory_space<hbm>>
      tpu.enqueue_dma source(%dma_start3A_16 : memref<625x144xf32, #tpu.memory_space<hbm>>) target(%dma_start3A_15 : memref<625x144xf32, #tpu.memory_space<vmem_shared>>) target_semaphore(%run_scoped3A : memref<!tpu.dma_semaphore, #tpu.memory_space<semaphore_mem>>)
      %dma_wait3A = arith.constant 0 : i32
      %dma_wait3A_17 = tpu.memref_slice %arg8[%mul3A_4, %dma_wait3A] : memref<10000x144xf32, #tpu.memory_space<vmem_shared>> -> memref<625x144xf32, #tpu.memory_space<vmem_shared>>
      %dma_wait3A_18 = tpu.memref_slice %arg4[%mul3A_2, %mul3A_0] : memref<10000x288xf32, #tpu.memory_space<hbm>> -> memref<625x144xf32, #tpu.memory_space<hbm>>
      tpu.wait_dma2 semaphore(%run_scoped3A : memref<!tpu.dma_semaphore, #tpu.memory_space<semaphore_mem>>) src(%dma_wait3A_18 : memref<625x144xf32, #tpu.memory_space<hbm>>) dst(%dma_wait3A_17 : memref<625x144xf32, #tpu.memory_space<vmem_shared>>)
      tpu.yield
    }) : () -> ()
    %barrier3A = arith.constant 0 : index
    tpu.barrier barrier_id(%barrier3A)
    %scan3A = arith.constant 0 : i32
    %scan3A_5 = arith.constant 0 : i32
    %scan3A_6 = arith.constant 19 : i32
    %scan3A_7 = arith.addi %scan3A_5, %scan3A_6 : i32
    %scan3A_8 = arith.constant 1 : i32
    scf.for %scan3A_15 = %scan3A_5 to %scan3A_7 step %scan3A_8  : i32 {
      %mul3A_16 = arith.constant 16 : i32
      %mul3A_17 = arith.muli %mul3A_16, %scan3A_15 : i32
      %add3A = arith.addi %arg1, %mul3A_17 : i32
      %lt3A = arith.constant 290 : i32
      %lt3A_18 = arith.cmpi slt, %add3A, %lt3A : i32
      %convert_element_type3A = arith.extui %lt3A_18 : i1 to i32
      %cond3A = arith.constant 0 : i32
      %cond3A_19 = arith.cmpi ne, %convert_element_type3A, %cond3A : i32
      scf.if %cond3A_19 {
        %mul3A_20 = arith.constant 128 : i32
        %mul3A_21 = arith.muli %add3A, %mul3A_20 : i32
        "tpu.region"() ({
          %run_scoped3A = tpu.sem_alloc : memref<!tpu.dma_semaphore, #tpu.memory_space<semaphore_mem>>
          %dma_start3A = tpu.memref_slice %arg3[%mul3A_21] : memref<37120xi32, #tpu.memory_space<hbm>> -> memref<128xi32, #tpu.memory_space<hbm>>
          %dma_start3A_22 = tpu.memref_slice %arg3[%mul3A_21] : memref<37120xi32, #tpu.memory_space<hbm>> -> memref<128xi32, #tpu.memory_space<hbm>>
          tpu.enqueue_dma source(%dma_start3A_22 : memref<128xi32, #tpu.memory_space<hbm>>) target(%arg6 : memref<128xi32, #tpu.memory_space<vmem>>) target_semaphore(%run_scoped3A : memref<!tpu.dma_semaphore, #tpu.memory_space<semaphore_mem>>)
          %dma_wait3A = tpu.memref_slice %arg3[%mul3A_21] : memref<37120xi32, #tpu.memory_space<hbm>> -> memref<128xi32, #tpu.memory_space<hbm>>
          %dma_wait3A_23 = tpu.memref_slice %arg3[%mul3A_21] : memref<37120xi32, #tpu.memory_space<hbm>> -> memref<128xi32, #tpu.memory_space<hbm>>
          tpu.wait_dma2 semaphore(%run_scoped3A : memref<!tpu.dma_semaphore, #tpu.memory_space<semaphore_mem>>) src(%dma_wait3A_23 : memref<128xi32, #tpu.memory_space<hbm>>) dst(%arg6 : memref<128xi32, #tpu.memory_space<vmem>>)
          tpu.yield
        }) : () -> ()
        "tpu.region"() ({
          %run_scoped3A = tpu.sem_alloc : memref<!tpu.dma_semaphore, #tpu.memory_space<semaphore_mem>>
          %dma_start3A = tpu.memref_slice %arg2[%mul3A_21, %mul3A_0] : memref<37120x288xf32, #tpu.memory_space<hbm>> -> memref<128x144xf32, #tpu.memory_space<hbm>>
          %dma_start3A_22 = tpu.memref_slice %arg2[%mul3A_21, %mul3A_0] : memref<37120x288xf32, #tpu.memory_space<hbm>> -> memref<128x144xf32, #tpu.memory_space<hbm>>
          tpu.enqueue_dma source(%dma_start3A_22 : memref<128x144xf32, #tpu.memory_space<hbm>>) target(%arg7 : memref<128x144xf32, #tpu.memory_space<vmem>>) target_semaphore(%run_scoped3A : memref<!tpu.dma_semaphore, #tpu.memory_space<semaphore_mem>>)
          %dma_wait3A = tpu.memref_slice %arg2[%mul3A_21, %mul3A_0] : memref<37120x288xf32, #tpu.memory_space<hbm>> -> memref<128x144xf32, #tpu.memory_space<hbm>>
          %dma_wait3A_23 = tpu.memref_slice %arg2[%mul3A_21, %mul3A_0] : memref<37120x288xf32, #tpu.memory_space<hbm>> -> memref<128x144xf32, #tpu.memory_space<hbm>>
          tpu.wait_dma2 semaphore(%run_scoped3A : memref<!tpu.dma_semaphore, #tpu.memory_space<semaphore_mem>>) src(%dma_wait3A_23 : memref<128x144xf32, #tpu.memory_space<hbm>>) dst(%arg7 : memref<128x144xf32, #tpu.memory_space<vmem>>)
          tpu.yield
        }) : () -> ()
        "tpu.region"() ({
          %run_scoped3A = tpu.sem_alloc : memref<!tpu.dma_semaphore, #tpu.memory_space<semaphore_mem>>
          %dma_start3A = arith.constant 0 : i32
          %dma_start3A_22 = arith.constant 0 : i32
          %dma_start3A_23 = tpu.memref_slice %arg8[%dma_start3A, %dma_start3A_22] : memref<10000x144xf32, #tpu.memory_space<vmem_shared>> -> memref<10000x144xf32, #tpu.memory_space<vmem_shared>>
          tpu.enqueue_indirect_dma source(%arg7 : memref<128x144xf32, #tpu.memory_space<vmem>>) target(%dma_start3A_23 : memref<10000x144xf32, #tpu.memory_space<vmem_shared>>) offsets(%arg6 : memref<128xi32, #tpu.memory_space<vmem>>) semaphore(%run_scoped3A : memref<!tpu.dma_semaphore, #tpu.memory_space<semaphore_mem>>) {add = true}
          %dma_wait3A = arith.constant 0 : i32
          %dma_wait3A_24 = arith.constant 0 : i32
          %dma_wait3A_25 = tpu.memref_slice %arg8[%dma_wait3A, %dma_wait3A_24] : memref<10000x144xf32, #tpu.memory_space<vmem_shared>> -> memref<10000x144xf32, #tpu.memory_space<vmem_shared>>
          tpu.wait_indirect_dma semaphore(%run_scoped3A : memref<!tpu.dma_semaphore, #tpu.memory_space<semaphore_mem>>) src(%arg7 : memref<128x144xf32, #tpu.memory_space<vmem>>) dst(%dma_wait3A_25 : memref<10000x144xf32, #tpu.memory_space<vmem_shared>>)
          tpu.yield
        }) : () -> ()
      } else {
      }
    }
    %scan3A_9 = arith.constant 19 : i32
    %barrier3A_10 = arith.constant 0 : index
    tpu.barrier barrier_id(%barrier3A_10)
    %mul3A_11 = arith.constant 625 : i32
    %mul3A_12 = arith.muli %arg1, %mul3A_11 : i32
    %mul3A_13 = arith.constant 625 : i32
    %mul3A_14 = arith.muli %arg1, %mul3A_13 : i32
    "tpu.region"() ({
      %run_scoped3A = tpu.sem_alloc : memref<!tpu.dma_semaphore, #tpu.memory_space<semaphore_mem>>
      %dma_start3A = tpu.memref_slice %arg5[%mul3A_14, %mul3A_0] : memref<10000x288xf32, #tpu.memory_space<hbm>> -> memref<625x144xf32, #tpu.memory_space<hbm>>
      %dma_start3A_15 = arith.constant 0 : i32
      %dma_start3A_16 = tpu.memref_slice %arg8[%mul3A_12, %dma_start3A_15] : memref<10000x144xf32, #tpu.memory_space<vmem_shared>> -> memref<625x144xf32, #tpu.memory_space<vmem_shared>>
      tpu.enqueue_dma source(%dma_start3A_16 : memref<625x144xf32, #tpu.memory_space<vmem_shared>>) target(%dma_start3A : memref<625x144xf32, #tpu.memory_space<hbm>>) target_semaphore(%run_scoped3A : memref<!tpu.dma_semaphore, #tpu.memory_space<semaphore_mem>>)
      %dma_wait3A = tpu.memref_slice %arg5[%mul3A_14, %mul3A_0] : memref<10000x288xf32, #tpu.memory_space<hbm>> -> memref<625x144xf32, #tpu.memory_space<hbm>>
      %dma_wait3A_17 = arith.constant 0 : i32
      %dma_wait3A_18 = tpu.memref_slice %arg8[%mul3A_12, %dma_wait3A_17] : memref<10000x144xf32, #tpu.memory_space<vmem_shared>> -> memref<625x144xf32, #tpu.memory_space<vmem_shared>>
      tpu.wait_dma2 semaphore(%run_scoped3A : memref<!tpu.dma_semaphore, #tpu.memory_space<semaphore_mem>>) src(%dma_wait3A_18 : memref<625x144xf32, #tpu.memory_space<vmem_shared>>) dst(%dma_wait3A : memref<625x144xf32, #tpu.memory_space<hbm>>)
      tpu.yield
    }) : () -> ()
    return
  }
}

#map = affine_map<(d0, d1) -> (0, 0)>
#map1 = affine_map<(d0, d1) -> (0)>
module attributes {stable_mosaic.version = 14 : i64} {
  func.func @_k4_body(%arg0: i32, %arg1: i32, %arg2: memref<40960x288xf32, #tpu.memory_space<hbm>>, %arg3: memref<40960xi32, #tpu.memory_space<hbm>>, %arg4: memref<10000x288xf32, #tpu.memory_space<hbm>>, %arg5: memref<10000x288xf32, #tpu.memory_space<hbm>>, %arg6: memref<128xi32, #tpu.memory_space<vmem>>, %arg7: memref<128x144xf32, #tpu.memory_space<vmem>>, %arg8: memref<10000x144xf32, #tpu.memory_space<vmem_shared>>, %arg9: memref<!tpu.dma_semaphore, #tpu.memory_space<semaphore_mem>>) attributes {dimension_semantics = [#tpu.dimension_semantics<core_parallel>, #tpu.dimension_semantics<subcore_parallel>], iteration_bounds = array<i64: 2, 16>, scalar_prefetch = 0 : i64, scratch_operands = 4 : i64, tpu.core_type = #tpu.core_type<sc_vector_subcore>, window_params = [{transform_indices = #map}, {transform_indices = #map1}, {transform_indices = #map}, {transform_indices = #map}]} {
    %mul3A = arith.constant 144 : i32
    %mul3A_0 = arith.muli %arg0, %mul3A : i32
    %mul3A_1 = arith.constant 625 : i32
    %mul3A_2 = arith.muli %arg1, %mul3A_1 : i32
    %mul3A_3 = arith.constant 625 : i32
    %mul3A_4 = arith.muli %arg1, %mul3A_3 : i32
    "tpu.region"() ({
      %run_scoped3A = tpu.sem_alloc : memref<!tpu.dma_semaphore, #tpu.memory_space<semaphore_mem>>
      %dma_start3A = arith.constant 0 : i32
      %dma_start3A_15 = tpu.memref_slice %arg8[%mul3A_4, %dma_start3A] : memref<10000x144xf32, #tpu.memory_space<vmem_shared>> -> memref<625x144xf32, #tpu.memory_space<vmem_shared>>
      %dma_start3A_16 = tpu.memref_slice %arg4[%mul3A_2, %mul3A_0] : memref<10000x288xf32, #tpu.memory_space<hbm>> -> memref<625x144xf32, #tpu.memory_space<hbm>>
      tpu.enqueue_dma source(%dma_start3A_16 : memref<625x144xf32, #tpu.memory_space<hbm>>) target(%dma_start3A_15 : memref<625x144xf32, #tpu.memory_space<vmem_shared>>) target_semaphore(%run_scoped3A : memref<!tpu.dma_semaphore, #tpu.memory_space<semaphore_mem>>)
      %dma_wait3A = arith.constant 0 : i32
      %dma_wait3A_17 = tpu.memref_slice %arg8[%mul3A_4, %dma_wait3A] : memref<10000x144xf32, #tpu.memory_space<vmem_shared>> -> memref<625x144xf32, #tpu.memory_space<vmem_shared>>
      %dma_wait3A_18 = tpu.memref_slice %arg4[%mul3A_2, %mul3A_0] : memref<10000x288xf32, #tpu.memory_space<hbm>> -> memref<625x144xf32, #tpu.memory_space<hbm>>
      tpu.wait_dma2 semaphore(%run_scoped3A : memref<!tpu.dma_semaphore, #tpu.memory_space<semaphore_mem>>) src(%dma_wait3A_18 : memref<625x144xf32, #tpu.memory_space<hbm>>) dst(%dma_wait3A_17 : memref<625x144xf32, #tpu.memory_space<vmem_shared>>)
      tpu.yield
    }) : () -> ()
    %barrier3A = arith.constant 0 : index
    tpu.barrier barrier_id(%barrier3A)
    %scan3A = arith.constant 0 : i32
    %scan3A_5 = arith.constant 0 : i32
    %scan3A_6 = arith.constant 20 : i32
    %scan3A_7 = arith.addi %scan3A_5, %scan3A_6 : i32
    %scan3A_8 = arith.constant 1 : i32
    scf.for %scan3A_15 = %scan3A_5 to %scan3A_7 step %scan3A_8  : i32 {
      %mul3A_16 = arith.constant 16 : i32
      %mul3A_17 = arith.muli %mul3A_16, %scan3A_15 : i32
      %add3A = arith.addi %arg1, %mul3A_17 : i32
      %lt3A = arith.constant 320 : i32
      %lt3A_18 = arith.cmpi slt, %add3A, %lt3A : i32
      %convert_element_type3A = arith.extui %lt3A_18 : i1 to i32
      %cond3A = arith.constant 0 : i32
      %cond3A_19 = arith.cmpi ne, %convert_element_type3A, %cond3A : i32
      scf.if %cond3A_19 {
        %mul3A_20 = arith.constant 128 : i32
        %mul3A_21 = arith.muli %add3A, %mul3A_20 : i32
        "tpu.region"() ({
          %run_scoped3A = tpu.sem_alloc : memref<!tpu.dma_semaphore, #tpu.memory_space<semaphore_mem>>
          %dma_start3A = tpu.memref_slice %arg3[%mul3A_21] : memref<40960xi32, #tpu.memory_space<hbm>> -> memref<128xi32, #tpu.memory_space<hbm>>
          %dma_start3A_22 = tpu.memref_slice %arg3[%mul3A_21] : memref<40960xi32, #tpu.memory_space<hbm>> -> memref<128xi32, #tpu.memory_space<hbm>>
          tpu.enqueue_dma source(%dma_start3A_22 : memref<128xi32, #tpu.memory_space<hbm>>) target(%arg6 : memref<128xi32, #tpu.memory_space<vmem>>) target_semaphore(%run_scoped3A : memref<!tpu.dma_semaphore, #tpu.memory_space<semaphore_mem>>)
          %dma_wait3A = tpu.memref_slice %arg3[%mul3A_21] : memref<40960xi32, #tpu.memory_space<hbm>> -> memref<128xi32, #tpu.memory_space<hbm>>
          %dma_wait3A_23 = tpu.memref_slice %arg3[%mul3A_21] : memref<40960xi32, #tpu.memory_space<hbm>> -> memref<128xi32, #tpu.memory_space<hbm>>
          tpu.wait_dma2 semaphore(%run_scoped3A : memref<!tpu.dma_semaphore, #tpu.memory_space<semaphore_mem>>) src(%dma_wait3A_23 : memref<128xi32, #tpu.memory_space<hbm>>) dst(%arg6 : memref<128xi32, #tpu.memory_space<vmem>>)
          tpu.yield
        }) : () -> ()
        "tpu.region"() ({
          %run_scoped3A = tpu.sem_alloc : memref<!tpu.dma_semaphore, #tpu.memory_space<semaphore_mem>>
          %dma_start3A = tpu.memref_slice %arg2[%mul3A_21, %mul3A_0] : memref<40960x288xf32, #tpu.memory_space<hbm>> -> memref<128x144xf32, #tpu.memory_space<hbm>>
          %dma_start3A_22 = tpu.memref_slice %arg2[%mul3A_21, %mul3A_0] : memref<40960x288xf32, #tpu.memory_space<hbm>> -> memref<128x144xf32, #tpu.memory_space<hbm>>
          tpu.enqueue_dma source(%dma_start3A_22 : memref<128x144xf32, #tpu.memory_space<hbm>>) target(%arg7 : memref<128x144xf32, #tpu.memory_space<vmem>>) target_semaphore(%run_scoped3A : memref<!tpu.dma_semaphore, #tpu.memory_space<semaphore_mem>>)
          %dma_wait3A = tpu.memref_slice %arg2[%mul3A_21, %mul3A_0] : memref<40960x288xf32, #tpu.memory_space<hbm>> -> memref<128x144xf32, #tpu.memory_space<hbm>>
          %dma_wait3A_23 = tpu.memref_slice %arg2[%mul3A_21, %mul3A_0] : memref<40960x288xf32, #tpu.memory_space<hbm>> -> memref<128x144xf32, #tpu.memory_space<hbm>>
          tpu.wait_dma2 semaphore(%run_scoped3A : memref<!tpu.dma_semaphore, #tpu.memory_space<semaphore_mem>>) src(%dma_wait3A_23 : memref<128x144xf32, #tpu.memory_space<hbm>>) dst(%arg7 : memref<128x144xf32, #tpu.memory_space<vmem>>)
          tpu.yield
        }) : () -> ()
        "tpu.region"() ({
          %run_scoped3A = tpu.sem_alloc : memref<!tpu.dma_semaphore, #tpu.memory_space<semaphore_mem>>
          %dma_start3A = arith.constant 0 : i32
          %dma_start3A_22 = arith.constant 0 : i32
          %dma_start3A_23 = tpu.memref_slice %arg8[%dma_start3A, %dma_start3A_22] : memref<10000x144xf32, #tpu.memory_space<vmem_shared>> -> memref<10000x144xf32, #tpu.memory_space<vmem_shared>>
          tpu.enqueue_indirect_dma source(%arg7 : memref<128x144xf32, #tpu.memory_space<vmem>>) target(%dma_start3A_23 : memref<10000x144xf32, #tpu.memory_space<vmem_shared>>) offsets(%arg6 : memref<128xi32, #tpu.memory_space<vmem>>) semaphore(%run_scoped3A : memref<!tpu.dma_semaphore, #tpu.memory_space<semaphore_mem>>) {add = true}
          %dma_wait3A = arith.constant 0 : i32
          %dma_wait3A_24 = arith.constant 0 : i32
          %dma_wait3A_25 = tpu.memref_slice %arg8[%dma_wait3A, %dma_wait3A_24] : memref<10000x144xf32, #tpu.memory_space<vmem_shared>> -> memref<10000x144xf32, #tpu.memory_space<vmem_shared>>
          tpu.wait_indirect_dma semaphore(%run_scoped3A : memref<!tpu.dma_semaphore, #tpu.memory_space<semaphore_mem>>) src(%arg7 : memref<128x144xf32, #tpu.memory_space<vmem>>) dst(%dma_wait3A_25 : memref<10000x144xf32, #tpu.memory_space<vmem_shared>>)
          tpu.yield
        }) : () -> ()
      } else {
      }
    }
    %scan3A_9 = arith.constant 20 : i32
    %barrier3A_10 = arith.constant 0 : index
    tpu.barrier barrier_id(%barrier3A_10)
    %mul3A_11 = arith.constant 625 : i32
    %mul3A_12 = arith.muli %arg1, %mul3A_11 : i32
    %mul3A_13 = arith.constant 625 : i32
    %mul3A_14 = arith.muli %arg1, %mul3A_13 : i32
    "tpu.region"() ({
      %run_scoped3A = tpu.sem_alloc : memref<!tpu.dma_semaphore, #tpu.memory_space<semaphore_mem>>
      %dma_start3A = tpu.memref_slice %arg5[%mul3A_14, %mul3A_0] : memref<10000x288xf32, #tpu.memory_space<hbm>> -> memref<625x144xf32, #tpu.memory_space<hbm>>
      %dma_start3A_15 = arith.constant 0 : i32
      %dma_start3A_16 = tpu.memref_slice %arg8[%mul3A_12, %dma_start3A_15] : memref<10000x144xf32, #tpu.memory_space<vmem_shared>> -> memref<625x144xf32, #tpu.memory_space<vmem_shared>>
      tpu.enqueue_dma source(%dma_start3A_16 : memref<625x144xf32, #tpu.memory_space<vmem_shared>>) target(%dma_start3A : memref<625x144xf32, #tpu.memory_space<hbm>>) target_semaphore(%run_scoped3A : memref<!tpu.dma_semaphore, #tpu.memory_space<semaphore_mem>>)
      %dma_wait3A = tpu.memref_slice %arg5[%mul3A_14, %mul3A_0] : memref<10000x288xf32, #tpu.memory_space<hbm>> -> memref<625x144xf32, #tpu.memory_space<hbm>>
      %dma_wait3A_17 = arith.constant 0 : i32
      %dma_wait3A_18 = tpu.memref_slice %arg8[%mul3A_12, %dma_wait3A_17] : memref<10000x144xf32, #tpu.memory_space<vmem_shared>> -> memref<625x144xf32, #tpu.memory_space<vmem_shared>>
      tpu.wait_dma2 semaphore(%run_scoped3A : memref<!tpu.dma_semaphore, #tpu.memory_space<semaphore_mem>>) src(%dma_wait3A_18 : memref<625x144xf32, #tpu.memory_space<vmem_shared>>) dst(%dma_wait3A : memref<625x144xf32, #tpu.memory_space<hbm>>)
      tpu.yield
    }) : () -> ()
    return
  }
}

#map = affine_map<(d0, d1) -> (0, 0)>
#map1 = affine_map<(d0, d1) -> (0)>
module attributes {stable_mosaic.version = 14 : i64} {
  func.func @_k4_body(%arg0: i32, %arg1: i32, %arg2: memref<40960x288xf32, #tpu.memory_space<hbm>>, %arg3: memref<40960xi32, #tpu.memory_space<hbm>>, %arg4: memref<10000x288xf32, #tpu.memory_space<hbm>>, %arg5: memref<10000x288xf32, #tpu.memory_space<hbm>>, %arg6: memref<128xi32, #tpu.memory_space<vmem>>, %arg7: memref<128x144xf32, #tpu.memory_space<vmem>>, %arg8: memref<10000x144xf32, #tpu.memory_space<vmem_shared>>, %arg9: memref<!tpu.dma_semaphore, #tpu.memory_space<semaphore_mem>>) attributes {dimension_semantics = [#tpu.dimension_semantics<core_parallel>, #tpu.dimension_semantics<subcore_parallel>], iteration_bounds = array<i64: 2, 16>, scalar_prefetch = 0 : i64, scratch_operands = 4 : i64, tpu.core_type = #tpu.core_type<sc_vector_subcore>, window_params = [{transform_indices = #map}, {transform_indices = #map1}, {transform_indices = #map}, {transform_indices = #map}]} {
    %mul3A = arith.constant 144 : i32
    %mul3A_0 = arith.muli %arg0, %mul3A : i32
    %mul3A_1 = arith.constant 625 : i32
    %mul3A_2 = arith.muli %arg1, %mul3A_1 : i32
    %mul3A_3 = arith.constant 625 : i32
    %mul3A_4 = arith.muli %arg1, %mul3A_3 : i32
    "tpu.region"() ({
      %run_scoped3A = tpu.sem_alloc : memref<!tpu.dma_semaphore, #tpu.memory_space<semaphore_mem>>
      %dma_start3A = arith.constant 0 : i32
      %dma_start3A_15 = tpu.memref_slice %arg8[%mul3A_4, %dma_start3A] : memref<10000x144xf32, #tpu.memory_space<vmem_shared>> -> memref<625x144xf32, #tpu.memory_space<vmem_shared>>
      %dma_start3A_16 = tpu.memref_slice %arg4[%mul3A_2, %mul3A_0] : memref<10000x288xf32, #tpu.memory_space<hbm>> -> memref<625x144xf32, #tpu.memory_space<hbm>>
      tpu.enqueue_dma source(%dma_start3A_16 : memref<625x144xf32, #tpu.memory_space<hbm>>) target(%dma_start3A_15 : memref<625x144xf32, #tpu.memory_space<vmem_shared>>) target_semaphore(%run_scoped3A : memref<!tpu.dma_semaphore, #tpu.memory_space<semaphore_mem>>)
      %dma_wait3A = arith.constant 0 : i32
      %dma_wait3A_17 = tpu.memref_slice %arg8[%mul3A_4, %dma_wait3A] : memref<10000x144xf32, #tpu.memory_space<vmem_shared>> -> memref<625x144xf32, #tpu.memory_space<vmem_shared>>
      %dma_wait3A_18 = tpu.memref_slice %arg4[%mul3A_2, %mul3A_0] : memref<10000x288xf32, #tpu.memory_space<hbm>> -> memref<625x144xf32, #tpu.memory_space<hbm>>
      tpu.wait_dma2 semaphore(%run_scoped3A : memref<!tpu.dma_semaphore, #tpu.memory_space<semaphore_mem>>) src(%dma_wait3A_18 : memref<625x144xf32, #tpu.memory_space<hbm>>) dst(%dma_wait3A_17 : memref<625x144xf32, #tpu.memory_space<vmem_shared>>)
      tpu.yield
    }) : () -> ()
    %barrier3A = arith.constant 0 : index
    tpu.barrier barrier_id(%barrier3A)
    %scan3A = arith.constant 0 : i32
    %scan3A_5 = arith.constant 0 : i32
    %scan3A_6 = arith.constant 20 : i32
    %scan3A_7 = arith.addi %scan3A_5, %scan3A_6 : i32
    %scan3A_8 = arith.constant 1 : i32
    scf.for %scan3A_15 = %scan3A_5 to %scan3A_7 step %scan3A_8  : i32 {
      %mul3A_16 = arith.constant 16 : i32
      %mul3A_17 = arith.muli %mul3A_16, %scan3A_15 : i32
      %add3A = arith.addi %arg1, %mul3A_17 : i32
      %lt3A = arith.constant 320 : i32
      %lt3A_18 = arith.cmpi slt, %add3A, %lt3A : i32
      %convert_element_type3A = arith.extui %lt3A_18 : i1 to i32
      %cond3A = arith.constant 0 : i32
      %cond3A_19 = arith.cmpi ne, %convert_element_type3A, %cond3A : i32
      scf.if %cond3A_19 {
        %mul3A_20 = arith.constant 128 : i32
        %mul3A_21 = arith.muli %add3A, %mul3A_20 : i32
        "tpu.region"() ({
          %run_scoped3A = tpu.sem_alloc : memref<!tpu.dma_semaphore, #tpu.memory_space<semaphore_mem>>
          %dma_start3A = tpu.memref_slice %arg3[%mul3A_21] : memref<40960xi32, #tpu.memory_space<hbm>> -> memref<128xi32, #tpu.memory_space<hbm>>
          %dma_start3A_22 = tpu.memref_slice %arg3[%mul3A_21] : memref<40960xi32, #tpu.memory_space<hbm>> -> memref<128xi32, #tpu.memory_space<hbm>>
          tpu.enqueue_dma source(%dma_start3A_22 : memref<128xi32, #tpu.memory_space<hbm>>) target(%arg6 : memref<128xi32, #tpu.memory_space<vmem>>) target_semaphore(%run_scoped3A : memref<!tpu.dma_semaphore, #tpu.memory_space<semaphore_mem>>)
          %dma_wait3A = tpu.memref_slice %arg3[%mul3A_21] : memref<40960xi32, #tpu.memory_space<hbm>> -> memref<128xi32, #tpu.memory_space<hbm>>
          %dma_wait3A_23 = tpu.memref_slice %arg3[%mul3A_21] : memref<40960xi32, #tpu.memory_space<hbm>> -> memref<128xi32, #tpu.memory_space<hbm>>
          tpu.wait_dma2 semaphore(%run_scoped3A : memref<!tpu.dma_semaphore, #tpu.memory_space<semaphore_mem>>) src(%dma_wait3A_23 : memref<128xi32, #tpu.memory_space<hbm>>) dst(%arg6 : memref<128xi32, #tpu.memory_space<vmem>>)
          tpu.yield
        }) : () -> ()
        "tpu.region"() ({
          %run_scoped3A = tpu.sem_alloc : memref<!tpu.dma_semaphore, #tpu.memory_space<semaphore_mem>>
          %dma_start3A = tpu.memref_slice %arg2[%mul3A_21, %mul3A_0] : memref<40960x288xf32, #tpu.memory_space<hbm>> -> memref<128x144xf32, #tpu.memory_space<hbm>>
          %dma_start3A_22 = tpu.memref_slice %arg2[%mul3A_21, %mul3A_0] : memref<40960x288xf32, #tpu.memory_space<hbm>> -> memref<128x144xf32, #tpu.memory_space<hbm>>
          tpu.enqueue_dma source(%dma_start3A_22 : memref<128x144xf32, #tpu.memory_space<hbm>>) target(%arg7 : memref<128x144xf32, #tpu.memory_space<vmem>>) target_semaphore(%run_scoped3A : memref<!tpu.dma_semaphore, #tpu.memory_space<semaphore_mem>>)
          %dma_wait3A = tpu.memref_slice %arg2[%mul3A_21, %mul3A_0] : memref<40960x288xf32, #tpu.memory_space<hbm>> -> memref<128x144xf32, #tpu.memory_space<hbm>>
          %dma_wait3A_23 = tpu.memref_slice %arg2[%mul3A_21, %mul3A_0] : memref<40960x288xf32, #tpu.memory_space<hbm>> -> memref<128x144xf32, #tpu.memory_space<hbm>>
          tpu.wait_dma2 semaphore(%run_scoped3A : memref<!tpu.dma_semaphore, #tpu.memory_space<semaphore_mem>>) src(%dma_wait3A_23 : memref<128x144xf32, #tpu.memory_space<hbm>>) dst(%arg7 : memref<128x144xf32, #tpu.memory_space<vmem>>)
          tpu.yield
        }) : () -> ()
        "tpu.region"() ({
          %run_scoped3A = tpu.sem_alloc : memref<!tpu.dma_semaphore, #tpu.memory_space<semaphore_mem>>
          %dma_start3A = arith.constant 0 : i32
          %dma_start3A_22 = arith.constant 0 : i32
          %dma_start3A_23 = tpu.memref_slice %arg8[%dma_start3A, %dma_start3A_22] : memref<10000x144xf32, #tpu.memory_space<vmem_shared>> -> memref<10000x144xf32, #tpu.memory_space<vmem_shared>>
          tpu.enqueue_indirect_dma source(%arg7 : memref<128x144xf32, #tpu.memory_space<vmem>>) target(%dma_start3A_23 : memref<10000x144xf32, #tpu.memory_space<vmem_shared>>) offsets(%arg6 : memref<128xi32, #tpu.memory_space<vmem>>) semaphore(%run_scoped3A : memref<!tpu.dma_semaphore, #tpu.memory_space<semaphore_mem>>) {add = true}
          %dma_wait3A = arith.constant 0 : i32
          %dma_wait3A_24 = arith.constant 0 : i32
          %dma_wait3A_25 = tpu.memref_slice %arg8[%dma_wait3A, %dma_wait3A_24] : memref<10000x144xf32, #tpu.memory_space<vmem_shared>> -> memref<10000x144xf32, #tpu.memory_space<vmem_shared>>
          tpu.wait_indirect_dma semaphore(%run_scoped3A : memref<!tpu.dma_semaphore, #tpu.memory_space<semaphore_mem>>) src(%arg7 : memref<128x144xf32, #tpu.memory_space<vmem>>) dst(%dma_wait3A_25 : memref<10000x144xf32, #tpu.memory_space<vmem_shared>>)
          tpu.yield
        }) : () -> ()
      } else {
      }
    }
    %scan3A_9 = arith.constant 20 : i32
    %barrier3A_10 = arith.constant 0 : index
    tpu.barrier barrier_id(%barrier3A_10)
    %mul3A_11 = arith.constant 625 : i32
    %mul3A_12 = arith.muli %arg1, %mul3A_11 : i32
    %mul3A_13 = arith.constant 625 : i32
    %mul3A_14 = arith.muli %arg1, %mul3A_13 : i32
    "tpu.region"() ({
      %run_scoped3A = tpu.sem_alloc : memref<!tpu.dma_semaphore, #tpu.memory_space<semaphore_mem>>
      %dma_start3A = tpu.memref_slice %arg5[%mul3A_14, %mul3A_0] : memref<10000x288xf32, #tpu.memory_space<hbm>> -> memref<625x144xf32, #tpu.memory_space<hbm>>
      %dma_start3A_15 = arith.constant 0 : i32
      %dma_start3A_16 = tpu.memref_slice %arg8[%mul3A_12, %dma_start3A_15] : memref<10000x144xf32, #tpu.memory_space<vmem_shared>> -> memref<625x144xf32, #tpu.memory_space<vmem_shared>>
      tpu.enqueue_dma source(%dma_start3A_16 : memref<625x144xf32, #tpu.memory_space<vmem_shared>>) target(%dma_start3A : memref<625x144xf32, #tpu.memory_space<hbm>>) target_semaphore(%run_scoped3A : memref<!tpu.dma_semaphore, #tpu.memory_space<semaphore_mem>>)
      %dma_wait3A = tpu.memref_slice %arg5[%mul3A_14, %mul3A_0] : memref<10000x288xf32, #tpu.memory_space<hbm>> -> memref<625x144xf32, #tpu.memory_space<hbm>>
      %dma_wait3A_17 = arith.constant 0 : i32
      %dma_wait3A_18 = tpu.memref_slice %arg8[%mul3A_12, %dma_wait3A_17] : memref<10000x144xf32, #tpu.memory_space<vmem_shared>> -> memref<625x144xf32, #tpu.memory_space<vmem_shared>>
      tpu.wait_dma2 semaphore(%run_scoped3A : memref<!tpu.dma_semaphore, #tpu.memory_space<semaphore_mem>>) src(%dma_wait3A_18 : memref<625x144xf32, #tpu.memory_space<vmem_shared>>) dst(%dma_wait3A : memref<625x144xf32, #tpu.memory_space<hbm>>)
      tpu.yield
    }) : () -> ()
    return
  }
}

#map = affine_map<(d0, d1) -> (0, 0)>
#map1 = affine_map<(d0, d1) -> (0)>
module attributes {stable_mosaic.version = 14 : i64} {
  func.func @_k4_body(%arg0: i32, %arg1: i32, %arg2: memref<40960x288xf32, #tpu.memory_space<hbm>>, %arg3: memref<40960xi32, #tpu.memory_space<hbm>>, %arg4: memref<10000x288xf32, #tpu.memory_space<hbm>>, %arg5: memref<10000x288xf32, #tpu.memory_space<hbm>>, %arg6: memref<128xi32, #tpu.memory_space<vmem>>, %arg7: memref<128x144xf32, #tpu.memory_space<vmem>>, %arg8: memref<10000x144xf32, #tpu.memory_space<vmem_shared>>, %arg9: memref<!tpu.dma_semaphore, #tpu.memory_space<semaphore_mem>>) attributes {dimension_semantics = [#tpu.dimension_semantics<core_parallel>, #tpu.dimension_semantics<subcore_parallel>], iteration_bounds = array<i64: 2, 16>, scalar_prefetch = 0 : i64, scratch_operands = 4 : i64, tpu.core_type = #tpu.core_type<sc_vector_subcore>, window_params = [{transform_indices = #map}, {transform_indices = #map1}, {transform_indices = #map}, {transform_indices = #map}]} {
    %mul3A = arith.constant 144 : i32
    %mul3A_0 = arith.muli %arg0, %mul3A : i32
    %mul3A_1 = arith.constant 625 : i32
    %mul3A_2 = arith.muli %arg1, %mul3A_1 : i32
    %mul3A_3 = arith.constant 625 : i32
    %mul3A_4 = arith.muli %arg1, %mul3A_3 : i32
    "tpu.region"() ({
      %run_scoped3A = tpu.sem_alloc : memref<!tpu.dma_semaphore, #tpu.memory_space<semaphore_mem>>
      %dma_start3A = arith.constant 0 : i32
      %dma_start3A_15 = tpu.memref_slice %arg8[%mul3A_4, %dma_start3A] : memref<10000x144xf32, #tpu.memory_space<vmem_shared>> -> memref<625x144xf32, #tpu.memory_space<vmem_shared>>
      %dma_start3A_16 = tpu.memref_slice %arg4[%mul3A_2, %mul3A_0] : memref<10000x288xf32, #tpu.memory_space<hbm>> -> memref<625x144xf32, #tpu.memory_space<hbm>>
      tpu.enqueue_dma source(%dma_start3A_16 : memref<625x144xf32, #tpu.memory_space<hbm>>) target(%dma_start3A_15 : memref<625x144xf32, #tpu.memory_space<vmem_shared>>) target_semaphore(%run_scoped3A : memref<!tpu.dma_semaphore, #tpu.memory_space<semaphore_mem>>)
      %dma_wait3A = arith.constant 0 : i32
      %dma_wait3A_17 = tpu.memref_slice %arg8[%mul3A_4, %dma_wait3A] : memref<10000x144xf32, #tpu.memory_space<vmem_shared>> -> memref<625x144xf32, #tpu.memory_space<vmem_shared>>
      %dma_wait3A_18 = tpu.memref_slice %arg4[%mul3A_2, %mul3A_0] : memref<10000x288xf32, #tpu.memory_space<hbm>> -> memref<625x144xf32, #tpu.memory_space<hbm>>
      tpu.wait_dma2 semaphore(%run_scoped3A : memref<!tpu.dma_semaphore, #tpu.memory_space<semaphore_mem>>) src(%dma_wait3A_18 : memref<625x144xf32, #tpu.memory_space<hbm>>) dst(%dma_wait3A_17 : memref<625x144xf32, #tpu.memory_space<vmem_shared>>)
      tpu.yield
    }) : () -> ()
    %barrier3A = arith.constant 0 : index
    tpu.barrier barrier_id(%barrier3A)
    %scan3A = arith.constant 0 : i32
    %scan3A_5 = arith.constant 0 : i32
    %scan3A_6 = arith.constant 20 : i32
    %scan3A_7 = arith.addi %scan3A_5, %scan3A_6 : i32
    %scan3A_8 = arith.constant 1 : i32
    scf.for %scan3A_15 = %scan3A_5 to %scan3A_7 step %scan3A_8  : i32 {
      %mul3A_16 = arith.constant 16 : i32
      %mul3A_17 = arith.muli %mul3A_16, %scan3A_15 : i32
      %add3A = arith.addi %arg1, %mul3A_17 : i32
      %lt3A = arith.constant 320 : i32
      %lt3A_18 = arith.cmpi slt, %add3A, %lt3A : i32
      %convert_element_type3A = arith.extui %lt3A_18 : i1 to i32
      %cond3A = arith.constant 0 : i32
      %cond3A_19 = arith.cmpi ne, %convert_element_type3A, %cond3A : i32
      scf.if %cond3A_19 {
        %mul3A_20 = arith.constant 128 : i32
        %mul3A_21 = arith.muli %add3A, %mul3A_20 : i32
        "tpu.region"() ({
          %run_scoped3A = tpu.sem_alloc : memref<!tpu.dma_semaphore, #tpu.memory_space<semaphore_mem>>
          %dma_start3A = tpu.memref_slice %arg3[%mul3A_21] : memref<40960xi32, #tpu.memory_space<hbm>> -> memref<128xi32, #tpu.memory_space<hbm>>
          %dma_start3A_22 = tpu.memref_slice %arg3[%mul3A_21] : memref<40960xi32, #tpu.memory_space<hbm>> -> memref<128xi32, #tpu.memory_space<hbm>>
          tpu.enqueue_dma source(%dma_start3A_22 : memref<128xi32, #tpu.memory_space<hbm>>) target(%arg6 : memref<128xi32, #tpu.memory_space<vmem>>) target_semaphore(%run_scoped3A : memref<!tpu.dma_semaphore, #tpu.memory_space<semaphore_mem>>)
          %dma_wait3A = tpu.memref_slice %arg3[%mul3A_21] : memref<40960xi32, #tpu.memory_space<hbm>> -> memref<128xi32, #tpu.memory_space<hbm>>
          %dma_wait3A_23 = tpu.memref_slice %arg3[%mul3A_21] : memref<40960xi32, #tpu.memory_space<hbm>> -> memref<128xi32, #tpu.memory_space<hbm>>
          tpu.wait_dma2 semaphore(%run_scoped3A : memref<!tpu.dma_semaphore, #tpu.memory_space<semaphore_mem>>) src(%dma_wait3A_23 : memref<128xi32, #tpu.memory_space<hbm>>) dst(%arg6 : memref<128xi32, #tpu.memory_space<vmem>>)
          tpu.yield
        }) : () -> ()
        "tpu.region"() ({
          %run_scoped3A = tpu.sem_alloc : memref<!tpu.dma_semaphore, #tpu.memory_space<semaphore_mem>>
          %dma_start3A = tpu.memref_slice %arg2[%mul3A_21, %mul3A_0] : memref<40960x288xf32, #tpu.memory_space<hbm>> -> memref<128x144xf32, #tpu.memory_space<hbm>>
          %dma_start3A_22 = tpu.memref_slice %arg2[%mul3A_21, %mul3A_0] : memref<40960x288xf32, #tpu.memory_space<hbm>> -> memref<128x144xf32, #tpu.memory_space<hbm>>
          tpu.enqueue_dma source(%dma_start3A_22 : memref<128x144xf32, #tpu.memory_space<hbm>>) target(%arg7 : memref<128x144xf32, #tpu.memory_space<vmem>>) target_semaphore(%run_scoped3A : memref<!tpu.dma_semaphore, #tpu.memory_space<semaphore_mem>>)
          %dma_wait3A = tpu.memref_slice %arg2[%mul3A_21, %mul3A_0] : memref<40960x288xf32, #tpu.memory_space<hbm>> -> memref<128x144xf32, #tpu.memory_space<hbm>>
          %dma_wait3A_23 = tpu.memref_slice %arg2[%mul3A_21, %mul3A_0] : memref<40960x288xf32, #tpu.memory_space<hbm>> -> memref<128x144xf32, #tpu.memory_space<hbm>>
          tpu.wait_dma2 semaphore(%run_scoped3A : memref<!tpu.dma_semaphore, #tpu.memory_space<semaphore_mem>>) src(%dma_wait3A_23 : memref<128x144xf32, #tpu.memory_space<hbm>>) dst(%arg7 : memref<128x144xf32, #tpu.memory_space<vmem>>)
          tpu.yield
        }) : () -> ()
        "tpu.region"() ({
          %run_scoped3A = tpu.sem_alloc : memref<!tpu.dma_semaphore, #tpu.memory_space<semaphore_mem>>
          %dma_start3A = arith.constant 0 : i32
          %dma_start3A_22 = arith.constant 0 : i32
          %dma_start3A_23 = tpu.memref_slice %arg8[%dma_start3A, %dma_start3A_22] : memref<10000x144xf32, #tpu.memory_space<vmem_shared>> -> memref<10000x144xf32, #tpu.memory_space<vmem_shared>>
          tpu.enqueue_indirect_dma source(%arg7 : memref<128x144xf32, #tpu.memory_space<vmem>>) target(%dma_start3A_23 : memref<10000x144xf32, #tpu.memory_space<vmem_shared>>) offsets(%arg6 : memref<128xi32, #tpu.memory_space<vmem>>) semaphore(%run_scoped3A : memref<!tpu.dma_semaphore, #tpu.memory_space<semaphore_mem>>) {add = true}
          %dma_wait3A = arith.constant 0 : i32
          %dma_wait3A_24 = arith.constant 0 : i32
          %dma_wait3A_25 = tpu.memref_slice %arg8[%dma_wait3A, %dma_wait3A_24] : memref<10000x144xf32, #tpu.memory_space<vmem_shared>> -> memref<10000x144xf32, #tpu.memory_space<vmem_shared>>
          tpu.wait_indirect_dma semaphore(%run_scoped3A : memref<!tpu.dma_semaphore, #tpu.memory_space<semaphore_mem>>) src(%arg7 : memref<128x144xf32, #tpu.memory_space<vmem>>) dst(%dma_wait3A_25 : memref<10000x144xf32, #tpu.memory_space<vmem_shared>>)
          tpu.yield
        }) : () -> ()
      } else {
      }
    }
    %scan3A_9 = arith.constant 20 : i32
    %barrier3A_10 = arith.constant 0 : index
    tpu.barrier barrier_id(%barrier3A_10)
    %mul3A_11 = arith.constant 625 : i32
    %mul3A_12 = arith.muli %arg1, %mul3A_11 : i32
    %mul3A_13 = arith.constant 625 : i32
    %mul3A_14 = arith.muli %arg1, %mul3A_13 : i32
    "tpu.region"() ({
      %run_scoped3A = tpu.sem_alloc : memref<!tpu.dma_semaphore, #tpu.memory_space<semaphore_mem>>
      %dma_start3A = tpu.memref_slice %arg5[%mul3A_14, %mul3A_0] : memref<10000x288xf32, #tpu.memory_space<hbm>> -> memref<625x144xf32, #tpu.memory_space<hbm>>
      %dma_start3A_15 = arith.constant 0 : i32
      %dma_start3A_16 = tpu.memref_slice %arg8[%mul3A_12, %dma_start3A_15] : memref<10000x144xf32, #tpu.memory_space<vmem_shared>> -> memref<625x144xf32, #tpu.memory_space<vmem_shared>>
      tpu.enqueue_dma source(%dma_start3A_16 : memref<625x144xf32, #tpu.memory_space<vmem_shared>>) target(%dma_start3A : memref<625x144xf32, #tpu.memory_space<hbm>>) target_semaphore(%run_scoped3A : memref<!tpu.dma_semaphore, #tpu.memory_space<semaphore_mem>>)
      %dma_wait3A = tpu.memref_slice %arg5[%mul3A_14, %mul3A_0] : memref<10000x288xf32, #tpu.memory_space<hbm>> -> memref<625x144xf32, #tpu.memory_space<hbm>>
      %dma_wait3A_17 = arith.constant 0 : i32
      %dma_wait3A_18 = tpu.memref_slice %arg8[%mul3A_12, %dma_wait3A_17] : memref<10000x144xf32, #tpu.memory_space<vmem_shared>> -> memref<625x144xf32, #tpu.memory_space<vmem_shared>>
      tpu.wait_dma2 semaphore(%run_scoped3A : memref<!tpu.dma_semaphore, #tpu.memory_space<semaphore_mem>>) src(%dma_wait3A_18 : memref<625x144xf32, #tpu.memory_space<vmem_shared>>) dst(%dma_wait3A : memref<625x144xf32, #tpu.memory_space<hbm>>)
      tpu.yield
    }) : () -> ()
    return
  }
}

module attributes {stable_mosaic.version = 14 : i64} {
  func.func @_k1_body(%arg0: i32, %arg1: memref<1000x288xf32, #tpu.memory_space<vmem>>, %arg2: memref<1x288xf32, #tpu.memory_space<vmem>>, %arg3: memref<1000x288xf32, #tpu.memory_space<vmem>>) attributes {dimension_semantics = [#tpu.dimension_semantics<arbitrary>], iteration_bounds = array<i64: 10>, scalar_prefetch = 0 : i64, scratch_operands = 0 : i64, tpu.core_type = #tpu.core_type<tc>, window_params = [{transform_indices = @transform_0, window_bounds = array<i64: 1000, 288>}, {pipeline_mode = #tpu.pipeline_mode<synchronous>, transform_indices = @transform_1, window_bounds = array<i64: 1, 288>}, {transform_indices = @transform_2, window_bounds = array<i64: 1000, 288>}]} {
    %get3A = arith.constant 0 : index
    %get3A_0 = arith.constant 0 : index
    %get3A_1 = vector.load %arg1[%get3A, %get3A_0] : memref<1000x288xf32, #tpu.memory_space<vmem>>, vector<1000x288xf32>
    %get3A_2 = arith.constant 0 : index
    %get3A_3 = arith.constant 0 : index
    %get3A_4 = vector.load %arg2[%get3A_2, %get3A_3] : memref<1x288xf32, #tpu.memory_space<vmem>>, vector<1x288xf32>
    %slice3A = vector.extract_strided_slice %get3A_1 {offsets = [0, 0], sizes = [1000, 32], strides = [1, 1]} : vector<1000x288xf32> to vector<1000x32xf32>
    %mul3A = arith.mulf %slice3A, %slice3A : vector<1000x32xf32>
    %reduce_sum3A = arith.constant dense<0.000000e+00> : vector<1000xf32>
    %reduce_sum3A_5 = vector.multi_reduction <add>, %mul3A, %reduce_sum3A [1] : vector<1000x32xf32> to vector<1000xf32>
    %broadcast_in_dim3A = vector.shape_cast %reduce_sum3A_5 : vector<1000xf32> to vector<1000x1xf32>
    %div3A = arith.constant 3.200000e+01 : f32
    %div3A_6 = vector.broadcast %div3A : f32 to vector<1000x1xf32>
    %div3A_7 = arith.divf %broadcast_in_dim3A, %div3A_6 : vector<1000x1xf32>
    %add3A = arith.constant 9.99999997E-7 : f32
    %add3A_8 = vector.broadcast %add3A : f32 to vector<1000x1xf32>
    %add3A_9 = arith.addf %div3A_7, %add3A_8 : vector<1000x1xf32>
    %rsqrt3A = math.rsqrt %add3A_9 : vector<1000x1xf32>
    %mul3A_10 = vector.broadcast %rsqrt3A : vector<1000x1xf32> to vector<1000x32xf32>
    %mul3A_11 = arith.mulf %slice3A, %mul3A_10 : vector<1000x32xf32>
    %slice3A_12 = vector.extract_strided_slice %get3A_1 {offsets = [0, 32], sizes = [1000, 96], strides = [1, 1]} : vector<1000x288xf32> to vector<1000x96xf32>
    %mul3A_13 = arith.mulf %slice3A_12, %slice3A_12 : vector<1000x96xf32>
    %reduce_sum3A_14 = arith.constant dense<0.000000e+00> : vector<1000xf32>
    %reduce_sum3A_15 = vector.multi_reduction <add>, %mul3A_13, %reduce_sum3A_14 [1] : vector<1000x96xf32> to vector<1000xf32>
    %broadcast_in_dim3A_16 = vector.shape_cast %reduce_sum3A_15 : vector<1000xf32> to vector<1000x1xf32>
    %div3A_17 = arith.constant 9.600000e+01 : f32
    %div3A_18 = vector.broadcast %div3A_17 : f32 to vector<1000x1xf32>
    %div3A_19 = arith.divf %broadcast_in_dim3A_16, %div3A_18 : vector<1000x1xf32>
    %add3A_20 = arith.constant 9.99999997E-7 : f32
    %add3A_21 = vector.broadcast %add3A_20 : f32 to vector<1000x1xf32>
    %add3A_22 = arith.addf %div3A_19, %add3A_21 : vector<1000x1xf32>
    %rsqrt3A_23 = math.rsqrt %add3A_22 : vector<1000x1xf32>
    %mul3A_24 = vector.broadcast %rsqrt3A_23 : vector<1000x1xf32> to vector<1000x96xf32>
    %mul3A_25 = arith.mulf %slice3A_12, %mul3A_24 : vector<1000x96xf32>
    %slice3A_26 = vector.extract_strided_slice %get3A_1 {offsets = [0, 128], sizes = [1000, 160], strides = [1, 1]} : vector<1000x288xf32> to vector<1000x160xf32>
    %mul3A_27 = arith.mulf %slice3A_26, %slice3A_26 : vector<1000x160xf32>
    %reduce_sum3A_28 = arith.constant dense<0.000000e+00> : vector<1000xf32>
    %reduce_sum3A_29 = vector.multi_reduction <add>, %mul3A_27, %reduce_sum3A_28 [1] : vector<1000x160xf32> to vector<1000xf32>
    %broadcast_in_dim3A_30 = vector.shape_cast %reduce_sum3A_29 : vector<1000xf32> to vector<1000x1xf32>
    %div3A_31 = arith.constant 1.600000e+02 : f32
    %div3A_32 = vector.broadcast %div3A_31 : f32 to vector<1000x1xf32>
    %div3A_33 = arith.divf %broadcast_in_dim3A_30, %div3A_32 : vector<1000x1xf32>
    %add3A_34 = arith.constant 9.99999997E-7 : f32
    %add3A_35 = vector.broadcast %add3A_34 : f32 to vector<1000x1xf32>
    %add3A_36 = arith.addf %div3A_33, %add3A_35 : vector<1000x1xf32>
    %rsqrt3A_37 = math.rsqrt %add3A_36 : vector<1000x1xf32>
    %mul3A_38 = vector.broadcast %rsqrt3A_37 : vector<1000x1xf32> to vector<1000x160xf32>
    %mul3A_39 = arith.mulf %slice3A_26, %mul3A_38 : vector<1000x160xf32>
    %concatenate3A = tpu.concatenate %mul3A_11, %mul3A_25, %mul3A_39 in 1 : vector<1000x32xf32>, vector<1000x96xf32>, vector<1000x160xf32> -> vector<1000x288xf32>
    %mul3A_40 = vector.broadcast %get3A_4 : vector<1x288xf32> to vector<1000x288xf32>
    %mul3A_41 = arith.mulf %concatenate3A, %mul3A_40 : vector<1000x288xf32>
    %swap3A = arith.constant 0 : index
    %swap3A_42 = arith.constant 0 : index
    %swap3A_43 = vector.load %arg3[%swap3A, %swap3A_42] : memref<1000x288xf32, #tpu.memory_space<vmem>>, vector<1000x288xf32>
    tpu.vector_store %arg3[%swap3A, %swap3A_42], %mul3A_41 {strides = array<i32>} : memref<1000x288xf32, #tpu.memory_space<vmem>>, vector<1000x288xf32>,
    return
  }
  func.func @transform_0(%arg0: i32) -> (i32, i32) {
    %c0_i32 = arith.constant 0 : i32
    %c0_i32_0 = arith.constant 0 : i32
    return %arg0, %c0_i32 : i32, i32
  }
  func.func @transform_1(%arg0: i32) -> (i32, i32) {
    %c0_i32 = arith.constant 0 : i32
    %c0_i32_0 = arith.constant 0 : i32
    %c0_i32_1 = arith.constant 0 : i32
    return %c0_i32, %c0_i32_0 : i32, i32
  }
  func.func @transform_2(%arg0: i32) -> (i32, i32) {
    %c0_i32 = arith.constant 0 : i32
    %c0_i32_0 = arith.constant 0 : i32
    return %arg0, %c0_i32 : i32, i32
  }
}

module attributes {stable_mosaic.version = 14 : i64} {
  func.func @_k3_body(%arg0: i32, %arg1: memref<640x288xf32, #tpu.memory_space<vmem>>, %arg2: memref<640x288xf32, #tpu.memory_space<vmem>>, %arg3: memref<81x640xf32, #tpu.memory_space<vmem>>, %arg4: memref<640x64xf32, #tpu.memory_space<vmem>>, %arg5: memref<1x640xf32, #tpu.memory_space<vmem>>, %arg6: memref<64x64xf32, #tpu.memory_space<vmem>>, %arg7: memref<64x1xf32, #tpu.memory_space<vmem>>, %arg8: memref<64x64xf32, #tpu.memory_space<vmem>>, %arg9: memref<64x1xf32, #tpu.memory_space<vmem>>, %arg10: memref<32x64xf32, #tpu.memory_space<vmem>>, %arg11: memref<32x64xf32, #tpu.memory_space<vmem>>, %arg12: memref<64x32xf32, #tpu.memory_space<vmem>>, %arg13: memref<640x288xf32, #tpu.memory_space<vmem>>) attributes {dimension_semantics = [#tpu.dimension_semantics<arbitrary>], iteration_bounds = array<i64: 58>, scalar_prefetch = 0 : i64, scratch_operands = 0 : i64, tpu.core_type = #tpu.core_type<tc>, window_params = [{transform_indices = @transform_0, window_bounds = array<i64: 640, 288>}, {transform_indices = @transform_1, window_bounds = array<i64: 640, 288>}, {transform_indices = @transform_2, window_bounds = array<i64: 81, 640>}, {transform_indices = @transform_3, window_bounds = array<i64: 640, 64>}, {transform_indices = @transform_4, window_bounds = array<i64: 1, 640>}, {pipeline_mode = #tpu.pipeline_mode<synchronous>, transform_indices = @transform_5, window_bounds = array<i64: 64, 64>}, {pipeline_mode = #tpu.pipeline_mode<synchronous>, transform_indices = @transform_6, window_bounds = array<i64: 64, 1>}, {pipeline_mode = #tpu.pipeline_mode<synchronous>, transform_indices = @transform_7, window_bounds = array<i64: 64, 64>}, {pipeline_mode = #tpu.pipeline_mode<synchronous>, transform_indices = @transform_8, window_bounds = array<i64: 64, 1>}, {pipeline_mode = #tpu.pipeline_mode<synchronous>, transform_indices = @transform_9, window_bounds = array<i64: 32, 64>}, {pipeline_mode = #tpu.pipeline_mode<synchronous>, transform_indices = @transform_10, window_bounds = array<i64: 32, 64>}, {pipeline_mode = #tpu.pipeline_mode<synchronous>, transform_indices = @transform_11, window_bounds = array<i64: 64, 32>}, {transform_indices = @transform_12, window_bounds = array<i64: 640, 288>}]} {
    %get3A = arith.constant 0 : index
    %get3A_0 = arith.constant 0 : index
    %get3A_1 = vector.load %arg1[%get3A, %get3A_0] : memref<640x288xf32, #tpu.memory_space<vmem>>, vector<640x288xf32>
    %get3A_2 = arith.constant 0 : index
    %get3A_3 = arith.constant 0 : index
    %get3A_4 = vector.load %arg2[%get3A_2, %get3A_3] : memref<640x288xf32, #tpu.memory_space<vmem>>, vector<640x288xf32>
    %get3A_5 = arith.constant 0 : index
    %get3A_6 = arith.constant 0 : index
    %get3A_7 = vector.load %arg5[%get3A_5, %get3A_6] : memref<1x640xf32, #tpu.memory_space<vmem>>, vector<1x640xf32>
    %get3A_8 = arith.constant 0 : index
    %get3A_9 = arith.constant 0 : index
    %get3A_10 = vector.load %arg6[%get3A_8, %get3A_9] : memref<64x64xf32, #tpu.memory_space<vmem>>, vector<64x64xf32>
    %get3A_11 = arith.constant 0 : index
    %get3A_12 = arith.constant 0 : index
    %get3A_13 = vector.load %arg4[%get3A_11, %get3A_12] : memref<640x64xf32, #tpu.memory_space<vmem>>, vector<640x64xf32>
    %dot_general3A = arith.constant dense<0.000000e+00> : vector<64x640xf32>
    %dot_general3A_14 = tpu.matmul %get3A_10, %get3A_13, %dot_general3A {dimension_numbers = #tpu.dot_dimension_numbers<[0], [1], [1], [0], [0, 1, 1, 0], [], []>, transpose_lhs_hint = false} : vector<64x64xf32>, vector<640x64xf32>, vector<64x640xf32> -> vector<64x640xf32>
    %get3A_15 = arith.constant 0 : index
    %get3A_16 = arith.constant 0 : index
    %get3A_17 = vector.load %arg7[%get3A_15, %get3A_16] : memref<64x1xf32, #tpu.memory_space<vmem>>, vector<64x1xf32>
    %add3A = vector.broadcast %get3A_17 : vector<64x1xf32> to vector<64x640xf32>
    %add3A_18 = arith.addf %dot_general3A_14, %add3A : vector<64x640xf32>
    %logistic3A = arith.negf %add3A_18 : vector<64x640xf32>
    %logistic3A_19 = math.exp %logistic3A : vector<64x640xf32>
    %logistic3A_20 = arith.constant 1.000000e+00 : f32
    %logistic3A_21 = vector.broadcast %logistic3A_20 : f32 to vector<64x640xf32>
    %logistic3A_22 = arith.addf %logistic3A_21, %logistic3A_19 : vector<64x640xf32>
    %logistic3A_23 = arith.divf %logistic3A_21, %logistic3A_22 : vector<64x640xf32>
    %mul3A = arith.mulf %add3A_18, %logistic3A_23 : vector<64x640xf32>
    %get3A_24 = arith.constant 0 : index
    %get3A_25 = arith.constant 0 : index
    %get3A_26 = vector.load %arg8[%get3A_24, %get3A_25] : memref<64x64xf32, #tpu.memory_space<vmem>>, vector<64x64xf32>
    %dot_general3A_27 = arith.constant dense<0.000000e+00> : vector<64x640xf32>
    %dot_general3A_28 = tpu.matmul %get3A_26, %mul3A, %dot_general3A_27 {dimension_numbers = #tpu.dot_dimension_numbers<[0], [0], [1], [1], [0, 1, 1, 1], [], []>, transpose_lhs_hint = false} : vector<64x64xf32>, vector<64x640xf32>, vector<64x640xf32> -> vector<64x640xf32>
    %get3A_29 = arith.constant 0 : index
    %get3A_30 = arith.constant 0 : index
    %get3A_31 = vector.load %arg9[%get3A_29, %get3A_30] : memref<64x1xf32, #tpu.memory_space<vmem>>, vector<64x1xf32>
    %add3A_32 = vector.broadcast %get3A_31 : vector<64x1xf32> to vector<64x640xf32>
    %add3A_33 = arith.addf %dot_general3A_28, %add3A_32 : vector<64x640xf32>
    %logistic3A_34 = arith.negf %add3A_33 : vector<64x640xf32>
    %logistic3A_35 = math.exp %logistic3A_34 : vector<64x640xf32>
    %logistic3A_36 = arith.constant 1.000000e+00 : f32
    %logistic3A_37 = vector.broadcast %logistic3A_36 : f32 to vector<64x640xf32>
    %logistic3A_38 = arith.addf %logistic3A_37, %logistic3A_35 : vector<64x640xf32>
    %logistic3A_39 = arith.divf %logistic3A_37, %logistic3A_38 : vector<64x640xf32>
    %mul3A_40 = arith.mulf %add3A_33, %logistic3A_39 : vector<64x640xf32>
    %get3A_41 = arith.constant 0 : index
    %get3A_42 = arith.constant 0 : index
    %get3A_43 = vector.load %arg10[%get3A_41, %get3A_42] : memref<32x64xf32, #tpu.memory_space<vmem>>, vector<32x64xf32>
    %get3A_44 = arith.constant 0 : index
    %get3A_45 = arith.constant 0 : index
    %get3A_46 = vector.load %arg11[%get3A_44, %get3A_45] : memref<32x64xf32, #tpu.memory_space<vmem>>, vector<32x64xf32>
    %slice3A = vector.extract_strided_slice %get3A_1 {offsets = [0, 0], sizes = [640, 32], strides = [1, 1]} : vector<640x288xf32> to vector<640x32xf32>
    %dot_general3A_47 = arith.constant dense<0.000000e+00> : vector<64x640xf32>
    %dot_general3A_48 = tpu.matmul %get3A_43, %slice3A, %dot_general3A_47 {dimension_numbers = #tpu.dot_dimension_numbers<[0], [1], [1], [0], [0, 1, 1, 0], [], []>, transpose_lhs_hint = false} : vector<32x64xf32>, vector<640x32xf32>, vector<64x640xf32> -> vector<64x640xf32>
    %slice3A_49 = vector.extract_strided_slice %get3A_4 {offsets = [0, 0], sizes = [640, 32], strides = [1, 1]} : vector<640x288xf32> to vector<640x32xf32>
    %dot_general3A_50 = arith.constant dense<0.000000e+00> : vector<64x640xf32>
    %dot_general3A_51 = tpu.matmul %get3A_46, %slice3A_49, %dot_general3A_50 {dimension_numbers = #tpu.dot_dimension_numbers<[0], [1], [1], [0], [0, 1, 1, 0], [], []>, transpose_lhs_hint = false} : vector<32x64xf32>, vector<640x32xf32>, vector<64x640xf32> -> vector<64x640xf32>
    %add3A_52 = arith.addf %dot_general3A_48, %dot_general3A_51 : vector<64x640xf32>
    %slice3A_53 = vector.extract_strided_slice %get3A_1 {offsets = [0, 32], sizes = [640, 32], strides = [1, 1]} : vector<640x288xf32> to vector<640x32xf32>
    %dot_general3A_54 = arith.constant dense<0.000000e+00> : vector<64x640xf32>
    %dot_general3A_55 = tpu.matmul %get3A_43, %slice3A_53, %dot_general3A_54 {dimension_numbers = #tpu.dot_dimension_numbers<[0], [1], [1], [0], [0, 1, 1, 0], [], []>, transpose_lhs_hint = false} : vector<32x64xf32>, vector<640x32xf32>, vector<64x640xf32> -> vector<64x640xf32>
    %slice3A_56 = vector.extract_strided_slice %get3A_4 {offsets = [0, 32], sizes = [640, 32], strides = [1, 1]} : vector<640x288xf32> to vector<640x32xf32>
    %dot_general3A_57 = arith.constant dense<0.000000e+00> : vector<64x640xf32>
    %dot_general3A_58 = tpu.matmul %get3A_46, %slice3A_56, %dot_general3A_57 {dimension_numbers = #tpu.dot_dimension_numbers<[0], [1], [1], [0], [0, 1, 1, 0], [], []>, transpose_lhs_hint = false} : vector<32x64xf32>, vector<640x32xf32>, vector<64x640xf32> -> vector<64x640xf32>
    %add3A_59 = arith.addf %dot_general3A_55, %dot_general3A_58 : vector<64x640xf32>
    %slice3A_60 = vector.extract_strided_slice %get3A_1 {offsets = [0, 64], sizes = [640, 32], strides = [1, 1]} : vector<640x288xf32> to vector<640x32xf32>
    %dot_general3A_61 = arith.constant dense<0.000000e+00> : vector<64x640xf32>
    %dot_general3A_62 = tpu.matmul %get3A_43, %slice3A_60, %dot_general3A_61 {dimension_numbers = #tpu.dot_dimension_numbers<[0], [1], [1], [0], [0, 1, 1, 0], [], []>, transpose_lhs_hint = false} : vector<32x64xf32>, vector<640x32xf32>, vector<64x640xf32> -> vector<64x640xf32>
    %slice3A_63 = vector.extract_strided_slice %get3A_4 {offsets = [0, 64], sizes = [640, 32], strides = [1, 1]} : vector<640x288xf32> to vector<640x32xf32>
    %dot_general3A_64 = arith.constant dense<0.000000e+00> : vector<64x640xf32>
    %dot_general3A_65 = tpu.matmul %get3A_46, %slice3A_63, %dot_general3A_64 {dimension_numbers = #tpu.dot_dimension_numbers<[0], [1], [1], [0], [0, 1, 1, 0], [], []>, transpose_lhs_hint = false} : vector<32x64xf32>, vector<640x32xf32>, vector<64x640xf32> -> vector<64x640xf32>
    %add3A_66 = arith.addf %dot_general3A_62, %dot_general3A_65 : vector<64x640xf32>
    %slice3A_67 = vector.extract_strided_slice %get3A_1 {offsets = [0, 96], sizes = [640, 32], strides = [1, 1]} : vector<640x288xf32> to vector<640x32xf32>
    %dot_general3A_68 = arith.constant dense<0.000000e+00> : vector<64x640xf32>
    %dot_general3A_69 = tpu.matmul %get3A_43, %slice3A_67, %dot_general3A_68 {dimension_numbers = #tpu.dot_dimension_numbers<[0], [1], [1], [0], [0, 1, 1, 0], [], []>, transpose_lhs_hint = false} : vector<32x64xf32>, vector<640x32xf32>, vector<64x640xf32> -> vector<64x640xf32>
    %slice3A_70 = vector.extract_strided_slice %get3A_4 {offsets = [0, 96], sizes = [640, 32], strides = [1, 1]} : vector<640x288xf32> to vector<640x32xf32>
    %dot_general3A_71 = arith.constant dense<0.000000e+00> : vector<64x640xf32>
    %dot_general3A_72 = tpu.matmul %get3A_46, %slice3A_70, %dot_general3A_71 {dimension_numbers = #tpu.dot_dimension_numbers<[0], [1], [1], [0], [0, 1, 1, 0], [], []>, transpose_lhs_hint = false} : vector<32x64xf32>, vector<640x32xf32>, vector<64x640xf32> -> vector<64x640xf32>
    %add3A_73 = arith.addf %dot_general3A_69, %dot_general3A_72 : vector<64x640xf32>
    %slice3A_74 = vector.extract_strided_slice %get3A_1 {offsets = [0, 128], sizes = [640, 32], strides = [1, 1]} : vector<640x288xf32> to vector<640x32xf32>
    %dot_general3A_75 = arith.constant dense<0.000000e+00> : vector<64x640xf32>
    %dot_general3A_76 = tpu.matmul %get3A_43, %slice3A_74, %dot_general3A_75 {dimension_numbers = #tpu.dot_dimension_numbers<[0], [1], [1], [0], [0, 1, 1, 0], [], []>, transpose_lhs_hint = false} : vector<32x64xf32>, vector<640x32xf32>, vector<64x640xf32> -> vector<64x640xf32>
    %slice3A_77 = vector.extract_strided_slice %get3A_4 {offsets = [0, 128], sizes = [640, 32], strides = [1, 1]} : vector<640x288xf32> to vector<640x32xf32>
    %dot_general3A_78 = arith.constant dense<0.000000e+00> : vector<64x640xf32>
    %dot_general3A_79 = tpu.matmul %get3A_46, %slice3A_77, %dot_general3A_78 {dimension_numbers = #tpu.dot_dimension_numbers<[0], [1], [1], [0], [0, 1, 1, 0], [], []>, transpose_lhs_hint = false} : vector<32x64xf32>, vector<640x32xf32>, vector<64x640xf32> -> vector<64x640xf32>
    %add3A_80 = arith.addf %dot_general3A_76, %dot_general3A_79 : vector<64x640xf32>
    %slice3A_81 = vector.extract_strided_slice %get3A_1 {offsets = [0, 160], sizes = [640, 32], strides = [1, 1]} : vector<640x288xf32> to vector<640x32xf32>
    %dot_general3A_82 = arith.constant dense<0.000000e+00> : vector<64x640xf32>
    %dot_general3A_83 = tpu.matmul %get3A_43, %slice3A_81, %dot_general3A_82 {dimension_numbers = #tpu.dot_dimension_numbers<[0], [1], [1], [0], [0, 1, 1, 0], [], []>, transpose_lhs_hint = false} : vector<32x64xf32>, vector<640x32xf32>, vector<64x640xf32> -> vector<64x640xf32>
    %slice3A_84 = vector.extract_strided_slice %get3A_4 {offsets = [0, 160], sizes = [640, 32], strides = [1, 1]} : vector<640x288xf32> to vector<640x32xf32>
    %dot_general3A_85 = arith.constant dense<0.000000e+00> : vector<64x640xf32>
    %dot_general3A_86 = tpu.matmul %get3A_46, %slice3A_84, %dot_general3A_85 {dimension_numbers = #tpu.dot_dimension_numbers<[0], [1], [1], [0], [0, 1, 1, 0], [], []>, transpose_lhs_hint = false} : vector<32x64xf32>, vector<640x32xf32>, vector<64x640xf32> -> vector<64x640xf32>
    %add3A_87 = arith.addf %dot_general3A_83, %dot_general3A_86 : vector<64x640xf32>
    %slice3A_88 = vector.extract_strided_slice %get3A_1 {offsets = [0, 192], sizes = [640, 32], strides = [1, 1]} : vector<640x288xf32> to vector<640x32xf32>
    %dot_general3A_89 = arith.constant dense<0.000000e+00> : vector<64x640xf32>
    %dot_general3A_90 = tpu.matmul %get3A_43, %slice3A_88, %dot_general3A_89 {dimension_numbers = #tpu.dot_dimension_numbers<[0], [1], [1], [0], [0, 1, 1, 0], [], []>, transpose_lhs_hint = false} : vector<32x64xf32>, vector<640x32xf32>, vector<64x640xf32> -> vector<64x640xf32>
    %slice3A_91 = vector.extract_strided_slice %get3A_4 {offsets = [0, 192], sizes = [640, 32], strides = [1, 1]} : vector<640x288xf32> to vector<640x32xf32>
    %dot_general3A_92 = arith.constant dense<0.000000e+00> : vector<64x640xf32>
    %dot_general3A_93 = tpu.matmul %get3A_46, %slice3A_91, %dot_general3A_92 {dimension_numbers = #tpu.dot_dimension_numbers<[0], [1], [1], [0], [0, 1, 1, 0], [], []>, transpose_lhs_hint = false} : vector<32x64xf32>, vector<640x32xf32>, vector<64x640xf32> -> vector<64x640xf32>
    %add3A_94 = arith.addf %dot_general3A_90, %dot_general3A_93 : vector<64x640xf32>
    %slice3A_95 = vector.extract_strided_slice %get3A_1 {offsets = [0, 224], sizes = [640, 32], strides = [1, 1]} : vector<640x288xf32> to vector<640x32xf32>
    %dot_general3A_96 = arith.constant dense<0.000000e+00> : vector<64x640xf32>
    %dot_general3A_97 = tpu.matmul %get3A_43, %slice3A_95, %dot_general3A_96 {dimension_numbers = #tpu.dot_dimension_numbers<[0], [1], [1], [0], [0, 1, 1, 0], [], []>, transpose_lhs_hint = false} : vector<32x64xf32>, vector<640x32xf32>, vector<64x640xf32> -> vector<64x640xf32>
    %slice3A_98 = vector.extract_strided_slice %get3A_4 {offsets = [0, 224], sizes = [640, 32], strides = [1, 1]} : vector<640x288xf32> to vector<640x32xf32>
    %dot_general3A_99 = arith.constant dense<0.000000e+00> : vector<64x640xf32>
    %dot_general3A_100 = tpu.matmul %get3A_46, %slice3A_98, %dot_general3A_99 {dimension_numbers = #tpu.dot_dimension_numbers<[0], [1], [1], [0], [0, 1, 1, 0], [], []>, transpose_lhs_hint = false} : vector<32x64xf32>, vector<640x32xf32>, vector<64x640xf32> -> vector<64x640xf32>
    %add3A_101 = arith.addf %dot_general3A_97, %dot_general3A_100 : vector<64x640xf32>
    %slice3A_102 = vector.extract_strided_slice %get3A_1 {offsets = [0, 256], sizes = [640, 32], strides = [1, 1]} : vector<640x288xf32> to vector<640x32xf32>
    %dot_general3A_103 = arith.constant dense<0.000000e+00> : vector<64x640xf32>
    %dot_general3A_104 = tpu.matmul %get3A_43, %slice3A_102, %dot_general3A_103 {dimension_numbers = #tpu.dot_dimension_numbers<[0], [1], [1], [0], [0, 1, 1, 0], [], []>, transpose_lhs_hint = false} : vector<32x64xf32>, vector<640x32xf32>, vector<64x640xf32> -> vector<64x640xf32>
    %slice3A_105 = vector.extract_strided_slice %get3A_4 {offsets = [0, 256], sizes = [640, 32], strides = [1, 1]} : vector<640x288xf32> to vector<640x32xf32>
    %dot_general3A_106 = arith.constant dense<0.000000e+00> : vector<64x640xf32>
    %dot_general3A_107 = tpu.matmul %get3A_46, %slice3A_105, %dot_general3A_106 {dimension_numbers = #tpu.dot_dimension_numbers<[0], [1], [1], [0], [0, 1, 1, 0], [], []>, transpose_lhs_hint = false} : vector<32x64xf32>, vector<640x32xf32>, vector<64x640xf32> -> vector<64x640xf32>
    %add3A_108 = arith.addf %dot_general3A_104, %dot_general3A_107 : vector<64x640xf32>
    %get3A_109 = arith.constant 0 : index
    %get3A_110 = arith.constant 0 : index
    %get3A_111 = vector.load %arg3[%get3A_109, %get3A_110] : memref<81x640xf32, #tpu.memory_space<vmem>>, vector<1x640xf32>
    %mul3A_112 = vector.broadcast %get3A_111 : vector<1x640xf32> to vector<64x640xf32>
    %mul3A_113 = arith.mulf %mul3A_112, %add3A_52 : vector<64x640xf32>
    %get3A_114 = arith.constant 1 : index
    %get3A_115 = arith.constant 0 : index
    %get3A_116 = vector.load %arg3[%get3A_114, %get3A_115] : memref<81x640xf32, #tpu.memory_space<vmem>>, vector<1x640xf32>
    %mul3A_117 = vector.broadcast %get3A_116 : vector<1x640xf32> to vector<64x640xf32>
    %mul3A_118 = arith.mulf %mul3A_117, %add3A_59 : vector<64x640xf32>
    %add3A_119 = arith.addf %mul3A_113, %mul3A_118 : vector<64x640xf32>
    %get3A_120 = arith.constant 2 : index
    %get3A_121 = arith.constant 0 : index
    %get3A_122 = vector.load %arg3[%get3A_120, %get3A_121] : memref<81x640xf32, #tpu.memory_space<vmem>>, vector<1x640xf32>
    %mul3A_123 = vector.broadcast %get3A_122 : vector<1x640xf32> to vector<64x640xf32>
    %mul3A_124 = arith.mulf %mul3A_123, %add3A_66 : vector<64x640xf32>
    %add3A_125 = arith.addf %add3A_119, %mul3A_124 : vector<64x640xf32>
    %get3A_126 = arith.constant 3 : index
    %get3A_127 = arith.constant 0 : index
    %get3A_128 = vector.load %arg3[%get3A_126, %get3A_127] : memref<81x640xf32, #tpu.memory_space<vmem>>, vector<1x640xf32>
    %mul3A_129 = vector.broadcast %get3A_128 : vector<1x640xf32> to vector<64x640xf32>
    %mul3A_130 = arith.mulf %mul3A_129, %add3A_73 : vector<64x640xf32>
    %add3A_131 = arith.addf %add3A_125, %mul3A_130 : vector<64x640xf32>
    %get3A_132 = arith.constant 4 : index
    %get3A_133 = arith.constant 0 : index
    %get3A_134 = vector.load %arg3[%get3A_132, %get3A_133] : memref<81x640xf32, #tpu.memory_space<vmem>>, vector<1x640xf32>
    %mul3A_135 = vector.broadcast %get3A_134 : vector<1x640xf32> to vector<64x640xf32>
    %mul3A_136 = arith.mulf %mul3A_135, %add3A_80 : vector<64x640xf32>
    %add3A_137 = arith.addf %add3A_131, %mul3A_136 : vector<64x640xf32>
    %get3A_138 = arith.constant 5 : index
    %get3A_139 = arith.constant 0 : index
    %get3A_140 = vector.load %arg3[%get3A_138, %get3A_139] : memref<81x640xf32, #tpu.memory_space<vmem>>, vector<1x640xf32>
    %mul3A_141 = vector.broadcast %get3A_140 : vector<1x640xf32> to vector<64x640xf32>
    %mul3A_142 = arith.mulf %mul3A_141, %add3A_87 : vector<64x640xf32>
    %add3A_143 = arith.addf %add3A_137, %mul3A_142 : vector<64x640xf32>
    %get3A_144 = arith.constant 6 : index
    %get3A_145 = arith.constant 0 : index
    %get3A_146 = vector.load %arg3[%get3A_144, %get3A_145] : memref<81x640xf32, #tpu.memory_space<vmem>>, vector<1x640xf32>
    %mul3A_147 = vector.broadcast %get3A_146 : vector<1x640xf32> to vector<64x640xf32>
    %mul3A_148 = arith.mulf %mul3A_147, %add3A_94 : vector<64x640xf32>
    %add3A_149 = arith.addf %add3A_143, %mul3A_148 : vector<64x640xf32>
    %get3A_150 = arith.constant 7 : index
    %get3A_151 = arith.constant 0 : index
    %get3A_152 = vector.load %arg3[%get3A_150, %get3A_151] : memref<81x640xf32, #tpu.memory_space<vmem>>, vector<1x640xf32>
    %mul3A_153 = vector.broadcast %get3A_152 : vector<1x640xf32> to vector<64x640xf32>
    %mul3A_154 = arith.mulf %mul3A_153, %add3A_101 : vector<64x640xf32>
    %add3A_155 = arith.addf %add3A_149, %mul3A_154 : vector<64x640xf32>
    %get3A_156 = arith.constant 8 : index
    %get3A_157 = arith.constant 0 : index
    %get3A_158 = vector.load %arg3[%get3A_156, %get3A_157] : memref<81x640xf32, #tpu.memory_space<vmem>>, vector<1x640xf32>
    %mul3A_159 = vector.broadcast %get3A_158 : vector<1x640xf32> to vector<64x640xf32>
    %mul3A_160 = arith.mulf %mul3A_159, %add3A_108 : vector<64x640xf32>
    %add3A_161 = arith.addf %add3A_155, %mul3A_160 : vector<64x640xf32>
    %mul3A_162 = arith.mulf %add3A_161, %mul3A_40 : vector<64x640xf32>
    %get3A_163 = arith.constant 9 : index
    %get3A_164 = arith.constant 0 : index
    %get3A_165 = vector.load %arg3[%get3A_163, %get3A_164] : memref<81x640xf32, #tpu.memory_space<vmem>>, vector<1x640xf32>
    %mul3A_166 = vector.broadcast %get3A_165 : vector<1x640xf32> to vector<64x640xf32>
    %mul3A_167 = arith.mulf %mul3A_166, %add3A_52 : vector<64x640xf32>
    %get3A_168 = arith.constant 10 : index
    %get3A_169 = arith.constant 0 : index
    %get3A_170 = vector.load %arg3[%get3A_168, %get3A_169] : memref<81x640xf32, #tpu.memory_space<vmem>>, vector<1x640xf32>
    %mul3A_171 = vector.broadcast %get3A_170 : vector<1x640xf32> to vector<64x640xf32>
    %mul3A_172 = arith.mulf %mul3A_171, %add3A_59 : vector<64x640xf32>
    %add3A_173 = arith.addf %mul3A_167, %mul3A_172 : vector<64x640xf32>
    %get3A_174 = arith.constant 11 : index
    %get3A_175 = arith.constant 0 : index
    %get3A_176 = vector.load %arg3[%get3A_174, %get3A_175] : memref<81x640xf32, #tpu.memory_space<vmem>>, vector<1x640xf32>
    %mul3A_177 = vector.broadcast %get3A_176 : vector<1x640xf32> to vector<64x640xf32>
    %mul3A_178 = arith.mulf %mul3A_177, %add3A_66 : vector<64x640xf32>
    %add3A_179 = arith.addf %add3A_173, %mul3A_178 : vector<64x640xf32>
    %get3A_180 = arith.constant 12 : index
    %get3A_181 = arith.constant 0 : index
    %get3A_182 = vector.load %arg3[%get3A_180, %get3A_181] : memref<81x640xf32, #tpu.memory_space<vmem>>, vector<1x640xf32>
    %mul3A_183 = vector.broadcast %get3A_182 : vector<1x640xf32> to vector<64x640xf32>
    %mul3A_184 = arith.mulf %mul3A_183, %add3A_73 : vector<64x640xf32>
    %add3A_185 = arith.addf %add3A_179, %mul3A_184 : vector<64x640xf32>
    %get3A_186 = arith.constant 13 : index
    %get3A_187 = arith.constant 0 : index
    %get3A_188 = vector.load %arg3[%get3A_186, %get3A_187] : memref<81x640xf32, #tpu.memory_space<vmem>>, vector<1x640xf32>
    %mul3A_189 = vector.broadcast %get3A_188 : vector<1x640xf32> to vector<64x640xf32>
    %mul3A_190 = arith.mulf %mul3A_189, %add3A_80 : vector<64x640xf32>
    %add3A_191 = arith.addf %add3A_185, %mul3A_190 : vector<64x640xf32>
    %get3A_192 = arith.constant 14 : index
    %get3A_193 = arith.constant 0 : index
    %get3A_194 = vector.load %arg3[%get3A_192, %get3A_193] : memref<81x640xf32, #tpu.memory_space<vmem>>, vector<1x640xf32>
    %mul3A_195 = vector.broadcast %get3A_194 : vector<1x640xf32> to vector<64x640xf32>
    %mul3A_196 = arith.mulf %mul3A_195, %add3A_87 : vector<64x640xf32>
    %add3A_197 = arith.addf %add3A_191, %mul3A_196 : vector<64x640xf32>
    %get3A_198 = arith.constant 15 : index
    %get3A_199 = arith.constant 0 : index
    %get3A_200 = vector.load %arg3[%get3A_198, %get3A_199] : memref<81x640xf32, #tpu.memory_space<vmem>>, vector<1x640xf32>
    %mul3A_201 = vector.broadcast %get3A_200 : vector<1x640xf32> to vector<64x640xf32>
    %mul3A_202 = arith.mulf %mul3A_201, %add3A_94 : vector<64x640xf32>
    %add3A_203 = arith.addf %add3A_197, %mul3A_202 : vector<64x640xf32>
    %get3A_204 = arith.constant 16 : index
    %get3A_205 = arith.constant 0 : index
    %get3A_206 = vector.load %arg3[%get3A_204, %get3A_205] : memref<81x640xf32, #tpu.memory_space<vmem>>, vector<1x640xf32>
    %mul3A_207 = vector.broadcast %get3A_206 : vector<1x640xf32> to vector<64x640xf32>
    %mul3A_208 = arith.mulf %mul3A_207, %add3A_101 : vector<64x640xf32>
    %add3A_209 = arith.addf %add3A_203, %mul3A_208 : vector<64x640xf32>
    %get3A_210 = arith.constant 17 : index
    %get3A_211 = arith.constant 0 : index
    %get3A_212 = vector.load %arg3[%get3A_210, %get3A_211] : memref<81x640xf32, #tpu.memory_space<vmem>>, vector<1x640xf32>
    %mul3A_213 = vector.broadcast %get3A_212 : vector<1x640xf32> to vector<64x640xf32>
    %mul3A_214 = arith.mulf %mul3A_213, %add3A_108 : vector<64x640xf32>
    %add3A_215 = arith.addf %add3A_209, %mul3A_214 : vector<64x640xf32>
    %mul3A_216 = arith.mulf %add3A_215, %mul3A_40 : vector<64x640xf32>
    %get3A_217 = arith.constant 18 : index
    %get3A_218 = arith.constant 0 : index
    %get3A_219 = vector.load %arg3[%get3A_217, %get3A_218] : memref<81x640xf32, #tpu.memory_space<vmem>>, vector<1x640xf32>
    %mul3A_220 = vector.broadcast %get3A_219 : vector<1x640xf32> to vector<64x640xf32>
    %mul3A_221 = arith.mulf %mul3A_220, %add3A_52 : vector<64x640xf32>
    %get3A_222 = arith.constant 19 : index
    %get3A_223 = arith.constant 0 : index
    %get3A_224 = vector.load %arg3[%get3A_222, %get3A_223] : memref<81x640xf32, #tpu.memory_space<vmem>>, vector<1x640xf32>
    %mul3A_225 = vector.broadcast %get3A_224 : vector<1x640xf32> to vector<64x640xf32>
    %mul3A_226 = arith.mulf %mul3A_225, %add3A_59 : vector<64x640xf32>
    %add3A_227 = arith.addf %mul3A_221, %mul3A_226 : vector<64x640xf32>
    %get3A_228 = arith.constant 20 : index
    %get3A_229 = arith.constant 0 : index
    %get3A_230 = vector.load %arg3[%get3A_228, %get3A_229] : memref<81x640xf32, #tpu.memory_space<vmem>>, vector<1x640xf32>
    %mul3A_231 = vector.broadcast %get3A_230 : vector<1x640xf32> to vector<64x640xf32>
    %mul3A_232 = arith.mulf %mul3A_231, %add3A_66 : vector<64x640xf32>
    %add3A_233 = arith.addf %add3A_227, %mul3A_232 : vector<64x640xf32>
    %get3A_234 = arith.constant 21 : index
    %get3A_235 = arith.constant 0 : index
    %get3A_236 = vector.load %arg3[%get3A_234, %get3A_235] : memref<81x640xf32, #tpu.memory_space<vmem>>, vector<1x640xf32>
    %mul3A_237 = vector.broadcast %get3A_236 : vector<1x640xf32> to vector<64x640xf32>
    %mul3A_238 = arith.mulf %mul3A_237, %add3A_73 : vector<64x640xf32>
    %add3A_239 = arith.addf %add3A_233, %mul3A_238 : vector<64x640xf32>
    %get3A_240 = arith.constant 22 : index
    %get3A_241 = arith.constant 0 : index
    %get3A_242 = vector.load %arg3[%get3A_240, %get3A_241] : memref<81x640xf32, #tpu.memory_space<vmem>>, vector<1x640xf32>
    %mul3A_243 = vector.broadcast %get3A_242 : vector<1x640xf32> to vector<64x640xf32>
    %mul3A_244 = arith.mulf %mul3A_243, %add3A_80 : vector<64x640xf32>
    %add3A_245 = arith.addf %add3A_239, %mul3A_244 : vector<64x640xf32>
    %get3A_246 = arith.constant 23 : index
    %get3A_247 = arith.constant 0 : index
    %get3A_248 = vector.load %arg3[%get3A_246, %get3A_247] : memref<81x640xf32, #tpu.memory_space<vmem>>, vector<1x640xf32>
    %mul3A_249 = vector.broadcast %get3A_248 : vector<1x640xf32> to vector<64x640xf32>
    %mul3A_250 = arith.mulf %mul3A_249, %add3A_87 : vector<64x640xf32>
    %add3A_251 = arith.addf %add3A_245, %mul3A_250 : vector<64x640xf32>
    %get3A_252 = arith.constant 24 : index
    %get3A_253 = arith.constant 0 : index
    %get3A_254 = vector.load %arg3[%get3A_252, %get3A_253] : memref<81x640xf32, #tpu.memory_space<vmem>>, vector<1x640xf32>
    %mul3A_255 = vector.broadcast %get3A_254 : vector<1x640xf32> to vector<64x640xf32>
    %mul3A_256 = arith.mulf %mul3A_255, %add3A_94 : vector<64x640xf32>
    %add3A_257 = arith.addf %add3A_251, %mul3A_256 : vector<64x640xf32>
    %get3A_258 = arith.constant 25 : index
    %get3A_259 = arith.constant 0 : index
    %get3A_260 = vector.load %arg3[%get3A_258, %get3A_259] : memref<81x640xf32, #tpu.memory_space<vmem>>, vector<1x640xf32>
    %mul3A_261 = vector.broadcast %get3A_260 : vector<1x640xf32> to vector<64x640xf32>
    %mul3A_262 = arith.mulf %mul3A_261, %add3A_101 : vector<64x640xf32>
    %add3A_263 = arith.addf %add3A_257, %mul3A_262 : vector<64x640xf32>
    %get3A_264 = arith.constant 26 : index
    %get3A_265 = arith.constant 0 : index
    %get3A_266 = vector.load %arg3[%get3A_264, %get3A_265] : memref<81x640xf32, #tpu.memory_space<vmem>>, vector<1x640xf32>
    %mul3A_267 = vector.broadcast %get3A_266 : vector<1x640xf32> to vector<64x640xf32>
    %mul3A_268 = arith.mulf %mul3A_267, %add3A_108 : vector<64x640xf32>
    %add3A_269 = arith.addf %add3A_263, %mul3A_268 : vector<64x640xf32>
    %mul3A_270 = arith.mulf %add3A_269, %mul3A_40 : vector<64x640xf32>
    %get3A_271 = arith.constant 27 : index
    %get3A_272 = arith.constant 0 : index
    %get3A_273 = vector.load %arg3[%get3A_271, %get3A_272] : memref<81x640xf32, #tpu.memory_space<vmem>>, vector<1x640xf32>
    %mul3A_274 = vector.broadcast %get3A_273 : vector<1x640xf32> to vector<64x640xf32>
    %mul3A_275 = arith.mulf %mul3A_274, %add3A_52 : vector<64x640xf32>
    %get3A_276 = arith.constant 28 : index
    %get3A_277 = arith.constant 0 : index
    %get3A_278 = vector.load %arg3[%get3A_276, %get3A_277] : memref<81x640xf32, #tpu.memory_space<vmem>>, vector<1x640xf32>
    %mul3A_279 = vector.broadcast %get3A_278 : vector<1x640xf32> to vector<64x640xf32>
    %mul3A_280 = arith.mulf %mul3A_279, %add3A_59 : vector<64x640xf32>
    %add3A_281 = arith.addf %mul3A_275, %mul3A_280 : vector<64x640xf32>
    %get3A_282 = arith.constant 29 : index
    %get3A_283 = arith.constant 0 : index
    %get3A_284 = vector.load %arg3[%get3A_282, %get3A_283] : memref<81x640xf32, #tpu.memory_space<vmem>>, vector<1x640xf32>
    %mul3A_285 = vector.broadcast %get3A_284 : vector<1x640xf32> to vector<64x640xf32>
    %mul3A_286 = arith.mulf %mul3A_285, %add3A_66 : vector<64x640xf32>
    %add3A_287 = arith.addf %add3A_281, %mul3A_286 : vector<64x640xf32>
    %get3A_288 = arith.constant 30 : index
    %get3A_289 = arith.constant 0 : index
    %get3A_290 = vector.load %arg3[%get3A_288, %get3A_289] : memref<81x640xf32, #tpu.memory_space<vmem>>, vector<1x640xf32>
    %mul3A_291 = vector.broadcast %get3A_290 : vector<1x640xf32> to vector<64x640xf32>
    %mul3A_292 = arith.mulf %mul3A_291, %add3A_73 : vector<64x640xf32>
    %add3A_293 = arith.addf %add3A_287, %mul3A_292 : vector<64x640xf32>
    %get3A_294 = arith.constant 31 : index
    %get3A_295 = arith.constant 0 : index
    %get3A_296 = vector.load %arg3[%get3A_294, %get3A_295] : memref<81x640xf32, #tpu.memory_space<vmem>>, vector<1x640xf32>
    %mul3A_297 = vector.broadcast %get3A_296 : vector<1x640xf32> to vector<64x640xf32>
    %mul3A_298 = arith.mulf %mul3A_297, %add3A_80 : vector<64x640xf32>
    %add3A_299 = arith.addf %add3A_293, %mul3A_298 : vector<64x640xf32>
    %get3A_300 = arith.constant 32 : index
    %get3A_301 = arith.constant 0 : index
    %get3A_302 = vector.load %arg3[%get3A_300, %get3A_301] : memref<81x640xf32, #tpu.memory_space<vmem>>, vector<1x640xf32>
    %mul3A_303 = vector.broadcast %get3A_302 : vector<1x640xf32> to vector<64x640xf32>
    %mul3A_304 = arith.mulf %mul3A_303, %add3A_87 : vector<64x640xf32>
    %add3A_305 = arith.addf %add3A_299, %mul3A_304 : vector<64x640xf32>
    %get3A_306 = arith.constant 33 : index
    %get3A_307 = arith.constant 0 : index
    %get3A_308 = vector.load %arg3[%get3A_306, %get3A_307] : memref<81x640xf32, #tpu.memory_space<vmem>>, vector<1x640xf32>
    %mul3A_309 = vector.broadcast %get3A_308 : vector<1x640xf32> to vector<64x640xf32>
    %mul3A_310 = arith.mulf %mul3A_309, %add3A_94 : vector<64x640xf32>
    %add3A_311 = arith.addf %add3A_305, %mul3A_310 : vector<64x640xf32>
    %get3A_312 = arith.constant 34 : index
    %get3A_313 = arith.constant 0 : index
    %get3A_314 = vector.load %arg3[%get3A_312, %get3A_313] : memref<81x640xf32, #tpu.memory_space<vmem>>, vector<1x640xf32>
    %mul3A_315 = vector.broadcast %get3A_314 : vector<1x640xf32> to vector<64x640xf32>
    %mul3A_316 = arith.mulf %mul3A_315, %add3A_101 : vector<64x640xf32>
    %add3A_317 = arith.addf %add3A_311, %mul3A_316 : vector<64x640xf32>
    %get3A_318 = arith.constant 35 : index
    %get3A_319 = arith.constant 0 : index
    %get3A_320 = vector.load %arg3[%get3A_318, %get3A_319] : memref<81x640xf32, #tpu.memory_space<vmem>>, vector<1x640xf32>
    %mul3A_321 = vector.broadcast %get3A_320 : vector<1x640xf32> to vector<64x640xf32>
    %mul3A_322 = arith.mulf %mul3A_321, %add3A_108 : vector<64x640xf32>
    %add3A_323 = arith.addf %add3A_317, %mul3A_322 : vector<64x640xf32>
    %mul3A_324 = arith.mulf %add3A_323, %mul3A_40 : vector<64x640xf32>
    %get3A_325 = arith.constant 36 : index
    %get3A_326 = arith.constant 0 : index
    %get3A_327 = vector.load %arg3[%get3A_325, %get3A_326] : memref<81x640xf32, #tpu.memory_space<vmem>>, vector<1x640xf32>
    %mul3A_328 = vector.broadcast %get3A_327 : vector<1x640xf32> to vector<64x640xf32>
    %mul3A_329 = arith.mulf %mul3A_328, %add3A_52 : vector<64x640xf32>
    %get3A_330 = arith.constant 37 : index
    %get3A_331 = arith.constant 0 : index
    %get3A_332 = vector.load %arg3[%get3A_330, %get3A_331] : memref<81x640xf32, #tpu.memory_space<vmem>>, vector<1x640xf32>
    %mul3A_333 = vector.broadcast %get3A_332 : vector<1x640xf32> to vector<64x640xf32>
    %mul3A_334 = arith.mulf %mul3A_333, %add3A_59 : vector<64x640xf32>
    %add3A_335 = arith.addf %mul3A_329, %mul3A_334 : vector<64x640xf32>
    %get3A_336 = arith.constant 38 : index
    %get3A_337 = arith.constant 0 : index
    %get3A_338 = vector.load %arg3[%get3A_336, %get3A_337] : memref<81x640xf32, #tpu.memory_space<vmem>>, vector<1x640xf32>
    %mul3A_339 = vector.broadcast %get3A_338 : vector<1x640xf32> to vector<64x640xf32>
    %mul3A_340 = arith.mulf %mul3A_339, %add3A_66 : vector<64x640xf32>
    %add3A_341 = arith.addf %add3A_335, %mul3A_340 : vector<64x640xf32>
    %get3A_342 = arith.constant 39 : index
    %get3A_343 = arith.constant 0 : index
    %get3A_344 = vector.load %arg3[%get3A_342, %get3A_343] : memref<81x640xf32, #tpu.memory_space<vmem>>, vector<1x640xf32>
    %mul3A_345 = vector.broadcast %get3A_344 : vector<1x640xf32> to vector<64x640xf32>
    %mul3A_346 = arith.mulf %mul3A_345, %add3A_73 : vector<64x640xf32>
    %add3A_347 = arith.addf %add3A_341, %mul3A_346 : vector<64x640xf32>
    %get3A_348 = arith.constant 40 : index
    %get3A_349 = arith.constant 0 : index
    %get3A_350 = vector.load %arg3[%get3A_348, %get3A_349] : memref<81x640xf32, #tpu.memory_space<vmem>>, vector<1x640xf32>
    %mul3A_351 = vector.broadcast %get3A_350 : vector<1x640xf32> to vector<64x640xf32>
    %mul3A_352 = arith.mulf %mul3A_351, %add3A_80 : vector<64x640xf32>
    %add3A_353 = arith.addf %add3A_347, %mul3A_352 : vector<64x640xf32>
    %get3A_354 = arith.constant 41 : index
    %get3A_355 = arith.constant 0 : index
    %get3A_356 = vector.load %arg3[%get3A_354, %get3A_355] : memref<81x640xf32, #tpu.memory_space<vmem>>, vector<1x640xf32>
    %mul3A_357 = vector.broadcast %get3A_356 : vector<1x640xf32> to vector<64x640xf32>
    %mul3A_358 = arith.mulf %mul3A_357, %add3A_87 : vector<64x640xf32>
    %add3A_359 = arith.addf %add3A_353, %mul3A_358 : vector<64x640xf32>
    %get3A_360 = arith.constant 42 : index
    %get3A_361 = arith.constant 0 : index
    %get3A_362 = vector.load %arg3[%get3A_360, %get3A_361] : memref<81x640xf32, #tpu.memory_space<vmem>>, vector<1x640xf32>
    %mul3A_363 = vector.broadcast %get3A_362 : vector<1x640xf32> to vector<64x640xf32>
    %mul3A_364 = arith.mulf %mul3A_363, %add3A_94 : vector<64x640xf32>
    %add3A_365 = arith.addf %add3A_359, %mul3A_364 : vector<64x640xf32>
    %get3A_366 = arith.constant 43 : index
    %get3A_367 = arith.constant 0 : index
    %get3A_368 = vector.load %arg3[%get3A_366, %get3A_367] : memref<81x640xf32, #tpu.memory_space<vmem>>, vector<1x640xf32>
    %mul3A_369 = vector.broadcast %get3A_368 : vector<1x640xf32> to vector<64x640xf32>
    %mul3A_370 = arith.mulf %mul3A_369, %add3A_101 : vector<64x640xf32>
    %add3A_371 = arith.addf %add3A_365, %mul3A_370 : vector<64x640xf32>
    %get3A_372 = arith.constant 44 : index
    %get3A_373 = arith.constant 0 : index
    %get3A_374 = vector.load %arg3[%get3A_372, %get3A_373] : memref<81x640xf32, #tpu.memory_space<vmem>>, vector<1x640xf32>
    %mul3A_375 = vector.broadcast %get3A_374 : vector<1x640xf32> to vector<64x640xf32>
    %mul3A_376 = arith.mulf %mul3A_375, %add3A_108 : vector<64x640xf32>
    %add3A_377 = arith.addf %add3A_371, %mul3A_376 : vector<64x640xf32>
    %mul3A_378 = arith.mulf %add3A_377, %mul3A_40 : vector<64x640xf32>
    %get3A_379 = arith.constant 45 : index
    %get3A_380 = arith.constant 0 : index
    %get3A_381 = vector.load %arg3[%get3A_379, %get3A_380] : memref<81x640xf32, #tpu.memory_space<vmem>>, vector<1x640xf32>
    %mul3A_382 = vector.broadcast %get3A_381 : vector<1x640xf32> to vector<64x640xf32>
    %mul3A_383 = arith.mulf %mul3A_382, %add3A_52 : vector<64x640xf32>
    %get3A_384 = arith.constant 46 : index
    %get3A_385 = arith.constant 0 : index
    %get3A_386 = vector.load %arg3[%get3A_384, %get3A_385] : memref<81x640xf32, #tpu.memory_space<vmem>>, vector<1x640xf32>
    %mul3A_387 = vector.broadcast %get3A_386 : vector<1x640xf32> to vector<64x640xf32>
    %mul3A_388 = arith.mulf %mul3A_387, %add3A_59 : vector<64x640xf32>
    %add3A_389 = arith.addf %mul3A_383, %mul3A_388 : vector<64x640xf32>
    %get3A_390 = arith.constant 47 : index
    %get3A_391 = arith.constant 0 : index
    %get3A_392 = vector.load %arg3[%get3A_390, %get3A_391] : memref<81x640xf32, #tpu.memory_space<vmem>>, vector<1x640xf32>
    %mul3A_393 = vector.broadcast %get3A_392 : vector<1x640xf32> to vector<64x640xf32>
    %mul3A_394 = arith.mulf %mul3A_393, %add3A_66 : vector<64x640xf32>
    %add3A_395 = arith.addf %add3A_389, %mul3A_394 : vector<64x640xf32>
    %get3A_396 = arith.constant 48 : index
    %get3A_397 = arith.constant 0 : index
    %get3A_398 = vector.load %arg3[%get3A_396, %get3A_397] : memref<81x640xf32, #tpu.memory_space<vmem>>, vector<1x640xf32>
    %mul3A_399 = vector.broadcast %get3A_398 : vector<1x640xf32> to vector<64x640xf32>
    %mul3A_400 = arith.mulf %mul3A_399, %add3A_73 : vector<64x640xf32>
    %add3A_401 = arith.addf %add3A_395, %mul3A_400 : vector<64x640xf32>
    %get3A_402 = arith.constant 49 : index
    %get3A_403 = arith.constant 0 : index
    %get3A_404 = vector.load %arg3[%get3A_402, %get3A_403] : memref<81x640xf32, #tpu.memory_space<vmem>>, vector<1x640xf32>
    %mul3A_405 = vector.broadcast %get3A_404 : vector<1x640xf32> to vector<64x640xf32>
    %mul3A_406 = arith.mulf %mul3A_405, %add3A_80 : vector<64x640xf32>
    %add3A_407 = arith.addf %add3A_401, %mul3A_406 : vector<64x640xf32>
    %get3A_408 = arith.constant 50 : index
    %get3A_409 = arith.constant 0 : index
    %get3A_410 = vector.load %arg3[%get3A_408, %get3A_409] : memref<81x640xf32, #tpu.memory_space<vmem>>, vector<1x640xf32>
    %mul3A_411 = vector.broadcast %get3A_410 : vector<1x640xf32> to vector<64x640xf32>
    %mul3A_412 = arith.mulf %mul3A_411, %add3A_87 : vector<64x640xf32>
    %add3A_413 = arith.addf %add3A_407, %mul3A_412 : vector<64x640xf32>
    %get3A_414 = arith.constant 51 : index
    %get3A_415 = arith.constant 0 : index
    %get3A_416 = vector.load %arg3[%get3A_414, %get3A_415] : memref<81x640xf32, #tpu.memory_space<vmem>>, vector<1x640xf32>
    %mul3A_417 = vector.broadcast %get3A_416 : vector<1x640xf32> to vector<64x640xf32>
    %mul3A_418 = arith.mulf %mul3A_417, %add3A_94 : vector<64x640xf32>
    %add3A_419 = arith.addf %add3A_413, %mul3A_418 : vector<64x640xf32>
    %get3A_420 = arith.constant 52 : index
    %get3A_421 = arith.constant 0 : index
    %get3A_422 = vector.load %arg3[%get3A_420, %get3A_421] : memref<81x640xf32, #tpu.memory_space<vmem>>, vector<1x640xf32>
    %mul3A_423 = vector.broadcast %get3A_422 : vector<1x640xf32> to vector<64x640xf32>
    %mul3A_424 = arith.mulf %mul3A_423, %add3A_101 : vector<64x640xf32>
    %add3A_425 = arith.addf %add3A_419, %mul3A_424 : vector<64x640xf32>
    %get3A_426 = arith.constant 53 : index
    %get3A_427 = arith.constant 0 : index
    %get3A_428 = vector.load %arg3[%get3A_426, %get3A_427] : memref<81x640xf32, #tpu.memory_space<vmem>>, vector<1x640xf32>
    %mul3A_429 = vector.broadcast %get3A_428 : vector<1x640xf32> to vector<64x640xf32>
    %mul3A_430 = arith.mulf %mul3A_429, %add3A_108 : vector<64x640xf32>
    %add3A_431 = arith.addf %add3A_425, %mul3A_430 : vector<64x640xf32>
    %mul3A_432 = arith.mulf %add3A_431, %mul3A_40 : vector<64x640xf32>
    %get3A_433 = arith.constant 54 : index
    %get3A_434 = arith.constant 0 : index
    %get3A_435 = vector.load %arg3[%get3A_433, %get3A_434] : memref<81x640xf32, #tpu.memory_space<vmem>>, vector<1x640xf32>
    %mul3A_436 = vector.broadcast %get3A_435 : vector<1x640xf32> to vector<64x640xf32>
    %mul3A_437 = arith.mulf %mul3A_436, %add3A_52 : vector<64x640xf32>
    %get3A_438 = arith.constant 55 : index
    %get3A_439 = arith.constant 0 : index
    %get3A_440 = vector.load %arg3[%get3A_438, %get3A_439] : memref<81x640xf32, #tpu.memory_space<vmem>>, vector<1x640xf32>
    %mul3A_441 = vector.broadcast %get3A_440 : vector<1x640xf32> to vector<64x640xf32>
    %mul3A_442 = arith.mulf %mul3A_441, %add3A_59 : vector<64x640xf32>
    %add3A_443 = arith.addf %mul3A_437, %mul3A_442 : vector<64x640xf32>
    %get3A_444 = arith.constant 56 : index
    %get3A_445 = arith.constant 0 : index
    %get3A_446 = vector.load %arg3[%get3A_444, %get3A_445] : memref<81x640xf32, #tpu.memory_space<vmem>>, vector<1x640xf32>
    %mul3A_447 = vector.broadcast %get3A_446 : vector<1x640xf32> to vector<64x640xf32>
    %mul3A_448 = arith.mulf %mul3A_447, %add3A_66 : vector<64x640xf32>
    %add3A_449 = arith.addf %add3A_443, %mul3A_448 : vector<64x640xf32>
    %get3A_450 = arith.constant 57 : index
    %get3A_451 = arith.constant 0 : index
    %get3A_452 = vector.load %arg3[%get3A_450, %get3A_451] : memref<81x640xf32, #tpu.memory_space<vmem>>, vector<1x640xf32>
    %mul3A_453 = vector.broadcast %get3A_452 : vector<1x640xf32> to vector<64x640xf32>
    %mul3A_454 = arith.mulf %mul3A_453, %add3A_73 : vector<64x640xf32>
    %add3A_455 = arith.addf %add3A_449, %mul3A_454 : vector<64x640xf32>
    %get3A_456 = arith.constant 58 : index
    %get3A_457 = arith.constant 0 : index
    %get3A_458 = vector.load %arg3[%get3A_456, %get3A_457] : memref<81x640xf32, #tpu.memory_space<vmem>>, vector<1x640xf32>
    %mul3A_459 = vector.broadcast %get3A_458 : vector<1x640xf32> to vector<64x640xf32>
    %mul3A_460 = arith.mulf %mul3A_459, %add3A_80 : vector<64x640xf32>
    %add3A_461 = arith.addf %add3A_455, %mul3A_460 : vector<64x640xf32>
    %get3A_462 = arith.constant 59 : index
    %get3A_463 = arith.constant 0 : index
    %get3A_464 = vector.load %arg3[%get3A_462, %get3A_463] : memref<81x640xf32, #tpu.memory_space<vmem>>, vector<1x640xf32>
    %mul3A_465 = vector.broadcast %get3A_464 : vector<1x640xf32> to vector<64x640xf32>
    %mul3A_466 = arith.mulf %mul3A_465, %add3A_87 : vector<64x640xf32>
    %add3A_467 = arith.addf %add3A_461, %mul3A_466 : vector<64x640xf32>
    %get3A_468 = arith.constant 60 : index
    %get3A_469 = arith.constant 0 : index
    %get3A_470 = vector.load %arg3[%get3A_468, %get3A_469] : memref<81x640xf32, #tpu.memory_space<vmem>>, vector<1x640xf32>
    %mul3A_471 = vector.broadcast %get3A_470 : vector<1x640xf32> to vector<64x640xf32>
    %mul3A_472 = arith.mulf %mul3A_471, %add3A_94 : vector<64x640xf32>
    %add3A_473 = arith.addf %add3A_467, %mul3A_472 : vector<64x640xf32>
    %get3A_474 = arith.constant 61 : index
    %get3A_475 = arith.constant 0 : index
    %get3A_476 = vector.load %arg3[%get3A_474, %get3A_475] : memref<81x640xf32, #tpu.memory_space<vmem>>, vector<1x640xf32>
    %mul3A_477 = vector.broadcast %get3A_476 : vector<1x640xf32> to vector<64x640xf32>
    %mul3A_478 = arith.mulf %mul3A_477, %add3A_101 : vector<64x640xf32>
    %add3A_479 = arith.addf %add3A_473, %mul3A_478 : vector<64x640xf32>
    %get3A_480 = arith.constant 62 : index
    %get3A_481 = arith.constant 0 : index
    %get3A_482 = vector.load %arg3[%get3A_480, %get3A_481] : memref<81x640xf32, #tpu.memory_space<vmem>>, vector<1x640xf32>
    %mul3A_483 = vector.broadcast %get3A_482 : vector<1x640xf32> to vector<64x640xf32>
    %mul3A_484 = arith.mulf %mul3A_483, %add3A_108 : vector<64x640xf32>
    %add3A_485 = arith.addf %add3A_479, %mul3A_484 : vector<64x640xf32>
    %mul3A_486 = arith.mulf %add3A_485, %mul3A_40 : vector<64x640xf32>
    %get3A_487 = arith.constant 63 : index
    %get3A_488 = arith.constant 0 : index
    %get3A_489 = vector.load %arg3[%get3A_487, %get3A_488] : memref<81x640xf32, #tpu.memory_space<vmem>>, vector<1x640xf32>
    %mul3A_490 = vector.broadcast %get3A_489 : vector<1x640xf32> to vector<64x640xf32>
    %mul3A_491 = arith.mulf %mul3A_490, %add3A_52 : vector<64x640xf32>
    %get3A_492 = arith.constant 64 : index
    %get3A_493 = arith.constant 0 : index
    %get3A_494 = vector.load %arg3[%get3A_492, %get3A_493] : memref<81x640xf32, #tpu.memory_space<vmem>>, vector<1x640xf32>
    %mul3A_495 = vector.broadcast %get3A_494 : vector<1x640xf32> to vector<64x640xf32>
    %mul3A_496 = arith.mulf %mul3A_495, %add3A_59 : vector<64x640xf32>
    %add3A_497 = arith.addf %mul3A_491, %mul3A_496 : vector<64x640xf32>
    %get3A_498 = arith.constant 65 : index
    %get3A_499 = arith.constant 0 : index
    %get3A_500 = vector.load %arg3[%get3A_498, %get3A_499] : memref<81x640xf32, #tpu.memory_space<vmem>>, vector<1x640xf32>
    %mul3A_501 = vector.broadcast %get3A_500 : vector<1x640xf32> to vector<64x640xf32>
    %mul3A_502 = arith.mulf %mul3A_501, %add3A_66 : vector<64x640xf32>
    %add3A_503 = arith.addf %add3A_497, %mul3A_502 : vector<64x640xf32>
    %get3A_504 = arith.constant 66 : index
    %get3A_505 = arith.constant 0 : index
    %get3A_506 = vector.load %arg3[%get3A_504, %get3A_505] : memref<81x640xf32, #tpu.memory_space<vmem>>, vector<1x640xf32>
    %mul3A_507 = vector.broadcast %get3A_506 : vector<1x640xf32> to vector<64x640xf32>
    %mul3A_508 = arith.mulf %mul3A_507, %add3A_73 : vector<64x640xf32>
    %add3A_509 = arith.addf %add3A_503, %mul3A_508 : vector<64x640xf32>
    %get3A_510 = arith.constant 67 : index
    %get3A_511 = arith.constant 0 : index
    %get3A_512 = vector.load %arg3[%get3A_510, %get3A_511] : memref<81x640xf32, #tpu.memory_space<vmem>>, vector<1x640xf32>
    %mul3A_513 = vector.broadcast %get3A_512 : vector<1x640xf32> to vector<64x640xf32>
    %mul3A_514 = arith.mulf %mul3A_513, %add3A_80 : vector<64x640xf32>
    %add3A_515 = arith.addf %add3A_509, %mul3A_514 : vector<64x640xf32>
    %get3A_516 = arith.constant 68 : index
    %get3A_517 = arith.constant 0 : index
    %get3A_518 = vector.load %arg3[%get3A_516, %get3A_517] : memref<81x640xf32, #tpu.memory_space<vmem>>, vector<1x640xf32>
    %mul3A_519 = vector.broadcast %get3A_518 : vector<1x640xf32> to vector<64x640xf32>
    %mul3A_520 = arith.mulf %mul3A_519, %add3A_87 : vector<64x640xf32>
    %add3A_521 = arith.addf %add3A_515, %mul3A_520 : vector<64x640xf32>
    %get3A_522 = arith.constant 69 : index
    %get3A_523 = arith.constant 0 : index
    %get3A_524 = vector.load %arg3[%get3A_522, %get3A_523] : memref<81x640xf32, #tpu.memory_space<vmem>>, vector<1x640xf32>
    %mul3A_525 = vector.broadcast %get3A_524 : vector<1x640xf32> to vector<64x640xf32>
    %mul3A_526 = arith.mulf %mul3A_525, %add3A_94 : vector<64x640xf32>
    %add3A_527 = arith.addf %add3A_521, %mul3A_526 : vector<64x640xf32>
    %get3A_528 = arith.constant 70 : index
    %get3A_529 = arith.constant 0 : index
    %get3A_530 = vector.load %arg3[%get3A_528, %get3A_529] : memref<81x640xf32, #tpu.memory_space<vmem>>, vector<1x640xf32>
    %mul3A_531 = vector.broadcast %get3A_530 : vector<1x640xf32> to vector<64x640xf32>
    %mul3A_532 = arith.mulf %mul3A_531, %add3A_101 : vector<64x640xf32>
    %add3A_533 = arith.addf %add3A_527, %mul3A_532 : vector<64x640xf32>
    %get3A_534 = arith.constant 71 : index
    %get3A_535 = arith.constant 0 : index
    %get3A_536 = vector.load %arg3[%get3A_534, %get3A_535] : memref<81x640xf32, #tpu.memory_space<vmem>>, vector<1x640xf32>
    %mul3A_537 = vector.broadcast %get3A_536 : vector<1x640xf32> to vector<64x640xf32>
    %mul3A_538 = arith.mulf %mul3A_537, %add3A_108 : vector<64x640xf32>
    %add3A_539 = arith.addf %add3A_533, %mul3A_538 : vector<64x640xf32>
    %mul3A_540 = arith.mulf %add3A_539, %mul3A_40 : vector<64x640xf32>
    %get3A_541 = arith.constant 72 : index
    %get3A_542 = arith.constant 0 : index
    %get3A_543 = vector.load %arg3[%get3A_541, %get3A_542] : memref<81x640xf32, #tpu.memory_space<vmem>>, vector<1x640xf32>
    %mul3A_544 = vector.broadcast %get3A_543 : vector<1x640xf32> to vector<64x640xf32>
    %mul3A_545 = arith.mulf %mul3A_544, %add3A_52 : vector<64x640xf32>
    %get3A_546 = arith.constant 73 : index
    %get3A_547 = arith.constant 0 : index
    %get3A_548 = vector.load %arg3[%get3A_546, %get3A_547] : memref<81x640xf32, #tpu.memory_space<vmem>>, vector<1x640xf32>
    %mul3A_549 = vector.broadcast %get3A_548 : vector<1x640xf32> to vector<64x640xf32>
    %mul3A_550 = arith.mulf %mul3A_549, %add3A_59 : vector<64x640xf32>
    %add3A_551 = arith.addf %mul3A_545, %mul3A_550 : vector<64x640xf32>
    %get3A_552 = arith.constant 74 : index
    %get3A_553 = arith.constant 0 : index
    %get3A_554 = vector.load %arg3[%get3A_552, %get3A_553] : memref<81x640xf32, #tpu.memory_space<vmem>>, vector<1x640xf32>
    %mul3A_555 = vector.broadcast %get3A_554 : vector<1x640xf32> to vector<64x640xf32>
    %mul3A_556 = arith.mulf %mul3A_555, %add3A_66 : vector<64x640xf32>
    %add3A_557 = arith.addf %add3A_551, %mul3A_556 : vector<64x640xf32>
    %get3A_558 = arith.constant 75 : index
    %get3A_559 = arith.constant 0 : index
    %get3A_560 = vector.load %arg3[%get3A_558, %get3A_559] : memref<81x640xf32, #tpu.memory_space<vmem>>, vector<1x640xf32>
    %mul3A_561 = vector.broadcast %get3A_560 : vector<1x640xf32> to vector<64x640xf32>
    %mul3A_562 = arith.mulf %mul3A_561, %add3A_73 : vector<64x640xf32>
    %add3A_563 = arith.addf %add3A_557, %mul3A_562 : vector<64x640xf32>
    %get3A_564 = arith.constant 76 : index
    %get3A_565 = arith.constant 0 : index
    %get3A_566 = vector.load %arg3[%get3A_564, %get3A_565] : memref<81x640xf32, #tpu.memory_space<vmem>>, vector<1x640xf32>
    %mul3A_567 = vector.broadcast %get3A_566 : vector<1x640xf32> to vector<64x640xf32>
    %mul3A_568 = arith.mulf %mul3A_567, %add3A_80 : vector<64x640xf32>
    %add3A_569 = arith.addf %add3A_563, %mul3A_568 : vector<64x640xf32>
    %get3A_570 = arith.constant 77 : index
    %get3A_571 = arith.constant 0 : index
    %get3A_572 = vector.load %arg3[%get3A_570, %get3A_571] : memref<81x640xf32, #tpu.memory_space<vmem>>, vector<1x640xf32>
    %mul3A_573 = vector.broadcast %get3A_572 : vector<1x640xf32> to vector<64x640xf32>
    %mul3A_574 = arith.mulf %mul3A_573, %add3A_87 : vector<64x640xf32>
    %add3A_575 = arith.addf %add3A_569, %mul3A_574 : vector<64x640xf32>
    %get3A_576 = arith.constant 78 : index
    %get3A_577 = arith.constant 0 : index
    %get3A_578 = vector.load %arg3[%get3A_576, %get3A_577] : memref<81x640xf32, #tpu.memory_space<vmem>>, vector<1x640xf32>
    %mul3A_579 = vector.broadcast %get3A_578 : vector<1x640xf32> to vector<64x640xf32>
    %mul3A_580 = arith.mulf %mul3A_579, %add3A_94 : vector<64x640xf32>
    %add3A_581 = arith.addf %add3A_575, %mul3A_580 : vector<64x640xf32>
    %get3A_582 = arith.constant 79 : index
    %get3A_583 = arith.constant 0 : index
    %get3A_584 = vector.load %arg3[%get3A_582, %get3A_583] : memref<81x640xf32, #tpu.memory_space<vmem>>, vector<1x640xf32>
    %mul3A_585 = vector.broadcast %get3A_584 : vector<1x640xf32> to vector<64x640xf32>
    %mul3A_586 = arith.mulf %mul3A_585, %add3A_101 : vector<64x640xf32>
    %add3A_587 = arith.addf %add3A_581, %mul3A_586 : vector<64x640xf32>
    %get3A_588 = arith.constant 80 : index
    %get3A_589 = arith.constant 0 : index
    %get3A_590 = vector.load %arg3[%get3A_588, %get3A_589] : memref<81x640xf32, #tpu.memory_space<vmem>>, vector<1x640xf32>
    %mul3A_591 = vector.broadcast %get3A_590 : vector<1x640xf32> to vector<64x640xf32>
    %mul3A_592 = arith.mulf %mul3A_591, %add3A_108 : vector<64x640xf32>
    %add3A_593 = arith.addf %add3A_587, %mul3A_592 : vector<64x640xf32>
    %mul3A_594 = arith.mulf %add3A_593, %mul3A_40 : vector<64x640xf32>
    %get3A_595 = arith.constant 0 : index
    %get3A_596 = arith.constant 0 : index
    %get3A_597 = vector.load %arg12[%get3A_595, %get3A_596] : memref<64x32xf32, #tpu.memory_space<vmem>>, vector<64x32xf32>
    %get3A_598 = arith.constant 0 : index
    %get3A_599 = arith.constant 0 : index
    %get3A_600 = vector.load %arg3[%get3A_598, %get3A_599] : memref<81x640xf32, #tpu.memory_space<vmem>>, vector<1x640xf32>
    %mul3A_601 = vector.broadcast %get3A_600 : vector<1x640xf32> to vector<64x640xf32>
    %mul3A_602 = arith.mulf %mul3A_601, %mul3A_162 : vector<64x640xf32>
    %get3A_603 = arith.constant 9 : index
    %get3A_604 = arith.constant 0 : index
    %get3A_605 = vector.load %arg3[%get3A_603, %get3A_604] : memref<81x640xf32, #tpu.memory_space<vmem>>, vector<1x640xf32>
    %mul3A_606 = vector.broadcast %get3A_605 : vector<1x640xf32> to vector<64x640xf32>
    %mul3A_607 = arith.mulf %mul3A_606, %mul3A_216 : vector<64x640xf32>
    %add3A_608 = arith.addf %mul3A_602, %mul3A_607 : vector<64x640xf32>
    %get3A_609 = arith.constant 18 : index
    %get3A_610 = arith.constant 0 : index
    %get3A_611 = vector.load %arg3[%get3A_609, %get3A_610] : memref<81x640xf32, #tpu.memory_space<vmem>>, vector<1x640xf32>
    %mul3A_612 = vector.broadcast %get3A_611 : vector<1x640xf32> to vector<64x640xf32>
    %mul3A_613 = arith.mulf %mul3A_612, %mul3A_270 : vector<64x640xf32>
    %add3A_614 = arith.addf %add3A_608, %mul3A_613 : vector<64x640xf32>
    %get3A_615 = arith.constant 27 : index
    %get3A_616 = arith.constant 0 : index
    %get3A_617 = vector.load %arg3[%get3A_615, %get3A_616] : memref<81x640xf32, #tpu.memory_space<vmem>>, vector<1x640xf32>
    %mul3A_618 = vector.broadcast %get3A_617 : vector<1x640xf32> to vector<64x640xf32>
    %mul3A_619 = arith.mulf %mul3A_618, %mul3A_324 : vector<64x640xf32>
    %add3A_620 = arith.addf %add3A_614, %mul3A_619 : vector<64x640xf32>
    %get3A_621 = arith.constant 36 : index
    %get3A_622 = arith.constant 0 : index
    %get3A_623 = vector.load %arg3[%get3A_621, %get3A_622] : memref<81x640xf32, #tpu.memory_space<vmem>>, vector<1x640xf32>
    %mul3A_624 = vector.broadcast %get3A_623 : vector<1x640xf32> to vector<64x640xf32>
    %mul3A_625 = arith.mulf %mul3A_624, %mul3A_378 : vector<64x640xf32>
    %add3A_626 = arith.addf %add3A_620, %mul3A_625 : vector<64x640xf32>
    %get3A_627 = arith.constant 45 : index
    %get3A_628 = arith.constant 0 : index
    %get3A_629 = vector.load %arg3[%get3A_627, %get3A_628] : memref<81x640xf32, #tpu.memory_space<vmem>>, vector<1x640xf32>
    %mul3A_630 = vector.broadcast %get3A_629 : vector<1x640xf32> to vector<64x640xf32>
    %mul3A_631 = arith.mulf %mul3A_630, %mul3A_432 : vector<64x640xf32>
    %add3A_632 = arith.addf %add3A_626, %mul3A_631 : vector<64x640xf32>
    %get3A_633 = arith.constant 54 : index
    %get3A_634 = arith.constant 0 : index
    %get3A_635 = vector.load %arg3[%get3A_633, %get3A_634] : memref<81x640xf32, #tpu.memory_space<vmem>>, vector<1x640xf32>
    %mul3A_636 = vector.broadcast %get3A_635 : vector<1x640xf32> to vector<64x640xf32>
    %mul3A_637 = arith.mulf %mul3A_636, %mul3A_486 : vector<64x640xf32>
    %add3A_638 = arith.addf %add3A_632, %mul3A_637 : vector<64x640xf32>
    %get3A_639 = arith.constant 63 : index
    %get3A_640 = arith.constant 0 : index
    %get3A_641 = vector.load %arg3[%get3A_639, %get3A_640] : memref<81x640xf32, #tpu.memory_space<vmem>>, vector<1x640xf32>
    %mul3A_642 = vector.broadcast %get3A_641 : vector<1x640xf32> to vector<64x640xf32>
    %mul3A_643 = arith.mulf %mul3A_642, %mul3A_540 : vector<64x640xf32>
    %add3A_644 = arith.addf %add3A_638, %mul3A_643 : vector<64x640xf32>
    %get3A_645 = arith.constant 72 : index
    %get3A_646 = arith.constant 0 : index
    %get3A_647 = vector.load %arg3[%get3A_645, %get3A_646] : memref<81x640xf32, #tpu.memory_space<vmem>>, vector<1x640xf32>
    %mul3A_648 = vector.broadcast %get3A_647 : vector<1x640xf32> to vector<64x640xf32>
    %mul3A_649 = arith.mulf %mul3A_648, %mul3A_594 : vector<64x640xf32>
    %add3A_650 = arith.addf %add3A_644, %mul3A_649 : vector<64x640xf32>
    %mul3A_651 = vector.broadcast %get3A_7 : vector<1x640xf32> to vector<64x640xf32>
    %mul3A_652 = arith.mulf %add3A_650, %mul3A_651 : vector<64x640xf32>
    %dot_general3A_653 = arith.constant dense<0.000000e+00> : vector<640x32xf32>
    %dot_general3A_654 = tpu.matmul %mul3A_652, %get3A_597, %dot_general3A_653 {dimension_numbers = #tpu.dot_dimension_numbers<[0], [0], [1], [1], [0, 1, 1, 1], [], []>, transpose_lhs_hint = false} : vector<64x640xf32>, vector<64x32xf32>, vector<640x32xf32> -> vector<640x32xf32>
    %get3A_655 = arith.constant 1 : index
    %get3A_656 = arith.constant 0 : index
    %get3A_657 = vector.load %arg3[%get3A_655, %get3A_656] : memref<81x640xf32, #tpu.memory_space<vmem>>, vector<1x640xf32>
    %mul3A_658 = vector.broadcast %get3A_657 : vector<1x640xf32> to vector<64x640xf32>
    %mul3A_659 = arith.mulf %mul3A_658, %mul3A_162 : vector<64x640xf32>
    %get3A_660 = arith.constant 10 : index
    %get3A_661 = arith.constant 0 : index
    %get3A_662 = vector.load %arg3[%get3A_660, %get3A_661] : memref<81x640xf32, #tpu.memory_space<vmem>>, vector<1x640xf32>
    %mul3A_663 = vector.broadcast %get3A_662 : vector<1x640xf32> to vector<64x640xf32>
    %mul3A_664 = arith.mulf %mul3A_663, %mul3A_216 : vector<64x640xf32>
    %add3A_665 = arith.addf %mul3A_659, %mul3A_664 : vector<64x640xf32>
    %get3A_666 = arith.constant 19 : index
    %get3A_667 = arith.constant 0 : index
    %get3A_668 = vector.load %arg3[%get3A_666, %get3A_667] : memref<81x640xf32, #tpu.memory_space<vmem>>, vector<1x640xf32>
    %mul3A_669 = vector.broadcast %get3A_668 : vector<1x640xf32> to vector<64x640xf32>
    %mul3A_670 = arith.mulf %mul3A_669, %mul3A_270 : vector<64x640xf32>
    %add3A_671 = arith.addf %add3A_665, %mul3A_670 : vector<64x640xf32>
    %get3A_672 = arith.constant 28 : index
    %get3A_673 = arith.constant 0 : index
    %get3A_674 = vector.load %arg3[%get3A_672, %get3A_673] : memref<81x640xf32, #tpu.memory_space<vmem>>, vector<1x640xf32>
    %mul3A_675 = vector.broadcast %get3A_674 : vector<1x640xf32> to vector<64x640xf32>
    %mul3A_676 = arith.mulf %mul3A_675, %mul3A_324 : vector<64x640xf32>
    %add3A_677 = arith.addf %add3A_671, %mul3A_676 : vector<64x640xf32>
    %get3A_678 = arith.constant 37 : index
    %get3A_679 = arith.constant 0 : index
    %get3A_680 = vector.load %arg3[%get3A_678, %get3A_679] : memref<81x640xf32, #tpu.memory_space<vmem>>, vector<1x640xf32>
    %mul3A_681 = vector.broadcast %get3A_680 : vector<1x640xf32> to vector<64x640xf32>
    %mul3A_682 = arith.mulf %mul3A_681, %mul3A_378 : vector<64x640xf32>
    %add3A_683 = arith.addf %add3A_677, %mul3A_682 : vector<64x640xf32>
    %get3A_684 = arith.constant 46 : index
    %get3A_685 = arith.constant 0 : index
    %get3A_686 = vector.load %arg3[%get3A_684, %get3A_685] : memref<81x640xf32, #tpu.memory_space<vmem>>, vector<1x640xf32>
    %mul3A_687 = vector.broadcast %get3A_686 : vector<1x640xf32> to vector<64x640xf32>
    %mul3A_688 = arith.mulf %mul3A_687, %mul3A_432 : vector<64x640xf32>
    %add3A_689 = arith.addf %add3A_683, %mul3A_688 : vector<64x640xf32>
    %get3A_690 = arith.constant 55 : index
    %get3A_691 = arith.constant 0 : index
    %get3A_692 = vector.load %arg3[%get3A_690, %get3A_691] : memref<81x640xf32, #tpu.memory_space<vmem>>, vector<1x640xf32>
    %mul3A_693 = vector.broadcast %get3A_692 : vector<1x640xf32> to vector<64x640xf32>
    %mul3A_694 = arith.mulf %mul3A_693, %mul3A_486 : vector<64x640xf32>
    %add3A_695 = arith.addf %add3A_689, %mul3A_694 : vector<64x640xf32>
    %get3A_696 = arith.constant 64 : index
    %get3A_697 = arith.constant 0 : index
    %get3A_698 = vector.load %arg3[%get3A_696, %get3A_697] : memref<81x640xf32, #tpu.memory_space<vmem>>, vector<1x640xf32>
    %mul3A_699 = vector.broadcast %get3A_698 : vector<1x640xf32> to vector<64x640xf32>
    %mul3A_700 = arith.mulf %mul3A_699, %mul3A_540 : vector<64x640xf32>
    %add3A_701 = arith.addf %add3A_695, %mul3A_700 : vector<64x640xf32>
    %get3A_702 = arith.constant 73 : index
    %get3A_703 = arith.constant 0 : index
    %get3A_704 = vector.load %arg3[%get3A_702, %get3A_703] : memref<81x640xf32, #tpu.memory_space<vmem>>, vector<1x640xf32>
    %mul3A_705 = vector.broadcast %get3A_704 : vector<1x640xf32> to vector<64x640xf32>
    %mul3A_706 = arith.mulf %mul3A_705, %mul3A_594 : vector<64x640xf32>
    %add3A_707 = arith.addf %add3A_701, %mul3A_706 : vector<64x640xf32>
    %mul3A_708 = vector.broadcast %get3A_7 : vector<1x640xf32> to vector<64x640xf32>
    %mul3A_709 = arith.mulf %add3A_707, %mul3A_708 : vector<64x640xf32>
    %dot_general3A_710 = arith.constant dense<0.000000e+00> : vector<640x32xf32>
    %dot_general3A_711 = tpu.matmul %mul3A_709, %get3A_597, %dot_general3A_710 {dimension_numbers = #tpu.dot_dimension_numbers<[0], [0], [1], [1], [0, 1, 1, 1], [], []>, transpose_lhs_hint = false} : vector<64x640xf32>, vector<64x32xf32>, vector<640x32xf32> -> vector<640x32xf32>
    %get3A_712 = arith.constant 2 : index
    %get3A_713 = arith.constant 0 : index
    %get3A_714 = vector.load %arg3[%get3A_712, %get3A_713] : memref<81x640xf32, #tpu.memory_space<vmem>>, vector<1x640xf32>
    %mul3A_715 = vector.broadcast %get3A_714 : vector<1x640xf32> to vector<64x640xf32>
    %mul3A_716 = arith.mulf %mul3A_715, %mul3A_162 : vector<64x640xf32>
    %get3A_717 = arith.constant 11 : index
    %get3A_718 = arith.constant 0 : index
    %get3A_719 = vector.load %arg3[%get3A_717, %get3A_718] : memref<81x640xf32, #tpu.memory_space<vmem>>, vector<1x640xf32>
    %mul3A_720 = vector.broadcast %get3A_719 : vector<1x640xf32> to vector<64x640xf32>
    %mul3A_721 = arith.mulf %mul3A_720, %mul3A_216 : vector<64x640xf32>
    %add3A_722 = arith.addf %mul3A_716, %mul3A_721 : vector<64x640xf32>
    %get3A_723 = arith.constant 20 : index
    %get3A_724 = arith.constant 0 : index
    %get3A_725 = vector.load %arg3[%get3A_723, %get3A_724] : memref<81x640xf32, #tpu.memory_space<vmem>>, vector<1x640xf32>
    %mul3A_726 = vector.broadcast %get3A_725 : vector<1x640xf32> to vector<64x640xf32>
    %mul3A_727 = arith.mulf %mul3A_726, %mul3A_270 : vector<64x640xf32>
    %add3A_728 = arith.addf %add3A_722, %mul3A_727 : vector<64x640xf32>
    %get3A_729 = arith.constant 29 : index
    %get3A_730 = arith.constant 0 : index
    %get3A_731 = vector.load %arg3[%get3A_729, %get3A_730] : memref<81x640xf32, #tpu.memory_space<vmem>>, vector<1x640xf32>
    %mul3A_732 = vector.broadcast %get3A_731 : vector<1x640xf32> to vector<64x640xf32>
    %mul3A_733 = arith.mulf %mul3A_732, %mul3A_324 : vector<64x640xf32>
    %add3A_734 = arith.addf %add3A_728, %mul3A_733 : vector<64x640xf32>
    %get3A_735 = arith.constant 38 : index
    %get3A_736 = arith.constant 0 : index
    %get3A_737 = vector.load %arg3[%get3A_735, %get3A_736] : memref<81x640xf32, #tpu.memory_space<vmem>>, vector<1x640xf32>
    %mul3A_738 = vector.broadcast %get3A_737 : vector<1x640xf32> to vector<64x640xf32>
    %mul3A_739 = arith.mulf %mul3A_738, %mul3A_378 : vector<64x640xf32>
    %add3A_740 = arith.addf %add3A_734, %mul3A_739 : vector<64x640xf32>
    %get3A_741 = arith.constant 47 : index
    %get3A_742 = arith.constant 0 : index
    %get3A_743 = vector.load %arg3[%get3A_741, %get3A_742] : memref<81x640xf32, #tpu.memory_space<vmem>>, vector<1x640xf32>
    %mul3A_744 = vector.broadcast %get3A_743 : vector<1x640xf32> to vector<64x640xf32>
    %mul3A_745 = arith.mulf %mul3A_744, %mul3A_432 : vector<64x640xf32>
    %add3A_746 = arith.addf %add3A_740, %mul3A_745 : vector<64x640xf32>
    %get3A_747 = arith.constant 56 : index
    %get3A_748 = arith.constant 0 : index
    %get3A_749 = vector.load %arg3[%get3A_747, %get3A_748] : memref<81x640xf32, #tpu.memory_space<vmem>>, vector<1x640xf32>
    %mul3A_750 = vector.broadcast %get3A_749 : vector<1x640xf32> to vector<64x640xf32>
    %mul3A_751 = arith.mulf %mul3A_750, %mul3A_486 : vector<64x640xf32>
    %add3A_752 = arith.addf %add3A_746, %mul3A_751 : vector<64x640xf32>
    %get3A_753 = arith.constant 65 : index
    %get3A_754 = arith.constant 0 : index
    %get3A_755 = vector.load %arg3[%get3A_753, %get3A_754] : memref<81x640xf32, #tpu.memory_space<vmem>>, vector<1x640xf32>
    %mul3A_756 = vector.broadcast %get3A_755 : vector<1x640xf32> to vector<64x640xf32>
    %mul3A_757 = arith.mulf %mul3A_756, %mul3A_540 : vector<64x640xf32>
    %add3A_758 = arith.addf %add3A_752, %mul3A_757 : vector<64x640xf32>
    %get3A_759 = arith.constant 74 : index
    %get3A_760 = arith.constant 0 : index
    %get3A_761 = vector.load %arg3[%get3A_759, %get3A_760] : memref<81x640xf32, #tpu.memory_space<vmem>>, vector<1x640xf32>
    %mul3A_762 = vector.broadcast %get3A_761 : vector<1x640xf32> to vector<64x640xf32>
    %mul3A_763 = arith.mulf %mul3A_762, %mul3A_594 : vector<64x640xf32>
    %add3A_764 = arith.addf %add3A_758, %mul3A_763 : vector<64x640xf32>
    %mul3A_765 = vector.broadcast %get3A_7 : vector<1x640xf32> to vector<64x640xf32>
    %mul3A_766 = arith.mulf %add3A_764, %mul3A_765 : vector<64x640xf32>
    %dot_general3A_767 = arith.constant dense<0.000000e+00> : vector<640x32xf32>
    %dot_general3A_768 = tpu.matmul %mul3A_766, %get3A_597, %dot_general3A_767 {dimension_numbers = #tpu.dot_dimension_numbers<[0], [0], [1], [1], [0, 1, 1, 1], [], []>, transpose_lhs_hint = false} : vector<64x640xf32>, vector<64x32xf32>, vector<640x32xf32> -> vector<640x32xf32>
    %get3A_769 = arith.constant 3 : index
    %get3A_770 = arith.constant 0 : index
    %get3A_771 = vector.load %arg3[%get3A_769, %get3A_770] : memref<81x640xf32, #tpu.memory_space<vmem>>, vector<1x640xf32>
    %mul3A_772 = vector.broadcast %get3A_771 : vector<1x640xf32> to vector<64x640xf32>
    %mul3A_773 = arith.mulf %mul3A_772, %mul3A_162 : vector<64x640xf32>
    %get3A_774 = arith.constant 12 : index
    %get3A_775 = arith.constant 0 : index
    %get3A_776 = vector.load %arg3[%get3A_774, %get3A_775] : memref<81x640xf32, #tpu.memory_space<vmem>>, vector<1x640xf32>
    %mul3A_777 = vector.broadcast %get3A_776 : vector<1x640xf32> to vector<64x640xf32>
    %mul3A_778 = arith.mulf %mul3A_777, %mul3A_216 : vector<64x640xf32>
    %add3A_779 = arith.addf %mul3A_773, %mul3A_778 : vector<64x640xf32>
    %get3A_780 = arith.constant 21 : index
    %get3A_781 = arith.constant 0 : index
    %get3A_782 = vector.load %arg3[%get3A_780, %get3A_781] : memref<81x640xf32, #tpu.memory_space<vmem>>, vector<1x640xf32>
    %mul3A_783 = vector.broadcast %get3A_782 : vector<1x640xf32> to vector<64x640xf32>
    %mul3A_784 = arith.mulf %mul3A_783, %mul3A_270 : vector<64x640xf32>
    %add3A_785 = arith.addf %add3A_779, %mul3A_784 : vector<64x640xf32>
    %get3A_786 = arith.constant 30 : index
    %get3A_787 = arith.constant 0 : index
    %get3A_788 = vector.load %arg3[%get3A_786, %get3A_787] : memref<81x640xf32, #tpu.memory_space<vmem>>, vector<1x640xf32>
    %mul3A_789 = vector.broadcast %get3A_788 : vector<1x640xf32> to vector<64x640xf32>
    %mul3A_790 = arith.mulf %mul3A_789, %mul3A_324 : vector<64x640xf32>
    %add3A_791 = arith.addf %add3A_785, %mul3A_790 : vector<64x640xf32>
    %get3A_792 = arith.constant 39 : index
    %get3A_793 = arith.constant 0 : index
    %get3A_794 = vector.load %arg3[%get3A_792, %get3A_793] : memref<81x640xf32, #tpu.memory_space<vmem>>, vector<1x640xf32>
    %mul3A_795 = vector.broadcast %get3A_794 : vector<1x640xf32> to vector<64x640xf32>
    %mul3A_796 = arith.mulf %mul3A_795, %mul3A_378 : vector<64x640xf32>
    %add3A_797 = arith.addf %add3A_791, %mul3A_796 : vector<64x640xf32>
    %get3A_798 = arith.constant 48 : index
    %get3A_799 = arith.constant 0 : index
    %get3A_800 = vector.load %arg3[%get3A_798, %get3A_799] : memref<81x640xf32, #tpu.memory_space<vmem>>, vector<1x640xf32>
    %mul3A_801 = vector.broadcast %get3A_800 : vector<1x640xf32> to vector<64x640xf32>
    %mul3A_802 = arith.mulf %mul3A_801, %mul3A_432 : vector<64x640xf32>
    %add3A_803 = arith.addf %add3A_797, %mul3A_802 : vector<64x640xf32>
    %get3A_804 = arith.constant 57 : index
    %get3A_805 = arith.constant 0 : index
    %get3A_806 = vector.load %arg3[%get3A_804, %get3A_805] : memref<81x640xf32, #tpu.memory_space<vmem>>, vector<1x640xf32>
    %mul3A_807 = vector.broadcast %get3A_806 : vector<1x640xf32> to vector<64x640xf32>
    %mul3A_808 = arith.mulf %mul3A_807, %mul3A_486 : vector<64x640xf32>
    %add3A_809 = arith.addf %add3A_803, %mul3A_808 : vector<64x640xf32>
    %get3A_810 = arith.constant 66 : index
    %get3A_811 = arith.constant 0 : index
    %get3A_812 = vector.load %arg3[%get3A_810, %get3A_811] : memref<81x640xf32, #tpu.memory_space<vmem>>, vector<1x640xf32>
    %mul3A_813 = vector.broadcast %get3A_812 : vector<1x640xf32> to vector<64x640xf32>
    %mul3A_814 = arith.mulf %mul3A_813, %mul3A_540 : vector<64x640xf32>
    %add3A_815 = arith.addf %add3A_809, %mul3A_814 : vector<64x640xf32>
    %get3A_816 = arith.constant 75 : index
    %get3A_817 = arith.constant 0 : index
    %get3A_818 = vector.load %arg3[%get3A_816, %get3A_817] : memref<81x640xf32, #tpu.memory_space<vmem>>, vector<1x640xf32>
    %mul3A_819 = vector.broadcast %get3A_818 : vector<1x640xf32> to vector<64x640xf32>
    %mul3A_820 = arith.mulf %mul3A_819, %mul3A_594 : vector<64x640xf32>
    %add3A_821 = arith.addf %add3A_815, %mul3A_820 : vector<64x640xf32>
    %mul3A_822 = vector.broadcast %get3A_7 : vector<1x640xf32> to vector<64x640xf32>
    %mul3A_823 = arith.mulf %add3A_821, %mul3A_822 : vector<64x640xf32>
    %dot_general3A_824 = arith.constant dense<0.000000e+00> : vector<640x32xf32>
    %dot_general3A_825 = tpu.matmul %mul3A_823, %get3A_597, %dot_general3A_824 {dimension_numbers = #tpu.dot_dimension_numbers<[0], [0], [1], [1], [0, 1, 1, 1], [], []>, transpose_lhs_hint = false} : vector<64x640xf32>, vector<64x32xf32>, vector<640x32xf32> -> vector<640x32xf32>
    %get3A_826 = arith.constant 4 : index
    %get3A_827 = arith.constant 0 : index
    %get3A_828 = vector.load %arg3[%get3A_826, %get3A_827] : memref<81x640xf32, #tpu.memory_space<vmem>>, vector<1x640xf32>
    %mul3A_829 = vector.broadcast %get3A_828 : vector<1x640xf32> to vector<64x640xf32>
    %mul3A_830 = arith.mulf %mul3A_829, %mul3A_162 : vector<64x640xf32>
    %get3A_831 = arith.constant 13 : index
    %get3A_832 = arith.constant 0 : index
    %get3A_833 = vector.load %arg3[%get3A_831, %get3A_832] : memref<81x640xf32, #tpu.memory_space<vmem>>, vector<1x640xf32>
    %mul3A_834 = vector.broadcast %get3A_833 : vector<1x640xf32> to vector<64x640xf32>
    %mul3A_835 = arith.mulf %mul3A_834, %mul3A_216 : vector<64x640xf32>
    %add3A_836 = arith.addf %mul3A_830, %mul3A_835 : vector<64x640xf32>
    %get3A_837 = arith.constant 22 : index
    %get3A_838 = arith.constant 0 : index
    %get3A_839 = vector.load %arg3[%get3A_837, %get3A_838] : memref<81x640xf32, #tpu.memory_space<vmem>>, vector<1x640xf32>
    %mul3A_840 = vector.broadcast %get3A_839 : vector<1x640xf32> to vector<64x640xf32>
    %mul3A_841 = arith.mulf %mul3A_840, %mul3A_270 : vector<64x640xf32>
    %add3A_842 = arith.addf %add3A_836, %mul3A_841 : vector<64x640xf32>
    %get3A_843 = arith.constant 31 : index
    %get3A_844 = arith.constant 0 : index
    %get3A_845 = vector.load %arg3[%get3A_843, %get3A_844] : memref<81x640xf32, #tpu.memory_space<vmem>>, vector<1x640xf32>
    %mul3A_846 = vector.broadcast %get3A_845 : vector<1x640xf32> to vector<64x640xf32>
    %mul3A_847 = arith.mulf %mul3A_846, %mul3A_324 : vector<64x640xf32>
    %add3A_848 = arith.addf %add3A_842, %mul3A_847 : vector<64x640xf32>
    %get3A_849 = arith.constant 40 : index
    %get3A_850 = arith.constant 0 : index
    %get3A_851 = vector.load %arg3[%get3A_849, %get3A_850] : memref<81x640xf32, #tpu.memory_space<vmem>>, vector<1x640xf32>
    %mul3A_852 = vector.broadcast %get3A_851 : vector<1x640xf32> to vector<64x640xf32>
    %mul3A_853 = arith.mulf %mul3A_852, %mul3A_378 : vector<64x640xf32>
    %add3A_854 = arith.addf %add3A_848, %mul3A_853 : vector<64x640xf32>
    %get3A_855 = arith.constant 49 : index
    %get3A_856 = arith.constant 0 : index
    %get3A_857 = vector.load %arg3[%get3A_855, %get3A_856] : memref<81x640xf32, #tpu.memory_space<vmem>>, vector<1x640xf32>
    %mul3A_858 = vector.broadcast %get3A_857 : vector<1x640xf32> to vector<64x640xf32>
    %mul3A_859 = arith.mulf %mul3A_858, %mul3A_432 : vector<64x640xf32>
    %add3A_860 = arith.addf %add3A_854, %mul3A_859 : vector<64x640xf32>
    %get3A_861 = arith.constant 58 : index
    %get3A_862 = arith.constant 0 : index
    %get3A_863 = vector.load %arg3[%get3A_861, %get3A_862] : memref<81x640xf32, #tpu.memory_space<vmem>>, vector<1x640xf32>
    %mul3A_864 = vector.broadcast %get3A_863 : vector<1x640xf32> to vector<64x640xf32>
    %mul3A_865 = arith.mulf %mul3A_864, %mul3A_486 : vector<64x640xf32>
    %add3A_866 = arith.addf %add3A_860, %mul3A_865 : vector<64x640xf32>
    %get3A_867 = arith.constant 67 : index
    %get3A_868 = arith.constant 0 : index
    %get3A_869 = vector.load %arg3[%get3A_867, %get3A_868] : memref<81x640xf32, #tpu.memory_space<vmem>>, vector<1x640xf32>
    %mul3A_870 = vector.broadcast %get3A_869 : vector<1x640xf32> to vector<64x640xf32>
    %mul3A_871 = arith.mulf %mul3A_870, %mul3A_540 : vector<64x640xf32>
    %add3A_872 = arith.addf %add3A_866, %mul3A_871 : vector<64x640xf32>
    %get3A_873 = arith.constant 76 : index
    %get3A_874 = arith.constant 0 : index
    %get3A_875 = vector.load %arg3[%get3A_873, %get3A_874] : memref<81x640xf32, #tpu.memory_space<vmem>>, vector<1x640xf32>
    %mul3A_876 = vector.broadcast %get3A_875 : vector<1x640xf32> to vector<64x640xf32>
    %mul3A_877 = arith.mulf %mul3A_876, %mul3A_594 : vector<64x640xf32>
    %add3A_878 = arith.addf %add3A_872, %mul3A_877 : vector<64x640xf32>
    %mul3A_879 = vector.broadcast %get3A_7 : vector<1x640xf32> to vector<64x640xf32>
    %mul3A_880 = arith.mulf %add3A_878, %mul3A_879 : vector<64x640xf32>
    %dot_general3A_881 = arith.constant dense<0.000000e+00> : vector<640x32xf32>
    %dot_general3A_882 = tpu.matmul %mul3A_880, %get3A_597, %dot_general3A_881 {dimension_numbers = #tpu.dot_dimension_numbers<[0], [0], [1], [1], [0, 1, 1, 1], [], []>, transpose_lhs_hint = false} : vector<64x640xf32>, vector<64x32xf32>, vector<640x32xf32> -> vector<640x32xf32>
    %get3A_883 = arith.constant 5 : index
    %get3A_884 = arith.constant 0 : index
    %get3A_885 = vector.load %arg3[%get3A_883, %get3A_884] : memref<81x640xf32, #tpu.memory_space<vmem>>, vector<1x640xf32>
    %mul3A_886 = vector.broadcast %get3A_885 : vector<1x640xf32> to vector<64x640xf32>
    %mul3A_887 = arith.mulf %mul3A_886, %mul3A_162 : vector<64x640xf32>
    %get3A_888 = arith.constant 14 : index
    %get3A_889 = arith.constant 0 : index
    %get3A_890 = vector.load %arg3[%get3A_888, %get3A_889] : memref<81x640xf32, #tpu.memory_space<vmem>>, vector<1x640xf32>
    %mul3A_891 = vector.broadcast %get3A_890 : vector<1x640xf32> to vector<64x640xf32>
    %mul3A_892 = arith.mulf %mul3A_891, %mul3A_216 : vector<64x640xf32>
    %add3A_893 = arith.addf %mul3A_887, %mul3A_892 : vector<64x640xf32>
    %get3A_894 = arith.constant 23 : index
    %get3A_895 = arith.constant 0 : index
    %get3A_896 = vector.load %arg3[%get3A_894, %get3A_895] : memref<81x640xf32, #tpu.memory_space<vmem>>, vector<1x640xf32>
    %mul3A_897 = vector.broadcast %get3A_896 : vector<1x640xf32> to vector<64x640xf32>
    %mul3A_898 = arith.mulf %mul3A_897, %mul3A_270 : vector<64x640xf32>
    %add3A_899 = arith.addf %add3A_893, %mul3A_898 : vector<64x640xf32>
    %get3A_900 = arith.constant 32 : index
    %get3A_901 = arith.constant 0 : index
    %get3A_902 = vector.load %arg3[%get3A_900, %get3A_901] : memref<81x640xf32, #tpu.memory_space<vmem>>, vector<1x640xf32>
    %mul3A_903 = vector.broadcast %get3A_902 : vector<1x640xf32> to vector<64x640xf32>
    %mul3A_904 = arith.mulf %mul3A_903, %mul3A_324 : vector<64x640xf32>
    %add3A_905 = arith.addf %add3A_899, %mul3A_904 : vector<64x640xf32>
    %get3A_906 = arith.constant 41 : index
    %get3A_907 = arith.constant 0 : index
    %get3A_908 = vector.load %arg3[%get3A_906, %get3A_907] : memref<81x640xf32, #tpu.memory_space<vmem>>, vector<1x640xf32>
    %mul3A_909 = vector.broadcast %get3A_908 : vector<1x640xf32> to vector<64x640xf32>
    %mul3A_910 = arith.mulf %mul3A_909, %mul3A_378 : vector<64x640xf32>
    %add3A_911 = arith.addf %add3A_905, %mul3A_910 : vector<64x640xf32>
    %get3A_912 = arith.constant 50 : index
    %get3A_913 = arith.constant 0 : index
    %get3A_914 = vector.load %arg3[%get3A_912, %get3A_913] : memref<81x640xf32, #tpu.memory_space<vmem>>, vector<1x640xf32>
    %mul3A_915 = vector.broadcast %get3A_914 : vector<1x640xf32> to vector<64x640xf32>
    %mul3A_916 = arith.mulf %mul3A_915, %mul3A_432 : vector<64x640xf32>
    %add3A_917 = arith.addf %add3A_911, %mul3A_916 : vector<64x640xf32>
    %get3A_918 = arith.constant 59 : index
    %get3A_919 = arith.constant 0 : index
    %get3A_920 = vector.load %arg3[%get3A_918, %get3A_919] : memref<81x640xf32, #tpu.memory_space<vmem>>, vector<1x640xf32>
    %mul3A_921 = vector.broadcast %get3A_920 : vector<1x640xf32> to vector<64x640xf32>
    %mul3A_922 = arith.mulf %mul3A_921, %mul3A_486 : vector<64x640xf32>
    %add3A_923 = arith.addf %add3A_917, %mul3A_922 : vector<64x640xf32>
    %get3A_924 = arith.constant 68 : index
    %get3A_925 = arith.constant 0 : index
    %get3A_926 = vector.load %arg3[%get3A_924, %get3A_925] : memref<81x640xf32, #tpu.memory_space<vmem>>, vector<1x640xf32>
    %mul3A_927 = vector.broadcast %get3A_926 : vector<1x640xf32> to vector<64x640xf32>
    %mul3A_928 = arith.mulf %mul3A_927, %mul3A_540 : vector<64x640xf32>
    %add3A_929 = arith.addf %add3A_923, %mul3A_928 : vector<64x640xf32>
    %get3A_930 = arith.constant 77 : index
    %get3A_931 = arith.constant 0 : index
    %get3A_932 = vector.load %arg3[%get3A_930, %get3A_931] : memref<81x640xf32, #tpu.memory_space<vmem>>, vector<1x640xf32>
    %mul3A_933 = vector.broadcast %get3A_932 : vector<1x640xf32> to vector<64x640xf32>
    %mul3A_934 = arith.mulf %mul3A_933, %mul3A_594 : vector<64x640xf32>
    %add3A_935 = arith.addf %add3A_929, %mul3A_934 : vector<64x640xf32>
    %mul3A_936 = vector.broadcast %get3A_7 : vector<1x640xf32> to vector<64x640xf32>
    %mul3A_937 = arith.mulf %add3A_935, %mul3A_936 : vector<64x640xf32>
    %dot_general3A_938 = arith.constant dense<0.000000e+00> : vector<640x32xf32>
    %dot_general3A_939 = tpu.matmul %mul3A_937, %get3A_597, %dot_general3A_938 {dimension_numbers = #tpu.dot_dimension_numbers<[0], [0], [1], [1], [0, 1, 1, 1], [], []>, transpose_lhs_hint = false} : vector<64x640xf32>, vector<64x32xf32>, vector<640x32xf32> -> vector<640x32xf32>
    %get3A_940 = arith.constant 6 : index
    %get3A_941 = arith.constant 0 : index
    %get3A_942 = vector.load %arg3[%get3A_940, %get3A_941] : memref<81x640xf32, #tpu.memory_space<vmem>>, vector<1x640xf32>
    %mul3A_943 = vector.broadcast %get3A_942 : vector<1x640xf32> to vector<64x640xf32>
    %mul3A_944 = arith.mulf %mul3A_943, %mul3A_162 : vector<64x640xf32>
    %get3A_945 = arith.constant 15 : index
    %get3A_946 = arith.constant 0 : index
    %get3A_947 = vector.load %arg3[%get3A_945, %get3A_946] : memref<81x640xf32, #tpu.memory_space<vmem>>, vector<1x640xf32>
    %mul3A_948 = vector.broadcast %get3A_947 : vector<1x640xf32> to vector<64x640xf32>
    %mul3A_949 = arith.mulf %mul3A_948, %mul3A_216 : vector<64x640xf32>
    %add3A_950 = arith.addf %mul3A_944, %mul3A_949 : vector<64x640xf32>
    %get3A_951 = arith.constant 24 : index
    %get3A_952 = arith.constant 0 : index
    %get3A_953 = vector.load %arg3[%get3A_951, %get3A_952] : memref<81x640xf32, #tpu.memory_space<vmem>>, vector<1x640xf32>
    %mul3A_954 = vector.broadcast %get3A_953 : vector<1x640xf32> to vector<64x640xf32>
    %mul3A_955 = arith.mulf %mul3A_954, %mul3A_270 : vector<64x640xf32>
    %add3A_956 = arith.addf %add3A_950, %mul3A_955 : vector<64x640xf32>
    %get3A_957 = arith.constant 33 : index
    %get3A_958 = arith.constant 0 : index
    %get3A_959 = vector.load %arg3[%get3A_957, %get3A_958] : memref<81x640xf32, #tpu.memory_space<vmem>>, vector<1x640xf32>
    %mul3A_960 = vector.broadcast %get3A_959 : vector<1x640xf32> to vector<64x640xf32>
    %mul3A_961 = arith.mulf %mul3A_960, %mul3A_324 : vector<64x640xf32>
    %add3A_962 = arith.addf %add3A_956, %mul3A_961 : vector<64x640xf32>
    %get3A_963 = arith.constant 42 : index
    %get3A_964 = arith.constant 0 : index
    %get3A_965 = vector.load %arg3[%get3A_963, %get3A_964] : memref<81x640xf32, #tpu.memory_space<vmem>>, vector<1x640xf32>
    %mul3A_966 = vector.broadcast %get3A_965 : vector<1x640xf32> to vector<64x640xf32>
    %mul3A_967 = arith.mulf %mul3A_966, %mul3A_378 : vector<64x640xf32>
    %add3A_968 = arith.addf %add3A_962, %mul3A_967 : vector<64x640xf32>
    %get3A_969 = arith.constant 51 : index
    %get3A_970 = arith.constant 0 : index
    %get3A_971 = vector.load %arg3[%get3A_969, %get3A_970] : memref<81x640xf32, #tpu.memory_space<vmem>>, vector<1x640xf32>
    %mul3A_972 = vector.broadcast %get3A_971 : vector<1x640xf32> to vector<64x640xf32>
    %mul3A_973 = arith.mulf %mul3A_972, %mul3A_432 : vector<64x640xf32>
    %add3A_974 = arith.addf %add3A_968, %mul3A_973 : vector<64x640xf32>
    %get3A_975 = arith.constant 60 : index
    %get3A_976 = arith.constant 0 : index
    %get3A_977 = vector.load %arg3[%get3A_975, %get3A_976] : memref<81x640xf32, #tpu.memory_space<vmem>>, vector<1x640xf32>
    %mul3A_978 = vector.broadcast %get3A_977 : vector<1x640xf32> to vector<64x640xf32>
    %mul3A_979 = arith.mulf %mul3A_978, %mul3A_486 : vector<64x640xf32>
    %add3A_980 = arith.addf %add3A_974, %mul3A_979 : vector<64x640xf32>
    %get3A_981 = arith.constant 69 : index
    %get3A_982 = arith.constant 0 : index
    %get3A_983 = vector.load %arg3[%get3A_981, %get3A_982] : memref<81x640xf32, #tpu.memory_space<vmem>>, vector<1x640xf32>
    %mul3A_984 = vector.broadcast %get3A_983 : vector<1x640xf32> to vector<64x640xf32>
    %mul3A_985 = arith.mulf %mul3A_984, %mul3A_540 : vector<64x640xf32>
    %add3A_986 = arith.addf %add3A_980, %mul3A_985 : vector<64x640xf32>
    %get3A_987 = arith.constant 78 : index
    %get3A_988 = arith.constant 0 : index
    %get3A_989 = vector.load %arg3[%get3A_987, %get3A_988] : memref<81x640xf32, #tpu.memory_space<vmem>>, vector<1x640xf32>
    %mul3A_990 = vector.broadcast %get3A_989 : vector<1x640xf32> to vector<64x640xf32>
    %mul3A_991 = arith.mulf %mul3A_990, %mul3A_594 : vector<64x640xf32>
    %add3A_992 = arith.addf %add3A_986, %mul3A_991 : vector<64x640xf32>
    %mul3A_993 = vector.broadcast %get3A_7 : vector<1x640xf32> to vector<64x640xf32>
    %mul3A_994 = arith.mulf %add3A_992, %mul3A_993 : vector<64x640xf32>
    %dot_general3A_995 = arith.constant dense<0.000000e+00> : vector<640x32xf32>
    %dot_general3A_996 = tpu.matmul %mul3A_994, %get3A_597, %dot_general3A_995 {dimension_numbers = #tpu.dot_dimension_numbers<[0], [0], [1], [1], [0, 1, 1, 1], [], []>, transpose_lhs_hint = false} : vector<64x640xf32>, vector<64x32xf32>, vector<640x32xf32> -> vector<640x32xf32>
    %get3A_997 = arith.constant 7 : index
    %get3A_998 = arith.constant 0 : index
    %get3A_999 = vector.load %arg3[%get3A_997, %get3A_998] : memref<81x640xf32, #tpu.memory_space<vmem>>, vector<1x640xf32>
    %mul3A_1000 = vector.broadcast %get3A_999 : vector<1x640xf32> to vector<64x640xf32>
    %mul3A_1001 = arith.mulf %mul3A_1000, %mul3A_162 : vector<64x640xf32>
    %get3A_1002 = arith.constant 16 : index
    %get3A_1003 = arith.constant 0 : index
    %get3A_1004 = vector.load %arg3[%get3A_1002, %get3A_1003] : memref<81x640xf32, #tpu.memory_space<vmem>>, vector<1x640xf32>
    %mul3A_1005 = vector.broadcast %get3A_1004 : vector<1x640xf32> to vector<64x640xf32>
    %mul3A_1006 = arith.mulf %mul3A_1005, %mul3A_216 : vector<64x640xf32>
    %add3A_1007 = arith.addf %mul3A_1001, %mul3A_1006 : vector<64x640xf32>
    %get3A_1008 = arith.constant 25 : index
    %get3A_1009 = arith.constant 0 : index
    %get3A_1010 = vector.load %arg3[%get3A_1008, %get3A_1009] : memref<81x640xf32, #tpu.memory_space<vmem>>, vector<1x640xf32>
    %mul3A_1011 = vector.broadcast %get3A_1010 : vector<1x640xf32> to vector<64x640xf32>
    %mul3A_1012 = arith.mulf %mul3A_1011, %mul3A_270 : vector<64x640xf32>
    %add3A_1013 = arith.addf %add3A_1007, %mul3A_1012 : vector<64x640xf32>
    %get3A_1014 = arith.constant 34 : index
    %get3A_1015 = arith.constant 0 : index
    %get3A_1016 = vector.load %arg3[%get3A_1014, %get3A_1015] : memref<81x640xf32, #tpu.memory_space<vmem>>, vector<1x640xf32>
    %mul3A_1017 = vector.broadcast %get3A_1016 : vector<1x640xf32> to vector<64x640xf32>
    %mul3A_1018 = arith.mulf %mul3A_1017, %mul3A_324 : vector<64x640xf32>
    %add3A_1019 = arith.addf %add3A_1013, %mul3A_1018 : vector<64x640xf32>
    %get3A_1020 = arith.constant 43 : index
    %get3A_1021 = arith.constant 0 : index
    %get3A_1022 = vector.load %arg3[%get3A_1020, %get3A_1021] : memref<81x640xf32, #tpu.memory_space<vmem>>, vector<1x640xf32>
    %mul3A_1023 = vector.broadcast %get3A_1022 : vector<1x640xf32> to vector<64x640xf32>
    %mul3A_1024 = arith.mulf %mul3A_1023, %mul3A_378 : vector<64x640xf32>
    %add3A_1025 = arith.addf %add3A_1019, %mul3A_1024 : vector<64x640xf32>
    %get3A_1026 = arith.constant 52 : index
    %get3A_1027 = arith.constant 0 : index
    %get3A_1028 = vector.load %arg3[%get3A_1026, %get3A_1027] : memref<81x640xf32, #tpu.memory_space<vmem>>, vector<1x640xf32>
    %mul3A_1029 = vector.broadcast %get3A_1028 : vector<1x640xf32> to vector<64x640xf32>
    %mul3A_1030 = arith.mulf %mul3A_1029, %mul3A_432 : vector<64x640xf32>
    %add3A_1031 = arith.addf %add3A_1025, %mul3A_1030 : vector<64x640xf32>
    %get3A_1032 = arith.constant 61 : index
    %get3A_1033 = arith.constant 0 : index
    %get3A_1034 = vector.load %arg3[%get3A_1032, %get3A_1033] : memref<81x640xf32, #tpu.memory_space<vmem>>, vector<1x640xf32>
    %mul3A_1035 = vector.broadcast %get3A_1034 : vector<1x640xf32> to vector<64x640xf32>
    %mul3A_1036 = arith.mulf %mul3A_1035, %mul3A_486 : vector<64x640xf32>
    %add3A_1037 = arith.addf %add3A_1031, %mul3A_1036 : vector<64x640xf32>
    %get3A_1038 = arith.constant 70 : index
    %get3A_1039 = arith.constant 0 : index
    %get3A_1040 = vector.load %arg3[%get3A_1038, %get3A_1039] : memref<81x640xf32, #tpu.memory_space<vmem>>, vector<1x640xf32>
    %mul3A_1041 = vector.broadcast %get3A_1040 : vector<1x640xf32> to vector<64x640xf32>
    %mul3A_1042 = arith.mulf %mul3A_1041, %mul3A_540 : vector<64x640xf32>
    %add3A_1043 = arith.addf %add3A_1037, %mul3A_1042 : vector<64x640xf32>
    %get3A_1044 = arith.constant 79 : index
    %get3A_1045 = arith.constant 0 : index
    %get3A_1046 = vector.load %arg3[%get3A_1044, %get3A_1045] : memref<81x640xf32, #tpu.memory_space<vmem>>, vector<1x640xf32>
    %mul3A_1047 = vector.broadcast %get3A_1046 : vector<1x640xf32> to vector<64x640xf32>
    %mul3A_1048 = arith.mulf %mul3A_1047, %mul3A_594 : vector<64x640xf32>
    %add3A_1049 = arith.addf %add3A_1043, %mul3A_1048 : vector<64x640xf32>
    %mul3A_1050 = vector.broadcast %get3A_7 : vector<1x640xf32> to vector<64x640xf32>
    %mul3A_1051 = arith.mulf %add3A_1049, %mul3A_1050 : vector<64x640xf32>
    %dot_general3A_1052 = arith.constant dense<0.000000e+00> : vector<640x32xf32>
    %dot_general3A_1053 = tpu.matmul %mul3A_1051, %get3A_597, %dot_general3A_1052 {dimension_numbers = #tpu.dot_dimension_numbers<[0], [0], [1], [1], [0, 1, 1, 1], [], []>, transpose_lhs_hint = false} : vector<64x640xf32>, vector<64x32xf32>, vector<640x32xf32> -> vector<640x32xf32>
    %get3A_1054 = arith.constant 8 : index
    %get3A_1055 = arith.constant 0 : index
    %get3A_1056 = vector.load %arg3[%get3A_1054, %get3A_1055] : memref<81x640xf32, #tpu.memory_space<vmem>>, vector<1x640xf32>
    %mul3A_1057 = vector.broadcast %get3A_1056 : vector<1x640xf32> to vector<64x640xf32>
    %mul3A_1058 = arith.mulf %mul3A_1057, %mul3A_162 : vector<64x640xf32>
    %get3A_1059 = arith.constant 17 : index
    %get3A_1060 = arith.constant 0 : index
    %get3A_1061 = vector.load %arg3[%get3A_1059, %get3A_1060] : memref<81x640xf32, #tpu.memory_space<vmem>>, vector<1x640xf32>
    %mul3A_1062 = vector.broadcast %get3A_1061 : vector<1x640xf32> to vector<64x640xf32>
    %mul3A_1063 = arith.mulf %mul3A_1062, %mul3A_216 : vector<64x640xf32>
    %add3A_1064 = arith.addf %mul3A_1058, %mul3A_1063 : vector<64x640xf32>
    %get3A_1065 = arith.constant 26 : index
    %get3A_1066 = arith.constant 0 : index
    %get3A_1067 = vector.load %arg3[%get3A_1065, %get3A_1066] : memref<81x640xf32, #tpu.memory_space<vmem>>, vector<1x640xf32>
    %mul3A_1068 = vector.broadcast %get3A_1067 : vector<1x640xf32> to vector<64x640xf32>
    %mul3A_1069 = arith.mulf %mul3A_1068, %mul3A_270 : vector<64x640xf32>
    %add3A_1070 = arith.addf %add3A_1064, %mul3A_1069 : vector<64x640xf32>
    %get3A_1071 = arith.constant 35 : index
    %get3A_1072 = arith.constant 0 : index
    %get3A_1073 = vector.load %arg3[%get3A_1071, %get3A_1072] : memref<81x640xf32, #tpu.memory_space<vmem>>, vector<1x640xf32>
    %mul3A_1074 = vector.broadcast %get3A_1073 : vector<1x640xf32> to vector<64x640xf32>
    %mul3A_1075 = arith.mulf %mul3A_1074, %mul3A_324 : vector<64x640xf32>
    %add3A_1076 = arith.addf %add3A_1070, %mul3A_1075 : vector<64x640xf32>
    %get3A_1077 = arith.constant 44 : index
    %get3A_1078 = arith.constant 0 : index
    %get3A_1079 = vector.load %arg3[%get3A_1077, %get3A_1078] : memref<81x640xf32, #tpu.memory_space<vmem>>, vector<1x640xf32>
    %mul3A_1080 = vector.broadcast %get3A_1079 : vector<1x640xf32> to vector<64x640xf32>
    %mul3A_1081 = arith.mulf %mul3A_1080, %mul3A_378 : vector<64x640xf32>
    %add3A_1082 = arith.addf %add3A_1076, %mul3A_1081 : vector<64x640xf32>
    %get3A_1083 = arith.constant 53 : index
    %get3A_1084 = arith.constant 0 : index
    %get3A_1085 = vector.load %arg3[%get3A_1083, %get3A_1084] : memref<81x640xf32, #tpu.memory_space<vmem>>, vector<1x640xf32>
    %mul3A_1086 = vector.broadcast %get3A_1085 : vector<1x640xf32> to vector<64x640xf32>
    %mul3A_1087 = arith.mulf %mul3A_1086, %mul3A_432 : vector<64x640xf32>
    %add3A_1088 = arith.addf %add3A_1082, %mul3A_1087 : vector<64x640xf32>
    %get3A_1089 = arith.constant 62 : index
    %get3A_1090 = arith.constant 0 : index
    %get3A_1091 = vector.load %arg3[%get3A_1089, %get3A_1090] : memref<81x640xf32, #tpu.memory_space<vmem>>, vector<1x640xf32>
    %mul3A_1092 = vector.broadcast %get3A_1091 : vector<1x640xf32> to vector<64x640xf32>
    %mul3A_1093 = arith.mulf %mul3A_1092, %mul3A_486 : vector<64x640xf32>
    %add3A_1094 = arith.addf %add3A_1088, %mul3A_1093 : vector<64x640xf32>
    %get3A_1095 = arith.constant 71 : index
    %get3A_1096 = arith.constant 0 : index
    %get3A_1097 = vector.load %arg3[%get3A_1095, %get3A_1096] : memref<81x640xf32, #tpu.memory_space<vmem>>, vector<1x640xf32>
    %mul3A_1098 = vector.broadcast %get3A_1097 : vector<1x640xf32> to vector<64x640xf32>
    %mul3A_1099 = arith.mulf %mul3A_1098, %mul3A_540 : vector<64x640xf32>
    %add3A_1100 = arith.addf %add3A_1094, %mul3A_1099 : vector<64x640xf32>
    %get3A_1101 = arith.constant 80 : index
    %get3A_1102 = arith.constant 0 : index
    %get3A_1103 = vector.load %arg3[%get3A_1101, %get3A_1102] : memref<81x640xf32, #tpu.memory_space<vmem>>, vector<1x640xf32>
    %mul3A_1104 = vector.broadcast %get3A_1103 : vector<1x640xf32> to vector<64x640xf32>
    %mul3A_1105 = arith.mulf %mul3A_1104, %mul3A_594 : vector<64x640xf32>
    %add3A_1106 = arith.addf %add3A_1100, %mul3A_1105 : vector<64x640xf32>
    %mul3A_1107 = vector.broadcast %get3A_7 : vector<1x640xf32> to vector<64x640xf32>
    %mul3A_1108 = arith.mulf %add3A_1106, %mul3A_1107 : vector<64x640xf32>
    %dot_general3A_1109 = arith.constant dense<0.000000e+00> : vector<640x32xf32>
    %dot_general3A_1110 = tpu.matmul %mul3A_1108, %get3A_597, %dot_general3A_1109 {dimension_numbers = #tpu.dot_dimension_numbers<[0], [0], [1], [1], [0, 1, 1, 1], [], []>, transpose_lhs_hint = false} : vector<64x640xf32>, vector<64x32xf32>, vector<640x32xf32> -> vector<640x32xf32>
    %concatenate3A = tpu.concatenate %dot_general3A_654, %dot_general3A_711, %dot_general3A_768, %dot_general3A_825, %dot_general3A_882, %dot_general3A_939, %dot_general3A_996, %dot_general3A_1053, %dot_general3A_1110 in 1 : vector<640x32xf32>, vector<640x32xf32>, vector<640x32xf32>, vector<640x32xf32>, vector<640x32xf32>, vector<640x32xf32>, vector<640x32xf32>, vector<640x32xf32>, vector<640x32xf32> -> vector<640x288xf32>
    %swap3A = arith.constant 0 : index
    %swap3A_1111 = arith.constant 0 : index
    %swap3A_1112 = vector.load %arg13[%swap3A, %swap3A_1111] : memref<640x288xf32, #tpu.memory_space<vmem>>, vector<640x288xf32>
    tpu.vector_store %arg13[%swap3A, %swap3A_1111], %concatenate3A {strides = array<i32>} : memref<640x288xf32, #tpu.memory_space<vmem>>, vector<640x288xf32>,
    return
  }
  func.func @transform_0(%arg0: i32) -> (i32, i32) {
    %c0_i32 = arith.constant 0 : i32
    %c0_i32_0 = arith.constant 0 : i32
    return %arg0, %c0_i32 : i32, i32
  }
  func.func @transform_1(%arg0: i32) -> (i32, i32) {
    %c0_i32 = arith.constant 0 : i32
    %c0_i32_0 = arith.constant 0 : i32
    return %arg0, %c0_i32 : i32, i32
  }
  func.func @transform_2(%arg0: i32) -> (i32, i32) {
    %c0_i32 = arith.constant 0 : i32
    %c0_i32_0 = arith.constant 0 : i32
    return %c0_i32, %arg0 : i32, i32
  }
  func.func @transform_3(%arg0: i32) -> (i32, i32) {
    %c0_i32 = arith.constant 0 : i32
    %c0_i32_0 = arith.constant 0 : i32
    return %arg0, %c0_i32 : i32, i32
  }
  func.func @transform_4(%arg0: i32) -> (i32, i32) {
    %c0_i32 = arith.constant 0 : i32
    %c0_i32_0 = arith.constant 0 : i32
    return %c0_i32, %arg0 : i32, i32
  }
  func.func @transform_5(%arg0: i32) -> (i32, i32) {
    %c0_i32 = arith.constant 0 : i32
    %c0_i32_0 = arith.constant 0 : i32
    %c0_i32_1 = arith.constant 0 : i32
    return %c0_i32, %c0_i32_0 : i32, i32
  }
  func.func @transform_6(%arg0: i32) -> (i32, i32) {
    %c0_i32 = arith.constant 0 : i32
    %c0_i32_0 = arith.constant 0 : i32
    %c0_i32_1 = arith.constant 0 : i32
    return %c0_i32, %c0_i32_0 : i32, i32
  }
  func.func @transform_7(%arg0: i32) -> (i32, i32) {
    %c0_i32 = arith.constant 0 : i32
    %c0_i32_0 = arith.constant 0 : i32
    %c0_i32_1 = arith.constant 0 : i32
    return %c0_i32, %c0_i32_0 : i32, i32
  }
  func.func @transform_8(%arg0: i32) -> (i32, i32) {
    %c0_i32 = arith.constant 0 : i32
    %c0_i32_0 = arith.constant 0 : i32
    %c0_i32_1 = arith.constant 0 : i32
    return %c0_i32, %c0_i32_0 : i32, i32
  }
  func.func @transform_9(%arg0: i32) -> (i32, i32) {
    %c0_i32 = arith.constant 0 : i32
    %c0_i32_0 = arith.constant 0 : i32
    %c0_i32_1 = arith.constant 0 : i32
    return %c0_i32, %c0_i32_0 : i32, i32
  }
  func.func @transform_10(%arg0: i32) -> (i32, i32) {
    %c0_i32 = arith.constant 0 : i32
    %c0_i32_0 = arith.constant 0 : i32
    %c0_i32_1 = arith.constant 0 : i32
    return %c0_i32, %c0_i32_0 : i32, i32
  }
  func.func @transform_11(%arg0: i32) -> (i32, i32) {
    %c0_i32 = arith.constant 0 : i32
    %c0_i32_0 = arith.constant 0 : i32
    %c0_i32_1 = arith.constant 0 : i32
    return %c0_i32, %c0_i32_0 : i32, i32
  }
  func.func @transform_12(%arg0: i32) -> (i32, i32) {
    %c0_i32 = arith.constant 0 : i32
    %c0_i32_0 = arith.constant 0 : i32
    return %arg0, %c0_i32 : i32, i32
  }
}

module attributes {stable_mosaic.version = 14 : i64} {
  func.func @_k3_body(%arg0: i32, %arg1: memref<640x288xf32, #tpu.memory_space<vmem>>, %arg2: memref<640x288xf32, #tpu.memory_space<vmem>>, %arg3: memref<81x640xf32, #tpu.memory_space<vmem>>, %arg4: memref<640x64xf32, #tpu.memory_space<vmem>>, %arg5: memref<1x640xf32, #tpu.memory_space<vmem>>, %arg6: memref<64x64xf32, #tpu.memory_space<vmem>>, %arg7: memref<64x1xf32, #tpu.memory_space<vmem>>, %arg8: memref<64x64xf32, #tpu.memory_space<vmem>>, %arg9: memref<64x1xf32, #tpu.memory_space<vmem>>, %arg10: memref<32x64xf32, #tpu.memory_space<vmem>>, %arg11: memref<32x64xf32, #tpu.memory_space<vmem>>, %arg12: memref<64x32xf32, #tpu.memory_space<vmem>>, %arg13: memref<640x288xf32, #tpu.memory_space<vmem>>) attributes {dimension_semantics = [#tpu.dimension_semantics<arbitrary>], iteration_bounds = array<i64: 64>, scalar_prefetch = 0 : i64, scratch_operands = 0 : i64, tpu.core_type = #tpu.core_type<tc>, window_params = [{transform_indices = @transform_0, window_bounds = array<i64: 640, 288>}, {transform_indices = @transform_1, window_bounds = array<i64: 640, 288>}, {transform_indices = @transform_2, window_bounds = array<i64: 81, 640>}, {transform_indices = @transform_3, window_bounds = array<i64: 640, 64>}, {transform_indices = @transform_4, window_bounds = array<i64: 1, 640>}, {pipeline_mode = #tpu.pipeline_mode<synchronous>, transform_indices = @transform_5, window_bounds = array<i64: 64, 64>}, {pipeline_mode = #tpu.pipeline_mode<synchronous>, transform_indices = @transform_6, window_bounds = array<i64: 64, 1>}, {pipeline_mode = #tpu.pipeline_mode<synchronous>, transform_indices = @transform_7, window_bounds = array<i64: 64, 64>}, {pipeline_mode = #tpu.pipeline_mode<synchronous>, transform_indices = @transform_8, window_bounds = array<i64: 64, 1>}, {pipeline_mode = #tpu.pipeline_mode<synchronous>, transform_indices = @transform_9, window_bounds = array<i64: 32, 64>}, {pipeline_mode = #tpu.pipeline_mode<synchronous>, transform_indices = @transform_10, window_bounds = array<i64: 32, 64>}, {pipeline_mode = #tpu.pipeline_mode<synchronous>, transform_indices = @transform_11, window_bounds = array<i64: 64, 32>}, {transform_indices = @transform_12, window_bounds = array<i64: 640, 288>}]} {
    %get3A = arith.constant 0 : index
    %get3A_0 = arith.constant 0 : index
    %get3A_1 = vector.load %arg1[%get3A, %get3A_0] : memref<640x288xf32, #tpu.memory_space<vmem>>, vector<640x288xf32>
    %get3A_2 = arith.constant 0 : index
    %get3A_3 = arith.constant 0 : index
    %get3A_4 = vector.load %arg2[%get3A_2, %get3A_3] : memref<640x288xf32, #tpu.memory_space<vmem>>, vector<640x288xf32>
    %get3A_5 = arith.constant 0 : index
    %get3A_6 = arith.constant 0 : index
    %get3A_7 = vector.load %arg5[%get3A_5, %get3A_6] : memref<1x640xf32, #tpu.memory_space<vmem>>, vector<1x640xf32>
    %get3A_8 = arith.constant 0 : index
    %get3A_9 = arith.constant 0 : index
    %get3A_10 = vector.load %arg6[%get3A_8, %get3A_9] : memref<64x64xf32, #tpu.memory_space<vmem>>, vector<64x64xf32>
    %get3A_11 = arith.constant 0 : index
    %get3A_12 = arith.constant 0 : index
    %get3A_13 = vector.load %arg4[%get3A_11, %get3A_12] : memref<640x64xf32, #tpu.memory_space<vmem>>, vector<640x64xf32>
    %dot_general3A = arith.constant dense<0.000000e+00> : vector<64x640xf32>
    %dot_general3A_14 = tpu.matmul %get3A_10, %get3A_13, %dot_general3A {dimension_numbers = #tpu.dot_dimension_numbers<[0], [1], [1], [0], [0, 1, 1, 0], [], []>, transpose_lhs_hint = false} : vector<64x64xf32>, vector<640x64xf32>, vector<64x640xf32> -> vector<64x640xf32>
    %get3A_15 = arith.constant 0 : index
    %get3A_16 = arith.constant 0 : index
    %get3A_17 = vector.load %arg7[%get3A_15, %get3A_16] : memref<64x1xf32, #tpu.memory_space<vmem>>, vector<64x1xf32>
    %add3A = vector.broadcast %get3A_17 : vector<64x1xf32> to vector<64x640xf32>
    %add3A_18 = arith.addf %dot_general3A_14, %add3A : vector<64x640xf32>
    %logistic3A = arith.negf %add3A_18 : vector<64x640xf32>
    %logistic3A_19 = math.exp %logistic3A : vector<64x640xf32>
    %logistic3A_20 = arith.constant 1.000000e+00 : f32
    %logistic3A_21 = vector.broadcast %logistic3A_20 : f32 to vector<64x640xf32>
    %logistic3A_22 = arith.addf %logistic3A_21, %logistic3A_19 : vector<64x640xf32>
    %logistic3A_23 = arith.divf %logistic3A_21, %logistic3A_22 : vector<64x640xf32>
    %mul3A = arith.mulf %add3A_18, %logistic3A_23 : vector<64x640xf32>
    %get3A_24 = arith.constant 0 : index
    %get3A_25 = arith.constant 0 : index
    %get3A_26 = vector.load %arg8[%get3A_24, %get3A_25] : memref<64x64xf32, #tpu.memory_space<vmem>>, vector<64x64xf32>
    %dot_general3A_27 = arith.constant dense<0.000000e+00> : vector<64x640xf32>
    %dot_general3A_28 = tpu.matmul %get3A_26, %mul3A, %dot_general3A_27 {dimension_numbers = #tpu.dot_dimension_numbers<[0], [0], [1], [1], [0, 1, 1, 1], [], []>, transpose_lhs_hint = false} : vector<64x64xf32>, vector<64x640xf32>, vector<64x640xf32> -> vector<64x640xf32>
    %get3A_29 = arith.constant 0 : index
    %get3A_30 = arith.constant 0 : index
    %get3A_31 = vector.load %arg9[%get3A_29, %get3A_30] : memref<64x1xf32, #tpu.memory_space<vmem>>, vector<64x1xf32>
    %add3A_32 = vector.broadcast %get3A_31 : vector<64x1xf32> to vector<64x640xf32>
    %add3A_33 = arith.addf %dot_general3A_28, %add3A_32 : vector<64x640xf32>
    %logistic3A_34 = arith.negf %add3A_33 : vector<64x640xf32>
    %logistic3A_35 = math.exp %logistic3A_34 : vector<64x640xf32>
    %logistic3A_36 = arith.constant 1.000000e+00 : f32
    %logistic3A_37 = vector.broadcast %logistic3A_36 : f32 to vector<64x640xf32>
    %logistic3A_38 = arith.addf %logistic3A_37, %logistic3A_35 : vector<64x640xf32>
    %logistic3A_39 = arith.divf %logistic3A_37, %logistic3A_38 : vector<64x640xf32>
    %mul3A_40 = arith.mulf %add3A_33, %logistic3A_39 : vector<64x640xf32>
    %get3A_41 = arith.constant 0 : index
    %get3A_42 = arith.constant 0 : index
    %get3A_43 = vector.load %arg10[%get3A_41, %get3A_42] : memref<32x64xf32, #tpu.memory_space<vmem>>, vector<32x64xf32>
    %get3A_44 = arith.constant 0 : index
    %get3A_45 = arith.constant 0 : index
    %get3A_46 = vector.load %arg11[%get3A_44, %get3A_45] : memref<32x64xf32, #tpu.memory_space<vmem>>, vector<32x64xf32>
    %slice3A = vector.extract_strided_slice %get3A_1 {offsets = [0, 0], sizes = [640, 32], strides = [1, 1]} : vector<640x288xf32> to vector<640x32xf32>
    %dot_general3A_47 = arith.constant dense<0.000000e+00> : vector<64x640xf32>
    %dot_general3A_48 = tpu.matmul %get3A_43, %slice3A, %dot_general3A_47 {dimension_numbers = #tpu.dot_dimension_numbers<[0], [1], [1], [0], [0, 1, 1, 0], [], []>, transpose_lhs_hint = false} : vector<32x64xf32>, vector<640x32xf32>, vector<64x640xf32> -> vector<64x640xf32>
    %slice3A_49 = vector.extract_strided_slice %get3A_4 {offsets = [0, 0], sizes = [640, 32], strides = [1, 1]} : vector<640x288xf32> to vector<640x32xf32>
    %dot_general3A_50 = arith.constant dense<0.000000e+00> : vector<64x640xf32>
    %dot_general3A_51 = tpu.matmul %get3A_46, %slice3A_49, %dot_general3A_50 {dimension_numbers = #tpu.dot_dimension_numbers<[0], [1], [1], [0], [0, 1, 1, 0], [], []>, transpose_lhs_hint = false} : vector<32x64xf32>, vector<640x32xf32>, vector<64x640xf32> -> vector<64x640xf32>
    %add3A_52 = arith.addf %dot_general3A_48, %dot_general3A_51 : vector<64x640xf32>
    %slice3A_53 = vector.extract_strided_slice %get3A_1 {offsets = [0, 32], sizes = [640, 32], strides = [1, 1]} : vector<640x288xf32> to vector<640x32xf32>
    %dot_general3A_54 = arith.constant dense<0.000000e+00> : vector<64x640xf32>
    %dot_general3A_55 = tpu.matmul %get3A_43, %slice3A_53, %dot_general3A_54 {dimension_numbers = #tpu.dot_dimension_numbers<[0], [1], [1], [0], [0, 1, 1, 0], [], []>, transpose_lhs_hint = false} : vector<32x64xf32>, vector<640x32xf32>, vector<64x640xf32> -> vector<64x640xf32>
    %slice3A_56 = vector.extract_strided_slice %get3A_4 {offsets = [0, 32], sizes = [640, 32], strides = [1, 1]} : vector<640x288xf32> to vector<640x32xf32>
    %dot_general3A_57 = arith.constant dense<0.000000e+00> : vector<64x640xf32>
    %dot_general3A_58 = tpu.matmul %get3A_46, %slice3A_56, %dot_general3A_57 {dimension_numbers = #tpu.dot_dimension_numbers<[0], [1], [1], [0], [0, 1, 1, 0], [], []>, transpose_lhs_hint = false} : vector<32x64xf32>, vector<640x32xf32>, vector<64x640xf32> -> vector<64x640xf32>
    %add3A_59 = arith.addf %dot_general3A_55, %dot_general3A_58 : vector<64x640xf32>
    %slice3A_60 = vector.extract_strided_slice %get3A_1 {offsets = [0, 64], sizes = [640, 32], strides = [1, 1]} : vector<640x288xf32> to vector<640x32xf32>
    %dot_general3A_61 = arith.constant dense<0.000000e+00> : vector<64x640xf32>
    %dot_general3A_62 = tpu.matmul %get3A_43, %slice3A_60, %dot_general3A_61 {dimension_numbers = #tpu.dot_dimension_numbers<[0], [1], [1], [0], [0, 1, 1, 0], [], []>, transpose_lhs_hint = false} : vector<32x64xf32>, vector<640x32xf32>, vector<64x640xf32> -> vector<64x640xf32>
    %slice3A_63 = vector.extract_strided_slice %get3A_4 {offsets = [0, 64], sizes = [640, 32], strides = [1, 1]} : vector<640x288xf32> to vector<640x32xf32>
    %dot_general3A_64 = arith.constant dense<0.000000e+00> : vector<64x640xf32>
    %dot_general3A_65 = tpu.matmul %get3A_46, %slice3A_63, %dot_general3A_64 {dimension_numbers = #tpu.dot_dimension_numbers<[0], [1], [1], [0], [0, 1, 1, 0], [], []>, transpose_lhs_hint = false} : vector<32x64xf32>, vector<640x32xf32>, vector<64x640xf32> -> vector<64x640xf32>
    %add3A_66 = arith.addf %dot_general3A_62, %dot_general3A_65 : vector<64x640xf32>
    %slice3A_67 = vector.extract_strided_slice %get3A_1 {offsets = [0, 96], sizes = [640, 32], strides = [1, 1]} : vector<640x288xf32> to vector<640x32xf32>
    %dot_general3A_68 = arith.constant dense<0.000000e+00> : vector<64x640xf32>
    %dot_general3A_69 = tpu.matmul %get3A_43, %slice3A_67, %dot_general3A_68 {dimension_numbers = #tpu.dot_dimension_numbers<[0], [1], [1], [0], [0, 1, 1, 0], [], []>, transpose_lhs_hint = false} : vector<32x64xf32>, vector<640x32xf32>, vector<64x640xf32> -> vector<64x640xf32>
    %slice3A_70 = vector.extract_strided_slice %get3A_4 {offsets = [0, 96], sizes = [640, 32], strides = [1, 1]} : vector<640x288xf32> to vector<640x32xf32>
    %dot_general3A_71 = arith.constant dense<0.000000e+00> : vector<64x640xf32>
    %dot_general3A_72 = tpu.matmul %get3A_46, %slice3A_70, %dot_general3A_71 {dimension_numbers = #tpu.dot_dimension_numbers<[0], [1], [1], [0], [0, 1, 1, 0], [], []>, transpose_lhs_hint = false} : vector<32x64xf32>, vector<640x32xf32>, vector<64x640xf32> -> vector<64x640xf32>
    %add3A_73 = arith.addf %dot_general3A_69, %dot_general3A_72 : vector<64x640xf32>
    %slice3A_74 = vector.extract_strided_slice %get3A_1 {offsets = [0, 128], sizes = [640, 32], strides = [1, 1]} : vector<640x288xf32> to vector<640x32xf32>
    %dot_general3A_75 = arith.constant dense<0.000000e+00> : vector<64x640xf32>
    %dot_general3A_76 = tpu.matmul %get3A_43, %slice3A_74, %dot_general3A_75 {dimension_numbers = #tpu.dot_dimension_numbers<[0], [1], [1], [0], [0, 1, 1, 0], [], []>, transpose_lhs_hint = false} : vector<32x64xf32>, vector<640x32xf32>, vector<64x640xf32> -> vector<64x640xf32>
    %slice3A_77 = vector.extract_strided_slice %get3A_4 {offsets = [0, 128], sizes = [640, 32], strides = [1, 1]} : vector<640x288xf32> to vector<640x32xf32>
    %dot_general3A_78 = arith.constant dense<0.000000e+00> : vector<64x640xf32>
    %dot_general3A_79 = tpu.matmul %get3A_46, %slice3A_77, %dot_general3A_78 {dimension_numbers = #tpu.dot_dimension_numbers<[0], [1], [1], [0], [0, 1, 1, 0], [], []>, transpose_lhs_hint = false} : vector<32x64xf32>, vector<640x32xf32>, vector<64x640xf32> -> vector<64x640xf32>
    %add3A_80 = arith.addf %dot_general3A_76, %dot_general3A_79 : vector<64x640xf32>
    %slice3A_81 = vector.extract_strided_slice %get3A_1 {offsets = [0, 160], sizes = [640, 32], strides = [1, 1]} : vector<640x288xf32> to vector<640x32xf32>
    %dot_general3A_82 = arith.constant dense<0.000000e+00> : vector<64x640xf32>
    %dot_general3A_83 = tpu.matmul %get3A_43, %slice3A_81, %dot_general3A_82 {dimension_numbers = #tpu.dot_dimension_numbers<[0], [1], [1], [0], [0, 1, 1, 0], [], []>, transpose_lhs_hint = false} : vector<32x64xf32>, vector<640x32xf32>, vector<64x640xf32> -> vector<64x640xf32>
    %slice3A_84 = vector.extract_strided_slice %get3A_4 {offsets = [0, 160], sizes = [640, 32], strides = [1, 1]} : vector<640x288xf32> to vector<640x32xf32>
    %dot_general3A_85 = arith.constant dense<0.000000e+00> : vector<64x640xf32>
    %dot_general3A_86 = tpu.matmul %get3A_46, %slice3A_84, %dot_general3A_85 {dimension_numbers = #tpu.dot_dimension_numbers<[0], [1], [1], [0], [0, 1, 1, 0], [], []>, transpose_lhs_hint = false} : vector<32x64xf32>, vector<640x32xf32>, vector<64x640xf32> -> vector<64x640xf32>
    %add3A_87 = arith.addf %dot_general3A_83, %dot_general3A_86 : vector<64x640xf32>
    %slice3A_88 = vector.extract_strided_slice %get3A_1 {offsets = [0, 192], sizes = [640, 32], strides = [1, 1]} : vector<640x288xf32> to vector<640x32xf32>
    %dot_general3A_89 = arith.constant dense<0.000000e+00> : vector<64x640xf32>
    %dot_general3A_90 = tpu.matmul %get3A_43, %slice3A_88, %dot_general3A_89 {dimension_numbers = #tpu.dot_dimension_numbers<[0], [1], [1], [0], [0, 1, 1, 0], [], []>, transpose_lhs_hint = false} : vector<32x64xf32>, vector<640x32xf32>, vector<64x640xf32> -> vector<64x640xf32>
    %slice3A_91 = vector.extract_strided_slice %get3A_4 {offsets = [0, 192], sizes = [640, 32], strides = [1, 1]} : vector<640x288xf32> to vector<640x32xf32>
    %dot_general3A_92 = arith.constant dense<0.000000e+00> : vector<64x640xf32>
    %dot_general3A_93 = tpu.matmul %get3A_46, %slice3A_91, %dot_general3A_92 {dimension_numbers = #tpu.dot_dimension_numbers<[0], [1], [1], [0], [0, 1, 1, 0], [], []>, transpose_lhs_hint = false} : vector<32x64xf32>, vector<640x32xf32>, vector<64x640xf32> -> vector<64x640xf32>
    %add3A_94 = arith.addf %dot_general3A_90, %dot_general3A_93 : vector<64x640xf32>
    %slice3A_95 = vector.extract_strided_slice %get3A_1 {offsets = [0, 224], sizes = [640, 32], strides = [1, 1]} : vector<640x288xf32> to vector<640x32xf32>
    %dot_general3A_96 = arith.constant dense<0.000000e+00> : vector<64x640xf32>
    %dot_general3A_97 = tpu.matmul %get3A_43, %slice3A_95, %dot_general3A_96 {dimension_numbers = #tpu.dot_dimension_numbers<[0], [1], [1], [0], [0, 1, 1, 0], [], []>, transpose_lhs_hint = false} : vector<32x64xf32>, vector<640x32xf32>, vector<64x640xf32> -> vector<64x640xf32>
    %slice3A_98 = vector.extract_strided_slice %get3A_4 {offsets = [0, 224], sizes = [640, 32], strides = [1, 1]} : vector<640x288xf32> to vector<640x32xf32>
    %dot_general3A_99 = arith.constant dense<0.000000e+00> : vector<64x640xf32>
    %dot_general3A_100 = tpu.matmul %get3A_46, %slice3A_98, %dot_general3A_99 {dimension_numbers = #tpu.dot_dimension_numbers<[0], [1], [1], [0], [0, 1, 1, 0], [], []>, transpose_lhs_hint = false} : vector<32x64xf32>, vector<640x32xf32>, vector<64x640xf32> -> vector<64x640xf32>
    %add3A_101 = arith.addf %dot_general3A_97, %dot_general3A_100 : vector<64x640xf32>
    %slice3A_102 = vector.extract_strided_slice %get3A_1 {offsets = [0, 256], sizes = [640, 32], strides = [1, 1]} : vector<640x288xf32> to vector<640x32xf32>
    %dot_general3A_103 = arith.constant dense<0.000000e+00> : vector<64x640xf32>
    %dot_general3A_104 = tpu.matmul %get3A_43, %slice3A_102, %dot_general3A_103 {dimension_numbers = #tpu.dot_dimension_numbers<[0], [1], [1], [0], [0, 1, 1, 0], [], []>, transpose_lhs_hint = false} : vector<32x64xf32>, vector<640x32xf32>, vector<64x640xf32> -> vector<64x640xf32>
    %slice3A_105 = vector.extract_strided_slice %get3A_4 {offsets = [0, 256], sizes = [640, 32], strides = [1, 1]} : vector<640x288xf32> to vector<640x32xf32>
    %dot_general3A_106 = arith.constant dense<0.000000e+00> : vector<64x640xf32>
    %dot_general3A_107 = tpu.matmul %get3A_46, %slice3A_105, %dot_general3A_106 {dimension_numbers = #tpu.dot_dimension_numbers<[0], [1], [1], [0], [0, 1, 1, 0], [], []>, transpose_lhs_hint = false} : vector<32x64xf32>, vector<640x32xf32>, vector<64x640xf32> -> vector<64x640xf32>
    %add3A_108 = arith.addf %dot_general3A_104, %dot_general3A_107 : vector<64x640xf32>
    %get3A_109 = arith.constant 0 : index
    %get3A_110 = arith.constant 0 : index
    %get3A_111 = vector.load %arg3[%get3A_109, %get3A_110] : memref<81x640xf32, #tpu.memory_space<vmem>>, vector<1x640xf32>
    %mul3A_112 = vector.broadcast %get3A_111 : vector<1x640xf32> to vector<64x640xf32>
    %mul3A_113 = arith.mulf %mul3A_112, %add3A_52 : vector<64x640xf32>
    %get3A_114 = arith.constant 1 : index
    %get3A_115 = arith.constant 0 : index
    %get3A_116 = vector.load %arg3[%get3A_114, %get3A_115] : memref<81x640xf32, #tpu.memory_space<vmem>>, vector<1x640xf32>
    %mul3A_117 = vector.broadcast %get3A_116 : vector<1x640xf32> to vector<64x640xf32>
    %mul3A_118 = arith.mulf %mul3A_117, %add3A_59 : vector<64x640xf32>
    %add3A_119 = arith.addf %mul3A_113, %mul3A_118 : vector<64x640xf32>
    %get3A_120 = arith.constant 2 : index
    %get3A_121 = arith.constant 0 : index
    %get3A_122 = vector.load %arg3[%get3A_120, %get3A_121] : memref<81x640xf32, #tpu.memory_space<vmem>>, vector<1x640xf32>
    %mul3A_123 = vector.broadcast %get3A_122 : vector<1x640xf32> to vector<64x640xf32>
    %mul3A_124 = arith.mulf %mul3A_123, %add3A_66 : vector<64x640xf32>
    %add3A_125 = arith.addf %add3A_119, %mul3A_124 : vector<64x640xf32>
    %get3A_126 = arith.constant 3 : index
    %get3A_127 = arith.constant 0 : index
    %get3A_128 = vector.load %arg3[%get3A_126, %get3A_127] : memref<81x640xf32, #tpu.memory_space<vmem>>, vector<1x640xf32>
    %mul3A_129 = vector.broadcast %get3A_128 : vector<1x640xf32> to vector<64x640xf32>
    %mul3A_130 = arith.mulf %mul3A_129, %add3A_73 : vector<64x640xf32>
    %add3A_131 = arith.addf %add3A_125, %mul3A_130 : vector<64x640xf32>
    %get3A_132 = arith.constant 4 : index
    %get3A_133 = arith.constant 0 : index
    %get3A_134 = vector.load %arg3[%get3A_132, %get3A_133] : memref<81x640xf32, #tpu.memory_space<vmem>>, vector<1x640xf32>
    %mul3A_135 = vector.broadcast %get3A_134 : vector<1x640xf32> to vector<64x640xf32>
    %mul3A_136 = arith.mulf %mul3A_135, %add3A_80 : vector<64x640xf32>
    %add3A_137 = arith.addf %add3A_131, %mul3A_136 : vector<64x640xf32>
    %get3A_138 = arith.constant 5 : index
    %get3A_139 = arith.constant 0 : index
    %get3A_140 = vector.load %arg3[%get3A_138, %get3A_139] : memref<81x640xf32, #tpu.memory_space<vmem>>, vector<1x640xf32>
    %mul3A_141 = vector.broadcast %get3A_140 : vector<1x640xf32> to vector<64x640xf32>
    %mul3A_142 = arith.mulf %mul3A_141, %add3A_87 : vector<64x640xf32>
    %add3A_143 = arith.addf %add3A_137, %mul3A_142 : vector<64x640xf32>
    %get3A_144 = arith.constant 6 : index
    %get3A_145 = arith.constant 0 : index
    %get3A_146 = vector.load %arg3[%get3A_144, %get3A_145] : memref<81x640xf32, #tpu.memory_space<vmem>>, vector<1x640xf32>
    %mul3A_147 = vector.broadcast %get3A_146 : vector<1x640xf32> to vector<64x640xf32>
    %mul3A_148 = arith.mulf %mul3A_147, %add3A_94 : vector<64x640xf32>
    %add3A_149 = arith.addf %add3A_143, %mul3A_148 : vector<64x640xf32>
    %get3A_150 = arith.constant 7 : index
    %get3A_151 = arith.constant 0 : index
    %get3A_152 = vector.load %arg3[%get3A_150, %get3A_151] : memref<81x640xf32, #tpu.memory_space<vmem>>, vector<1x640xf32>
    %mul3A_153 = vector.broadcast %get3A_152 : vector<1x640xf32> to vector<64x640xf32>
    %mul3A_154 = arith.mulf %mul3A_153, %add3A_101 : vector<64x640xf32>
    %add3A_155 = arith.addf %add3A_149, %mul3A_154 : vector<64x640xf32>
    %get3A_156 = arith.constant 8 : index
    %get3A_157 = arith.constant 0 : index
    %get3A_158 = vector.load %arg3[%get3A_156, %get3A_157] : memref<81x640xf32, #tpu.memory_space<vmem>>, vector<1x640xf32>
    %mul3A_159 = vector.broadcast %get3A_158 : vector<1x640xf32> to vector<64x640xf32>
    %mul3A_160 = arith.mulf %mul3A_159, %add3A_108 : vector<64x640xf32>
    %add3A_161 = arith.addf %add3A_155, %mul3A_160 : vector<64x640xf32>
    %mul3A_162 = arith.mulf %add3A_161, %mul3A_40 : vector<64x640xf32>
    %get3A_163 = arith.constant 9 : index
    %get3A_164 = arith.constant 0 : index
    %get3A_165 = vector.load %arg3[%get3A_163, %get3A_164] : memref<81x640xf32, #tpu.memory_space<vmem>>, vector<1x640xf32>
    %mul3A_166 = vector.broadcast %get3A_165 : vector<1x640xf32> to vector<64x640xf32>
    %mul3A_167 = arith.mulf %mul3A_166, %add3A_52 : vector<64x640xf32>
    %get3A_168 = arith.constant 10 : index
    %get3A_169 = arith.constant 0 : index
    %get3A_170 = vector.load %arg3[%get3A_168, %get3A_169] : memref<81x640xf32, #tpu.memory_space<vmem>>, vector<1x640xf32>
    %mul3A_171 = vector.broadcast %get3A_170 : vector<1x640xf32> to vector<64x640xf32>
    %mul3A_172 = arith.mulf %mul3A_171, %add3A_59 : vector<64x640xf32>
    %add3A_173 = arith.addf %mul3A_167, %mul3A_172 : vector<64x640xf32>
    %get3A_174 = arith.constant 11 : index
    %get3A_175 = arith.constant 0 : index
    %get3A_176 = vector.load %arg3[%get3A_174, %get3A_175] : memref<81x640xf32, #tpu.memory_space<vmem>>, vector<1x640xf32>
    %mul3A_177 = vector.broadcast %get3A_176 : vector<1x640xf32> to vector<64x640xf32>
    %mul3A_178 = arith.mulf %mul3A_177, %add3A_66 : vector<64x640xf32>
    %add3A_179 = arith.addf %add3A_173, %mul3A_178 : vector<64x640xf32>
    %get3A_180 = arith.constant 12 : index
    %get3A_181 = arith.constant 0 : index
    %get3A_182 = vector.load %arg3[%get3A_180, %get3A_181] : memref<81x640xf32, #tpu.memory_space<vmem>>, vector<1x640xf32>
    %mul3A_183 = vector.broadcast %get3A_182 : vector<1x640xf32> to vector<64x640xf32>
    %mul3A_184 = arith.mulf %mul3A_183, %add3A_73 : vector<64x640xf32>
    %add3A_185 = arith.addf %add3A_179, %mul3A_184 : vector<64x640xf32>
    %get3A_186 = arith.constant 13 : index
    %get3A_187 = arith.constant 0 : index
    %get3A_188 = vector.load %arg3[%get3A_186, %get3A_187] : memref<81x640xf32, #tpu.memory_space<vmem>>, vector<1x640xf32>
    %mul3A_189 = vector.broadcast %get3A_188 : vector<1x640xf32> to vector<64x640xf32>
    %mul3A_190 = arith.mulf %mul3A_189, %add3A_80 : vector<64x640xf32>
    %add3A_191 = arith.addf %add3A_185, %mul3A_190 : vector<64x640xf32>
    %get3A_192 = arith.constant 14 : index
    %get3A_193 = arith.constant 0 : index
    %get3A_194 = vector.load %arg3[%get3A_192, %get3A_193] : memref<81x640xf32, #tpu.memory_space<vmem>>, vector<1x640xf32>
    %mul3A_195 = vector.broadcast %get3A_194 : vector<1x640xf32> to vector<64x640xf32>
    %mul3A_196 = arith.mulf %mul3A_195, %add3A_87 : vector<64x640xf32>
    %add3A_197 = arith.addf %add3A_191, %mul3A_196 : vector<64x640xf32>
    %get3A_198 = arith.constant 15 : index
    %get3A_199 = arith.constant 0 : index
    %get3A_200 = vector.load %arg3[%get3A_198, %get3A_199] : memref<81x640xf32, #tpu.memory_space<vmem>>, vector<1x640xf32>
    %mul3A_201 = vector.broadcast %get3A_200 : vector<1x640xf32> to vector<64x640xf32>
    %mul3A_202 = arith.mulf %mul3A_201, %add3A_94 : vector<64x640xf32>
    %add3A_203 = arith.addf %add3A_197, %mul3A_202 : vector<64x640xf32>
    %get3A_204 = arith.constant 16 : index
    %get3A_205 = arith.constant 0 : index
    %get3A_206 = vector.load %arg3[%get3A_204, %get3A_205] : memref<81x640xf32, #tpu.memory_space<vmem>>, vector<1x640xf32>
    %mul3A_207 = vector.broadcast %get3A_206 : vector<1x640xf32> to vector<64x640xf32>
    %mul3A_208 = arith.mulf %mul3A_207, %add3A_101 : vector<64x640xf32>
    %add3A_209 = arith.addf %add3A_203, %mul3A_208 : vector<64x640xf32>
    %get3A_210 = arith.constant 17 : index
    %get3A_211 = arith.constant 0 : index
    %get3A_212 = vector.load %arg3[%get3A_210, %get3A_211] : memref<81x640xf32, #tpu.memory_space<vmem>>, vector<1x640xf32>
    %mul3A_213 = vector.broadcast %get3A_212 : vector<1x640xf32> to vector<64x640xf32>
    %mul3A_214 = arith.mulf %mul3A_213, %add3A_108 : vector<64x640xf32>
    %add3A_215 = arith.addf %add3A_209, %mul3A_214 : vector<64x640xf32>
    %mul3A_216 = arith.mulf %add3A_215, %mul3A_40 : vector<64x640xf32>
    %get3A_217 = arith.constant 18 : index
    %get3A_218 = arith.constant 0 : index
    %get3A_219 = vector.load %arg3[%get3A_217, %get3A_218] : memref<81x640xf32, #tpu.memory_space<vmem>>, vector<1x640xf32>
    %mul3A_220 = vector.broadcast %get3A_219 : vector<1x640xf32> to vector<64x640xf32>
    %mul3A_221 = arith.mulf %mul3A_220, %add3A_52 : vector<64x640xf32>
    %get3A_222 = arith.constant 19 : index
    %get3A_223 = arith.constant 0 : index
    %get3A_224 = vector.load %arg3[%get3A_222, %get3A_223] : memref<81x640xf32, #tpu.memory_space<vmem>>, vector<1x640xf32>
    %mul3A_225 = vector.broadcast %get3A_224 : vector<1x640xf32> to vector<64x640xf32>
    %mul3A_226 = arith.mulf %mul3A_225, %add3A_59 : vector<64x640xf32>
    %add3A_227 = arith.addf %mul3A_221, %mul3A_226 : vector<64x640xf32>
    %get3A_228 = arith.constant 20 : index
    %get3A_229 = arith.constant 0 : index
    %get3A_230 = vector.load %arg3[%get3A_228, %get3A_229] : memref<81x640xf32, #tpu.memory_space<vmem>>, vector<1x640xf32>
    %mul3A_231 = vector.broadcast %get3A_230 : vector<1x640xf32> to vector<64x640xf32>
    %mul3A_232 = arith.mulf %mul3A_231, %add3A_66 : vector<64x640xf32>
    %add3A_233 = arith.addf %add3A_227, %mul3A_232 : vector<64x640xf32>
    %get3A_234 = arith.constant 21 : index
    %get3A_235 = arith.constant 0 : index
    %get3A_236 = vector.load %arg3[%get3A_234, %get3A_235] : memref<81x640xf32, #tpu.memory_space<vmem>>, vector<1x640xf32>
    %mul3A_237 = vector.broadcast %get3A_236 : vector<1x640xf32> to vector<64x640xf32>
    %mul3A_238 = arith.mulf %mul3A_237, %add3A_73 : vector<64x640xf32>
    %add3A_239 = arith.addf %add3A_233, %mul3A_238 : vector<64x640xf32>
    %get3A_240 = arith.constant 22 : index
    %get3A_241 = arith.constant 0 : index
    %get3A_242 = vector.load %arg3[%get3A_240, %get3A_241] : memref<81x640xf32, #tpu.memory_space<vmem>>, vector<1x640xf32>
    %mul3A_243 = vector.broadcast %get3A_242 : vector<1x640xf32> to vector<64x640xf32>
    %mul3A_244 = arith.mulf %mul3A_243, %add3A_80 : vector<64x640xf32>
    %add3A_245 = arith.addf %add3A_239, %mul3A_244 : vector<64x640xf32>
    %get3A_246 = arith.constant 23 : index
    %get3A_247 = arith.constant 0 : index
    %get3A_248 = vector.load %arg3[%get3A_246, %get3A_247] : memref<81x640xf32, #tpu.memory_space<vmem>>, vector<1x640xf32>
    %mul3A_249 = vector.broadcast %get3A_248 : vector<1x640xf32> to vector<64x640xf32>
    %mul3A_250 = arith.mulf %mul3A_249, %add3A_87 : vector<64x640xf32>
    %add3A_251 = arith.addf %add3A_245, %mul3A_250 : vector<64x640xf32>
    %get3A_252 = arith.constant 24 : index
    %get3A_253 = arith.constant 0 : index
    %get3A_254 = vector.load %arg3[%get3A_252, %get3A_253] : memref<81x640xf32, #tpu.memory_space<vmem>>, vector<1x640xf32>
    %mul3A_255 = vector.broadcast %get3A_254 : vector<1x640xf32> to vector<64x640xf32>
    %mul3A_256 = arith.mulf %mul3A_255, %add3A_94 : vector<64x640xf32>
    %add3A_257 = arith.addf %add3A_251, %mul3A_256 : vector<64x640xf32>
    %get3A_258 = arith.constant 25 : index
    %get3A_259 = arith.constant 0 : index
    %get3A_260 = vector.load %arg3[%get3A_258, %get3A_259] : memref<81x640xf32, #tpu.memory_space<vmem>>, vector<1x640xf32>
    %mul3A_261 = vector.broadcast %get3A_260 : vector<1x640xf32> to vector<64x640xf32>
    %mul3A_262 = arith.mulf %mul3A_261, %add3A_101 : vector<64x640xf32>
    %add3A_263 = arith.addf %add3A_257, %mul3A_262 : vector<64x640xf32>
    %get3A_264 = arith.constant 26 : index
    %get3A_265 = arith.constant 0 : index
    %get3A_266 = vector.load %arg3[%get3A_264, %get3A_265] : memref<81x640xf32, #tpu.memory_space<vmem>>, vector<1x640xf32>
    %mul3A_267 = vector.broadcast %get3A_266 : vector<1x640xf32> to vector<64x640xf32>
    %mul3A_268 = arith.mulf %mul3A_267, %add3A_108 : vector<64x640xf32>
    %add3A_269 = arith.addf %add3A_263, %mul3A_268 : vector<64x640xf32>
    %mul3A_270 = arith.mulf %add3A_269, %mul3A_40 : vector<64x640xf32>
    %get3A_271 = arith.constant 27 : index
    %get3A_272 = arith.constant 0 : index
    %get3A_273 = vector.load %arg3[%get3A_271, %get3A_272] : memref<81x640xf32, #tpu.memory_space<vmem>>, vector<1x640xf32>
    %mul3A_274 = vector.broadcast %get3A_273 : vector<1x640xf32> to vector<64x640xf32>
    %mul3A_275 = arith.mulf %mul3A_274, %add3A_52 : vector<64x640xf32>
    %get3A_276 = arith.constant 28 : index
    %get3A_277 = arith.constant 0 : index
    %get3A_278 = vector.load %arg3[%get3A_276, %get3A_277] : memref<81x640xf32, #tpu.memory_space<vmem>>, vector<1x640xf32>
    %mul3A_279 = vector.broadcast %get3A_278 : vector<1x640xf32> to vector<64x640xf32>
    %mul3A_280 = arith.mulf %mul3A_279, %add3A_59 : vector<64x640xf32>
    %add3A_281 = arith.addf %mul3A_275, %mul3A_280 : vector<64x640xf32>
    %get3A_282 = arith.constant 29 : index
    %get3A_283 = arith.constant 0 : index
    %get3A_284 = vector.load %arg3[%get3A_282, %get3A_283] : memref<81x640xf32, #tpu.memory_space<vmem>>, vector<1x640xf32>
    %mul3A_285 = vector.broadcast %get3A_284 : vector<1x640xf32> to vector<64x640xf32>
    %mul3A_286 = arith.mulf %mul3A_285, %add3A_66 : vector<64x640xf32>
    %add3A_287 = arith.addf %add3A_281, %mul3A_286 : vector<64x640xf32>
    %get3A_288 = arith.constant 30 : index
    %get3A_289 = arith.constant 0 : index
    %get3A_290 = vector.load %arg3[%get3A_288, %get3A_289] : memref<81x640xf32, #tpu.memory_space<vmem>>, vector<1x640xf32>
    %mul3A_291 = vector.broadcast %get3A_290 : vector<1x640xf32> to vector<64x640xf32>
    %mul3A_292 = arith.mulf %mul3A_291, %add3A_73 : vector<64x640xf32>
    %add3A_293 = arith.addf %add3A_287, %mul3A_292 : vector<64x640xf32>
    %get3A_294 = arith.constant 31 : index
    %get3A_295 = arith.constant 0 : index
    %get3A_296 = vector.load %arg3[%get3A_294, %get3A_295] : memref<81x640xf32, #tpu.memory_space<vmem>>, vector<1x640xf32>
    %mul3A_297 = vector.broadcast %get3A_296 : vector<1x640xf32> to vector<64x640xf32>
    %mul3A_298 = arith.mulf %mul3A_297, %add3A_80 : vector<64x640xf32>
    %add3A_299 = arith.addf %add3A_293, %mul3A_298 : vector<64x640xf32>
    %get3A_300 = arith.constant 32 : index
    %get3A_301 = arith.constant 0 : index
    %get3A_302 = vector.load %arg3[%get3A_300, %get3A_301] : memref<81x640xf32, #tpu.memory_space<vmem>>, vector<1x640xf32>
    %mul3A_303 = vector.broadcast %get3A_302 : vector<1x640xf32> to vector<64x640xf32>
    %mul3A_304 = arith.mulf %mul3A_303, %add3A_87 : vector<64x640xf32>
    %add3A_305 = arith.addf %add3A_299, %mul3A_304 : vector<64x640xf32>
    %get3A_306 = arith.constant 33 : index
    %get3A_307 = arith.constant 0 : index
    %get3A_308 = vector.load %arg3[%get3A_306, %get3A_307] : memref<81x640xf32, #tpu.memory_space<vmem>>, vector<1x640xf32>
    %mul3A_309 = vector.broadcast %get3A_308 : vector<1x640xf32> to vector<64x640xf32>
    %mul3A_310 = arith.mulf %mul3A_309, %add3A_94 : vector<64x640xf32>
    %add3A_311 = arith.addf %add3A_305, %mul3A_310 : vector<64x640xf32>
    %get3A_312 = arith.constant 34 : index
    %get3A_313 = arith.constant 0 : index
    %get3A_314 = vector.load %arg3[%get3A_312, %get3A_313] : memref<81x640xf32, #tpu.memory_space<vmem>>, vector<1x640xf32>
    %mul3A_315 = vector.broadcast %get3A_314 : vector<1x640xf32> to vector<64x640xf32>
    %mul3A_316 = arith.mulf %mul3A_315, %add3A_101 : vector<64x640xf32>
    %add3A_317 = arith.addf %add3A_311, %mul3A_316 : vector<64x640xf32>
    %get3A_318 = arith.constant 35 : index
    %get3A_319 = arith.constant 0 : index
    %get3A_320 = vector.load %arg3[%get3A_318, %get3A_319] : memref<81x640xf32, #tpu.memory_space<vmem>>, vector<1x640xf32>
    %mul3A_321 = vector.broadcast %get3A_320 : vector<1x640xf32> to vector<64x640xf32>
    %mul3A_322 = arith.mulf %mul3A_321, %add3A_108 : vector<64x640xf32>
    %add3A_323 = arith.addf %add3A_317, %mul3A_322 : vector<64x640xf32>
    %mul3A_324 = arith.mulf %add3A_323, %mul3A_40 : vector<64x640xf32>
    %get3A_325 = arith.constant 36 : index
    %get3A_326 = arith.constant 0 : index
    %get3A_327 = vector.load %arg3[%get3A_325, %get3A_326] : memref<81x640xf32, #tpu.memory_space<vmem>>, vector<1x640xf32>
    %mul3A_328 = vector.broadcast %get3A_327 : vector<1x640xf32> to vector<64x640xf32>
    %mul3A_329 = arith.mulf %mul3A_328, %add3A_52 : vector<64x640xf32>
    %get3A_330 = arith.constant 37 : index
    %get3A_331 = arith.constant 0 : index
    %get3A_332 = vector.load %arg3[%get3A_330, %get3A_331] : memref<81x640xf32, #tpu.memory_space<vmem>>, vector<1x640xf32>
    %mul3A_333 = vector.broadcast %get3A_332 : vector<1x640xf32> to vector<64x640xf32>
    %mul3A_334 = arith.mulf %mul3A_333, %add3A_59 : vector<64x640xf32>
    %add3A_335 = arith.addf %mul3A_329, %mul3A_334 : vector<64x640xf32>
    %get3A_336 = arith.constant 38 : index
    %get3A_337 = arith.constant 0 : index
    %get3A_338 = vector.load %arg3[%get3A_336, %get3A_337] : memref<81x640xf32, #tpu.memory_space<vmem>>, vector<1x640xf32>
    %mul3A_339 = vector.broadcast %get3A_338 : vector<1x640xf32> to vector<64x640xf32>
    %mul3A_340 = arith.mulf %mul3A_339, %add3A_66 : vector<64x640xf32>
    %add3A_341 = arith.addf %add3A_335, %mul3A_340 : vector<64x640xf32>
    %get3A_342 = arith.constant 39 : index
    %get3A_343 = arith.constant 0 : index
    %get3A_344 = vector.load %arg3[%get3A_342, %get3A_343] : memref<81x640xf32, #tpu.memory_space<vmem>>, vector<1x640xf32>
    %mul3A_345 = vector.broadcast %get3A_344 : vector<1x640xf32> to vector<64x640xf32>
    %mul3A_346 = arith.mulf %mul3A_345, %add3A_73 : vector<64x640xf32>
    %add3A_347 = arith.addf %add3A_341, %mul3A_346 : vector<64x640xf32>
    %get3A_348 = arith.constant 40 : index
    %get3A_349 = arith.constant 0 : index
    %get3A_350 = vector.load %arg3[%get3A_348, %get3A_349] : memref<81x640xf32, #tpu.memory_space<vmem>>, vector<1x640xf32>
    %mul3A_351 = vector.broadcast %get3A_350 : vector<1x640xf32> to vector<64x640xf32>
    %mul3A_352 = arith.mulf %mul3A_351, %add3A_80 : vector<64x640xf32>
    %add3A_353 = arith.addf %add3A_347, %mul3A_352 : vector<64x640xf32>
    %get3A_354 = arith.constant 41 : index
    %get3A_355 = arith.constant 0 : index
    %get3A_356 = vector.load %arg3[%get3A_354, %get3A_355] : memref<81x640xf32, #tpu.memory_space<vmem>>, vector<1x640xf32>
    %mul3A_357 = vector.broadcast %get3A_356 : vector<1x640xf32> to vector<64x640xf32>
    %mul3A_358 = arith.mulf %mul3A_357, %add3A_87 : vector<64x640xf32>
    %add3A_359 = arith.addf %add3A_353, %mul3A_358 : vector<64x640xf32>
    %get3A_360 = arith.constant 42 : index
    %get3A_361 = arith.constant 0 : index
    %get3A_362 = vector.load %arg3[%get3A_360, %get3A_361] : memref<81x640xf32, #tpu.memory_space<vmem>>, vector<1x640xf32>
    %mul3A_363 = vector.broadcast %get3A_362 : vector<1x640xf32> to vector<64x640xf32>
    %mul3A_364 = arith.mulf %mul3A_363, %add3A_94 : vector<64x640xf32>
    %add3A_365 = arith.addf %add3A_359, %mul3A_364 : vector<64x640xf32>
    %get3A_366 = arith.constant 43 : index
    %get3A_367 = arith.constant 0 : index
    %get3A_368 = vector.load %arg3[%get3A_366, %get3A_367] : memref<81x640xf32, #tpu.memory_space<vmem>>, vector<1x640xf32>
    %mul3A_369 = vector.broadcast %get3A_368 : vector<1x640xf32> to vector<64x640xf32>
    %mul3A_370 = arith.mulf %mul3A_369, %add3A_101 : vector<64x640xf32>
    %add3A_371 = arith.addf %add3A_365, %mul3A_370 : vector<64x640xf32>
    %get3A_372 = arith.constant 44 : index
    %get3A_373 = arith.constant 0 : index
    %get3A_374 = vector.load %arg3[%get3A_372, %get3A_373] : memref<81x640xf32, #tpu.memory_space<vmem>>, vector<1x640xf32>
    %mul3A_375 = vector.broadcast %get3A_374 : vector<1x640xf32> to vector<64x640xf32>
    %mul3A_376 = arith.mulf %mul3A_375, %add3A_108 : vector<64x640xf32>
    %add3A_377 = arith.addf %add3A_371, %mul3A_376 : vector<64x640xf32>
    %mul3A_378 = arith.mulf %add3A_377, %mul3A_40 : vector<64x640xf32>
    %get3A_379 = arith.constant 45 : index
    %get3A_380 = arith.constant 0 : index
    %get3A_381 = vector.load %arg3[%get3A_379, %get3A_380] : memref<81x640xf32, #tpu.memory_space<vmem>>, vector<1x640xf32>
    %mul3A_382 = vector.broadcast %get3A_381 : vector<1x640xf32> to vector<64x640xf32>
    %mul3A_383 = arith.mulf %mul3A_382, %add3A_52 : vector<64x640xf32>
    %get3A_384 = arith.constant 46 : index
    %get3A_385 = arith.constant 0 : index
    %get3A_386 = vector.load %arg3[%get3A_384, %get3A_385] : memref<81x640xf32, #tpu.memory_space<vmem>>, vector<1x640xf32>
    %mul3A_387 = vector.broadcast %get3A_386 : vector<1x640xf32> to vector<64x640xf32>
    %mul3A_388 = arith.mulf %mul3A_387, %add3A_59 : vector<64x640xf32>
    %add3A_389 = arith.addf %mul3A_383, %mul3A_388 : vector<64x640xf32>
    %get3A_390 = arith.constant 47 : index
    %get3A_391 = arith.constant 0 : index
    %get3A_392 = vector.load %arg3[%get3A_390, %get3A_391] : memref<81x640xf32, #tpu.memory_space<vmem>>, vector<1x640xf32>
    %mul3A_393 = vector.broadcast %get3A_392 : vector<1x640xf32> to vector<64x640xf32>
    %mul3A_394 = arith.mulf %mul3A_393, %add3A_66 : vector<64x640xf32>
    %add3A_395 = arith.addf %add3A_389, %mul3A_394 : vector<64x640xf32>
    %get3A_396 = arith.constant 48 : index
    %get3A_397 = arith.constant 0 : index
    %get3A_398 = vector.load %arg3[%get3A_396, %get3A_397] : memref<81x640xf32, #tpu.memory_space<vmem>>, vector<1x640xf32>
    %mul3A_399 = vector.broadcast %get3A_398 : vector<1x640xf32> to vector<64x640xf32>
    %mul3A_400 = arith.mulf %mul3A_399, %add3A_73 : vector<64x640xf32>
    %add3A_401 = arith.addf %add3A_395, %mul3A_400 : vector<64x640xf32>
    %get3A_402 = arith.constant 49 : index
    %get3A_403 = arith.constant 0 : index
    %get3A_404 = vector.load %arg3[%get3A_402, %get3A_403] : memref<81x640xf32, #tpu.memory_space<vmem>>, vector<1x640xf32>
    %mul3A_405 = vector.broadcast %get3A_404 : vector<1x640xf32> to vector<64x640xf32>
    %mul3A_406 = arith.mulf %mul3A_405, %add3A_80 : vector<64x640xf32>
    %add3A_407 = arith.addf %add3A_401, %mul3A_406 : vector<64x640xf32>
    %get3A_408 = arith.constant 50 : index
    %get3A_409 = arith.constant 0 : index
    %get3A_410 = vector.load %arg3[%get3A_408, %get3A_409] : memref<81x640xf32, #tpu.memory_space<vmem>>, vector<1x640xf32>
    %mul3A_411 = vector.broadcast %get3A_410 : vector<1x640xf32> to vector<64x640xf32>
    %mul3A_412 = arith.mulf %mul3A_411, %add3A_87 : vector<64x640xf32>
    %add3A_413 = arith.addf %add3A_407, %mul3A_412 : vector<64x640xf32>
    %get3A_414 = arith.constant 51 : index
    %get3A_415 = arith.constant 0 : index
    %get3A_416 = vector.load %arg3[%get3A_414, %get3A_415] : memref<81x640xf32, #tpu.memory_space<vmem>>, vector<1x640xf32>
    %mul3A_417 = vector.broadcast %get3A_416 : vector<1x640xf32> to vector<64x640xf32>
    %mul3A_418 = arith.mulf %mul3A_417, %add3A_94 : vector<64x640xf32>
    %add3A_419 = arith.addf %add3A_413, %mul3A_418 : vector<64x640xf32>
    %get3A_420 = arith.constant 52 : index
    %get3A_421 = arith.constant 0 : index
    %get3A_422 = vector.load %arg3[%get3A_420, %get3A_421] : memref<81x640xf32, #tpu.memory_space<vmem>>, vector<1x640xf32>
    %mul3A_423 = vector.broadcast %get3A_422 : vector<1x640xf32> to vector<64x640xf32>
    %mul3A_424 = arith.mulf %mul3A_423, %add3A_101 : vector<64x640xf32>
    %add3A_425 = arith.addf %add3A_419, %mul3A_424 : vector<64x640xf32>
    %get3A_426 = arith.constant 53 : index
    %get3A_427 = arith.constant 0 : index
    %get3A_428 = vector.load %arg3[%get3A_426, %get3A_427] : memref<81x640xf32, #tpu.memory_space<vmem>>, vector<1x640xf32>
    %mul3A_429 = vector.broadcast %get3A_428 : vector<1x640xf32> to vector<64x640xf32>
    %mul3A_430 = arith.mulf %mul3A_429, %add3A_108 : vector<64x640xf32>
    %add3A_431 = arith.addf %add3A_425, %mul3A_430 : vector<64x640xf32>
    %mul3A_432 = arith.mulf %add3A_431, %mul3A_40 : vector<64x640xf32>
    %get3A_433 = arith.constant 54 : index
    %get3A_434 = arith.constant 0 : index
    %get3A_435 = vector.load %arg3[%get3A_433, %get3A_434] : memref<81x640xf32, #tpu.memory_space<vmem>>, vector<1x640xf32>
    %mul3A_436 = vector.broadcast %get3A_435 : vector<1x640xf32> to vector<64x640xf32>
    %mul3A_437 = arith.mulf %mul3A_436, %add3A_52 : vector<64x640xf32>
    %get3A_438 = arith.constant 55 : index
    %get3A_439 = arith.constant 0 : index
    %get3A_440 = vector.load %arg3[%get3A_438, %get3A_439] : memref<81x640xf32, #tpu.memory_space<vmem>>, vector<1x640xf32>
    %mul3A_441 = vector.broadcast %get3A_440 : vector<1x640xf32> to vector<64x640xf32>
    %mul3A_442 = arith.mulf %mul3A_441, %add3A_59 : vector<64x640xf32>
    %add3A_443 = arith.addf %mul3A_437, %mul3A_442 : vector<64x640xf32>
    %get3A_444 = arith.constant 56 : index
    %get3A_445 = arith.constant 0 : index
    %get3A_446 = vector.load %arg3[%get3A_444, %get3A_445] : memref<81x640xf32, #tpu.memory_space<vmem>>, vector<1x640xf32>
    %mul3A_447 = vector.broadcast %get3A_446 : vector<1x640xf32> to vector<64x640xf32>
    %mul3A_448 = arith.mulf %mul3A_447, %add3A_66 : vector<64x640xf32>
    %add3A_449 = arith.addf %add3A_443, %mul3A_448 : vector<64x640xf32>
    %get3A_450 = arith.constant 57 : index
    %get3A_451 = arith.constant 0 : index
    %get3A_452 = vector.load %arg3[%get3A_450, %get3A_451] : memref<81x640xf32, #tpu.memory_space<vmem>>, vector<1x640xf32>
    %mul3A_453 = vector.broadcast %get3A_452 : vector<1x640xf32> to vector<64x640xf32>
    %mul3A_454 = arith.mulf %mul3A_453, %add3A_73 : vector<64x640xf32>
    %add3A_455 = arith.addf %add3A_449, %mul3A_454 : vector<64x640xf32>
    %get3A_456 = arith.constant 58 : index
    %get3A_457 = arith.constant 0 : index
    %get3A_458 = vector.load %arg3[%get3A_456, %get3A_457] : memref<81x640xf32, #tpu.memory_space<vmem>>, vector<1x640xf32>
    %mul3A_459 = vector.broadcast %get3A_458 : vector<1x640xf32> to vector<64x640xf32>
    %mul3A_460 = arith.mulf %mul3A_459, %add3A_80 : vector<64x640xf32>
    %add3A_461 = arith.addf %add3A_455, %mul3A_460 : vector<64x640xf32>
    %get3A_462 = arith.constant 59 : index
    %get3A_463 = arith.constant 0 : index
    %get3A_464 = vector.load %arg3[%get3A_462, %get3A_463] : memref<81x640xf32, #tpu.memory_space<vmem>>, vector<1x640xf32>
    %mul3A_465 = vector.broadcast %get3A_464 : vector<1x640xf32> to vector<64x640xf32>
    %mul3A_466 = arith.mulf %mul3A_465, %add3A_87 : vector<64x640xf32>
    %add3A_467 = arith.addf %add3A_461, %mul3A_466 : vector<64x640xf32>
    %get3A_468 = arith.constant 60 : index
    %get3A_469 = arith.constant 0 : index
    %get3A_470 = vector.load %arg3[%get3A_468, %get3A_469] : memref<81x640xf32, #tpu.memory_space<vmem>>, vector<1x640xf32>
    %mul3A_471 = vector.broadcast %get3A_470 : vector<1x640xf32> to vector<64x640xf32>
    %mul3A_472 = arith.mulf %mul3A_471, %add3A_94 : vector<64x640xf32>
    %add3A_473 = arith.addf %add3A_467, %mul3A_472 : vector<64x640xf32>
    %get3A_474 = arith.constant 61 : index
    %get3A_475 = arith.constant 0 : index
    %get3A_476 = vector.load %arg3[%get3A_474, %get3A_475] : memref<81x640xf32, #tpu.memory_space<vmem>>, vector<1x640xf32>
    %mul3A_477 = vector.broadcast %get3A_476 : vector<1x640xf32> to vector<64x640xf32>
    %mul3A_478 = arith.mulf %mul3A_477, %add3A_101 : vector<64x640xf32>
    %add3A_479 = arith.addf %add3A_473, %mul3A_478 : vector<64x640xf32>
    %get3A_480 = arith.constant 62 : index
    %get3A_481 = arith.constant 0 : index
    %get3A_482 = vector.load %arg3[%get3A_480, %get3A_481] : memref<81x640xf32, #tpu.memory_space<vmem>>, vector<1x640xf32>
    %mul3A_483 = vector.broadcast %get3A_482 : vector<1x640xf32> to vector<64x640xf32>
    %mul3A_484 = arith.mulf %mul3A_483, %add3A_108 : vector<64x640xf32>
    %add3A_485 = arith.addf %add3A_479, %mul3A_484 : vector<64x640xf32>
    %mul3A_486 = arith.mulf %add3A_485, %mul3A_40 : vector<64x640xf32>
    %get3A_487 = arith.constant 63 : index
    %get3A_488 = arith.constant 0 : index
    %get3A_489 = vector.load %arg3[%get3A_487, %get3A_488] : memref<81x640xf32, #tpu.memory_space<vmem>>, vector<1x640xf32>
    %mul3A_490 = vector.broadcast %get3A_489 : vector<1x640xf32> to vector<64x640xf32>
    %mul3A_491 = arith.mulf %mul3A_490, %add3A_52 : vector<64x640xf32>
    %get3A_492 = arith.constant 64 : index
    %get3A_493 = arith.constant 0 : index
    %get3A_494 = vector.load %arg3[%get3A_492, %get3A_493] : memref<81x640xf32, #tpu.memory_space<vmem>>, vector<1x640xf32>
    %mul3A_495 = vector.broadcast %get3A_494 : vector<1x640xf32> to vector<64x640xf32>
    %mul3A_496 = arith.mulf %mul3A_495, %add3A_59 : vector<64x640xf32>
    %add3A_497 = arith.addf %mul3A_491, %mul3A_496 : vector<64x640xf32>
    %get3A_498 = arith.constant 65 : index
    %get3A_499 = arith.constant 0 : index
    %get3A_500 = vector.load %arg3[%get3A_498, %get3A_499] : memref<81x640xf32, #tpu.memory_space<vmem>>, vector<1x640xf32>
    %mul3A_501 = vector.broadcast %get3A_500 : vector<1x640xf32> to vector<64x640xf32>
    %mul3A_502 = arith.mulf %mul3A_501, %add3A_66 : vector<64x640xf32>
    %add3A_503 = arith.addf %add3A_497, %mul3A_502 : vector<64x640xf32>
    %get3A_504 = arith.constant 66 : index
    %get3A_505 = arith.constant 0 : index
    %get3A_506 = vector.load %arg3[%get3A_504, %get3A_505] : memref<81x640xf32, #tpu.memory_space<vmem>>, vector<1x640xf32>
    %mul3A_507 = vector.broadcast %get3A_506 : vector<1x640xf32> to vector<64x640xf32>
    %mul3A_508 = arith.mulf %mul3A_507, %add3A_73 : vector<64x640xf32>
    %add3A_509 = arith.addf %add3A_503, %mul3A_508 : vector<64x640xf32>
    %get3A_510 = arith.constant 67 : index
    %get3A_511 = arith.constant 0 : index
    %get3A_512 = vector.load %arg3[%get3A_510, %get3A_511] : memref<81x640xf32, #tpu.memory_space<vmem>>, vector<1x640xf32>
    %mul3A_513 = vector.broadcast %get3A_512 : vector<1x640xf32> to vector<64x640xf32>
    %mul3A_514 = arith.mulf %mul3A_513, %add3A_80 : vector<64x640xf32>
    %add3A_515 = arith.addf %add3A_509, %mul3A_514 : vector<64x640xf32>
    %get3A_516 = arith.constant 68 : index
    %get3A_517 = arith.constant 0 : index
    %get3A_518 = vector.load %arg3[%get3A_516, %get3A_517] : memref<81x640xf32, #tpu.memory_space<vmem>>, vector<1x640xf32>
    %mul3A_519 = vector.broadcast %get3A_518 : vector<1x640xf32> to vector<64x640xf32>
    %mul3A_520 = arith.mulf %mul3A_519, %add3A_87 : vector<64x640xf32>
    %add3A_521 = arith.addf %add3A_515, %mul3A_520 : vector<64x640xf32>
    %get3A_522 = arith.constant 69 : index
    %get3A_523 = arith.constant 0 : index
    %get3A_524 = vector.load %arg3[%get3A_522, %get3A_523] : memref<81x640xf32, #tpu.memory_space<vmem>>, vector<1x640xf32>
    %mul3A_525 = vector.broadcast %get3A_524 : vector<1x640xf32> to vector<64x640xf32>
    %mul3A_526 = arith.mulf %mul3A_525, %add3A_94 : vector<64x640xf32>
    %add3A_527 = arith.addf %add3A_521, %mul3A_526 : vector<64x640xf32>
    %get3A_528 = arith.constant 70 : index
    %get3A_529 = arith.constant 0 : index
    %get3A_530 = vector.load %arg3[%get3A_528, %get3A_529] : memref<81x640xf32, #tpu.memory_space<vmem>>, vector<1x640xf32>
    %mul3A_531 = vector.broadcast %get3A_530 : vector<1x640xf32> to vector<64x640xf32>
    %mul3A_532 = arith.mulf %mul3A_531, %add3A_101 : vector<64x640xf32>
    %add3A_533 = arith.addf %add3A_527, %mul3A_532 : vector<64x640xf32>
    %get3A_534 = arith.constant 71 : index
    %get3A_535 = arith.constant 0 : index
    %get3A_536 = vector.load %arg3[%get3A_534, %get3A_535] : memref<81x640xf32, #tpu.memory_space<vmem>>, vector<1x640xf32>
    %mul3A_537 = vector.broadcast %get3A_536 : vector<1x640xf32> to vector<64x640xf32>
    %mul3A_538 = arith.mulf %mul3A_537, %add3A_108 : vector<64x640xf32>
    %add3A_539 = arith.addf %add3A_533, %mul3A_538 : vector<64x640xf32>
    %mul3A_540 = arith.mulf %add3A_539, %mul3A_40 : vector<64x640xf32>
    %get3A_541 = arith.constant 72 : index
    %get3A_542 = arith.constant 0 : index
    %get3A_543 = vector.load %arg3[%get3A_541, %get3A_542] : memref<81x640xf32, #tpu.memory_space<vmem>>, vector<1x640xf32>
    %mul3A_544 = vector.broadcast %get3A_543 : vector<1x640xf32> to vector<64x640xf32>
    %mul3A_545 = arith.mulf %mul3A_544, %add3A_52 : vector<64x640xf32>
    %get3A_546 = arith.constant 73 : index
    %get3A_547 = arith.constant 0 : index
    %get3A_548 = vector.load %arg3[%get3A_546, %get3A_547] : memref<81x640xf32, #tpu.memory_space<vmem>>, vector<1x640xf32>
    %mul3A_549 = vector.broadcast %get3A_548 : vector<1x640xf32> to vector<64x640xf32>
    %mul3A_550 = arith.mulf %mul3A_549, %add3A_59 : vector<64x640xf32>
    %add3A_551 = arith.addf %mul3A_545, %mul3A_550 : vector<64x640xf32>
    %get3A_552 = arith.constant 74 : index
    %get3A_553 = arith.constant 0 : index
    %get3A_554 = vector.load %arg3[%get3A_552, %get3A_553] : memref<81x640xf32, #tpu.memory_space<vmem>>, vector<1x640xf32>
    %mul3A_555 = vector.broadcast %get3A_554 : vector<1x640xf32> to vector<64x640xf32>
    %mul3A_556 = arith.mulf %mul3A_555, %add3A_66 : vector<64x640xf32>
    %add3A_557 = arith.addf %add3A_551, %mul3A_556 : vector<64x640xf32>
    %get3A_558 = arith.constant 75 : index
    %get3A_559 = arith.constant 0 : index
    %get3A_560 = vector.load %arg3[%get3A_558, %get3A_559] : memref<81x640xf32, #tpu.memory_space<vmem>>, vector<1x640xf32>
    %mul3A_561 = vector.broadcast %get3A_560 : vector<1x640xf32> to vector<64x640xf32>
    %mul3A_562 = arith.mulf %mul3A_561, %add3A_73 : vector<64x640xf32>
    %add3A_563 = arith.addf %add3A_557, %mul3A_562 : vector<64x640xf32>
    %get3A_564 = arith.constant 76 : index
    %get3A_565 = arith.constant 0 : index
    %get3A_566 = vector.load %arg3[%get3A_564, %get3A_565] : memref<81x640xf32, #tpu.memory_space<vmem>>, vector<1x640xf32>
    %mul3A_567 = vector.broadcast %get3A_566 : vector<1x640xf32> to vector<64x640xf32>
    %mul3A_568 = arith.mulf %mul3A_567, %add3A_80 : vector<64x640xf32>
    %add3A_569 = arith.addf %add3A_563, %mul3A_568 : vector<64x640xf32>
    %get3A_570 = arith.constant 77 : index
    %get3A_571 = arith.constant 0 : index
    %get3A_572 = vector.load %arg3[%get3A_570, %get3A_571] : memref<81x640xf32, #tpu.memory_space<vmem>>, vector<1x640xf32>
    %mul3A_573 = vector.broadcast %get3A_572 : vector<1x640xf32> to vector<64x640xf32>
    %mul3A_574 = arith.mulf %mul3A_573, %add3A_87 : vector<64x640xf32>
    %add3A_575 = arith.addf %add3A_569, %mul3A_574 : vector<64x640xf32>
    %get3A_576 = arith.constant 78 : index
    %get3A_577 = arith.constant 0 : index
    %get3A_578 = vector.load %arg3[%get3A_576, %get3A_577] : memref<81x640xf32, #tpu.memory_space<vmem>>, vector<1x640xf32>
    %mul3A_579 = vector.broadcast %get3A_578 : vector<1x640xf32> to vector<64x640xf32>
    %mul3A_580 = arith.mulf %mul3A_579, %add3A_94 : vector<64x640xf32>
    %add3A_581 = arith.addf %add3A_575, %mul3A_580 : vector<64x640xf32>
    %get3A_582 = arith.constant 79 : index
    %get3A_583 = arith.constant 0 : index
    %get3A_584 = vector.load %arg3[%get3A_582, %get3A_583] : memref<81x640xf32, #tpu.memory_space<vmem>>, vector<1x640xf32>
    %mul3A_585 = vector.broadcast %get3A_584 : vector<1x640xf32> to vector<64x640xf32>
    %mul3A_586 = arith.mulf %mul3A_585, %add3A_101 : vector<64x640xf32>
    %add3A_587 = arith.addf %add3A_581, %mul3A_586 : vector<64x640xf32>
    %get3A_588 = arith.constant 80 : index
    %get3A_589 = arith.constant 0 : index
    %get3A_590 = vector.load %arg3[%get3A_588, %get3A_589] : memref<81x640xf32, #tpu.memory_space<vmem>>, vector<1x640xf32>
    %mul3A_591 = vector.broadcast %get3A_590 : vector<1x640xf32> to vector<64x640xf32>
    %mul3A_592 = arith.mulf %mul3A_591, %add3A_108 : vector<64x640xf32>
    %add3A_593 = arith.addf %add3A_587, %mul3A_592 : vector<64x640xf32>
    %mul3A_594 = arith.mulf %add3A_593, %mul3A_40 : vector<64x640xf32>
    %get3A_595 = arith.constant 0 : index
    %get3A_596 = arith.constant 0 : index
    %get3A_597 = vector.load %arg12[%get3A_595, %get3A_596] : memref<64x32xf32, #tpu.memory_space<vmem>>, vector<64x32xf32>
    %get3A_598 = arith.constant 0 : index
    %get3A_599 = arith.constant 0 : index
    %get3A_600 = vector.load %arg3[%get3A_598, %get3A_599] : memref<81x640xf32, #tpu.memory_space<vmem>>, vector<1x640xf32>
    %mul3A_601 = vector.broadcast %get3A_600 : vector<1x640xf32> to vector<64x640xf32>
    %mul3A_602 = arith.mulf %mul3A_601, %mul3A_162 : vector<64x640xf32>
    %get3A_603 = arith.constant 9 : index
    %get3A_604 = arith.constant 0 : index
    %get3A_605 = vector.load %arg3[%get3A_603, %get3A_604] : memref<81x640xf32, #tpu.memory_space<vmem>>, vector<1x640xf32>
    %mul3A_606 = vector.broadcast %get3A_605 : vector<1x640xf32> to vector<64x640xf32>
    %mul3A_607 = arith.mulf %mul3A_606, %mul3A_216 : vector<64x640xf32>
    %add3A_608 = arith.addf %mul3A_602, %mul3A_607 : vector<64x640xf32>
    %get3A_609 = arith.constant 18 : index
    %get3A_610 = arith.constant 0 : index
    %get3A_611 = vector.load %arg3[%get3A_609, %get3A_610] : memref<81x640xf32, #tpu.memory_space<vmem>>, vector<1x640xf32>
    %mul3A_612 = vector.broadcast %get3A_611 : vector<1x640xf32> to vector<64x640xf32>
    %mul3A_613 = arith.mulf %mul3A_612, %mul3A_270 : vector<64x640xf32>
    %add3A_614 = arith.addf %add3A_608, %mul3A_613 : vector<64x640xf32>
    %get3A_615 = arith.constant 27 : index
    %get3A_616 = arith.constant 0 : index
    %get3A_617 = vector.load %arg3[%get3A_615, %get3A_616] : memref<81x640xf32, #tpu.memory_space<vmem>>, vector<1x640xf32>
    %mul3A_618 = vector.broadcast %get3A_617 : vector<1x640xf32> to vector<64x640xf32>
    %mul3A_619 = arith.mulf %mul3A_618, %mul3A_324 : vector<64x640xf32>
    %add3A_620 = arith.addf %add3A_614, %mul3A_619 : vector<64x640xf32>
    %get3A_621 = arith.constant 36 : index
    %get3A_622 = arith.constant 0 : index
    %get3A_623 = vector.load %arg3[%get3A_621, %get3A_622] : memref<81x640xf32, #tpu.memory_space<vmem>>, vector<1x640xf32>
    %mul3A_624 = vector.broadcast %get3A_623 : vector<1x640xf32> to vector<64x640xf32>
    %mul3A_625 = arith.mulf %mul3A_624, %mul3A_378 : vector<64x640xf32>
    %add3A_626 = arith.addf %add3A_620, %mul3A_625 : vector<64x640xf32>
    %get3A_627 = arith.constant 45 : index
    %get3A_628 = arith.constant 0 : index
    %get3A_629 = vector.load %arg3[%get3A_627, %get3A_628] : memref<81x640xf32, #tpu.memory_space<vmem>>, vector<1x640xf32>
    %mul3A_630 = vector.broadcast %get3A_629 : vector<1x640xf32> to vector<64x640xf32>
    %mul3A_631 = arith.mulf %mul3A_630, %mul3A_432 : vector<64x640xf32>
    %add3A_632 = arith.addf %add3A_626, %mul3A_631 : vector<64x640xf32>
    %get3A_633 = arith.constant 54 : index
    %get3A_634 = arith.constant 0 : index
    %get3A_635 = vector.load %arg3[%get3A_633, %get3A_634] : memref<81x640xf32, #tpu.memory_space<vmem>>, vector<1x640xf32>
    %mul3A_636 = vector.broadcast %get3A_635 : vector<1x640xf32> to vector<64x640xf32>
    %mul3A_637 = arith.mulf %mul3A_636, %mul3A_486 : vector<64x640xf32>
    %add3A_638 = arith.addf %add3A_632, %mul3A_637 : vector<64x640xf32>
    %get3A_639 = arith.constant 63 : index
    %get3A_640 = arith.constant 0 : index
    %get3A_641 = vector.load %arg3[%get3A_639, %get3A_640] : memref<81x640xf32, #tpu.memory_space<vmem>>, vector<1x640xf32>
    %mul3A_642 = vector.broadcast %get3A_641 : vector<1x640xf32> to vector<64x640xf32>
    %mul3A_643 = arith.mulf %mul3A_642, %mul3A_540 : vector<64x640xf32>
    %add3A_644 = arith.addf %add3A_638, %mul3A_643 : vector<64x640xf32>
    %get3A_645 = arith.constant 72 : index
    %get3A_646 = arith.constant 0 : index
    %get3A_647 = vector.load %arg3[%get3A_645, %get3A_646] : memref<81x640xf32, #tpu.memory_space<vmem>>, vector<1x640xf32>
    %mul3A_648 = vector.broadcast %get3A_647 : vector<1x640xf32> to vector<64x640xf32>
    %mul3A_649 = arith.mulf %mul3A_648, %mul3A_594 : vector<64x640xf32>
    %add3A_650 = arith.addf %add3A_644, %mul3A_649 : vector<64x640xf32>
    %mul3A_651 = vector.broadcast %get3A_7 : vector<1x640xf32> to vector<64x640xf32>
    %mul3A_652 = arith.mulf %add3A_650, %mul3A_651 : vector<64x640xf32>
    %dot_general3A_653 = arith.constant dense<0.000000e+00> : vector<640x32xf32>
    %dot_general3A_654 = tpu.matmul %mul3A_652, %get3A_597, %dot_general3A_653 {dimension_numbers = #tpu.dot_dimension_numbers<[0], [0], [1], [1], [0, 1, 1, 1], [], []>, transpose_lhs_hint = false} : vector<64x640xf32>, vector<64x32xf32>, vector<640x32xf32> -> vector<640x32xf32>
    %get3A_655 = arith.constant 1 : index
    %get3A_656 = arith.constant 0 : index
    %get3A_657 = vector.load %arg3[%get3A_655, %get3A_656] : memref<81x640xf32, #tpu.memory_space<vmem>>, vector<1x640xf32>
    %mul3A_658 = vector.broadcast %get3A_657 : vector<1x640xf32> to vector<64x640xf32>
    %mul3A_659 = arith.mulf %mul3A_658, %mul3A_162 : vector<64x640xf32>
    %get3A_660 = arith.constant 10 : index
    %get3A_661 = arith.constant 0 : index
    %get3A_662 = vector.load %arg3[%get3A_660, %get3A_661] : memref<81x640xf32, #tpu.memory_space<vmem>>, vector<1x640xf32>
    %mul3A_663 = vector.broadcast %get3A_662 : vector<1x640xf32> to vector<64x640xf32>
    %mul3A_664 = arith.mulf %mul3A_663, %mul3A_216 : vector<64x640xf32>
    %add3A_665 = arith.addf %mul3A_659, %mul3A_664 : vector<64x640xf32>
    %get3A_666 = arith.constant 19 : index
    %get3A_667 = arith.constant 0 : index
    %get3A_668 = vector.load %arg3[%get3A_666, %get3A_667] : memref<81x640xf32, #tpu.memory_space<vmem>>, vector<1x640xf32>
    %mul3A_669 = vector.broadcast %get3A_668 : vector<1x640xf32> to vector<64x640xf32>
    %mul3A_670 = arith.mulf %mul3A_669, %mul3A_270 : vector<64x640xf32>
    %add3A_671 = arith.addf %add3A_665, %mul3A_670 : vector<64x640xf32>
    %get3A_672 = arith.constant 28 : index
    %get3A_673 = arith.constant 0 : index
    %get3A_674 = vector.load %arg3[%get3A_672, %get3A_673] : memref<81x640xf32, #tpu.memory_space<vmem>>, vector<1x640xf32>
    %mul3A_675 = vector.broadcast %get3A_674 : vector<1x640xf32> to vector<64x640xf32>
    %mul3A_676 = arith.mulf %mul3A_675, %mul3A_324 : vector<64x640xf32>
    %add3A_677 = arith.addf %add3A_671, %mul3A_676 : vector<64x640xf32>
    %get3A_678 = arith.constant 37 : index
    %get3A_679 = arith.constant 0 : index
    %get3A_680 = vector.load %arg3[%get3A_678, %get3A_679] : memref<81x640xf32, #tpu.memory_space<vmem>>, vector<1x640xf32>
    %mul3A_681 = vector.broadcast %get3A_680 : vector<1x640xf32> to vector<64x640xf32>
    %mul3A_682 = arith.mulf %mul3A_681, %mul3A_378 : vector<64x640xf32>
    %add3A_683 = arith.addf %add3A_677, %mul3A_682 : vector<64x640xf32>
    %get3A_684 = arith.constant 46 : index
    %get3A_685 = arith.constant 0 : index
    %get3A_686 = vector.load %arg3[%get3A_684, %get3A_685] : memref<81x640xf32, #tpu.memory_space<vmem>>, vector<1x640xf32>
    %mul3A_687 = vector.broadcast %get3A_686 : vector<1x640xf32> to vector<64x640xf32>
    %mul3A_688 = arith.mulf %mul3A_687, %mul3A_432 : vector<64x640xf32>
    %add3A_689 = arith.addf %add3A_683, %mul3A_688 : vector<64x640xf32>
    %get3A_690 = arith.constant 55 : index
    %get3A_691 = arith.constant 0 : index
    %get3A_692 = vector.load %arg3[%get3A_690, %get3A_691] : memref<81x640xf32, #tpu.memory_space<vmem>>, vector<1x640xf32>
    %mul3A_693 = vector.broadcast %get3A_692 : vector<1x640xf32> to vector<64x640xf32>
    %mul3A_694 = arith.mulf %mul3A_693, %mul3A_486 : vector<64x640xf32>
    %add3A_695 = arith.addf %add3A_689, %mul3A_694 : vector<64x640xf32>
    %get3A_696 = arith.constant 64 : index
    %get3A_697 = arith.constant 0 : index
    %get3A_698 = vector.load %arg3[%get3A_696, %get3A_697] : memref<81x640xf32, #tpu.memory_space<vmem>>, vector<1x640xf32>
    %mul3A_699 = vector.broadcast %get3A_698 : vector<1x640xf32> to vector<64x640xf32>
    %mul3A_700 = arith.mulf %mul3A_699, %mul3A_540 : vector<64x640xf32>
    %add3A_701 = arith.addf %add3A_695, %mul3A_700 : vector<64x640xf32>
    %get3A_702 = arith.constant 73 : index
    %get3A_703 = arith.constant 0 : index
    %get3A_704 = vector.load %arg3[%get3A_702, %get3A_703] : memref<81x640xf32, #tpu.memory_space<vmem>>, vector<1x640xf32>
    %mul3A_705 = vector.broadcast %get3A_704 : vector<1x640xf32> to vector<64x640xf32>
    %mul3A_706 = arith.mulf %mul3A_705, %mul3A_594 : vector<64x640xf32>
    %add3A_707 = arith.addf %add3A_701, %mul3A_706 : vector<64x640xf32>
    %mul3A_708 = vector.broadcast %get3A_7 : vector<1x640xf32> to vector<64x640xf32>
    %mul3A_709 = arith.mulf %add3A_707, %mul3A_708 : vector<64x640xf32>
    %dot_general3A_710 = arith.constant dense<0.000000e+00> : vector<640x32xf32>
    %dot_general3A_711 = tpu.matmul %mul3A_709, %get3A_597, %dot_general3A_710 {dimension_numbers = #tpu.dot_dimension_numbers<[0], [0], [1], [1], [0, 1, 1, 1], [], []>, transpose_lhs_hint = false} : vector<64x640xf32>, vector<64x32xf32>, vector<640x32xf32> -> vector<640x32xf32>
    %get3A_712 = arith.constant 2 : index
    %get3A_713 = arith.constant 0 : index
    %get3A_714 = vector.load %arg3[%get3A_712, %get3A_713] : memref<81x640xf32, #tpu.memory_space<vmem>>, vector<1x640xf32>
    %mul3A_715 = vector.broadcast %get3A_714 : vector<1x640xf32> to vector<64x640xf32>
    %mul3A_716 = arith.mulf %mul3A_715, %mul3A_162 : vector<64x640xf32>
    %get3A_717 = arith.constant 11 : index
    %get3A_718 = arith.constant 0 : index
    %get3A_719 = vector.load %arg3[%get3A_717, %get3A_718] : memref<81x640xf32, #tpu.memory_space<vmem>>, vector<1x640xf32>
    %mul3A_720 = vector.broadcast %get3A_719 : vector<1x640xf32> to vector<64x640xf32>
    %mul3A_721 = arith.mulf %mul3A_720, %mul3A_216 : vector<64x640xf32>
    %add3A_722 = arith.addf %mul3A_716, %mul3A_721 : vector<64x640xf32>
    %get3A_723 = arith.constant 20 : index
    %get3A_724 = arith.constant 0 : index
    %get3A_725 = vector.load %arg3[%get3A_723, %get3A_724] : memref<81x640xf32, #tpu.memory_space<vmem>>, vector<1x640xf32>
    %mul3A_726 = vector.broadcast %get3A_725 : vector<1x640xf32> to vector<64x640xf32>
    %mul3A_727 = arith.mulf %mul3A_726, %mul3A_270 : vector<64x640xf32>
    %add3A_728 = arith.addf %add3A_722, %mul3A_727 : vector<64x640xf32>
    %get3A_729 = arith.constant 29 : index
    %get3A_730 = arith.constant 0 : index
    %get3A_731 = vector.load %arg3[%get3A_729, %get3A_730] : memref<81x640xf32, #tpu.memory_space<vmem>>, vector<1x640xf32>
    %mul3A_732 = vector.broadcast %get3A_731 : vector<1x640xf32> to vector<64x640xf32>
    %mul3A_733 = arith.mulf %mul3A_732, %mul3A_324 : vector<64x640xf32>
    %add3A_734 = arith.addf %add3A_728, %mul3A_733 : vector<64x640xf32>
    %get3A_735 = arith.constant 38 : index
    %get3A_736 = arith.constant 0 : index
    %get3A_737 = vector.load %arg3[%get3A_735, %get3A_736] : memref<81x640xf32, #tpu.memory_space<vmem>>, vector<1x640xf32>
    %mul3A_738 = vector.broadcast %get3A_737 : vector<1x640xf32> to vector<64x640xf32>
    %mul3A_739 = arith.mulf %mul3A_738, %mul3A_378 : vector<64x640xf32>
    %add3A_740 = arith.addf %add3A_734, %mul3A_739 : vector<64x640xf32>
    %get3A_741 = arith.constant 47 : index
    %get3A_742 = arith.constant 0 : index
    %get3A_743 = vector.load %arg3[%get3A_741, %get3A_742] : memref<81x640xf32, #tpu.memory_space<vmem>>, vector<1x640xf32>
    %mul3A_744 = vector.broadcast %get3A_743 : vector<1x640xf32> to vector<64x640xf32>
    %mul3A_745 = arith.mulf %mul3A_744, %mul3A_432 : vector<64x640xf32>
    %add3A_746 = arith.addf %add3A_740, %mul3A_745 : vector<64x640xf32>
    %get3A_747 = arith.constant 56 : index
    %get3A_748 = arith.constant 0 : index
    %get3A_749 = vector.load %arg3[%get3A_747, %get3A_748] : memref<81x640xf32, #tpu.memory_space<vmem>>, vector<1x640xf32>
    %mul3A_750 = vector.broadcast %get3A_749 : vector<1x640xf32> to vector<64x640xf32>
    %mul3A_751 = arith.mulf %mul3A_750, %mul3A_486 : vector<64x640xf32>
    %add3A_752 = arith.addf %add3A_746, %mul3A_751 : vector<64x640xf32>
    %get3A_753 = arith.constant 65 : index
    %get3A_754 = arith.constant 0 : index
    %get3A_755 = vector.load %arg3[%get3A_753, %get3A_754] : memref<81x640xf32, #tpu.memory_space<vmem>>, vector<1x640xf32>
    %mul3A_756 = vector.broadcast %get3A_755 : vector<1x640xf32> to vector<64x640xf32>
    %mul3A_757 = arith.mulf %mul3A_756, %mul3A_540 : vector<64x640xf32>
    %add3A_758 = arith.addf %add3A_752, %mul3A_757 : vector<64x640xf32>
    %get3A_759 = arith.constant 74 : index
    %get3A_760 = arith.constant 0 : index
    %get3A_761 = vector.load %arg3[%get3A_759, %get3A_760] : memref<81x640xf32, #tpu.memory_space<vmem>>, vector<1x640xf32>
    %mul3A_762 = vector.broadcast %get3A_761 : vector<1x640xf32> to vector<64x640xf32>
    %mul3A_763 = arith.mulf %mul3A_762, %mul3A_594 : vector<64x640xf32>
    %add3A_764 = arith.addf %add3A_758, %mul3A_763 : vector<64x640xf32>
    %mul3A_765 = vector.broadcast %get3A_7 : vector<1x640xf32> to vector<64x640xf32>
    %mul3A_766 = arith.mulf %add3A_764, %mul3A_765 : vector<64x640xf32>
    %dot_general3A_767 = arith.constant dense<0.000000e+00> : vector<640x32xf32>
    %dot_general3A_768 = tpu.matmul %mul3A_766, %get3A_597, %dot_general3A_767 {dimension_numbers = #tpu.dot_dimension_numbers<[0], [0], [1], [1], [0, 1, 1, 1], [], []>, transpose_lhs_hint = false} : vector<64x640xf32>, vector<64x32xf32>, vector<640x32xf32> -> vector<640x32xf32>
    %get3A_769 = arith.constant 3 : index
    %get3A_770 = arith.constant 0 : index
    %get3A_771 = vector.load %arg3[%get3A_769, %get3A_770] : memref<81x640xf32, #tpu.memory_space<vmem>>, vector<1x640xf32>
    %mul3A_772 = vector.broadcast %get3A_771 : vector<1x640xf32> to vector<64x640xf32>
    %mul3A_773 = arith.mulf %mul3A_772, %mul3A_162 : vector<64x640xf32>
    %get3A_774 = arith.constant 12 : index
    %get3A_775 = arith.constant 0 : index
    %get3A_776 = vector.load %arg3[%get3A_774, %get3A_775] : memref<81x640xf32, #tpu.memory_space<vmem>>, vector<1x640xf32>
    %mul3A_777 = vector.broadcast %get3A_776 : vector<1x640xf32> to vector<64x640xf32>
    %mul3A_778 = arith.mulf %mul3A_777, %mul3A_216 : vector<64x640xf32>
    %add3A_779 = arith.addf %mul3A_773, %mul3A_778 : vector<64x640xf32>
    %get3A_780 = arith.constant 21 : index
    %get3A_781 = arith.constant 0 : index
    %get3A_782 = vector.load %arg3[%get3A_780, %get3A_781] : memref<81x640xf32, #tpu.memory_space<vmem>>, vector<1x640xf32>
    %mul3A_783 = vector.broadcast %get3A_782 : vector<1x640xf32> to vector<64x640xf32>
    %mul3A_784 = arith.mulf %mul3A_783, %mul3A_270 : vector<64x640xf32>
    %add3A_785 = arith.addf %add3A_779, %mul3A_784 : vector<64x640xf32>
    %get3A_786 = arith.constant 30 : index
    %get3A_787 = arith.constant 0 : index
    %get3A_788 = vector.load %arg3[%get3A_786, %get3A_787] : memref<81x640xf32, #tpu.memory_space<vmem>>, vector<1x640xf32>
    %mul3A_789 = vector.broadcast %get3A_788 : vector<1x640xf32> to vector<64x640xf32>
    %mul3A_790 = arith.mulf %mul3A_789, %mul3A_324 : vector<64x640xf32>
    %add3A_791 = arith.addf %add3A_785, %mul3A_790 : vector<64x640xf32>
    %get3A_792 = arith.constant 39 : index
    %get3A_793 = arith.constant 0 : index
    %get3A_794 = vector.load %arg3[%get3A_792, %get3A_793] : memref<81x640xf32, #tpu.memory_space<vmem>>, vector<1x640xf32>
    %mul3A_795 = vector.broadcast %get3A_794 : vector<1x640xf32> to vector<64x640xf32>
    %mul3A_796 = arith.mulf %mul3A_795, %mul3A_378 : vector<64x640xf32>
    %add3A_797 = arith.addf %add3A_791, %mul3A_796 : vector<64x640xf32>
    %get3A_798 = arith.constant 48 : index
    %get3A_799 = arith.constant 0 : index
    %get3A_800 = vector.load %arg3[%get3A_798, %get3A_799] : memref<81x640xf32, #tpu.memory_space<vmem>>, vector<1x640xf32>
    %mul3A_801 = vector.broadcast %get3A_800 : vector<1x640xf32> to vector<64x640xf32>
    %mul3A_802 = arith.mulf %mul3A_801, %mul3A_432 : vector<64x640xf32>
    %add3A_803 = arith.addf %add3A_797, %mul3A_802 : vector<64x640xf32>
    %get3A_804 = arith.constant 57 : index
    %get3A_805 = arith.constant 0 : index
    %get3A_806 = vector.load %arg3[%get3A_804, %get3A_805] : memref<81x640xf32, #tpu.memory_space<vmem>>, vector<1x640xf32>
    %mul3A_807 = vector.broadcast %get3A_806 : vector<1x640xf32> to vector<64x640xf32>
    %mul3A_808 = arith.mulf %mul3A_807, %mul3A_486 : vector<64x640xf32>
    %add3A_809 = arith.addf %add3A_803, %mul3A_808 : vector<64x640xf32>
    %get3A_810 = arith.constant 66 : index
    %get3A_811 = arith.constant 0 : index
    %get3A_812 = vector.load %arg3[%get3A_810, %get3A_811] : memref<81x640xf32, #tpu.memory_space<vmem>>, vector<1x640xf32>
    %mul3A_813 = vector.broadcast %get3A_812 : vector<1x640xf32> to vector<64x640xf32>
    %mul3A_814 = arith.mulf %mul3A_813, %mul3A_540 : vector<64x640xf32>
    %add3A_815 = arith.addf %add3A_809, %mul3A_814 : vector<64x640xf32>
    %get3A_816 = arith.constant 75 : index
    %get3A_817 = arith.constant 0 : index
    %get3A_818 = vector.load %arg3[%get3A_816, %get3A_817] : memref<81x640xf32, #tpu.memory_space<vmem>>, vector<1x640xf32>
    %mul3A_819 = vector.broadcast %get3A_818 : vector<1x640xf32> to vector<64x640xf32>
    %mul3A_820 = arith.mulf %mul3A_819, %mul3A_594 : vector<64x640xf32>
    %add3A_821 = arith.addf %add3A_815, %mul3A_820 : vector<64x640xf32>
    %mul3A_822 = vector.broadcast %get3A_7 : vector<1x640xf32> to vector<64x640xf32>
    %mul3A_823 = arith.mulf %add3A_821, %mul3A_822 : vector<64x640xf32>
    %dot_general3A_824 = arith.constant dense<0.000000e+00> : vector<640x32xf32>
    %dot_general3A_825 = tpu.matmul %mul3A_823, %get3A_597, %dot_general3A_824 {dimension_numbers = #tpu.dot_dimension_numbers<[0], [0], [1], [1], [0, 1, 1, 1], [], []>, transpose_lhs_hint = false} : vector<64x640xf32>, vector<64x32xf32>, vector<640x32xf32> -> vector<640x32xf32>
    %get3A_826 = arith.constant 4 : index
    %get3A_827 = arith.constant 0 : index
    %get3A_828 = vector.load %arg3[%get3A_826, %get3A_827] : memref<81x640xf32, #tpu.memory_space<vmem>>, vector<1x640xf32>
    %mul3A_829 = vector.broadcast %get3A_828 : vector<1x640xf32> to vector<64x640xf32>
    %mul3A_830 = arith.mulf %mul3A_829, %mul3A_162 : vector<64x640xf32>
    %get3A_831 = arith.constant 13 : index
    %get3A_832 = arith.constant 0 : index
    %get3A_833 = vector.load %arg3[%get3A_831, %get3A_832] : memref<81x640xf32, #tpu.memory_space<vmem>>, vector<1x640xf32>
    %mul3A_834 = vector.broadcast %get3A_833 : vector<1x640xf32> to vector<64x640xf32>
    %mul3A_835 = arith.mulf %mul3A_834, %mul3A_216 : vector<64x640xf32>
    %add3A_836 = arith.addf %mul3A_830, %mul3A_835 : vector<64x640xf32>
    %get3A_837 = arith.constant 22 : index
    %get3A_838 = arith.constant 0 : index
    %get3A_839 = vector.load %arg3[%get3A_837, %get3A_838] : memref<81x640xf32, #tpu.memory_space<vmem>>, vector<1x640xf32>
    %mul3A_840 = vector.broadcast %get3A_839 : vector<1x640xf32> to vector<64x640xf32>
    %mul3A_841 = arith.mulf %mul3A_840, %mul3A_270 : vector<64x640xf32>
    %add3A_842 = arith.addf %add3A_836, %mul3A_841 : vector<64x640xf32>
    %get3A_843 = arith.constant 31 : index
    %get3A_844 = arith.constant 0 : index
    %get3A_845 = vector.load %arg3[%get3A_843, %get3A_844] : memref<81x640xf32, #tpu.memory_space<vmem>>, vector<1x640xf32>
    %mul3A_846 = vector.broadcast %get3A_845 : vector<1x640xf32> to vector<64x640xf32>
    %mul3A_847 = arith.mulf %mul3A_846, %mul3A_324 : vector<64x640xf32>
    %add3A_848 = arith.addf %add3A_842, %mul3A_847 : vector<64x640xf32>
    %get3A_849 = arith.constant 40 : index
    %get3A_850 = arith.constant 0 : index
    %get3A_851 = vector.load %arg3[%get3A_849, %get3A_850] : memref<81x640xf32, #tpu.memory_space<vmem>>, vector<1x640xf32>
    %mul3A_852 = vector.broadcast %get3A_851 : vector<1x640xf32> to vector<64x640xf32>
    %mul3A_853 = arith.mulf %mul3A_852, %mul3A_378 : vector<64x640xf32>
    %add3A_854 = arith.addf %add3A_848, %mul3A_853 : vector<64x640xf32>
    %get3A_855 = arith.constant 49 : index
    %get3A_856 = arith.constant 0 : index
    %get3A_857 = vector.load %arg3[%get3A_855, %get3A_856] : memref<81x640xf32, #tpu.memory_space<vmem>>, vector<1x640xf32>
    %mul3A_858 = vector.broadcast %get3A_857 : vector<1x640xf32> to vector<64x640xf32>
    %mul3A_859 = arith.mulf %mul3A_858, %mul3A_432 : vector<64x640xf32>
    %add3A_860 = arith.addf %add3A_854, %mul3A_859 : vector<64x640xf32>
    %get3A_861 = arith.constant 58 : index
    %get3A_862 = arith.constant 0 : index
    %get3A_863 = vector.load %arg3[%get3A_861, %get3A_862] : memref<81x640xf32, #tpu.memory_space<vmem>>, vector<1x640xf32>
    %mul3A_864 = vector.broadcast %get3A_863 : vector<1x640xf32> to vector<64x640xf32>
    %mul3A_865 = arith.mulf %mul3A_864, %mul3A_486 : vector<64x640xf32>
    %add3A_866 = arith.addf %add3A_860, %mul3A_865 : vector<64x640xf32>
    %get3A_867 = arith.constant 67 : index
    %get3A_868 = arith.constant 0 : index
    %get3A_869 = vector.load %arg3[%get3A_867, %get3A_868] : memref<81x640xf32, #tpu.memory_space<vmem>>, vector<1x640xf32>
    %mul3A_870 = vector.broadcast %get3A_869 : vector<1x640xf32> to vector<64x640xf32>
    %mul3A_871 = arith.mulf %mul3A_870, %mul3A_540 : vector<64x640xf32>
    %add3A_872 = arith.addf %add3A_866, %mul3A_871 : vector<64x640xf32>
    %get3A_873 = arith.constant 76 : index
    %get3A_874 = arith.constant 0 : index
    %get3A_875 = vector.load %arg3[%get3A_873, %get3A_874] : memref<81x640xf32, #tpu.memory_space<vmem>>, vector<1x640xf32>
    %mul3A_876 = vector.broadcast %get3A_875 : vector<1x640xf32> to vector<64x640xf32>
    %mul3A_877 = arith.mulf %mul3A_876, %mul3A_594 : vector<64x640xf32>
    %add3A_878 = arith.addf %add3A_872, %mul3A_877 : vector<64x640xf32>
    %mul3A_879 = vector.broadcast %get3A_7 : vector<1x640xf32> to vector<64x640xf32>
    %mul3A_880 = arith.mulf %add3A_878, %mul3A_879 : vector<64x640xf32>
    %dot_general3A_881 = arith.constant dense<0.000000e+00> : vector<640x32xf32>
    %dot_general3A_882 = tpu.matmul %mul3A_880, %get3A_597, %dot_general3A_881 {dimension_numbers = #tpu.dot_dimension_numbers<[0], [0], [1], [1], [0, 1, 1, 1], [], []>, transpose_lhs_hint = false} : vector<64x640xf32>, vector<64x32xf32>, vector<640x32xf32> -> vector<640x32xf32>
    %get3A_883 = arith.constant 5 : index
    %get3A_884 = arith.constant 0 : index
    %get3A_885 = vector.load %arg3[%get3A_883, %get3A_884] : memref<81x640xf32, #tpu.memory_space<vmem>>, vector<1x640xf32>
    %mul3A_886 = vector.broadcast %get3A_885 : vector<1x640xf32> to vector<64x640xf32>
    %mul3A_887 = arith.mulf %mul3A_886, %mul3A_162 : vector<64x640xf32>
    %get3A_888 = arith.constant 14 : index
    %get3A_889 = arith.constant 0 : index
    %get3A_890 = vector.load %arg3[%get3A_888, %get3A_889] : memref<81x640xf32, #tpu.memory_space<vmem>>, vector<1x640xf32>
    %mul3A_891 = vector.broadcast %get3A_890 : vector<1x640xf32> to vector<64x640xf32>
    %mul3A_892 = arith.mulf %mul3A_891, %mul3A_216 : vector<64x640xf32>
    %add3A_893 = arith.addf %mul3A_887, %mul3A_892 : vector<64x640xf32>
    %get3A_894 = arith.constant 23 : index
    %get3A_895 = arith.constant 0 : index
    %get3A_896 = vector.load %arg3[%get3A_894, %get3A_895] : memref<81x640xf32, #tpu.memory_space<vmem>>, vector<1x640xf32>
    %mul3A_897 = vector.broadcast %get3A_896 : vector<1x640xf32> to vector<64x640xf32>
    %mul3A_898 = arith.mulf %mul3A_897, %mul3A_270 : vector<64x640xf32>
    %add3A_899 = arith.addf %add3A_893, %mul3A_898 : vector<64x640xf32>
    %get3A_900 = arith.constant 32 : index
    %get3A_901 = arith.constant 0 : index
    %get3A_902 = vector.load %arg3[%get3A_900, %get3A_901] : memref<81x640xf32, #tpu.memory_space<vmem>>, vector<1x640xf32>
    %mul3A_903 = vector.broadcast %get3A_902 : vector<1x640xf32> to vector<64x640xf32>
    %mul3A_904 = arith.mulf %mul3A_903, %mul3A_324 : vector<64x640xf32>
    %add3A_905 = arith.addf %add3A_899, %mul3A_904 : vector<64x640xf32>
    %get3A_906 = arith.constant 41 : index
    %get3A_907 = arith.constant 0 : index
    %get3A_908 = vector.load %arg3[%get3A_906, %get3A_907] : memref<81x640xf32, #tpu.memory_space<vmem>>, vector<1x640xf32>
    %mul3A_909 = vector.broadcast %get3A_908 : vector<1x640xf32> to vector<64x640xf32>
    %mul3A_910 = arith.mulf %mul3A_909, %mul3A_378 : vector<64x640xf32>
    %add3A_911 = arith.addf %add3A_905, %mul3A_910 : vector<64x640xf32>
    %get3A_912 = arith.constant 50 : index
    %get3A_913 = arith.constant 0 : index
    %get3A_914 = vector.load %arg3[%get3A_912, %get3A_913] : memref<81x640xf32, #tpu.memory_space<vmem>>, vector<1x640xf32>
    %mul3A_915 = vector.broadcast %get3A_914 : vector<1x640xf32> to vector<64x640xf32>
    %mul3A_916 = arith.mulf %mul3A_915, %mul3A_432 : vector<64x640xf32>
    %add3A_917 = arith.addf %add3A_911, %mul3A_916 : vector<64x640xf32>
    %get3A_918 = arith.constant 59 : index
    %get3A_919 = arith.constant 0 : index
    %get3A_920 = vector.load %arg3[%get3A_918, %get3A_919] : memref<81x640xf32, #tpu.memory_space<vmem>>, vector<1x640xf32>
    %mul3A_921 = vector.broadcast %get3A_920 : vector<1x640xf32> to vector<64x640xf32>
    %mul3A_922 = arith.mulf %mul3A_921, %mul3A_486 : vector<64x640xf32>
    %add3A_923 = arith.addf %add3A_917, %mul3A_922 : vector<64x640xf32>
    %get3A_924 = arith.constant 68 : index
    %get3A_925 = arith.constant 0 : index
    %get3A_926 = vector.load %arg3[%get3A_924, %get3A_925] : memref<81x640xf32, #tpu.memory_space<vmem>>, vector<1x640xf32>
    %mul3A_927 = vector.broadcast %get3A_926 : vector<1x640xf32> to vector<64x640xf32>
    %mul3A_928 = arith.mulf %mul3A_927, %mul3A_540 : vector<64x640xf32>
    %add3A_929 = arith.addf %add3A_923, %mul3A_928 : vector<64x640xf32>
    %get3A_930 = arith.constant 77 : index
    %get3A_931 = arith.constant 0 : index
    %get3A_932 = vector.load %arg3[%get3A_930, %get3A_931] : memref<81x640xf32, #tpu.memory_space<vmem>>, vector<1x640xf32>
    %mul3A_933 = vector.broadcast %get3A_932 : vector<1x640xf32> to vector<64x640xf32>
    %mul3A_934 = arith.mulf %mul3A_933, %mul3A_594 : vector<64x640xf32>
    %add3A_935 = arith.addf %add3A_929, %mul3A_934 : vector<64x640xf32>
    %mul3A_936 = vector.broadcast %get3A_7 : vector<1x640xf32> to vector<64x640xf32>
    %mul3A_937 = arith.mulf %add3A_935, %mul3A_936 : vector<64x640xf32>
    %dot_general3A_938 = arith.constant dense<0.000000e+00> : vector<640x32xf32>
    %dot_general3A_939 = tpu.matmul %mul3A_937, %get3A_597, %dot_general3A_938 {dimension_numbers = #tpu.dot_dimension_numbers<[0], [0], [1], [1], [0, 1, 1, 1], [], []>, transpose_lhs_hint = false} : vector<64x640xf32>, vector<64x32xf32>, vector<640x32xf32> -> vector<640x32xf32>
    %get3A_940 = arith.constant 6 : index
    %get3A_941 = arith.constant 0 : index
    %get3A_942 = vector.load %arg3[%get3A_940, %get3A_941] : memref<81x640xf32, #tpu.memory_space<vmem>>, vector<1x640xf32>
    %mul3A_943 = vector.broadcast %get3A_942 : vector<1x640xf32> to vector<64x640xf32>
    %mul3A_944 = arith.mulf %mul3A_943, %mul3A_162 : vector<64x640xf32>
    %get3A_945 = arith.constant 15 : index
    %get3A_946 = arith.constant 0 : index
    %get3A_947 = vector.load %arg3[%get3A_945, %get3A_946] : memref<81x640xf32, #tpu.memory_space<vmem>>, vector<1x640xf32>
    %mul3A_948 = vector.broadcast %get3A_947 : vector<1x640xf32> to vector<64x640xf32>
    %mul3A_949 = arith.mulf %mul3A_948, %mul3A_216 : vector<64x640xf32>
    %add3A_950 = arith.addf %mul3A_944, %mul3A_949 : vector<64x640xf32>
    %get3A_951 = arith.constant 24 : index
    %get3A_952 = arith.constant 0 : index
    %get3A_953 = vector.load %arg3[%get3A_951, %get3A_952] : memref<81x640xf32, #tpu.memory_space<vmem>>, vector<1x640xf32>
    %mul3A_954 = vector.broadcast %get3A_953 : vector<1x640xf32> to vector<64x640xf32>
    %mul3A_955 = arith.mulf %mul3A_954, %mul3A_270 : vector<64x640xf32>
    %add3A_956 = arith.addf %add3A_950, %mul3A_955 : vector<64x640xf32>
    %get3A_957 = arith.constant 33 : index
    %get3A_958 = arith.constant 0 : index
    %get3A_959 = vector.load %arg3[%get3A_957, %get3A_958] : memref<81x640xf32, #tpu.memory_space<vmem>>, vector<1x640xf32>
    %mul3A_960 = vector.broadcast %get3A_959 : vector<1x640xf32> to vector<64x640xf32>
    %mul3A_961 = arith.mulf %mul3A_960, %mul3A_324 : vector<64x640xf32>
    %add3A_962 = arith.addf %add3A_956, %mul3A_961 : vector<64x640xf32>
    %get3A_963 = arith.constant 42 : index
    %get3A_964 = arith.constant 0 : index
    %get3A_965 = vector.load %arg3[%get3A_963, %get3A_964] : memref<81x640xf32, #tpu.memory_space<vmem>>, vector<1x640xf32>
    %mul3A_966 = vector.broadcast %get3A_965 : vector<1x640xf32> to vector<64x640xf32>
    %mul3A_967 = arith.mulf %mul3A_966, %mul3A_378 : vector<64x640xf32>
    %add3A_968 = arith.addf %add3A_962, %mul3A_967 : vector<64x640xf32>
    %get3A_969 = arith.constant 51 : index
    %get3A_970 = arith.constant 0 : index
    %get3A_971 = vector.load %arg3[%get3A_969, %get3A_970] : memref<81x640xf32, #tpu.memory_space<vmem>>, vector<1x640xf32>
    %mul3A_972 = vector.broadcast %get3A_971 : vector<1x640xf32> to vector<64x640xf32>
    %mul3A_973 = arith.mulf %mul3A_972, %mul3A_432 : vector<64x640xf32>
    %add3A_974 = arith.addf %add3A_968, %mul3A_973 : vector<64x640xf32>
    %get3A_975 = arith.constant 60 : index
    %get3A_976 = arith.constant 0 : index
    %get3A_977 = vector.load %arg3[%get3A_975, %get3A_976] : memref<81x640xf32, #tpu.memory_space<vmem>>, vector<1x640xf32>
    %mul3A_978 = vector.broadcast %get3A_977 : vector<1x640xf32> to vector<64x640xf32>
    %mul3A_979 = arith.mulf %mul3A_978, %mul3A_486 : vector<64x640xf32>
    %add3A_980 = arith.addf %add3A_974, %mul3A_979 : vector<64x640xf32>
    %get3A_981 = arith.constant 69 : index
    %get3A_982 = arith.constant 0 : index
    %get3A_983 = vector.load %arg3[%get3A_981, %get3A_982] : memref<81x640xf32, #tpu.memory_space<vmem>>, vector<1x640xf32>
    %mul3A_984 = vector.broadcast %get3A_983 : vector<1x640xf32> to vector<64x640xf32>
    %mul3A_985 = arith.mulf %mul3A_984, %mul3A_540 : vector<64x640xf32>
    %add3A_986 = arith.addf %add3A_980, %mul3A_985 : vector<64x640xf32>
    %get3A_987 = arith.constant 78 : index
    %get3A_988 = arith.constant 0 : index
    %get3A_989 = vector.load %arg3[%get3A_987, %get3A_988] : memref<81x640xf32, #tpu.memory_space<vmem>>, vector<1x640xf32>
    %mul3A_990 = vector.broadcast %get3A_989 : vector<1x640xf32> to vector<64x640xf32>
    %mul3A_991 = arith.mulf %mul3A_990, %mul3A_594 : vector<64x640xf32>
    %add3A_992 = arith.addf %add3A_986, %mul3A_991 : vector<64x640xf32>
    %mul3A_993 = vector.broadcast %get3A_7 : vector<1x640xf32> to vector<64x640xf32>
    %mul3A_994 = arith.mulf %add3A_992, %mul3A_993 : vector<64x640xf32>
    %dot_general3A_995 = arith.constant dense<0.000000e+00> : vector<640x32xf32>
    %dot_general3A_996 = tpu.matmul %mul3A_994, %get3A_597, %dot_general3A_995 {dimension_numbers = #tpu.dot_dimension_numbers<[0], [0], [1], [1], [0, 1, 1, 1], [], []>, transpose_lhs_hint = false} : vector<64x640xf32>, vector<64x32xf32>, vector<640x32xf32> -> vector<640x32xf32>
    %get3A_997 = arith.constant 7 : index
    %get3A_998 = arith.constant 0 : index
    %get3A_999 = vector.load %arg3[%get3A_997, %get3A_998] : memref<81x640xf32, #tpu.memory_space<vmem>>, vector<1x640xf32>
    %mul3A_1000 = vector.broadcast %get3A_999 : vector<1x640xf32> to vector<64x640xf32>
    %mul3A_1001 = arith.mulf %mul3A_1000, %mul3A_162 : vector<64x640xf32>
    %get3A_1002 = arith.constant 16 : index
    %get3A_1003 = arith.constant 0 : index
    %get3A_1004 = vector.load %arg3[%get3A_1002, %get3A_1003] : memref<81x640xf32, #tpu.memory_space<vmem>>, vector<1x640xf32>
    %mul3A_1005 = vector.broadcast %get3A_1004 : vector<1x640xf32> to vector<64x640xf32>
    %mul3A_1006 = arith.mulf %mul3A_1005, %mul3A_216 : vector<64x640xf32>
    %add3A_1007 = arith.addf %mul3A_1001, %mul3A_1006 : vector<64x640xf32>
    %get3A_1008 = arith.constant 25 : index
    %get3A_1009 = arith.constant 0 : index
    %get3A_1010 = vector.load %arg3[%get3A_1008, %get3A_1009] : memref<81x640xf32, #tpu.memory_space<vmem>>, vector<1x640xf32>
    %mul3A_1011 = vector.broadcast %get3A_1010 : vector<1x640xf32> to vector<64x640xf32>
    %mul3A_1012 = arith.mulf %mul3A_1011, %mul3A_270 : vector<64x640xf32>
    %add3A_1013 = arith.addf %add3A_1007, %mul3A_1012 : vector<64x640xf32>
    %get3A_1014 = arith.constant 34 : index
    %get3A_1015 = arith.constant 0 : index
    %get3A_1016 = vector.load %arg3[%get3A_1014, %get3A_1015] : memref<81x640xf32, #tpu.memory_space<vmem>>, vector<1x640xf32>
    %mul3A_1017 = vector.broadcast %get3A_1016 : vector<1x640xf32> to vector<64x640xf32>
    %mul3A_1018 = arith.mulf %mul3A_1017, %mul3A_324 : vector<64x640xf32>
    %add3A_1019 = arith.addf %add3A_1013, %mul3A_1018 : vector<64x640xf32>
    %get3A_1020 = arith.constant 43 : index
    %get3A_1021 = arith.constant 0 : index
    %get3A_1022 = vector.load %arg3[%get3A_1020, %get3A_1021] : memref<81x640xf32, #tpu.memory_space<vmem>>, vector<1x640xf32>
    %mul3A_1023 = vector.broadcast %get3A_1022 : vector<1x640xf32> to vector<64x640xf32>
    %mul3A_1024 = arith.mulf %mul3A_1023, %mul3A_378 : vector<64x640xf32>
    %add3A_1025 = arith.addf %add3A_1019, %mul3A_1024 : vector<64x640xf32>
    %get3A_1026 = arith.constant 52 : index
    %get3A_1027 = arith.constant 0 : index
    %get3A_1028 = vector.load %arg3[%get3A_1026, %get3A_1027] : memref<81x640xf32, #tpu.memory_space<vmem>>, vector<1x640xf32>
    %mul3A_1029 = vector.broadcast %get3A_1028 : vector<1x640xf32> to vector<64x640xf32>
    %mul3A_1030 = arith.mulf %mul3A_1029, %mul3A_432 : vector<64x640xf32>
    %add3A_1031 = arith.addf %add3A_1025, %mul3A_1030 : vector<64x640xf32>
    %get3A_1032 = arith.constant 61 : index
    %get3A_1033 = arith.constant 0 : index
    %get3A_1034 = vector.load %arg3[%get3A_1032, %get3A_1033] : memref<81x640xf32, #tpu.memory_space<vmem>>, vector<1x640xf32>
    %mul3A_1035 = vector.broadcast %get3A_1034 : vector<1x640xf32> to vector<64x640xf32>
    %mul3A_1036 = arith.mulf %mul3A_1035, %mul3A_486 : vector<64x640xf32>
    %add3A_1037 = arith.addf %add3A_1031, %mul3A_1036 : vector<64x640xf32>
    %get3A_1038 = arith.constant 70 : index
    %get3A_1039 = arith.constant 0 : index
    %get3A_1040 = vector.load %arg3[%get3A_1038, %get3A_1039] : memref<81x640xf32, #tpu.memory_space<vmem>>, vector<1x640xf32>
    %mul3A_1041 = vector.broadcast %get3A_1040 : vector<1x640xf32> to vector<64x640xf32>
    %mul3A_1042 = arith.mulf %mul3A_1041, %mul3A_540 : vector<64x640xf32>
    %add3A_1043 = arith.addf %add3A_1037, %mul3A_1042 : vector<64x640xf32>
    %get3A_1044 = arith.constant 79 : index
    %get3A_1045 = arith.constant 0 : index
    %get3A_1046 = vector.load %arg3[%get3A_1044, %get3A_1045] : memref<81x640xf32, #tpu.memory_space<vmem>>, vector<1x640xf32>
    %mul3A_1047 = vector.broadcast %get3A_1046 : vector<1x640xf32> to vector<64x640xf32>
    %mul3A_1048 = arith.mulf %mul3A_1047, %mul3A_594 : vector<64x640xf32>
    %add3A_1049 = arith.addf %add3A_1043, %mul3A_1048 : vector<64x640xf32>
    %mul3A_1050 = vector.broadcast %get3A_7 : vector<1x640xf32> to vector<64x640xf32>
    %mul3A_1051 = arith.mulf %add3A_1049, %mul3A_1050 : vector<64x640xf32>
    %dot_general3A_1052 = arith.constant dense<0.000000e+00> : vector<640x32xf32>
    %dot_general3A_1053 = tpu.matmul %mul3A_1051, %get3A_597, %dot_general3A_1052 {dimension_numbers = #tpu.dot_dimension_numbers<[0], [0], [1], [1], [0, 1, 1, 1], [], []>, transpose_lhs_hint = false} : vector<64x640xf32>, vector<64x32xf32>, vector<640x32xf32> -> vector<640x32xf32>
    %get3A_1054 = arith.constant 8 : index
    %get3A_1055 = arith.constant 0 : index
    %get3A_1056 = vector.load %arg3[%get3A_1054, %get3A_1055] : memref<81x640xf32, #tpu.memory_space<vmem>>, vector<1x640xf32>
    %mul3A_1057 = vector.broadcast %get3A_1056 : vector<1x640xf32> to vector<64x640xf32>
    %mul3A_1058 = arith.mulf %mul3A_1057, %mul3A_162 : vector<64x640xf32>
    %get3A_1059 = arith.constant 17 : index
    %get3A_1060 = arith.constant 0 : index
    %get3A_1061 = vector.load %arg3[%get3A_1059, %get3A_1060] : memref<81x640xf32, #tpu.memory_space<vmem>>, vector<1x640xf32>
    %mul3A_1062 = vector.broadcast %get3A_1061 : vector<1x640xf32> to vector<64x640xf32>
    %mul3A_1063 = arith.mulf %mul3A_1062, %mul3A_216 : vector<64x640xf32>
    %add3A_1064 = arith.addf %mul3A_1058, %mul3A_1063 : vector<64x640xf32>
    %get3A_1065 = arith.constant 26 : index
    %get3A_1066 = arith.constant 0 : index
    %get3A_1067 = vector.load %arg3[%get3A_1065, %get3A_1066] : memref<81x640xf32, #tpu.memory_space<vmem>>, vector<1x640xf32>
    %mul3A_1068 = vector.broadcast %get3A_1067 : vector<1x640xf32> to vector<64x640xf32>
    %mul3A_1069 = arith.mulf %mul3A_1068, %mul3A_270 : vector<64x640xf32>
    %add3A_1070 = arith.addf %add3A_1064, %mul3A_1069 : vector<64x640xf32>
    %get3A_1071 = arith.constant 35 : index
    %get3A_1072 = arith.constant 0 : index
    %get3A_1073 = vector.load %arg3[%get3A_1071, %get3A_1072] : memref<81x640xf32, #tpu.memory_space<vmem>>, vector<1x640xf32>
    %mul3A_1074 = vector.broadcast %get3A_1073 : vector<1x640xf32> to vector<64x640xf32>
    %mul3A_1075 = arith.mulf %mul3A_1074, %mul3A_324 : vector<64x640xf32>
    %add3A_1076 = arith.addf %add3A_1070, %mul3A_1075 : vector<64x640xf32>
    %get3A_1077 = arith.constant 44 : index
    %get3A_1078 = arith.constant 0 : index
    %get3A_1079 = vector.load %arg3[%get3A_1077, %get3A_1078] : memref<81x640xf32, #tpu.memory_space<vmem>>, vector<1x640xf32>
    %mul3A_1080 = vector.broadcast %get3A_1079 : vector<1x640xf32> to vector<64x640xf32>
    %mul3A_1081 = arith.mulf %mul3A_1080, %mul3A_378 : vector<64x640xf32>
    %add3A_1082 = arith.addf %add3A_1076, %mul3A_1081 : vector<64x640xf32>
    %get3A_1083 = arith.constant 53 : index
    %get3A_1084 = arith.constant 0 : index
    %get3A_1085 = vector.load %arg3[%get3A_1083, %get3A_1084] : memref<81x640xf32, #tpu.memory_space<vmem>>, vector<1x640xf32>
    %mul3A_1086 = vector.broadcast %get3A_1085 : vector<1x640xf32> to vector<64x640xf32>
    %mul3A_1087 = arith.mulf %mul3A_1086, %mul3A_432 : vector<64x640xf32>
    %add3A_1088 = arith.addf %add3A_1082, %mul3A_1087 : vector<64x640xf32>
    %get3A_1089 = arith.constant 62 : index
    %get3A_1090 = arith.constant 0 : index
    %get3A_1091 = vector.load %arg3[%get3A_1089, %get3A_1090] : memref<81x640xf32, #tpu.memory_space<vmem>>, vector<1x640xf32>
    %mul3A_1092 = vector.broadcast %get3A_1091 : vector<1x640xf32> to vector<64x640xf32>
    %mul3A_1093 = arith.mulf %mul3A_1092, %mul3A_486 : vector<64x640xf32>
    %add3A_1094 = arith.addf %add3A_1088, %mul3A_1093 : vector<64x640xf32>
    %get3A_1095 = arith.constant 71 : index
    %get3A_1096 = arith.constant 0 : index
    %get3A_1097 = vector.load %arg3[%get3A_1095, %get3A_1096] : memref<81x640xf32, #tpu.memory_space<vmem>>, vector<1x640xf32>
    %mul3A_1098 = vector.broadcast %get3A_1097 : vector<1x640xf32> to vector<64x640xf32>
    %mul3A_1099 = arith.mulf %mul3A_1098, %mul3A_540 : vector<64x640xf32>
    %add3A_1100 = arith.addf %add3A_1094, %mul3A_1099 : vector<64x640xf32>
    %get3A_1101 = arith.constant 80 : index
    %get3A_1102 = arith.constant 0 : index
    %get3A_1103 = vector.load %arg3[%get3A_1101, %get3A_1102] : memref<81x640xf32, #tpu.memory_space<vmem>>, vector<1x640xf32>
    %mul3A_1104 = vector.broadcast %get3A_1103 : vector<1x640xf32> to vector<64x640xf32>
    %mul3A_1105 = arith.mulf %mul3A_1104, %mul3A_594 : vector<64x640xf32>
    %add3A_1106 = arith.addf %add3A_1100, %mul3A_1105 : vector<64x640xf32>
    %mul3A_1107 = vector.broadcast %get3A_7 : vector<1x640xf32> to vector<64x640xf32>
    %mul3A_1108 = arith.mulf %add3A_1106, %mul3A_1107 : vector<64x640xf32>
    %dot_general3A_1109 = arith.constant dense<0.000000e+00> : vector<640x32xf32>
    %dot_general3A_1110 = tpu.matmul %mul3A_1108, %get3A_597, %dot_general3A_1109 {dimension_numbers = #tpu.dot_dimension_numbers<[0], [0], [1], [1], [0, 1, 1, 1], [], []>, transpose_lhs_hint = false} : vector<64x640xf32>, vector<64x32xf32>, vector<640x32xf32> -> vector<640x32xf32>
    %concatenate3A = tpu.concatenate %dot_general3A_654, %dot_general3A_711, %dot_general3A_768, %dot_general3A_825, %dot_general3A_882, %dot_general3A_939, %dot_general3A_996, %dot_general3A_1053, %dot_general3A_1110 in 1 : vector<640x32xf32>, vector<640x32xf32>, vector<640x32xf32>, vector<640x32xf32>, vector<640x32xf32>, vector<640x32xf32>, vector<640x32xf32>, vector<640x32xf32>, vector<640x32xf32> -> vector<640x288xf32>
    %swap3A = arith.constant 0 : index
    %swap3A_1111 = arith.constant 0 : index
    %swap3A_1112 = vector.load %arg13[%swap3A, %swap3A_1111] : memref<640x288xf32, #tpu.memory_space<vmem>>, vector<640x288xf32>
    tpu.vector_store %arg13[%swap3A, %swap3A_1111], %concatenate3A {strides = array<i32>} : memref<640x288xf32, #tpu.memory_space<vmem>>, vector<640x288xf32>,
    return
  }
  func.func @transform_0(%arg0: i32) -> (i32, i32) {
    %c0_i32 = arith.constant 0 : i32
    %c0_i32_0 = arith.constant 0 : i32
    return %arg0, %c0_i32 : i32, i32
  }
  func.func @transform_1(%arg0: i32) -> (i32, i32) {
    %c0_i32 = arith.constant 0 : i32
    %c0_i32_0 = arith.constant 0 : i32
    return %arg0, %c0_i32 : i32, i32
  }
  func.func @transform_2(%arg0: i32) -> (i32, i32) {
    %c0_i32 = arith.constant 0 : i32
    %c0_i32_0 = arith.constant 0 : i32
    return %c0_i32, %arg0 : i32, i32
  }
  func.func @transform_3(%arg0: i32) -> (i32, i32) {
    %c0_i32 = arith.constant 0 : i32
    %c0_i32_0 = arith.constant 0 : i32
    return %arg0, %c0_i32 : i32, i32
  }
  func.func @transform_4(%arg0: i32) -> (i32, i32) {
    %c0_i32 = arith.constant 0 : i32
    %c0_i32_0 = arith.constant 0 : i32
    return %c0_i32, %arg0 : i32, i32
  }
  func.func @transform_5(%arg0: i32) -> (i32, i32) {
    %c0_i32 = arith.constant 0 : i32
    %c0_i32_0 = arith.constant 0 : i32
    %c0_i32_1 = arith.constant 0 : i32
    return %c0_i32, %c0_i32_0 : i32, i32
  }
  func.func @transform_6(%arg0: i32) -> (i32, i32) {
    %c0_i32 = arith.constant 0 : i32
    %c0_i32_0 = arith.constant 0 : i32
    %c0_i32_1 = arith.constant 0 : i32
    return %c0_i32, %c0_i32_0 : i32, i32
  }
  func.func @transform_7(%arg0: i32) -> (i32, i32) {
    %c0_i32 = arith.constant 0 : i32
    %c0_i32_0 = arith.constant 0 : i32
    %c0_i32_1 = arith.constant 0 : i32
    return %c0_i32, %c0_i32_0 : i32, i32
  }
  func.func @transform_8(%arg0: i32) -> (i32, i32) {
    %c0_i32 = arith.constant 0 : i32
    %c0_i32_0 = arith.constant 0 : i32
    %c0_i32_1 = arith.constant 0 : i32
    return %c0_i32, %c0_i32_0 : i32, i32
  }
  func.func @transform_9(%arg0: i32) -> (i32, i32) {
    %c0_i32 = arith.constant 0 : i32
    %c0_i32_0 = arith.constant 0 : i32
    %c0_i32_1 = arith.constant 0 : i32
    return %c0_i32, %c0_i32_0 : i32, i32
  }
  func.func @transform_10(%arg0: i32) -> (i32, i32) {
    %c0_i32 = arith.constant 0 : i32
    %c0_i32_0 = arith.constant 0 : i32
    %c0_i32_1 = arith.constant 0 : i32
    return %c0_i32, %c0_i32_0 : i32, i32
  }
  func.func @transform_11(%arg0: i32) -> (i32, i32) {
    %c0_i32 = arith.constant 0 : i32
    %c0_i32_0 = arith.constant 0 : i32
    %c0_i32_1 = arith.constant 0 : i32
    return %c0_i32, %c0_i32_0 : i32, i32
  }
  func.func @transform_12(%arg0: i32) -> (i32, i32) {
    %c0_i32 = arith.constant 0 : i32
    %c0_i32_0 = arith.constant 0 : i32
    return %arg0, %c0_i32 : i32, i32
  }
}

module attributes {stable_mosaic.version = 14 : i64} {
  func.func @_k5_body(%arg0: i32, %arg1: memref<1000x288xf32, #tpu.memory_space<vmem>>, %arg2: memref<1000x288xf32, #tpu.memory_space<vmem>>, %arg3: memref<1000x288xf32, #tpu.memory_space<vmem>>, %arg4: memref<1000x288xf32, #tpu.memory_space<vmem>>, %arg5: memref<1000x288xf32, #tpu.memory_space<vmem>>, %arg6: memref<1x288xf32, #tpu.memory_space<vmem>>, %arg7: memref<32x64xf32, #tpu.memory_space<vmem>>, %arg8: memref<64x32xf32, #tpu.memory_space<vmem>>, %arg9: memref<1000x288xf32, #tpu.memory_space<vmem>>) attributes {dimension_semantics = [#tpu.dimension_semantics<arbitrary>], iteration_bounds = array<i64: 10>, scalar_prefetch = 0 : i64, scratch_operands = 0 : i64, tpu.core_type = #tpu.core_type<tc>, window_params = [{transform_indices = @transform_0, window_bounds = array<i64: 1000, 288>}, {transform_indices = @transform_1, window_bounds = array<i64: 1000, 288>}, {transform_indices = @transform_2, window_bounds = array<i64: 1000, 288>}, {transform_indices = @transform_3, window_bounds = array<i64: 1000, 288>}, {transform_indices = @transform_4, window_bounds = array<i64: 1000, 288>}, {pipeline_mode = #tpu.pipeline_mode<synchronous>, transform_indices = @transform_5, window_bounds = array<i64: 1, 288>}, {pipeline_mode = #tpu.pipeline_mode<synchronous>, transform_indices = @transform_6, window_bounds = array<i64: 32, 64>}, {pipeline_mode = #tpu.pipeline_mode<synchronous>, transform_indices = @transform_7, window_bounds = array<i64: 64, 32>}, {transform_indices = @transform_8, window_bounds = array<i64: 1000, 288>}]} {
    %get3A = arith.constant 0 : index
    %get3A_0 = arith.constant 0 : index
    %get3A_1 = vector.load %arg1[%get3A, %get3A_0] : memref<1000x288xf32, #tpu.memory_space<vmem>>, vector<1000x288xf32>
    %get3A_2 = arith.constant 0 : index
    %get3A_3 = arith.constant 0 : index
    %get3A_4 = vector.load %arg2[%get3A_2, %get3A_3] : memref<1000x288xf32, #tpu.memory_space<vmem>>, vector<1000x288xf32>
    %add3A = arith.addf %get3A_1, %get3A_4 : vector<1000x288xf32>
    %get3A_5 = arith.constant 0 : index
    %get3A_6 = arith.constant 0 : index
    %get3A_7 = vector.load %arg3[%get3A_5, %get3A_6] : memref<1000x288xf32, #tpu.memory_space<vmem>>, vector<1000x288xf32>
    %get3A_8 = arith.constant 0 : index
    %get3A_9 = arith.constant 0 : index
    %get3A_10 = vector.load %arg4[%get3A_8, %get3A_9] : memref<1000x288xf32, #tpu.memory_space<vmem>>, vector<1000x288xf32>
    %add3A_11 = arith.addf %get3A_7, %get3A_10 : vector<1000x288xf32>
    %add3A_12 = arith.addf %add3A, %add3A_11 : vector<1000x288xf32>
    %get3A_13 = arith.constant 0 : index
    %get3A_14 = arith.constant 0 : index
    %get3A_15 = vector.load %arg5[%get3A_13, %get3A_14] : memref<1000x288xf32, #tpu.memory_space<vmem>>, vector<1000x288xf32>
    %add3A_16 = arith.addf %add3A_12, %get3A_15 : vector<1000x288xf32>
    %get3A_17 = arith.constant 0 : index
    %get3A_18 = arith.constant 0 : index
    %get3A_19 = vector.load %arg6[%get3A_17, %get3A_18] : memref<1x288xf32, #tpu.memory_space<vmem>>, vector<1x288xf32>
    %slice3A = vector.extract_strided_slice %add3A_16 {offsets = [0, 0], sizes = [1000, 32], strides = [1, 1]} : vector<1000x288xf32> to vector<1000x32xf32>
    %mul3A = arith.mulf %slice3A, %slice3A : vector<1000x32xf32>
    %reduce_sum3A = arith.constant dense<0.000000e+00> : vector<1000xf32>
    %reduce_sum3A_20 = vector.multi_reduction <add>, %mul3A, %reduce_sum3A [1] : vector<1000x32xf32> to vector<1000xf32>
    %broadcast_in_dim3A = vector.shape_cast %reduce_sum3A_20 : vector<1000xf32> to vector<1000x1xf32>
    %div3A = arith.constant 3.200000e+01 : f32
    %div3A_21 = vector.broadcast %div3A : f32 to vector<1000x1xf32>
    %div3A_22 = arith.divf %broadcast_in_dim3A, %div3A_21 : vector<1000x1xf32>
    %add3A_23 = arith.constant 9.99999997E-7 : f32
    %add3A_24 = vector.broadcast %add3A_23 : f32 to vector<1000x1xf32>
    %add3A_25 = arith.addf %div3A_22, %add3A_24 : vector<1000x1xf32>
    %rsqrt3A = math.rsqrt %add3A_25 : vector<1000x1xf32>
    %mul3A_26 = vector.broadcast %rsqrt3A : vector<1000x1xf32> to vector<1000x32xf32>
    %mul3A_27 = arith.mulf %slice3A, %mul3A_26 : vector<1000x32xf32>
    %slice3A_28 = vector.extract_strided_slice %add3A_16 {offsets = [0, 32], sizes = [1000, 96], strides = [1, 1]} : vector<1000x288xf32> to vector<1000x96xf32>
    %mul3A_29 = arith.mulf %slice3A_28, %slice3A_28 : vector<1000x96xf32>
    %reduce_sum3A_30 = arith.constant dense<0.000000e+00> : vector<1000xf32>
    %reduce_sum3A_31 = vector.multi_reduction <add>, %mul3A_29, %reduce_sum3A_30 [1] : vector<1000x96xf32> to vector<1000xf32>
    %broadcast_in_dim3A_32 = vector.shape_cast %reduce_sum3A_31 : vector<1000xf32> to vector<1000x1xf32>
    %div3A_33 = arith.constant 9.600000e+01 : f32
    %div3A_34 = vector.broadcast %div3A_33 : f32 to vector<1000x1xf32>
    %div3A_35 = arith.divf %broadcast_in_dim3A_32, %div3A_34 : vector<1000x1xf32>
    %add3A_36 = arith.constant 9.99999997E-7 : f32
    %add3A_37 = vector.broadcast %add3A_36 : f32 to vector<1000x1xf32>
    %add3A_38 = arith.addf %div3A_35, %add3A_37 : vector<1000x1xf32>
    %rsqrt3A_39 = math.rsqrt %add3A_38 : vector<1000x1xf32>
    %mul3A_40 = vector.broadcast %rsqrt3A_39 : vector<1000x1xf32> to vector<1000x96xf32>
    %mul3A_41 = arith.mulf %slice3A_28, %mul3A_40 : vector<1000x96xf32>
    %slice3A_42 = vector.extract_strided_slice %add3A_16 {offsets = [0, 128], sizes = [1000, 160], strides = [1, 1]} : vector<1000x288xf32> to vector<1000x160xf32>
    %mul3A_43 = arith.mulf %slice3A_42, %slice3A_42 : vector<1000x160xf32>
    %reduce_sum3A_44 = arith.constant dense<0.000000e+00> : vector<1000xf32>
    %reduce_sum3A_45 = vector.multi_reduction <add>, %mul3A_43, %reduce_sum3A_44 [1] : vector<1000x160xf32> to vector<1000xf32>
    %broadcast_in_dim3A_46 = vector.shape_cast %reduce_sum3A_45 : vector<1000xf32> to vector<1000x1xf32>
    %div3A_47 = arith.constant 1.600000e+02 : f32
    %div3A_48 = vector.broadcast %div3A_47 : f32 to vector<1000x1xf32>
    %div3A_49 = arith.divf %broadcast_in_dim3A_46, %div3A_48 : vector<1000x1xf32>
    %add3A_50 = arith.constant 9.99999997E-7 : f32
    %add3A_51 = vector.broadcast %add3A_50 : f32 to vector<1000x1xf32>
    %add3A_52 = arith.addf %div3A_49, %add3A_51 : vector<1000x1xf32>
    %rsqrt3A_53 = math.rsqrt %add3A_52 : vector<1000x1xf32>
    %mul3A_54 = vector.broadcast %rsqrt3A_53 : vector<1000x1xf32> to vector<1000x160xf32>
    %mul3A_55 = arith.mulf %slice3A_42, %mul3A_54 : vector<1000x160xf32>
    %concatenate3A = tpu.concatenate %mul3A_27, %mul3A_41, %mul3A_55 in 1 : vector<1000x32xf32>, vector<1000x96xf32>, vector<1000x160xf32> -> vector<1000x288xf32>
    %mul3A_56 = vector.broadcast %get3A_19 : vector<1x288xf32> to vector<1000x288xf32>
    %mul3A_57 = arith.mulf %concatenate3A, %mul3A_56 : vector<1000x288xf32>
    %get3A_58 = arith.constant 0 : index
    %get3A_59 = arith.constant 0 : index
    %get3A_60 = vector.load %arg7[%get3A_58, %get3A_59] : memref<32x64xf32, #tpu.memory_space<vmem>>, vector<32x64xf32>
    %get3A_61 = arith.constant 0 : index
    %get3A_62 = arith.constant 0 : index
    %get3A_63 = vector.load %arg8[%get3A_61, %get3A_62] : memref<64x32xf32, #tpu.memory_space<vmem>>, vector<64x32xf32>
    %slice3A_64 = vector.extract_strided_slice %mul3A_57 {offsets = [0, 0], sizes = [1000, 32], strides = [1, 1]} : vector<1000x288xf32> to vector<1000x32xf32>
    %dot_general3A = arith.constant dense<0.000000e+00> : vector<64x1000xf32>
    %dot_general3A_65 = tpu.matmul %get3A_60, %slice3A_64, %dot_general3A {dimension_numbers = #tpu.dot_dimension_numbers<[0], [1], [1], [0], [0, 1, 1, 0], [], []>, transpose_lhs_hint = false} : vector<32x64xf32>, vector<1000x32xf32>, vector<64x1000xf32> -> vector<64x1000xf32>
    %slice3A_66 = vector.extract_strided_slice %mul3A_57 {offsets = [0, 32], sizes = [1000, 32], strides = [1, 1]} : vector<1000x288xf32> to vector<1000x32xf32>
    %dot_general3A_67 = arith.constant dense<0.000000e+00> : vector<64x1000xf32>
    %dot_general3A_68 = tpu.matmul %get3A_60, %slice3A_66, %dot_general3A_67 {dimension_numbers = #tpu.dot_dimension_numbers<[0], [1], [1], [0], [0, 1, 1, 0], [], []>, transpose_lhs_hint = false} : vector<32x64xf32>, vector<1000x32xf32>, vector<64x1000xf32> -> vector<64x1000xf32>
    %slice3A_69 = vector.extract_strided_slice %mul3A_57 {offsets = [0, 64], sizes = [1000, 32], strides = [1, 1]} : vector<1000x288xf32> to vector<1000x32xf32>
    %dot_general3A_70 = arith.constant dense<0.000000e+00> : vector<64x1000xf32>
    %dot_general3A_71 = tpu.matmul %get3A_60, %slice3A_69, %dot_general3A_70 {dimension_numbers = #tpu.dot_dimension_numbers<[0], [1], [1], [0], [0, 1, 1, 0], [], []>, transpose_lhs_hint = false} : vector<32x64xf32>, vector<1000x32xf32>, vector<64x1000xf32> -> vector<64x1000xf32>
    %slice3A_72 = vector.extract_strided_slice %mul3A_57 {offsets = [0, 96], sizes = [1000, 32], strides = [1, 1]} : vector<1000x288xf32> to vector<1000x32xf32>
    %dot_general3A_73 = arith.constant dense<0.000000e+00> : vector<64x1000xf32>
    %dot_general3A_74 = tpu.matmul %get3A_60, %slice3A_72, %dot_general3A_73 {dimension_numbers = #tpu.dot_dimension_numbers<[0], [1], [1], [0], [0, 1, 1, 0], [], []>, transpose_lhs_hint = false} : vector<32x64xf32>, vector<1000x32xf32>, vector<64x1000xf32> -> vector<64x1000xf32>
    %slice3A_75 = vector.extract_strided_slice %mul3A_57 {offsets = [0, 128], sizes = [1000, 32], strides = [1, 1]} : vector<1000x288xf32> to vector<1000x32xf32>
    %dot_general3A_76 = arith.constant dense<0.000000e+00> : vector<64x1000xf32>
    %dot_general3A_77 = tpu.matmul %get3A_60, %slice3A_75, %dot_general3A_76 {dimension_numbers = #tpu.dot_dimension_numbers<[0], [1], [1], [0], [0, 1, 1, 0], [], []>, transpose_lhs_hint = false} : vector<32x64xf32>, vector<1000x32xf32>, vector<64x1000xf32> -> vector<64x1000xf32>
    %slice3A_78 = vector.extract_strided_slice %mul3A_57 {offsets = [0, 160], sizes = [1000, 32], strides = [1, 1]} : vector<1000x288xf32> to vector<1000x32xf32>
    %dot_general3A_79 = arith.constant dense<0.000000e+00> : vector<64x1000xf32>
    %dot_general3A_80 = tpu.matmul %get3A_60, %slice3A_78, %dot_general3A_79 {dimension_numbers = #tpu.dot_dimension_numbers<[0], [1], [1], [0], [0, 1, 1, 0], [], []>, transpose_lhs_hint = false} : vector<32x64xf32>, vector<1000x32xf32>, vector<64x1000xf32> -> vector<64x1000xf32>
    %slice3A_81 = vector.extract_strided_slice %mul3A_57 {offsets = [0, 192], sizes = [1000, 32], strides = [1, 1]} : vector<1000x288xf32> to vector<1000x32xf32>
    %dot_general3A_82 = arith.constant dense<0.000000e+00> : vector<64x1000xf32>
    %dot_general3A_83 = tpu.matmul %get3A_60, %slice3A_81, %dot_general3A_82 {dimension_numbers = #tpu.dot_dimension_numbers<[0], [1], [1], [0], [0, 1, 1, 0], [], []>, transpose_lhs_hint = false} : vector<32x64xf32>, vector<1000x32xf32>, vector<64x1000xf32> -> vector<64x1000xf32>
    %slice3A_84 = vector.extract_strided_slice %mul3A_57 {offsets = [0, 224], sizes = [1000, 32], strides = [1, 1]} : vector<1000x288xf32> to vector<1000x32xf32>
    %dot_general3A_85 = arith.constant dense<0.000000e+00> : vector<64x1000xf32>
    %dot_general3A_86 = tpu.matmul %get3A_60, %slice3A_84, %dot_general3A_85 {dimension_numbers = #tpu.dot_dimension_numbers<[0], [1], [1], [0], [0, 1, 1, 0], [], []>, transpose_lhs_hint = false} : vector<32x64xf32>, vector<1000x32xf32>, vector<64x1000xf32> -> vector<64x1000xf32>
    %slice3A_87 = vector.extract_strided_slice %mul3A_57 {offsets = [0, 256], sizes = [1000, 32], strides = [1, 1]} : vector<1000x288xf32> to vector<1000x32xf32>
    %dot_general3A_88 = arith.constant dense<0.000000e+00> : vector<64x1000xf32>
    %dot_general3A_89 = tpu.matmul %get3A_60, %slice3A_87, %dot_general3A_88 {dimension_numbers = #tpu.dot_dimension_numbers<[0], [1], [1], [0], [0, 1, 1, 0], [], []>, transpose_lhs_hint = false} : vector<32x64xf32>, vector<1000x32xf32>, vector<64x1000xf32> -> vector<64x1000xf32>
    %logistic3A = arith.negf %dot_general3A_65 : vector<64x1000xf32>
    %logistic3A_90 = math.exp %logistic3A : vector<64x1000xf32>
    %logistic3A_91 = arith.constant 1.000000e+00 : f32
    %logistic3A_92 = vector.broadcast %logistic3A_91 : f32 to vector<64x1000xf32>
    %logistic3A_93 = arith.addf %logistic3A_92, %logistic3A_90 : vector<64x1000xf32>
    %logistic3A_94 = arith.divf %logistic3A_92, %logistic3A_93 : vector<64x1000xf32>
    %mul3A_95 = arith.mulf %dot_general3A_65, %logistic3A_94 : vector<64x1000xf32>
    %dot_general3A_96 = arith.constant dense<0.000000e+00> : vector<1000x32xf32>
    %dot_general3A_97 = tpu.matmul %mul3A_95, %get3A_63, %dot_general3A_96 {dimension_numbers = #tpu.dot_dimension_numbers<[0], [0], [1], [1], [0, 1, 1, 1], [], []>, transpose_lhs_hint = false} : vector<64x1000xf32>, vector<64x32xf32>, vector<1000x32xf32> -> vector<1000x32xf32>
    %mul3A_98 = arith.mulf %dot_general3A_68, %logistic3A_94 : vector<64x1000xf32>
    %dot_general3A_99 = arith.constant dense<0.000000e+00> : vector<1000x32xf32>
    %dot_general3A_100 = tpu.matmul %mul3A_98, %get3A_63, %dot_general3A_99 {dimension_numbers = #tpu.dot_dimension_numbers<[0], [0], [1], [1], [0, 1, 1, 1], [], []>, transpose_lhs_hint = false} : vector<64x1000xf32>, vector<64x32xf32>, vector<1000x32xf32> -> vector<1000x32xf32>
    %mul3A_101 = arith.mulf %dot_general3A_71, %logistic3A_94 : vector<64x1000xf32>
    %dot_general3A_102 = arith.constant dense<0.000000e+00> : vector<1000x32xf32>
    %dot_general3A_103 = tpu.matmul %mul3A_101, %get3A_63, %dot_general3A_102 {dimension_numbers = #tpu.dot_dimension_numbers<[0], [0], [1], [1], [0, 1, 1, 1], [], []>, transpose_lhs_hint = false} : vector<64x1000xf32>, vector<64x32xf32>, vector<1000x32xf32> -> vector<1000x32xf32>
    %mul3A_104 = arith.mulf %dot_general3A_74, %logistic3A_94 : vector<64x1000xf32>
    %dot_general3A_105 = arith.constant dense<0.000000e+00> : vector<1000x32xf32>
    %dot_general3A_106 = tpu.matmul %mul3A_104, %get3A_63, %dot_general3A_105 {dimension_numbers = #tpu.dot_dimension_numbers<[0], [0], [1], [1], [0, 1, 1, 1], [], []>, transpose_lhs_hint = false} : vector<64x1000xf32>, vector<64x32xf32>, vector<1000x32xf32> -> vector<1000x32xf32>
    %mul3A_107 = arith.mulf %dot_general3A_77, %logistic3A_94 : vector<64x1000xf32>
    %dot_general3A_108 = arith.constant dense<0.000000e+00> : vector<1000x32xf32>
    %dot_general3A_109 = tpu.matmul %mul3A_107, %get3A_63, %dot_general3A_108 {dimension_numbers = #tpu.dot_dimension_numbers<[0], [0], [1], [1], [0, 1, 1, 1], [], []>, transpose_lhs_hint = false} : vector<64x1000xf32>, vector<64x32xf32>, vector<1000x32xf32> -> vector<1000x32xf32>
    %mul3A_110 = arith.mulf %dot_general3A_80, %logistic3A_94 : vector<64x1000xf32>
    %dot_general3A_111 = arith.constant dense<0.000000e+00> : vector<1000x32xf32>
    %dot_general3A_112 = tpu.matmul %mul3A_110, %get3A_63, %dot_general3A_111 {dimension_numbers = #tpu.dot_dimension_numbers<[0], [0], [1], [1], [0, 1, 1, 1], [], []>, transpose_lhs_hint = false} : vector<64x1000xf32>, vector<64x32xf32>, vector<1000x32xf32> -> vector<1000x32xf32>
    %mul3A_113 = arith.mulf %dot_general3A_83, %logistic3A_94 : vector<64x1000xf32>
    %dot_general3A_114 = arith.constant dense<0.000000e+00> : vector<1000x32xf32>
    %dot_general3A_115 = tpu.matmul %mul3A_113, %get3A_63, %dot_general3A_114 {dimension_numbers = #tpu.dot_dimension_numbers<[0], [0], [1], [1], [0, 1, 1, 1], [], []>, transpose_lhs_hint = false} : vector<64x1000xf32>, vector<64x32xf32>, vector<1000x32xf32> -> vector<1000x32xf32>
    %mul3A_116 = arith.mulf %dot_general3A_86, %logistic3A_94 : vector<64x1000xf32>
    %dot_general3A_117 = arith.constant dense<0.000000e+00> : vector<1000x32xf32>
    %dot_general3A_118 = tpu.matmul %mul3A_116, %get3A_63, %dot_general3A_117 {dimension_numbers = #tpu.dot_dimension_numbers<[0], [0], [1], [1], [0, 1, 1, 1], [], []>, transpose_lhs_hint = false} : vector<64x1000xf32>, vector<64x32xf32>, vector<1000x32xf32> -> vector<1000x32xf32>
    %mul3A_119 = arith.mulf %dot_general3A_89, %logistic3A_94 : vector<64x1000xf32>
    %dot_general3A_120 = arith.constant dense<0.000000e+00> : vector<1000x32xf32>
    %dot_general3A_121 = tpu.matmul %mul3A_119, %get3A_63, %dot_general3A_120 {dimension_numbers = #tpu.dot_dimension_numbers<[0], [0], [1], [1], [0, 1, 1, 1], [], []>, transpose_lhs_hint = false} : vector<64x1000xf32>, vector<64x32xf32>, vector<1000x32xf32> -> vector<1000x32xf32>
    %concatenate3A_122 = tpu.concatenate %dot_general3A_97, %dot_general3A_100, %dot_general3A_103, %dot_general3A_106, %dot_general3A_109, %dot_general3A_112, %dot_general3A_115, %dot_general3A_118, %dot_general3A_121 in 1 : vector<1000x32xf32>, vector<1000x32xf32>, vector<1000x32xf32>, vector<1000x32xf32>, vector<1000x32xf32>, vector<1000x32xf32>, vector<1000x32xf32>, vector<1000x32xf32>, vector<1000x32xf32> -> vector<1000x288xf32>
    %add3A_123 = arith.addf %concatenate3A_122, %add3A_16 : vector<1000x288xf32>
    %swap3A = arith.constant 0 : index
    %swap3A_124 = arith.constant 0 : index
    %swap3A_125 = vector.load %arg9[%swap3A, %swap3A_124] : memref<1000x288xf32, #tpu.memory_space<vmem>>, vector<1000x288xf32>
    tpu.vector_store %arg9[%swap3A, %swap3A_124], %add3A_123 {strides = array<i32>} : memref<1000x288xf32, #tpu.memory_space<vmem>>, vector<1000x288xf32>,
    return
  }
  func.func @transform_0(%arg0: i32) -> (i32, i32) {
    %c0_i32 = arith.constant 0 : i32
    %c0_i32_0 = arith.constant 0 : i32
    return %arg0, %c0_i32 : i32, i32
  }
  func.func @transform_1(%arg0: i32) -> (i32, i32) {
    %c0_i32 = arith.constant 0 : i32
    %c0_i32_0 = arith.constant 0 : i32
    return %arg0, %c0_i32 : i32, i32
  }
  func.func @transform_2(%arg0: i32) -> (i32, i32) {
    %c0_i32 = arith.constant 0 : i32
    %c0_i32_0 = arith.constant 0 : i32
    return %arg0, %c0_i32 : i32, i32
  }
  func.func @transform_3(%arg0: i32) -> (i32, i32) {
    %c0_i32 = arith.constant 0 : i32
    %c0_i32_0 = arith.constant 0 : i32
    return %arg0, %c0_i32 : i32, i32
  }
  func.func @transform_4(%arg0: i32) -> (i32, i32) {
    %c0_i32 = arith.constant 0 : i32
    %c0_i32_0 = arith.constant 0 : i32
    return %arg0, %c0_i32 : i32, i32
  }
  func.func @transform_5(%arg0: i32) -> (i32, i32) {
    %c0_i32 = arith.constant 0 : i32
    %c0_i32_0 = arith.constant 0 : i32
    %c0_i32_1 = arith.constant 0 : i32
    return %c0_i32, %c0_i32_0 : i32, i32
  }
  func.func @transform_6(%arg0: i32) -> (i32, i32) {
    %c0_i32 = arith.constant 0 : i32
    %c0_i32_0 = arith.constant 0 : i32
    %c0_i32_1 = arith.constant 0 : i32
    return %c0_i32, %c0_i32_0 : i32, i32
  }
  func.func @transform_7(%arg0: i32) -> (i32, i32) {
    %c0_i32 = arith.constant 0 : i32
    %c0_i32_0 = arith.constant 0 : i32
    %c0_i32_1 = arith.constant 0 : i32
    return %c0_i32, %c0_i32_0 : i32, i32
  }
  func.func @transform_8(%arg0: i32) -> (i32, i32) {
    %c0_i32 = arith.constant 0 : i32
    %c0_i32_0 = arith.constant 0 : i32
    return %arg0, %c0_i32 : i32, i32
  }
}

</mosaic_0001>

<sc_bundles>
// kernel: kernel.16.cloned.1.call-start
scs
__scs_entry_jumppad:
0x0: {  	(pc) =	sbr.rel $0x88, $3  }
0x1: {  	(tag) =	ssettag $0x0;
	lr =	simm.s32 $0x1  }
0x2: {  	[smem:$0x3F91] =	sst lr;
	_ =	strace $0xD0000000  }
0x3: {  	_ = 	snop  }
0x4: {  	_ = 	snop  }
0x5: {  	_ = 	snop  }
0x6: {  	_ = 	snop  }
0x7: {  	_ = 	snop  }
__scs_overlays_trampoline_lowered:
0x8: {  	[smem:$0x3FA0] =	sst s0  }
0x9: {  	[smem:$0x3FA1] =	sst s1  }
0xa: {  	[smem:$0x3FA2] =	sst s2  }
0xb: {  	[smem:$0x3FA3] =	sst s3  }
0xc: {  	[smem:$0x3FA4] =	sst s4  }
0xd: {  	[smem:$0x3FA5] =	sst s5  }
0xe: {  	[smem:$0x3FA6] =	sst s6  }
0xf: {  	[smem:$0x3FA7] =	sst s7  }
0x10: {  	[smem:$0x3FA8] =	sst s8  }
0x11: {  	[smem:$0x3FA9] =	sst s9;
	s0 =	simm.s32 @!p0 $0x0  }
0x12: {  	s1 =	sld [smem:$0x3F8F];
	s0 =	simm.s32 @p0 $0x1  }
0x13: {  	[smem:$0x3FAA] =	sst s0;
	s0 =	simm.s32 @!p1 $0x0  }
0x14: {  	s2 =	sld [smem:$0x3F8E];
	s0 =	simm.s32 @p1 $0x1  }
0x15: {  	[smem:$0x3FAB] =	sst s0;
	s0 =	simm.s32 @!p2 $0x0  }
0x16: {  	s3 =	sld [smem:$0x3FDB];
	s0 =	simm.s32 @p2 $0x1  }
0x17: {  	s4 =	simm.s32 $0x1BF5;
	[smem:$0x3FAD] =	sst s0  }
0x18: {  	s0 =	sld [smem:$0x3F90];
	_ =	swait.ge [sflag:s4], $0x0  }
0x19: {  	s7 =	sld [smem:$0x3F91]  }
0x1a: {  	s8 =	sadd.s32 $0xFFFFE003, lr  }
0x1b: {  	s9 =	sadd.s32 $0xFFFFFEF7, lr;
	s5 =	simm.s32 $0xFFFFFFFF;
	p2 =	slt.u32 s8, $0xFFFFF086  }
0x1c: {  	p1 =	slt.u32 s9, $0xF7A;
	s5 =	simm.s32 @!p2 $0x0  }
0x1d: {  	s5 =	simm.s32 @p1 $0x1;
	p0 =	seq.s32 s7, s2  }
0x1e: {  	s7 =	smul.u32 @!p0 $0xF7A, s2;
	p2 =	seq.s32 @!p0 s5, $0x0  }
0x1f: {  	s9 =	smul.u32 $0xF7A, s1;
	s8 =	simm.s32 @!p0 $0x1BF5;
	p2 =	por !p2, p0  }
0x20: {  	[sflag:s8] =	ssyncset.s32 @!p0 $0xFFFFF086;
	s6 =	sadd.s32 @!p0 s3, s7;
	s7 =	simm.s32 @!p0 $0x108  }
0x21: {  	s3 =	sadd.s32 s3, s9;
	s6 =	sadd.s32 @!p0 $0x88, s6;
	s7 =	simm.s32 @p2 $0x1082  }
0x22: {  	[simem:s7], [sflag:s8] =	dma.local @!p0 [hbm:s6], $0xF7A  }
0x23: {  	s9 =	sor.u32 $0xD0000000, s2;
	s6 =	simm.s32 $0x108;
	_ =	swait.ge @!p0 [sflag:s8], $0x0  }
0x24: {  	s3 =	sadd.s32 $0x88, s3;
	s6 =	simm.s32 @!p1 $0x1082;
	[sflag:s4] =	ssyncset.s32 $0xFFFFF086  }
0x25: {  	[simem:s6], [sflag:s4] =	dma.local [hbm:s3], $0xF7A  }
0x26: {  	[smem:$0x3F91] =	sst s1;
	(tag) =	ssettag s2;
	_ =	strace s9  }
0x27: {  	s1 =	sld [smem:$0x3FA1]  }
0x28: {  	s2 =	sld [smem:$0x3FA2]  }
0x29: {  	s4 =	sld [smem:$0x3FA4]  }
0x2a: {  	p0 =	seq.s32 s5, $0x0;
	s5 =	sld [smem:$0x3FA5]  }
0x2b: {  	s6 =	sld [smem:$0x3FA6]  }
0x2c: {  	s7 =	sld [smem:$0x3FA7]  }
0x2d: {  	s3 =	simm.s32 $0x108;
	s8 =	sld [smem:$0x3FA8]  }
0x2e: {  	s3 =	simm.s32 @!p0 $0x1082;
	s9 =	sld [smem:$0x3FA9]  }
0x2f: {  	lr =	sadd.s32 s0, s3;
	s0 =	sld [smem:$0x3FA0]  }
0x30: {  	s3 =	sld [smem:$0x3FA3]  }
0x31: {  	[smem:$0x3FAC] =	sst s10  }
0x32: {  	s10 =	sld [smem:$0x3FAA];
	_ =	sdelay $0x3  }
0x33: {  	p0 =	seq.s32 s10, $0x1;
	s10 =	sld [smem:$0x3FAC];
	_ =	sdelay $0x3  }
0x34: {  	[smem:$0x3FAC] =	sst s10  }
0x35: {  	s10 =	sld [smem:$0x3FAB];
	_ =	sdelay $0x3  }
0x36: {  	p1 =	seq.s32 s10, $0x1;
	s10 =	sld [smem:$0x3FAC];
	_ =	sdelay $0x3  }
0x37: {  	[smem:$0x3FAC] =	sst s10  }
0x38: {  	s10 =	sld [smem:$0x3FAD]  }
0x39: {  	_ = 	snop;
	(pc) =	sbr.ind lr, $3  }
0x3a: {  	_ = 	snop  }
0x3b: {  	_ = 	snop  }
0x3c: {  	p2 =	seq.s32 s10, $0x1;
	s10 =	sld [smem:$0x3FAC]  }
0x3d: {  	_ =	shalt  }
0x3e: {  	_ =	shalt  }
0x3f: {  	_ =	shalt  }
0x40: {  	_ =	shalt  }
0x41: {  	_ =	shalt  }
0x42: {  	_ =	shalt  }
0x43: {  	_ =	shalt  }
0x44: {  	_ =	shalt  }
0x45: {  	_ =	shalt  }
0x46: {  	_ =	shalt  }
0x47: {  	_ =	shalt  }
0x48: {  	_ =	shalt  }
0x49: {  	_ =	shalt  }
0x4a: {  	_ =	shalt  }
0x4b: {  	_ =	shalt  }
0x4c: {  	_ =	shalt  }
0x4d: {  	_ =	shalt  }
0x4e: {  	_ =	shalt  }
0x4f: {  	_ =	shalt  }
0x50: {  	_ =	shalt  }
0x51: {  	_ =	shalt  }
0x52: {  	_ =	shalt  }
0x53: {  	_ =	shalt  }
0x54: {  	_ =	shalt  }
0x55: {  	_ =	shalt  }
0x56: {  	_ =	shalt  }
0x57: {  	_ =	shalt  }
0x58: {  	_ =	shalt  }
0x59: {  	_ =	shalt  }
0x5a: {  	_ =	shalt  }
0x5b: {  	_ =	shalt  }
0x5c: {  	_ =	shalt  }
0x5d: {  	_ =	shalt  }
0x5e: {  	_ =	shalt  }
0x5f: {  	_ =	shalt  }
0x60: {  	_ =	shalt  }
0x61: {  	_ =	shalt  }
0x62: {  	_ =	shalt  }
0x63: {  	_ =	shalt  }
0x64: {  	_ =	shalt  }
0x65: {  	_ =	shalt  }
0x66: {  	_ =	shalt  }
0x67: {  	_ =	shalt  }
0x68: {  	_ =	shalt  }
0x69: {  	_ =	shalt  }
0x6a: {  	_ =	shalt  }
0x6b: {  	_ =	shalt  }
0x6c: {  	_ =	shalt  }
0x6d: {  	_ =	shalt  }
0x6e: {  	_ =	shalt  }
0x6f: {  	_ =	shalt  }
0x70: {  	_ =	shalt  }
0x71: {  	_ =	shalt  }
0x72: {  	_ =	shalt  }
0x73: {  	_ =	shalt  }
0x74: {  	_ =	shalt  }
0x75: {  	_ =	shalt  }
0x76: {  	_ =	shalt  }
0x77: {  	_ =	shalt  }
0x78: {  	_ =	shalt  }
0x79: {  	_ =	shalt  }
0x7a: {  	_ =	shalt  }
0x7b: {  	_ =	shalt  }
0x7c: {  	_ =	shalt  }
0x7d: {  	_ =	shalt  }
0x7e: {  	_ =	shalt  }
0x7f: {  	_ =	shalt  }
0x80: {  	_ =	shalt  }
0x81: {  	_ =	shalt  }
0x82: {  	_ =	shalt  }
0x83: {  	_ =	shalt  }
0x84: {  	_ =	shalt  }
0x85: {  	_ =	shalt  }
0x86: {  	_ =	shalt  }
0x87: {  	_ =	shalt  }
.Lfunc_end0:
.L_simem_size_0:
called_computation_lowered:
.L_overlay_start_0:
0x88: {  	s2 =	sld [smem:$0x3FD9]  }
0x89: {  	s3 =	sld [smem:$0x3FFE];
	_ =	sdelay $0x1  }
0x8a: {  	s1 =	srdreg.scid  }
0x8b: {  	s0 =	sand.u32 $0x1, s1  }
0x8c: {  	s17 =	sshll.u32 s0, $0xA;
	s2 =	sadd.s32 s3, s2  }
0x8d: {  	s2 =	sadd.s32 s2, s17  }
0x8e: {  	[smem:$0x3FB8] =	sst s2  }
0x8f: {  	_ = 	snop  }
0x90: {  	s18 =	sld [smem:$0x3FD0];
	(tm) =	ssettm $0x1  }
0x91: {  	s19 =	sld [smem:$0x3FFB];
	_ =	sdelay $0x3  }
0x92: {  	_ =	strace s19  }
0x93: {  	s2 =	sld [smem:$0x3FFC];
	_ =	sdelay $0x3  }
0x94: {  	_ =	strace s2  }
0x95: {  	s2 =	sld [smem:$0x3FFD];
	_ =	sdelay $0x3  }
0x96: {  	_ =	strace s2  }
0x97: {  	_ =	strace $0x8FFFFFFF  }
0x98: {  	s20 =	sld [smem:$0x3FDB];
	_ =	sdelay $0x1  }
0x99: {  	s4 =	simm.s32 $_scs_section_size  }
0x9a: {  	s5 =	simm.s32 $_size__tile_overlayer_lowered;
	s6 =	simm.s32 $_tile_overlayer_lowered  }
0x9b: {  	s7 =	simm.s32 $0x1BFF;
	s21 =	sshll.u32 s6, $0x1;
	s4 =	sadd.s32 s4, s20  }
0x9c: {  	s22 =	simm.s32 $0x0;
	s5 =	sshll.u32 s5, $0x1;
	s6 =	sadd.s32 s21, s4  }
0x9d: {  	[timem:s22], [sflag:s7] =	dma.local [hbm:s6], s5  }
0x9e: {  	_ =	swait.ge [sflag:s7], s5  }
0x9f: {  	s5 =	ssub.s32 $0x0, s5;
	[sflag:s7] =	ssyncset.done $0x0  }
0xa0: {  	[sflag:s7] =	ssyncadd.s32 s5;
	_ =	sdelay $0x1  }
0xa1: {  	s23 =	simm.s32 $0x1B8B  }
0xa2: {  	_ =	swait.ge [sflag:s23], $0x1  }
0xa3: {  	[sflag:s23] =	ssyncset.done $0x0  }
0xa4: {  	[sflag:s23] =	ssyncadd.s32 $0xFFFFFFFF  }
0xa5: {  	s5 =	sld [smem:$0x0]  }
0xa6: {  	s6 =	sand.u32 $0xFFFFFFFE, s1  }
0xa7: {  	p0 =	sne.s32 s1, s6  }
0xa8: {  	s6 =	sshll.u32 @p0 s6, $0xE  }
0xa9: {  	s6 =	sadd.s32 @p0 $0x11B8D, s6;
	s7 =	sshll.u32 @p0 s5, $0x11  }
0xaa: {  	s6 =	sor.u32 @p0 s7, s6  }
0xab: {  	[sflag:s6] =	ssyncadd.remote.s32 @p0 $0x1;
	_ =	sdelay $0x1  }
0xac: {  	s6 =	simm.s32 @p0 $0x1B8D  }
0xad: {  	_ =	swait.eq @p0 [sflag:s6], $0x1  }
0xae: {  	[sflag:s6] =	ssyncadd.s32 @p0 $0xFFFFFFFF  }
0xaf: {  	s7 =	sshll.u32 @!p0 s1, $0xE  }
0xb0: {  	s7 =	sor.u32 @!p0 $0x4000, s7;
	s6 =	simm.s32 @!p0 $0x1B8D  }
0xb1: {  	s5 =	sshll.u32 @!p0 s5, $0x11;
	s7 =	sadd.s32 @!p0 $0x11B8D, s7;
	_ =	swait.eq @!p0 [sflag:s6], $0x1  }
0xb2: {  	s5 =	sor.u32 @!p0 s5, s7;
	[sflag:s6] =	ssyncadd.s32 @!p0 $0xFFFFFFFF  }
0xb3: {  	s25 =	simm.s32 $0x1B8E;
	s24 =	sld [smem:$0x3FFE];
	[sflag:s5] =	ssyncadd.remote.s32 @!p0 $0x1  }
0xb4: {  	s26 =	simm.s32 $execute0_lowered;
	[smem:$0x3FD2] =	sst s25  }
0xb5: {  	s6 =	sshll.u32 s26, $0x1;
	_ =	strace $0x8000004F;
	[dreg:$0x1] =	wrdreg $0xFFFFFFFF  }
0xb6: {  	s28 =	simm.s32 $_size_execute0_lowered;
	s4 =	sadd.s32 s4, s6;
	[dreg:$0x0] =	wrdreg $0x0  }
0xb7: {  	s6 =	sshll.u32 s28, $0x1;
	[dreg:$0x2] =	wrdreg s4  }
0xb8: {  	[dreg:$0x3] =	wrdreg s6  }
0xb9: {  	[dreg:$0x4] =	wrdreg $0xC0  }
0xba: {  	_ =	task [dreg:s22], $0x5FFFF  }
0xbb: {  	[dreg:$0x1] =	wrdreg $0xFFFFFFFF  }
0xbc: {  	[dreg:$0x0] =	wrdreg $0x60  }
0xbd: {  	[dreg:$0x2] =	wrdreg s18  }
0xbe: {  	[dreg:$0x3] =	wrdreg s24  }
0xbf: {  	[dreg:$0x4] =	wrdreg $0x9  }
0xc0: {  	_ =	task.clear_ibuf [dreg:s22], $0x5FFFF;
	_ =	strace $0x9000004F  }
0xc1: {  	s29 =	simm.s32 $0x9;
	_ =	strace $0x80000051  }
0xc2: {  	_ =	swait.ge [sflag:s29], $0x1  }
0xc3: {  	[sflag:s29] =	ssyncadd.s32 $0xFFFFFFFF  }
0xc4: {  	_ =	strace $0x90000051  }
0xc5: {  	_ =	sfence  }
0xc6: {  	s30 =	sld [smem:$0x0];
	_ =	sdelay $0x2  }
0xc7: {  	s31 =	sshll.u32 s1, $0xD;
	s1 =	sshrl.u32 s1, $0x2  }
0xc8: {  	s4 =	sand.u32 $0x4000, s31;
	s1 =	sadd.s32 s1, s30  }
0xc9: {  	s0 =	sor.u32 s4, s0;
	s1 =	sshll.u32 s1, $0x11  }
0xca: {  	s0 =	sor.u32 s1, s0  }
0xcb: {  	s0 =	sadd.s32 $0x8F2B, s0  }
0xcc: {  	[sflag:s0] =	ssyncadd.remote.s32 $0x1  }
0xcd: {  	_ =	sfence.sel $0xFFFF  }
0xce: {  	[dreg:$0x0] =	wrdreg $0xFFFFFFFF;
	(pc) =	sbr.abs _section_cstart, $3  }
0xcf: {  	[dreg:$0x1] =	wrdreg $0xFFFFFFFF  }
0xd0: {  	_ =	task.clear_ibuf [dreg:s22], $0x2FFFF;
	_ =	strace $0x9FFFFFFF  }
0xd1: {  	(tm) =	ssettm $0x7FFFFFFF  }
tec
execute0_lowered:
.L_overlay_start_1:
0x0: {  	(tag) =	ssettag $0x1  }
0x1: {  	s2 =	rddreg [dreg:$0x0]  }
0x2: {  	s4 =	rddreg [dreg:$0x1]  }
0x3: {  	s0 =	rddreg [dreg:$0x2]  }
0x4: {  	s3 =	simm.s32 $0x0;
	s1 =	stileid.u32;
	s5 =	srdreg.scid  }
0x5: {  	s10 =	simm.s32 $0x80;
	s11 =	simm.s32 $0x100;
	s12 =	simm.s32 $0x9100  }
0x6: {  	s13 =	simm.s32 $0x1;
	s14 =	simm.s32 $0x2;
	s15 =	simm.s32 $0x3  }
0x7: {  	s16 =	simm.s32 $0x0;
	[smem:$0x7FF] =	sst s3;
	s6 =	smul.u32 $0x2400, s1  }
0x8: {  	s5 =	sand.u32 $0x1, s5;
	s7 =	sshll.u32 s1, $0x5;
	_ =	strace $0x80000050  }
0x9: {  	s8 =	smul.u32 $0x1200, s5;
	s7 =	sadd.s32 s7, s4;
	s30 =	ssub.s32 $0x2, s5  }
0xa: {  	s5 =	sshll.u32 s5, $0x4;
	s4 =	sadd.s32 s6, s4;
	s9 =	sshrl.u32 s30, $0x1  }
0xb: {  	s31 =	sadd.s32 s5, s7;
	s8 =	sadd.s32 s8, s4;
	s6 =	ssub.s32 s30, s9  }
0xc: {  	s7 =	sadd.s32 $0x317800, s31;
	s9 =	simm.s32 $0x4;
	s4 =	sadd.s32 $0xA20C00, s8  }
0xd: {  	s5 =	smax.u32 s6, $0x1;
	s6 =	sadd.s32 $0x8B8C00, s8;
	s8 =	sadd.s32 $0x313C00, s31  }
.LBB2_1:
0xe: {  	s17 =	sadd.s32 $0x0, s8  }
0xf: {  	[tilespmem:s3], [sflag:$0x4] =	stream.linear.gather [hbm4b:s17+s3], $0x80, $0x38;
	[tilespmem:$0x12100] =	vst v63  }
0x10: {  	_ =	swait.ge [sflag:s9], $0x80  }
0x11: {  	[sflag:s9] =	ssyncset.done $0x0  }
0x12: {  	s31 =	sadd.s32 $0x0, s7;
	[sflag:s9] =	ssyncadd.s32 $0xFFFFFF80  }
0x13: {  	[tilespmem:s10], [sflag:$0x4] =	stream.linear.gather [hbm4b:s31+s3], $0x80, $0x38;
	[tilespmem:$0x12100] =	vst v63  }
0x14: {  	_ =	swait.ge [sflag:s9], $0x80  }
0x15: {  	[sflag:s9] =	ssyncset.done $0x0  }
0x16: {  	[sflag:s9] =	ssyncadd.s32 $0xFFFFFF80  }
0x17: {  	[tilespmem:s11], [sflag:$0x1] =	stream.indirect.gather [hbm4b:s2+s10], $0x120, s3, s10, $0xb8;
	[tilespmem:$0x12100] =	vst v63  }
0x18: {  	_ = 	snop  }
0x19: {  	[tilespmem:s12], [sflag:$0x2] =	stream.indirect.gather [hbm4b:s2+s10], $0x120, s10, s10, $0xb8;
	[tilespmem:$0x12100] =	vst v63  }
0x1a: {  	_ =	swait.ge [sflag:s13], $0x9000  }
0x1b: {  	[sflag:s13] =	ssyncset.done $0x0  }
0x1c: {  	[sflag:s13] =	ssyncadd.s32 $0xFFFF7000  }
0x1d: {  	_ =	swait.ge [sflag:s14], $0x9000  }
0x1e: {  	[sflag:s14] =	ssyncset.done $0x0  }
0x1f: {  	[sflag:s14] =	ssyncadd.s32 $0xFFFF7000  }
0x20: {  	[hbm4b:s4+s3] =	stream.linear.scatter [tilespmem:s11], [sflag:$0x4], $0x9000, $0x38;
	[tilespmem:$0x12100] =	vst v63  }
0x21: {  	_ =	swait.ge [sflag:s9], $0x9000  }
0x22: {  	[sflag:s9] =	ssyncset.done $0x0  }
0x23: {  	[sflag:s9] =	ssyncadd.s32 $0xFFFF7000  }
0x24: {  	[hbm4b:s6+s3] =	stream.linear.scatter [tilespmem:s12], [sflag:$0x3], $0x9000, $0x38;
	[tilespmem:$0x12100] =	vst v63  }
0x25: {  	s19 =	simm.s32 $0x200;
	s20 =	simm.s32 $0x400;
	_ =	swait.ge [sflag:s15], $0x9000  }
0x26: {  	s18 =	sadd.s32 $0x24000, s4;
	s17 =	sadd.s32 $0x24000, s6;
	[sflag:s15] =	ssyncset.done $0x0  }
.LBB2_2:
0x27: {  	s21 =	sadd.s32 s19, s8  }
0x28: {  	[sflag:s15] =	ssyncadd.s32 $0xFFFF7000;
	s22 =	smov.u32 s20;
	s23 =	sadd.s32 $0x200, s20  }
0x29: {  	[tilespmem:s3], [sflag:$0x4] =	stream.linear.gather [hbm4b:s21+s3], $0x80, $0x38;
	[tilespmem:$0x12100] =	vst v63  }
0x2a: {  	p0 =	sne.s32 s20, $0x1200;
	_ =	swait.ge [sflag:s9], $0x80  }
0x2b: {  	[sflag:s9] =	ssyncset.done $0x0  }
0x2c: {  	s20 =	sadd.s32 s19, s7;
	s19 =	smov.u32 s22;
	[sflag:s9] =	ssyncadd.s32 $0xFFFFFF80  }
0x2d: {  	[tilespmem:s10], [sflag:$0x4] =	stream.linear.gather [hbm4b:s20+s3], $0x80, $0x38;
	[tilespmem:$0x12100] =	vst v63  }
0x2e: {  	_ =	swait.ge [sflag:s9], $0x80  }
0x2f: {  	[sflag:s9] =	ssyncset.done $0x0  }
0x30: {  	[sflag:s9] =	ssyncadd.s32 $0xFFFFFF80  }
0x31: {  	[tilespmem:s11], [sflag:$0x1] =	stream.indirect.gather [hbm4b:s2+s10], $0x120, s3, s10, $0xb8;
	[tilespmem:$0x12100] =	vst v63  }
0x32: {  	_ = 	snop  }
0x33: {  	[tilespmem:s12], [sflag:$0x2] =	stream.indirect.gather [hbm4b:s2+s10], $0x120, s10, s10, $0xb8;
	[tilespmem:$0x12100] =	vst v63  }
0x34: {  	_ =	swait.ge [sflag:s13], $0x9000  }
0x35: {  	[sflag:s13] =	ssyncset.done $0x0  }
0x36: {  	[sflag:s13] =	ssyncadd.s32 $0xFFFF7000  }
0x37: {  	_ =	swait.ge [sflag:s14], $0x9000  }
0x38: {  	[sflag:s14] =	ssyncset.done $0x0  }
0x39: {  	[sflag:s14] =	ssyncadd.s32 $0xFFFF7000  }
0x3a: {  	[hbm4b:s18+s3] =	stream.linear.scatter [tilespmem:s11], [sflag:$0x4], $0x9000, $0x38;
	[tilespmem:$0x12100] =	vst v63  }
0x3b: {  	_ =	swait.ge [sflag:s9], $0x9000  }
.Ltmp0:
0x3c: {  	[sflag:s9] =	ssyncset.done $0x0;
	(pc) =	sbr.rel @p0 .LBB2_2-.Ltmp0, $4  }
0x3d: {  	[sflag:s9] =	ssyncadd.s32 $0xFFFF7000  }
0x3e: {  	[hbm4b:s17+s3] =	stream.linear.scatter [tilespmem:s12], [sflag:$0x3], $0x9000, $0x38;
	[tilespmem:$0x12100] =	vst v63  }
0x3f: {  	s20 =	smov.u32 s23;
	_ =	swait.ge [sflag:s15], $0x9000  }
0x40: {  	s18 =	sadd.s32 $0x24000, s18;
	s17 =	sadd.s32 $0x24000, s17;
	[sflag:s15] =	ssyncset.done $0x0  }
0x41: {  	s20 =	sadd.s32 s19, s8;
	[sflag:s15] =	ssyncadd.s32 $0xFFFF7000  }
0x42: {  	[tilespmem:s3], [sflag:$0x4] =	stream.linear.gather [hbm4b:s20+s3], $0x80, $0x38;
	[tilespmem:$0x12100] =	vst v63  }
0x43: {  	_ =	swait.ge [sflag:s9], $0x80  }
0x44: {  	[sflag:s9] =	ssyncset.done $0x0  }
0x45: {  	s31 =	sadd.s32 s19, s7;
	[sflag:s9] =	ssyncadd.s32 $0xFFFFFF80  }
0x46: {  	[tilespmem:s10], [sflag:$0x4] =	stream.linear.gather [hbm4b:s31+s3], $0x80, $0x38;
	[tilespmem:$0x12100] =	vst v63  }
0x47: {  	_ =	swait.ge [sflag:s9], $0x80  }
0x48: {  	[sflag:s9] =	ssyncset.done $0x0  }
0x49: {  	[sflag:s9] =	ssyncadd.s32 $0xFFFFFF80  }
0x4a: {  	[tilespmem:s11], [sflag:$0x1] =	stream.indirect.gather [hbm4b:s2+s10], $0x120, s3, s10, $0xb8;
	[tilespmem:$0x12100] =	vst v63  }
0x4b: {  	_ = 	snop  }
0x4c: {  	[tilespmem:s12], [sflag:$0x2] =	stream.indirect.gather [hbm4b:s2+s10], $0x120, s10, s10, $0xb8;
	[tilespmem:$0x12100] =	vst v63  }
0x4d: {  	_ =	swait.ge [sflag:s13], $0x9000  }
0x4e: {  	[sflag:s13] =	ssyncset.done $0x0  }
0x4f: {  	[sflag:s13] =	ssyncadd.s32 $0xFFFF7000  }
0x50: {  	_ =	swait.ge [sflag:s14], $0x9000  }
0x51: {  	[sflag:s14] =	ssyncset.done $0x0  }
0x52: {  	[sflag:s14] =	ssyncadd.s32 $0xFFFF7000  }
0x53: {  	[hbm4b:s18+s3] =	stream.linear.scatter [tilespmem:s11], [sflag:$0x4], $0x9000, $0x38;
	[tilespmem:$0x12100] =	vst v63  }
0x54: {  	s16 =	sadd.s32 $0x1, s16;
	_ =	swait.ge [sflag:s9], $0x9000  }
0x55: {  	p0 =	sne.s32 s16, s5;
	[sflag:s9] =	ssyncset.done $0x0  }
.Ltmp1:
0x56: {  	[sflag:s9] =	ssyncadd.s32 $0xFFFF7000;
	(pc) =	sbr.rel @p0 .LBB2_1-.Ltmp1, $4  }
0x57: {  	[hbm4b:s17+s3] =	stream.linear.scatter [tilespmem:s12], [sflag:$0x3], $0x9000, $0x38;
	[tilespmem:$0x12100] =	vst v63  }
0x58: {  	_ =	swait.ge [sflag:s15], $0x9000  }
0x59: {  	[sflag:s15] =	ssyncset.done $0x0  }
0x5a: {  	[sflag:s15] =	ssyncadd.s32 $0xFFFF7000  }
0x5b: {  	_ =	sfence.sel $0x180000  }
0x5c: {  	[bflag:$0x0] =	sbarrier.arrive $0xFFFF  }
0x5d: {  	p0 =	sne.s32 s1, $0x0;
	_ =	strace $0x90000050  }
0x5e: {  	s0 =	sadd.s32 @!p0 $0x100000, s0;
	[bflag:$0x2] =	sbarrier.arrive $0xFFFF  }
0x5f: {  	[sflag:s0] =	ssyncadd.tile.s32 @!p0 $0x1;
	_ =	shalt  }
.Lfunc_end2:
_tile_overlayer_lowered:
.L_overlay_start_2:
0x60: {  	(tag) =	ssettag $0x2  }
0x61: {  	s0 =	rddreg [dreg:$0x0];
	s2 =	stileid.u32  }
0x62: {  	s1 =	rddreg [dreg:$0x1];
	p0 =	sne.s32 s2, $0x0  }
0x63: {  	s3 =	rddreg [dreg:$0x2];
	[bflag:$0x3] =	sbarrier.arrive $0xFFFF;
	s2 =	simm.s32 @!p0 $0x1C03  }
0x64: {  	[timem:s3], [sflag:s2] =	dma.local @!p0 [hbm:s0], s1  }
0x65: {  	s0 =	simm.s32 @!p0 $0x3  }
0x66: {  	_ =	swait.ge @!p0 [sflag:s0], s1  }
0x67: {  	s1 =	ssub.s32 @!p0 $0x0, s1;
	[sflag:s0] =	ssyncset.done @!p0 $0x0  }
0x68: {  	[sflag:s0] =	ssyncadd.s32 @!p0 s1  }
0x69: {  	[bflag:$0x3] =	sbarrier.arrive $0xFFFF  }
0x6a: {  	_ =	shalt  }

// kernel: kernel.19.cloned.1.call-start
scs
__scs_entry_jumppad:
0x0: {  	(pc) =	sbr.rel $0x88, $3  }
0x1: {  	(tag) =	ssettag $0x0;
	lr =	simm.s32 $0x1  }
0x2: {  	[smem:$0x3F91] =	sst lr;
	_ =	strace $0xD0000000  }
0x3: {  	_ = 	snop  }
0x4: {  	_ = 	snop  }
0x5: {  	_ = 	snop  }
0x6: {  	_ = 	snop  }
0x7: {  	_ = 	snop  }
__scs_overlays_trampoline_lowered:
0x8: {  	[smem:$0x3FA0] =	sst s0  }
0x9: {  	[smem:$0x3FA1] =	sst s1  }
0xa: {  	[smem:$0x3FA2] =	sst s2  }
0xb: {  	[smem:$0x3FA3] =	sst s3  }
0xc: {  	[smem:$0x3FA4] =	sst s4  }
0xd: {  	[smem:$0x3FA5] =	sst s5  }
0xe: {  	[smem:$0x3FA6] =	sst s6  }
0xf: {  	[smem:$0x3FA7] =	sst s7  }
0x10: {  	[smem:$0x3FA8] =	sst s8  }
0x11: {  	[smem:$0x3FA9] =	sst s9;
	s0 =	simm.s32 @!p0 $0x0  }
0x12: {  	s1 =	sld [smem:$0x3F8F];
	s0 =	simm.s32 @p0 $0x1  }
0x13: {  	[smem:$0x3FAA] =	sst s0;
	s0 =	simm.s32 @!p1 $0x0  }
0x14: {  	s2 =	sld [smem:$0x3F8E];
	s0 =	simm.s32 @p1 $0x1  }
0x15: {  	[smem:$0x3FAB] =	sst s0;
	s0 =	simm.s32 @!p2 $0x0  }
0x16: {  	s3 =	sld [smem:$0x3FDB];
	s0 =	simm.s32 @p2 $0x1  }
0x17: {  	s4 =	simm.s32 $0x1BF5;
	[smem:$0x3FAD] =	sst s0  }
0x18: {  	s0 =	sld [smem:$0x3F90];
	_ =	swait.ge [sflag:s4], $0x0  }
0x19: {  	s7 =	sld [smem:$0x3F91]  }
0x1a: {  	s8 =	sadd.s32 $0xFFFFE003, lr  }
0x1b: {  	s9 =	sadd.s32 $0xFFFFFEF7, lr;
	s5 =	simm.s32 $0xFFFFFFFF;
	p2 =	slt.u32 s8, $0xFFFFF086  }
0x1c: {  	p1 =	slt.u32 s9, $0xF7A;
	s5 =	simm.s32 @!p2 $0x0  }
0x1d: {  	s5 =	simm.s32 @p1 $0x1;
	p0 =	seq.s32 s7, s2  }
0x1e: {  	s7 =	smul.u32 @!p0 $0xF7A, s2;
	p2 =	seq.s32 @!p0 s5, $0x0  }
0x1f: {  	s9 =	smul.u32 $0xF7A, s1;
	s8 =	simm.s32 @!p0 $0x1BF5;
	p2 =	por !p2, p0  }
0x20: {  	[sflag:s8] =	ssyncset.s32 @!p0 $0xFFFFF086;
	s6 =	sadd.s32 @!p0 s3, s7;
	s7 =	simm.s32 @!p0 $0x108  }
0x21: {  	s3 =	sadd.s32 s3, s9;
	s6 =	sadd.s32 @!p0 $0x88, s6;
	s7 =	simm.s32 @p2 $0x1082  }
0x22: {  	[simem:s7], [sflag:s8] =	dma.local @!p0 [hbm:s6], $0xF7A  }
0x23: {  	s9 =	sor.u32 $0xD0000000, s2;
	s6 =	simm.s32 $0x108;
	_ =	swait.ge @!p0 [sflag:s8], $0x0  }
0x24: {  	s3 =	sadd.s32 $0x88, s3;
	s6 =	simm.s32 @!p1 $0x1082;
	[sflag:s4] =	ssyncset.s32 $0xFFFFF086  }
0x25: {  	[simem:s6], [sflag:s4] =	dma.local [hbm:s3], $0xF7A  }
0x26: {  	[smem:$0x3F91] =	sst s1;
	(tag) =	ssettag s2;
	_ =	strace s9  }
0x27: {  	s1 =	sld [smem:$0x3FA1]  }
0x28: {  	s2 =	sld [smem:$0x3FA2]  }
0x29: {  	s4 =	sld [smem:$0x3FA4]  }
0x2a: {  	p0 =	seq.s32 s5, $0x0;
	s5 =	sld [smem:$0x3FA5]  }
0x2b: {  	s6 =	sld [smem:$0x3FA6]  }
0x2c: {  	s7 =	sld [smem:$0x3FA7]  }
0x2d: {  	s3 =	simm.s32 $0x108;
	s8 =	sld [smem:$0x3FA8]  }
0x2e: {  	s3 =	simm.s32 @!p0 $0x1082;
	s9 =	sld [smem:$0x3FA9]  }
0x2f: {  	lr =	sadd.s32 s0, s3;
	s0 =	sld [smem:$0x3FA0]  }
0x30: {  	s3 =	sld [smem:$0x3FA3]  }
0x31: {  	[smem:$0x3FAC] =	sst s10  }
0x32: {  	s10 =	sld [smem:$0x3FAA];
	_ =	sdelay $0x3  }
0x33: {  	p0 =	seq.s32 s10, $0x1;
	s10 =	sld [smem:$0x3FAC];
	_ =	sdelay $0x3  }
0x34: {  	[smem:$0x3FAC] =	sst s10  }
0x35: {  	s10 =	sld [smem:$0x3FAB];
	_ =	sdelay $0x3  }
0x36: {  	p1 =	seq.s32 s10, $0x1;
	s10 =	sld [smem:$0x3FAC];
	_ =	sdelay $0x3  }
0x37: {  	[smem:$0x3FAC] =	sst s10  }
0x38: {  	s10 =	sld [smem:$0x3FAD]  }
0x39: {  	_ = 	snop;
	(pc) =	sbr.ind lr, $3  }
0x3a: {  	_ = 	snop  }
0x3b: {  	_ = 	snop  }
0x3c: {  	p2 =	seq.s32 s10, $0x1;
	s10 =	sld [smem:$0x3FAC]  }
0x3d: {  	_ =	shalt  }
0x3e: {  	_ =	shalt  }
0x3f: {  	_ =	shalt  }
0x40: {  	_ =	shalt  }
0x41: {  	_ =	shalt  }
0x42: {  	_ =	shalt  }
0x43: {  	_ =	shalt  }
0x44: {  	_ =	shalt  }
0x45: {  	_ =	shalt  }
0x46: {  	_ =	shalt  }
0x47: {  	_ =	shalt  }
0x48: {  	_ =	shalt  }
0x49: {  	_ =	shalt  }
0x4a: {  	_ =	shalt  }
0x4b: {  	_ =	shalt  }
0x4c: {  	_ =	shalt  }
0x4d: {  	_ =	shalt  }
0x4e: {  	_ =	shalt  }
0x4f: {  	_ =	shalt  }
0x50: {  	_ =	shalt  }
0x51: {  	_ =	shalt  }
0x52: {  	_ =	shalt  }
0x53: {  	_ =	shalt  }
0x54: {  	_ =	shalt  }
0x55: {  	_ =	shalt  }
0x56: {  	_ =	shalt  }
0x57: {  	_ =	shalt  }
0x58: {  	_ =	shalt  }
0x59: {  	_ =	shalt  }
0x5a: {  	_ =	shalt  }
0x5b: {  	_ =	shalt  }
0x5c: {  	_ =	shalt  }
0x5d: {  	_ =	shalt  }
0x5e: {  	_ =	shalt  }
0x5f: {  	_ =	shalt  }
0x60: {  	_ =	shalt  }
0x61: {  	_ =	shalt  }
0x62: {  	_ =	shalt  }
0x63: {  	_ =	shalt  }
0x64: {  	_ =	shalt  }
0x65: {  	_ =	shalt  }
0x66: {  	_ =	shalt  }
0x67: {  	_ =	shalt  }
0x68: {  	_ =	shalt  }
0x69: {  	_ =	shalt  }
0x6a: {  	_ =	shalt  }
0x6b: {  	_ =	shalt  }
0x6c: {  	_ =	shalt  }
0x6d: {  	_ =	shalt  }
0x6e: {  	_ =	shalt  }
0x6f: {  	_ =	shalt  }
0x70: {  	_ =	shalt  }
0x71: {  	_ =	shalt  }
0x72: {  	_ =	shalt  }
0x73: {  	_ =	shalt  }
0x74: {  	_ =	shalt  }
0x75: {  	_ =	shalt  }
0x76: {  	_ =	shalt  }
0x77: {  	_ =	shalt  }
0x78: {  	_ =	shalt  }
0x79: {  	_ =	shalt  }
0x7a: {  	_ =	shalt  }
0x7b: {  	_ =	shalt  }
0x7c: {  	_ =	shalt  }
0x7d: {  	_ =	shalt  }
0x7e: {  	_ =	shalt  }
0x7f: {  	_ =	shalt  }
0x80: {  	_ =	shalt  }
0x81: {  	_ =	shalt  }
0x82: {  	_ =	shalt  }
0x83: {  	_ =	shalt  }
0x84: {  	_ =	shalt  }
0x85: {  	_ =	shalt  }
0x86: {  	_ =	shalt  }
0x87: {  	_ =	shalt  }
.Lfunc_end0:
.L_simem_size_0:
called_computation.1_lowered:
.L_overlay_start_0:
0x88: {  	s2 =	sld [smem:$0x3FD9]  }
0x89: {  	s3 =	sld [smem:$0x3FFE];
	_ =	sdelay $0x1  }
0x8a: {  	s1 =	srdreg.scid  }
0x8b: {  	s0 =	sand.u32 $0x1, s1  }
0x8c: {  	s17 =	sshll.u32 s0, $0xA;
	s2 =	sadd.s32 s3, s2  }
0x8d: {  	s2 =	sadd.s32 s2, s17  }
0x8e: {  	[smem:$0x3FB8] =	sst s2  }
0x8f: {  	_ = 	snop  }
0x90: {  	s18 =	sld [smem:$0x3FD0];
	(tm) =	ssettm $0x1  }
0x91: {  	s19 =	sld [smem:$0x3FFB];
	_ =	sdelay $0x3  }
0x92: {  	_ =	strace s19  }
0x93: {  	s2 =	sld [smem:$0x3FFC];
	_ =	sdelay $0x3  }
0x94: {  	_ =	strace s2  }
0x95: {  	s2 =	sld [smem:$0x3FFD];
	_ =	sdelay $0x3  }
0x96: {  	_ =	strace s2  }
0x97: {  	_ =	strace $0x8FFFFFFF  }
0x98: {  	s20 =	sld [smem:$0x3FDB];
	_ =	sdelay $0x1  }
0x99: {  	s4 =	simm.s32 $_scs_section_size  }
0x9a: {  	s5 =	simm.s32 $_size__tile_overlayer_lowered;
	s6 =	simm.s32 $_tile_overlayer_lowered  }
0x9b: {  	s7 =	simm.s32 $0x1BFF;
	s21 =	sshll.u32 s6, $0x1;
	s4 =	sadd.s32 s4, s20  }
0x9c: {  	s22 =	simm.s32 $0x0;
	s5 =	sshll.u32 s5, $0x1;
	s6 =	sadd.s32 s21, s4  }
0x9d: {  	[timem:s22], [sflag:s7] =	dma.local [hbm:s6], s5  }
0x9e: {  	_ =	swait.ge [sflag:s7], s5  }
0x9f: {  	s5 =	ssub.s32 $0x0, s5;
	[sflag:s7] =	ssyncset.done $0x0  }
0xa0: {  	[sflag:s7] =	ssyncadd.s32 s5;
	_ =	sdelay $0x1  }
0xa1: {  	s23 =	simm.s32 $0x1B8B  }
0xa2: {  	_ =	swait.ge [sflag:s23], $0x1  }
0xa3: {  	[sflag:s23] =	ssyncset.done $0x0  }
0xa4: {  	[sflag:s23] =	ssyncadd.s32 $0xFFFFFFFF  }
0xa5: {  	s5 =	sld [smem:$0x0]  }
0xa6: {  	s6 =	sand.u32 $0xFFFFFFFE, s1  }
0xa7: {  	p0 =	sne.s32 s1, s6  }
0xa8: {  	s6 =	sshll.u32 @p0 s6, $0xE  }
0xa9: {  	s6 =	sadd.s32 @p0 $0x11B8D, s6;
	s7 =	sshll.u32 @p0 s5, $0x11  }
0xaa: {  	s6 =	sor.u32 @p0 s7, s6  }
0xab: {  	[sflag:s6] =	ssyncadd.remote.s32 @p0 $0x1;
	_ =	sdelay $0x1  }
0xac: {  	s6 =	simm.s32 @p0 $0x1B8D  }
0xad: {  	_ =	swait.eq @p0 [sflag:s6], $0x1  }
0xae: {  	[sflag:s6] =	ssyncadd.s32 @p0 $0xFFFFFFFF  }
0xaf: {  	s7 =	sshll.u32 @!p0 s1, $0xE  }
0xb0: {  	s7 =	sor.u32 @!p0 $0x4000, s7;
	s6 =	simm.s32 @!p0 $0x1B8D  }
0xb1: {  	s5 =	sshll.u32 @!p0 s5, $0x11;
	s7 =	sadd.s32 @!p0 $0x11B8D, s7;
	_ =	swait.eq @!p0 [sflag:s6], $0x1  }
0xb2: {  	s5 =	sor.u32 @!p0 s5, s7;
	[sflag:s6] =	ssyncadd.s32 @!p0 $0xFFFFFFFF  }
0xb3: {  	s25 =	simm.s32 $0x1B8E;
	s24 =	sld [smem:$0x3FFE];
	[sflag:s5] =	ssyncadd.remote.s32 @!p0 $0x1  }
0xb4: {  	s26 =	simm.s32 $execute0_lowered;
	[smem:$0x3FD2] =	sst s25  }
0xb5: {  	s6 =	sshll.u32 s26, $0x1;
	_ =	strace $0x8000004C;
	[dreg:$0x1] =	wrdreg $0xFFFFFFFF  }
0xb6: {  	s28 =	simm.s32 $_size_execute0_lowered;
	s4 =	sadd.s32 s4, s6;
	[dreg:$0x0] =	wrdreg $0x0  }
0xb7: {  	s6 =	sshll.u32 s28, $0x1;
	[dreg:$0x2] =	wrdreg s4  }
0xb8: {  	[dreg:$0x3] =	wrdreg s6  }
0xb9: {  	[dreg:$0x4] =	wrdreg $0xC0  }
0xba: {  	_ =	task [dreg:s22], $0x5FFFF  }
0xbb: {  	[dreg:$0x1] =	wrdreg $0xFFFFFFFF  }
0xbc: {  	[dreg:$0x0] =	wrdreg $0x60  }
0xbd: {  	[dreg:$0x2] =	wrdreg s18  }
0xbe: {  	[dreg:$0x3] =	wrdreg s24  }
0xbf: {  	[dreg:$0x4] =	wrdreg $0xB  }
0xc0: {  	_ =	task.clear_ibuf [dreg:s22], $0x5FFFF;
	_ =	strace $0x9000004C  }
0xc1: {  	s29 =	simm.s32 $0xB;
	_ =	strace $0x8000004E  }
0xc2: {  	_ =	swait.ge [sflag:s29], $0x1  }
0xc3: {  	[sflag:s29] =	ssyncadd.s32 $0xFFFFFFFF  }
0xc4: {  	_ =	strace $0x9000004E  }
0xc5: {  	_ =	sfence  }
0xc6: {  	s30 =	sld [smem:$0x0];
	_ =	sdelay $0x2  }
0xc7: {  	s31 =	sshll.u32 s1, $0xD;
	s1 =	sshrl.u32 s1, $0x2  }
0xc8: {  	s4 =	sand.u32 $0x4000, s31;
	s1 =	sadd.s32 s1, s30  }
0xc9: {  	s0 =	sor.u32 s4, s0;
	s1 =	sshll.u32 s1, $0x11  }
0xca: {  	s0 =	sor.u32 s1, s0  }
0xcb: {  	s0 =	sadd.s32 $0x8F2B, s0  }
0xcc: {  	[sflag:s0] =	ssyncadd.remote.s32 $0x1  }
0xcd: {  	_ =	sfence.sel $0xFFFF  }
0xce: {  	[dreg:$0x0] =	wrdreg $0xFFFFFFFF;
	(pc) =	sbr.abs _section_cstart, $3  }
0xcf: {  	[dreg:$0x1] =	wrdreg $0xFFFFFFFF  }
0xd0: {  	_ =	task.clear_ibuf [dreg:s22], $0x2FFFF;
	_ =	strace $0x9FFFFFFF  }
0xd1: {  	(tm) =	ssettm $0x7FFFFFFF  }
tec
execute0_lowered:
.L_overlay_start_1:
0x0: {  	(tag) =	ssettag $0x1  }
0x1: {  	s2 =	rddreg [dreg:$0x0]  }
0x2: {  	s4 =	rddreg [dreg:$0x1]  }
0x3: {  	s0 =	rddreg [dreg:$0x2]  }
0x4: {  	s3 =	simm.s32 $0x0;
	s1 =	stileid.u32;
	s5 =	srdreg.scid  }
0x5: {  	s10 =	simm.s32 $0x80;
	s11 =	simm.s32 $0x100;
	s12 =	simm.s32 $0x9100  }
0x6: {  	s13 =	simm.s32 $0x1;
	s14 =	simm.s32 $0x2;
	s15 =	simm.s32 $0x3  }
0x7: {  	s16 =	simm.s32 $0x0;
	[smem:$0x7FF] =	sst s3;
	s6 =	smul.u32 $0x2400, s1  }
0x8: {  	s5 =	sand.u32 $0x1, s5;
	s7 =	sshll.u32 s1, $0x5;
	_ =	strace $0x8000004D  }
0x9: {  	s8 =	smul.u32 $0x1200, s5;
	s7 =	sadd.s32 s7, s4;
	s30 =	ssub.s32 $0x2, s5  }
0xa: {  	s5 =	sshll.u32 s5, $0x4;
	s4 =	sadd.s32 s6, s4;
	s9 =	sshrl.u32 s30, $0x1  }
0xb: {  	s31 =	sadd.s32 s5, s7;
	s8 =	sadd.s32 s8, s4;
	s6 =	ssub.s32 s30, s9  }
0xc: {  	s7 =	sadd.s32 $0x316400, s31;
	s9 =	simm.s32 $0x4;
	s4 =	sadd.s32 $0x750C00, s8  }
0xd: {  	s5 =	smax.u32 s6, $0x1;
	s6 =	sadd.s32 $0x5E8C00, s8;
	s8 =	sadd.s32 $0x312800, s31  }
.LBB2_1:
0xe: {  	s17 =	sadd.s32 $0x0, s8  }
0xf: {  	[tilespmem:s3], [sflag:$0x4] =	stream.linear.gather [hbm4b:s17+s3], $0x80, $0x38;
	[tilespmem:$0x12100] =	vst v63  }
0x10: {  	_ =	swait.ge [sflag:s9], $0x80  }
0x11: {  	[sflag:s9] =	ssyncset.done $0x0  }
0x12: {  	s31 =	sadd.s32 $0x0, s7;
	[sflag:s9] =	ssyncadd.s32 $0xFFFFFF80  }
0x13: {  	[tilespmem:s10], [sflag:$0x4] =	stream.linear.gather [hbm4b:s31+s3], $0x80, $0x38;
	[tilespmem:$0x12100] =	vst v63  }
0x14: {  	_ =	swait.ge [sflag:s9], $0x80  }
0x15: {  	[sflag:s9] =	ssyncset.done $0x0  }
0x16: {  	[sflag:s9] =	ssyncadd.s32 $0xFFFFFF80  }
0x17: {  	[tilespmem:s11], [sflag:$0x1] =	stream.indirect.gather [hbm4b:s2+s10], $0x120, s3, s10, $0xb8;
	[tilespmem:$0x12100] =	vst v63  }
0x18: {  	_ = 	snop  }
0x19: {  	[tilespmem:s12], [sflag:$0x2] =	stream.indirect.gather [hbm4b:s2+s10], $0x120, s10, s10, $0xb8;
	[tilespmem:$0x12100] =	vst v63  }
0x1a: {  	_ =	swait.ge [sflag:s13], $0x9000  }
0x1b: {  	[sflag:s13] =	ssyncset.done $0x0  }
0x1c: {  	[sflag:s13] =	ssyncadd.s32 $0xFFFF7000  }
0x1d: {  	_ =	swait.ge [sflag:s14], $0x9000  }
0x1e: {  	[sflag:s14] =	ssyncset.done $0x0  }
0x1f: {  	[sflag:s14] =	ssyncadd.s32 $0xFFFF7000  }
0x20: {  	[hbm4b:s4+s3] =	stream.linear.scatter [tilespmem:s11], [sflag:$0x4], $0x9000, $0x38;
	[tilespmem:$0x12100] =	vst v63  }
0x21: {  	_ =	swait.ge [sflag:s9], $0x9000  }
0x22: {  	[sflag:s9] =	ssyncset.done $0x0  }
0x23: {  	[sflag:s9] =	ssyncadd.s32 $0xFFFF7000  }
0x24: {  	[hbm4b:s6+s3] =	stream.linear.scatter [tilespmem:s12], [sflag:$0x3], $0x9000, $0x38;
	[tilespmem:$0x12100] =	vst v63  }
0x25: {  	s19 =	simm.s32 $0x200;
	s20 =	simm.s32 $0x400;
	_ =	swait.ge [sflag:s15], $0x9000  }
0x26: {  	s18 =	sadd.s32 $0x24000, s4;
	s17 =	sadd.s32 $0x24000, s6;
	[sflag:s15] =	ssyncset.done $0x0  }
.LBB2_2:
0x27: {  	s21 =	sadd.s32 s19, s8  }
0x28: {  	[sflag:s15] =	ssyncadd.s32 $0xFFFF7000;
	s22 =	smov.u32 s20;
	s23 =	sadd.s32 $0x200, s20  }
0x29: {  	[tilespmem:s3], [sflag:$0x4] =	stream.linear.gather [hbm4b:s21+s3], $0x80, $0x38;
	[tilespmem:$0x12100] =	vst v63  }
0x2a: {  	p0 =	sne.s32 s20, $0x1200;
	_ =	swait.ge [sflag:s9], $0x80  }
0x2b: {  	[sflag:s9] =	ssyncset.done $0x0  }
0x2c: {  	s20 =	sadd.s32 s19, s7;
	s19 =	smov.u32 s22;
	[sflag:s9] =	ssyncadd.s32 $0xFFFFFF80  }
0x2d: {  	[tilespmem:s10], [sflag:$0x4] =	stream.linear.gather [hbm4b:s20+s3], $0x80, $0x38;
	[tilespmem:$0x12100] =	vst v63  }
0x2e: {  	_ =	swait.ge [sflag:s9], $0x80  }
0x2f: {  	[sflag:s9] =	ssyncset.done $0x0  }
0x30: {  	[sflag:s9] =	ssyncadd.s32 $0xFFFFFF80  }
0x31: {  	[tilespmem:s11], [sflag:$0x1] =	stream.indirect.gather [hbm4b:s2+s10], $0x120, s3, s10, $0xb8;
	[tilespmem:$0x12100] =	vst v63  }
0x32: {  	_ = 	snop  }
0x33: {  	[tilespmem:s12], [sflag:$0x2] =	stream.indirect.gather [hbm4b:s2+s10], $0x120, s10, s10, $0xb8;
	[tilespmem:$0x12100] =	vst v63  }
0x34: {  	_ =	swait.ge [sflag:s13], $0x9000  }
0x35: {  	[sflag:s13] =	ssyncset.done $0x0  }
0x36: {  	[sflag:s13] =	ssyncadd.s32 $0xFFFF7000  }
0x37: {  	_ =	swait.ge [sflag:s14], $0x9000  }
0x38: {  	[sflag:s14] =	ssyncset.done $0x0  }
0x39: {  	[sflag:s14] =	ssyncadd.s32 $0xFFFF7000  }
0x3a: {  	[hbm4b:s18+s3] =	stream.linear.scatter [tilespmem:s11], [sflag:$0x4], $0x9000, $0x38;
	[tilespmem:$0x12100] =	vst v63  }
0x3b: {  	_ =	swait.ge [sflag:s9], $0x9000  }
.Ltmp0:
0x3c: {  	[sflag:s9] =	ssyncset.done $0x0;
	(pc) =	sbr.rel @p0 .LBB2_2-.Ltmp0, $4  }
0x3d: {  	[sflag:s9] =	ssyncadd.s32 $0xFFFF7000  }
0x3e: {  	[hbm4b:s17+s3] =	stream.linear.scatter [tilespmem:s12], [sflag:$0x3], $0x9000, $0x38;
	[tilespmem:$0x12100] =	vst v63  }
0x3f: {  	s20 =	smov.u32 s23;
	_ =	swait.ge [sflag:s15], $0x9000  }
0x40: {  	s18 =	sadd.s32 $0x24000, s18;
	s17 =	sadd.s32 $0x24000, s17;
	[sflag:s15] =	ssyncset.done $0x0  }
0x41: {  	s20 =	sadd.s32 s19, s8;
	[sflag:s15] =	ssyncadd.s32 $0xFFFF7000  }
0x42: {  	[tilespmem:s3], [sflag:$0x4] =	stream.linear.gather [hbm4b:s20+s3], $0x80, $0x38;
	[tilespmem:$0x12100] =	vst v63  }
0x43: {  	_ =	swait.ge [sflag:s9], $0x80  }
0x44: {  	[sflag:s9] =	ssyncset.done $0x0  }
0x45: {  	s31 =	sadd.s32 s19, s7;
	[sflag:s9] =	ssyncadd.s32 $0xFFFFFF80  }
0x46: {  	[tilespmem:s10], [sflag:$0x4] =	stream.linear.gather [hbm4b:s31+s3], $0x80, $0x38;
	[tilespmem:$0x12100] =	vst v63  }
0x47: {  	_ =	swait.ge [sflag:s9], $0x80  }
0x48: {  	[sflag:s9] =	ssyncset.done $0x0  }
0x49: {  	[sflag:s9] =	ssyncadd.s32 $0xFFFFFF80  }
0x4a: {  	[tilespmem:s11], [sflag:$0x1] =	stream.indirect.gather [hbm4b:s2+s10], $0x120, s3, s10, $0xb8;
	[tilespmem:$0x12100] =	vst v63  }
0x4b: {  	_ = 	snop  }
0x4c: {  	[tilespmem:s12], [sflag:$0x2] =	stream.indirect.gather [hbm4b:s2+s10], $0x120, s10, s10, $0xb8;
	[tilespmem:$0x12100] =	vst v63  }
0x4d: {  	_ =	swait.ge [sflag:s13], $0x9000  }
0x4e: {  	[sflag:s13] =	ssyncset.done $0x0  }
0x4f: {  	[sflag:s13] =	ssyncadd.s32 $0xFFFF7000  }
0x50: {  	_ =	swait.ge [sflag:s14], $0x9000  }
0x51: {  	[sflag:s14] =	ssyncset.done $0x0  }
0x52: {  	[sflag:s14] =	ssyncadd.s32 $0xFFFF7000  }
0x53: {  	[hbm4b:s18+s3] =	stream.linear.scatter [tilespmem:s11], [sflag:$0x4], $0x9000, $0x38;
	[tilespmem:$0x12100] =	vst v63  }
0x54: {  	s16 =	sadd.s32 $0x1, s16;
	_ =	swait.ge [sflag:s9], $0x9000  }
0x55: {  	p0 =	sne.s32 s16, s5;
	[sflag:s9] =	ssyncset.done $0x0  }
.Ltmp1:
0x56: {  	[sflag:s9] =	ssyncadd.s32 $0xFFFF7000;
	(pc) =	sbr.rel @p0 .LBB2_1-.Ltmp1, $4  }
0x57: {  	[hbm4b:s17+s3] =	stream.linear.scatter [tilespmem:s12], [sflag:$0x3], $0x9000, $0x38;
	[tilespmem:$0x12100] =	vst v63  }
0x58: {  	_ =	swait.ge [sflag:s15], $0x9000  }
0x59: {  	[sflag:s15] =	ssyncset.done $0x0  }
0x5a: {  	[sflag:s15] =	ssyncadd.s32 $0xFFFF7000  }
0x5b: {  	_ =	sfence.sel $0x180000  }
0x5c: {  	[bflag:$0x0] =	sbarrier.arrive $0xFFFF  }
0x5d: {  	p0 =	sne.s32 s1, $0x0;
	_ =	strace $0x9000004D  }
0x5e: {  	s0 =	sadd.s32 @!p0 $0x100000, s0;
	[bflag:$0x2] =	sbarrier.arrive $0xFFFF  }
0x5f: {  	[sflag:s0] =	ssyncadd.tile.s32 @!p0 $0x1;
	_ =	shalt  }
.Lfunc_end2:
_tile_overlayer_lowered:
.L_overlay_start_2:
0x60: {  	(tag) =	ssettag $0x2  }
0x61: {  	s0 =	rddreg [dreg:$0x0];
	s2 =	stileid.u32  }
0x62: {  	s1 =	rddreg [dreg:$0x1];
	p0 =	sne.s32 s2, $0x0  }
0x63: {  	s3 =	rddreg [dreg:$0x2];
	[bflag:$0x3] =	sbarrier.arrive $0xFFFF;
	s2 =	simm.s32 @!p0 $0x1C03  }
0x64: {  	[timem:s3], [sflag:s2] =	dma.local @!p0 [hbm:s0], s1  }
0x65: {  	s0 =	simm.s32 @!p0 $0x3  }
0x66: {  	_ =	swait.ge @!p0 [sflag:s0], s1  }
0x67: {  	s1 =	ssub.s32 @!p0 $0x0, s1;
	[sflag:s0] =	ssyncset.done @!p0 $0x0  }
0x68: {  	[sflag:s0] =	ssyncadd.s32 @!p0 s1  }
0x69: {  	[bflag:$0x3] =	sbarrier.arrive $0xFFFF  }
0x6a: {  	_ =	shalt  }

// kernel: kernel.22.cloned.1.call-start
scs
__scs_entry_jumppad:
0x0: {  	(pc) =	sbr.rel $0x88, $3  }
0x1: {  	(tag) =	ssettag $0x0;
	lr =	simm.s32 $0x1  }
0x2: {  	[smem:$0x3F91] =	sst lr;
	_ =	strace $0xD0000000  }
0x3: {  	_ = 	snop  }
0x4: {  	_ = 	snop  }
0x5: {  	_ = 	snop  }
0x6: {  	_ = 	snop  }
0x7: {  	_ = 	snop  }
__scs_overlays_trampoline_lowered:
0x8: {  	[smem:$0x3FA0] =	sst s0  }
0x9: {  	[smem:$0x3FA1] =	sst s1  }
0xa: {  	[smem:$0x3FA2] =	sst s2  }
0xb: {  	[smem:$0x3FA3] =	sst s3  }
0xc: {  	[smem:$0x3FA4] =	sst s4  }
0xd: {  	[smem:$0x3FA5] =	sst s5  }
0xe: {  	[smem:$0x3FA6] =	sst s6  }
0xf: {  	[smem:$0x3FA7] =	sst s7  }
0x10: {  	[smem:$0x3FA8] =	sst s8  }
0x11: {  	[smem:$0x3FA9] =	sst s9;
	s0 =	simm.s32 @!p0 $0x0  }
0x12: {  	s1 =	sld [smem:$0x3F8F];
	s0 =	simm.s32 @p0 $0x1  }
0x13: {  	[smem:$0x3FAA] =	sst s0;
	s0 =	simm.s32 @!p1 $0x0  }
0x14: {  	s2 =	sld [smem:$0x3F8E];
	s0 =	simm.s32 @p1 $0x1  }
0x15: {  	[smem:$0x3FAB] =	sst s0;
	s0 =	simm.s32 @!p2 $0x0  }
0x16: {  	s3 =	sld [smem:$0x3FDB];
	s0 =	simm.s32 @p2 $0x1  }
0x17: {  	s4 =	simm.s32 $0x1BF5;
	[smem:$0x3FAD] =	sst s0  }
0x18: {  	s0 =	sld [smem:$0x3F90];
	_ =	swait.ge [sflag:s4], $0x0  }
0x19: {  	s7 =	sld [smem:$0x3F91]  }
0x1a: {  	s8 =	sadd.s32 $0xFFFFE003, lr  }
0x1b: {  	s9 =	sadd.s32 $0xFFFFFEF7, lr;
	s5 =	simm.s32 $0xFFFFFFFF;
	p2 =	slt.u32 s8, $0xFFFFF086  }
0x1c: {  	p1 =	slt.u32 s9, $0xF7A;
	s5 =	simm.s32 @!p2 $0x0  }
0x1d: {  	s5 =	simm.s32 @p1 $0x1;
	p0 =	seq.s32 s7, s2  }
0x1e: {  	s7 =	smul.u32 @!p0 $0xF7A, s2;
	p2 =	seq.s32 @!p0 s5, $0x0  }
0x1f: {  	s9 =	smul.u32 $0xF7A, s1;
	s8 =	simm.s32 @!p0 $0x1BF5;
	p2 =	por !p2, p0  }
0x20: {  	[sflag:s8] =	ssyncset.s32 @!p0 $0xFFFFF086;
	s6 =	sadd.s32 @!p0 s3, s7;
	s7 =	simm.s32 @!p0 $0x108  }
0x21: {  	s3 =	sadd.s32 s3, s9;
	s6 =	sadd.s32 @!p0 $0x88, s6;
	s7 =	simm.s32 @p2 $0x1082  }
0x22: {  	[simem:s7], [sflag:s8] =	dma.local @!p0 [hbm:s6], $0xF7A  }
0x23: {  	s9 =	sor.u32 $0xD0000000, s2;
	s6 =	simm.s32 $0x108;
	_ =	swait.ge @!p0 [sflag:s8], $0x0  }
0x24: {  	s3 =	sadd.s32 $0x88, s3;
	s6 =	simm.s32 @!p1 $0x1082;
	[sflag:s4] =	ssyncset.s32 $0xFFFFF086  }
0x25: {  	[simem:s6], [sflag:s4] =	dma.local [hbm:s3], $0xF7A  }
0x26: {  	[smem:$0x3F91] =	sst s1;
	(tag) =	ssettag s2;
	_ =	strace s9  }
0x27: {  	s1 =	sld [smem:$0x3FA1]  }
0x28: {  	s2 =	sld [smem:$0x3FA2]  }
0x29: {  	s4 =	sld [smem:$0x3FA4]  }
0x2a: {  	p0 =	seq.s32 s5, $0x0;
	s5 =	sld [smem:$0x3FA5]  }
0x2b: {  	s6 =	sld [smem:$0x3FA6]  }
0x2c: {  	s7 =	sld [smem:$0x3FA7]  }
0x2d: {  	s3 =	simm.s32 $0x108;
	s8 =	sld [smem:$0x3FA8]  }
0x2e: {  	s3 =	simm.s32 @!p0 $0x1082;
	s9 =	sld [smem:$0x3FA9]  }
0x2f: {  	lr =	sadd.s32 s0, s3;
	s0 =	sld [smem:$0x3FA0]  }
0x30: {  	s3 =	sld [smem:$0x3FA3]  }
0x31: {  	[smem:$0x3FAC] =	sst s10  }
0x32: {  	s10 =	sld [smem:$0x3FAA];
	_ =	sdelay $0x3  }
0x33: {  	p0 =	seq.s32 s10, $0x1;
	s10 =	sld [smem:$0x3FAC];
	_ =	sdelay $0x3  }
0x34: {  	[smem:$0x3FAC] =	sst s10  }
0x35: {  	s10 =	sld [smem:$0x3FAB];
	_ =	sdelay $0x3  }
0x36: {  	p1 =	seq.s32 s10, $0x1;
	s10 =	sld [smem:$0x3FAC];
	_ =	sdelay $0x3  }
0x37: {  	[smem:$0x3FAC] =	sst s10  }
0x38: {  	s10 =	sld [smem:$0x3FAD]  }
0x39: {  	_ = 	snop;
	(pc) =	sbr.ind lr, $3  }
0x3a: {  	_ = 	snop  }
0x3b: {  	_ = 	snop  }
0x3c: {  	p2 =	seq.s32 s10, $0x1;
	s10 =	sld [smem:$0x3FAC]  }
0x3d: {  	_ =	shalt  }
0x3e: {  	_ =	shalt  }
0x3f: {  	_ =	shalt  }
0x40: {  	_ =	shalt  }
0x41: {  	_ =	shalt  }
0x42: {  	_ =	shalt  }
0x43: {  	_ =	shalt  }
0x44: {  	_ =	shalt  }
0x45: {  	_ =	shalt  }
0x46: {  	_ =	shalt  }
0x47: {  	_ =	shalt  }
0x48: {  	_ =	shalt  }
0x49: {  	_ =	shalt  }
0x4a: {  	_ =	shalt  }
0x4b: {  	_ =	shalt  }
0x4c: {  	_ =	shalt  }
0x4d: {  	_ =	shalt  }
0x4e: {  	_ =	shalt  }
0x4f: {  	_ =	shalt  }
0x50: {  	_ =	shalt  }
0x51: {  	_ =	shalt  }
0x52: {  	_ =	shalt  }
0x53: {  	_ =	shalt  }
0x54: {  	_ =	shalt  }
0x55: {  	_ =	shalt  }
0x56: {  	_ =	shalt  }
0x57: {  	_ =	shalt  }
0x58: {  	_ =	shalt  }
0x59: {  	_ =	shalt  }
0x5a: {  	_ =	shalt  }
0x5b: {  	_ =	shalt  }
0x5c: {  	_ =	shalt  }
0x5d: {  	_ =	shalt  }
0x5e: {  	_ =	shalt  }
0x5f: {  	_ =	shalt  }
0x60: {  	_ =	shalt  }
0x61: {  	_ =	shalt  }
0x62: {  	_ =	shalt  }
0x63: {  	_ =	shalt  }
0x64: {  	_ =	shalt  }
0x65: {  	_ =	shalt  }
0x66: {  	_ =	shalt  }
0x67: {  	_ =	shalt  }
0x68: {  	_ =	shalt  }
0x69: {  	_ =	shalt  }
0x6a: {  	_ =	shalt  }
0x6b: {  	_ =	shalt  }
0x6c: {  	_ =	shalt  }
0x6d: {  	_ =	shalt  }
0x6e: {  	_ =	shalt  }
0x6f: {  	_ =	shalt  }
0x70: {  	_ =	shalt  }
0x71: {  	_ =	shalt  }
0x72: {  	_ =	shalt  }
0x73: {  	_ =	shalt  }
0x74: {  	_ =	shalt  }
0x75: {  	_ =	shalt  }
0x76: {  	_ =	shalt  }
0x77: {  	_ =	shalt  }
0x78: {  	_ =	shalt  }
0x79: {  	_ =	shalt  }
0x7a: {  	_ =	shalt  }
0x7b: {  	_ =	shalt  }
0x7c: {  	_ =	shalt  }
0x7d: {  	_ =	shalt  }
0x7e: {  	_ =	shalt  }
0x7f: {  	_ =	shalt  }
0x80: {  	_ =	shalt  }
0x81: {  	_ =	shalt  }
0x82: {  	_ =	shalt  }
0x83: {  	_ =	shalt  }
0x84: {  	_ =	shalt  }
0x85: {  	_ =	shalt  }
0x86: {  	_ =	shalt  }
0x87: {  	_ =	shalt  }
.Lfunc_end0:
.L_simem_size_0:
called_computation.2_lowered:
.L_overlay_start_0:
0x88: {  	s2 =	sld [smem:$0x3FD9]  }
0x89: {  	s3 =	sld [smem:$0x3FFE];
	_ =	sdelay $0x1  }
0x8a: {  	s1 =	srdreg.scid  }
0x8b: {  	s0 =	sand.u32 $0x1, s1  }
0x8c: {  	s17 =	sshll.u32 s0, $0xA;
	s2 =	sadd.s32 s3, s2  }
0x8d: {  	s2 =	sadd.s32 s2, s17  }
0x8e: {  	[smem:$0x3FB8] =	sst s2  }
0x8f: {  	_ = 	snop  }
0x90: {  	s18 =	sld [smem:$0x3FD0];
	(tm) =	ssettm $0x1  }
0x91: {  	s19 =	sld [smem:$0x3FFB];
	_ =	sdelay $0x3  }
0x92: {  	_ =	strace s19  }
0x93: {  	s2 =	sld [smem:$0x3FFC];
	_ =	sdelay $0x3  }
0x94: {  	_ =	strace s2  }
0x95: {  	s2 =	sld [smem:$0x3FFD];
	_ =	sdelay $0x3  }
0x96: {  	_ =	strace s2  }
0x97: {  	_ =	strace $0x8FFFFFFF  }
0x98: {  	s20 =	sld [smem:$0x3FDB];
	_ =	sdelay $0x1  }
0x99: {  	s4 =	simm.s32 $_scs_section_size  }
0x9a: {  	s5 =	simm.s32 $_size__tile_overlayer_lowered;
	s6 =	simm.s32 $_tile_overlayer_lowered  }
0x9b: {  	s7 =	simm.s32 $0x1BFF;
	s21 =	sshll.u32 s6, $0x1;
	s4 =	sadd.s32 s4, s20  }
0x9c: {  	s22 =	simm.s32 $0x0;
	s5 =	sshll.u32 s5, $0x1;
	s6 =	sadd.s32 s21, s4  }
0x9d: {  	[timem:s22], [sflag:s7] =	dma.local [hbm:s6], s5  }
0x9e: {  	_ =	swait.ge [sflag:s7], s5  }
0x9f: {  	s5 =	ssub.s32 $0x0, s5;
	[sflag:s7] =	ssyncset.done $0x0  }
0xa0: {  	[sflag:s7] =	ssyncadd.s32 s5;
	_ =	sdelay $0x1  }
0xa1: {  	s23 =	simm.s32 $0x1B8B  }
0xa2: {  	_ =	swait.ge [sflag:s23], $0x1  }
0xa3: {  	[sflag:s23] =	ssyncset.done $0x0  }
0xa4: {  	[sflag:s23] =	ssyncadd.s32 $0xFFFFFFFF  }
0xa5: {  	s5 =	sld [smem:$0x0]  }
0xa6: {  	s6 =	sand.u32 $0xFFFFFFFE, s1  }
0xa7: {  	p0 =	sne.s32 s1, s6  }
0xa8: {  	s6 =	sshll.u32 @p0 s6, $0xE  }
0xa9: {  	s6 =	sadd.s32 @p0 $0x11B8D, s6;
	s7 =	sshll.u32 @p0 s5, $0x11  }
0xaa: {  	s6 =	sor.u32 @p0 s7, s6  }
0xab: {  	[sflag:s6] =	ssyncadd.remote.s32 @p0 $0x1;
	_ =	sdelay $0x1  }
0xac: {  	s6 =	simm.s32 @p0 $0x1B8D  }
0xad: {  	_ =	swait.eq @p0 [sflag:s6], $0x1  }
0xae: {  	[sflag:s6] =	ssyncadd.s32 @p0 $0xFFFFFFFF  }
0xaf: {  	s7 =	sshll.u32 @!p0 s1, $0xE  }
0xb0: {  	s7 =	sor.u32 @!p0 $0x4000, s7;
	s6 =	simm.s32 @!p0 $0x1B8D  }
0xb1: {  	s5 =	sshll.u32 @!p0 s5, $0x11;
	s7 =	sadd.s32 @!p0 $0x11B8D, s7;
	_ =	swait.eq @!p0 [sflag:s6], $0x1  }
0xb2: {  	s5 =	sor.u32 @!p0 s5, s7;
	[sflag:s6] =	ssyncadd.s32 @!p0 $0xFFFFFFFF  }
0xb3: {  	s25 =	simm.s32 $0x1B8E;
	s24 =	sld [smem:$0x3FFE];
	[sflag:s5] =	ssyncadd.remote.s32 @!p0 $0x1  }
0xb4: {  	s26 =	simm.s32 $execute0_lowered;
	[smem:$0x3FD2] =	sst s25  }
0xb5: {  	s6 =	sshll.u32 s26, $0x1;
	_ =	strace $0x80000049;
	[dreg:$0x1] =	wrdreg $0xFFFFFFFF  }
0xb6: {  	s28 =	simm.s32 $_size_execute0_lowered;
	s4 =	sadd.s32 s4, s6;
	[dreg:$0x0] =	wrdreg $0x0  }
0xb7: {  	s6 =	sshll.u32 s28, $0x1;
	[dreg:$0x2] =	wrdreg s4  }
0xb8: {  	[dreg:$0x3] =	wrdreg s6  }
0xb9: {  	[dreg:$0x4] =	wrdreg $0xC0  }
0xba: {  	_ =	task [dreg:s22], $0x5FFFF  }
0xbb: {  	[dreg:$0x1] =	wrdreg $0xFFFFFFFF  }
0xbc: {  	[dreg:$0x0] =	wrdreg $0x60  }
0xbd: {  	[dreg:$0x2] =	wrdreg s18  }
0xbe: {  	[dreg:$0x3] =	wrdreg s24  }
0xbf: {  	[dreg:$0x4] =	wrdreg $0xC  }
0xc0: {  	_ =	task.clear_ibuf [dreg:s22], $0x5FFFF;
	_ =	strace $0x90000049  }
0xc1: {  	s29 =	simm.s32 $0xC;
	_ =	strace $0x8000004B  }
0xc2: {  	_ =	swait.ge [sflag:s29], $0x1  }
0xc3: {  	[sflag:s29] =	ssyncadd.s32 $0xFFFFFFFF  }
0xc4: {  	_ =	strace $0x9000004B  }
0xc5: {  	_ =	sfence  }
0xc6: {  	s30 =	sld [smem:$0x0];
	_ =	sdelay $0x2  }
0xc7: {  	s31 =	sshll.u32 s1, $0xD;
	s1 =	sshrl.u32 s1, $0x2  }
0xc8: {  	s4 =	sand.u32 $0x4000, s31;
	s1 =	sadd.s32 s1, s30  }
0xc9: {  	s0 =	sor.u32 s4, s0;
	s1 =	sshll.u32 s1, $0x11  }
0xca: {  	s0 =	sor.u32 s1, s0  }
0xcb: {  	s0 =	sadd.s32 $0x8F2B, s0  }
0xcc: {  	[sflag:s0] =	ssyncadd.remote.s32 $0x1  }
0xcd: {  	_ =	sfence.sel $0xFFFF  }
0xce: {  	[dreg:$0x0] =	wrdreg $0xFFFFFFFF;
	(pc) =	sbr.abs _section_cstart, $3  }
0xcf: {  	[dreg:$0x1] =	wrdreg $0xFFFFFFFF  }
0xd0: {  	_ =	task.clear_ibuf [dreg:s22], $0x2FFFF;
	_ =	strace $0x9FFFFFFF  }
0xd1: {  	(tm) =	ssettm $0x7FFFFFFF  }
tec
execute0_lowered:
.L_overlay_start_1:
0x0: {  	(tag) =	ssettag $0x1  }
0x1: {  	s2 =	rddreg [dreg:$0x0]  }
0x2: {  	s4 =	rddreg [dreg:$0x1]  }
0x3: {  	s0 =	rddreg [dreg:$0x2]  }
0x4: {  	s3 =	simm.s32 $0x0;
	s1 =	stileid.u32;
	s5 =	srdreg.scid  }
0x5: {  	s10 =	simm.s32 $0x80;
	s11 =	simm.s32 $0x100;
	s12 =	simm.s32 $0x9100  }
0x6: {  	s13 =	simm.s32 $0x1;
	s14 =	simm.s32 $0x2;
	s15 =	simm.s32 $0x3  }
0x7: {  	s16 =	simm.s32 $0x0;
	[smem:$0x7FF] =	sst s3;
	s6 =	smul.u32 $0x2400, s1  }
0x8: {  	s5 =	sand.u32 $0x1, s5;
	s7 =	sshll.u32 s1, $0x5;
	_ =	strace $0x8000004A  }
0x9: {  	s8 =	smul.u32 $0x1200, s5;
	s7 =	sadd.s32 s7, s4;
	s30 =	ssub.s32 $0x2, s5  }
0xa: {  	s5 =	sshll.u32 s5, $0x4;
	s4 =	sadd.s32 s6, s4;
	s9 =	sshrl.u32 s30, $0x1  }
0xb: {  	s31 =	sadd.s32 s5, s7;
	s8 =	sadd.s32 s8, s4;
	s6 =	ssub.s32 s30, s9  }
0xc: {  	s7 =	sadd.s32 $0x315000, s31;
	s9 =	simm.s32 $0x4;
	s4 =	sadd.s32 $0x480C00, s8  }
0xd: {  	s5 =	smax.u32 s6, $0x1;
	s6 =	sadd.s32 $0x318C00, s8;
	s8 =	sadd.s32 $0x311400, s31  }
.LBB2_1:
0xe: {  	s17 =	sadd.s32 $0x0, s8  }
0xf: {  	[tilespmem:s3], [sflag:$0x4] =	stream.linear.gather [hbm4b:s17+s3], $0x80, $0x38;
	[tilespmem:$0x12100] =	vst v63  }
0x10: {  	_ =	swait.ge [sflag:s9], $0x80  }
0x11: {  	[sflag:s9] =	ssyncset.done $0x0  }
0x12: {  	s31 =	sadd.s32 $0x0, s7;
	[sflag:s9] =	ssyncadd.s32 $0xFFFFFF80  }
0x13: {  	[tilespmem:s10], [sflag:$0x4] =	stream.linear.gather [hbm4b:s31+s3], $0x80, $0x38;
	[tilespmem:$0x12100] =	vst v63  }
0x14: {  	_ =	swait.ge [sflag:s9], $0x80  }
0x15: {  	[sflag:s9] =	ssyncset.done $0x0  }
0x16: {  	[sflag:s9] =	ssyncadd.s32 $0xFFFFFF80  }
0x17: {  	[tilespmem:s11], [sflag:$0x1] =	stream.indirect.gather [hbm4b:s2+s10], $0x120, s3, s10, $0xb8;
	[tilespmem:$0x12100] =	vst v63  }
0x18: {  	_ = 	snop  }
0x19: {  	[tilespmem:s12], [sflag:$0x2] =	stream.indirect.gather [hbm4b:s2+s10], $0x120, s10, s10, $0xb8;
	[tilespmem:$0x12100] =	vst v63  }
0x1a: {  	_ =	swait.ge [sflag:s13], $0x9000  }
0x1b: {  	[sflag:s13] =	ssyncset.done $0x0  }
0x1c: {  	[sflag:s13] =	ssyncadd.s32 $0xFFFF7000  }
0x1d: {  	_ =	swait.ge [sflag:s14], $0x9000  }
0x1e: {  	[sflag:s14] =	ssyncset.done $0x0  }
0x1f: {  	[sflag:s14] =	ssyncadd.s32 $0xFFFF7000  }
0x20: {  	[hbm4b:s4+s3] =	stream.linear.scatter [tilespmem:s11], [sflag:$0x4], $0x9000, $0x38;
	[tilespmem:$0x12100] =	vst v63  }
0x21: {  	_ =	swait.ge [sflag:s9], $0x9000  }
0x22: {  	[sflag:s9] =	ssyncset.done $0x0  }
0x23: {  	[sflag:s9] =	ssyncadd.s32 $0xFFFF7000  }
0x24: {  	[hbm4b:s6+s3] =	stream.linear.scatter [tilespmem:s12], [sflag:$0x3], $0x9000, $0x38;
	[tilespmem:$0x12100] =	vst v63  }
0x25: {  	s19 =	simm.s32 $0x200;
	s20 =	simm.s32 $0x400;
	_ =	swait.ge [sflag:s15], $0x9000  }
0x26: {  	s18 =	sadd.s32 $0x24000, s4;
	s17 =	sadd.s32 $0x24000, s6;
	[sflag:s15] =	ssyncset.done $0x0  }
.LBB2_2:
0x27: {  	s21 =	sadd.s32 s19, s8  }
0x28: {  	[sflag:s15] =	ssyncadd.s32 $0xFFFF7000;
	s22 =	smov.u32 s20;
	s23 =	sadd.s32 $0x200, s20  }
0x29: {  	[tilespmem:s3], [sflag:$0x4] =	stream.linear.gather [hbm4b:s21+s3], $0x80, $0x38;
	[tilespmem:$0x12100] =	vst v63  }
0x2a: {  	p0 =	sne.s32 s20, $0x1200;
	_ =	swait.ge [sflag:s9], $0x80  }
0x2b: {  	[sflag:s9] =	ssyncset.done $0x0  }
0x2c: {  	s20 =	sadd.s32 s19, s7;
	s19 =	smov.u32 s22;
	[sflag:s9] =	ssyncadd.s32 $0xFFFFFF80  }
0x2d: {  	[tilespmem:s10], [sflag:$0x4] =	stream.linear.gather [hbm4b:s20+s3], $0x80, $0x38;
	[tilespmem:$0x12100] =	vst v63  }
0x2e: {  	_ =	swait.ge [sflag:s9], $0x80  }
0x2f: {  	[sflag:s9] =	ssyncset.done $0x0  }
0x30: {  	[sflag:s9] =	ssyncadd.s32 $0xFFFFFF80  }
0x31: {  	[tilespmem:s11], [sflag:$0x1] =	stream.indirect.gather [hbm4b:s2+s10], $0x120, s3, s10, $0xb8;
	[tilespmem:$0x12100] =	vst v63  }
0x32: {  	_ = 	snop  }
0x33: {  	[tilespmem:s12], [sflag:$0x2] =	stream.indirect.gather [hbm4b:s2+s10], $0x120, s10, s10, $0xb8;
	[tilespmem:$0x12100] =	vst v63  }
0x34: {  	_ =	swait.ge [sflag:s13], $0x9000  }
0x35: {  	[sflag:s13] =	ssyncset.done $0x0  }
0x36: {  	[sflag:s13] =	ssyncadd.s32 $0xFFFF7000  }
0x37: {  	_ =	swait.ge [sflag:s14], $0x9000  }
0x38: {  	[sflag:s14] =	ssyncset.done $0x0  }
0x39: {  	[sflag:s14] =	ssyncadd.s32 $0xFFFF7000  }
0x3a: {  	[hbm4b:s18+s3] =	stream.linear.scatter [tilespmem:s11], [sflag:$0x4], $0x9000, $0x38;
	[tilespmem:$0x12100] =	vst v63  }
0x3b: {  	_ =	swait.ge [sflag:s9], $0x9000  }
.Ltmp0:
0x3c: {  	[sflag:s9] =	ssyncset.done $0x0;
	(pc) =	sbr.rel @p0 .LBB2_2-.Ltmp0, $4  }
0x3d: {  	[sflag:s9] =	ssyncadd.s32 $0xFFFF7000  }
0x3e: {  	[hbm4b:s17+s3] =	stream.linear.scatter [tilespmem:s12], [sflag:$0x3], $0x9000, $0x38;
	[tilespmem:$0x12100] =	vst v63  }
0x3f: {  	s20 =	smov.u32 s23;
	_ =	swait.ge [sflag:s15], $0x9000  }
0x40: {  	s18 =	sadd.s32 $0x24000, s18;
	s17 =	sadd.s32 $0x24000, s17;
	[sflag:s15] =	ssyncset.done $0x0  }
0x41: {  	s20 =	sadd.s32 s19, s8;
	[sflag:s15] =	ssyncadd.s32 $0xFFFF7000  }
0x42: {  	[tilespmem:s3], [sflag:$0x4] =	stream.linear.gather [hbm4b:s20+s3], $0x80, $0x38;
	[tilespmem:$0x12100] =	vst v63  }
0x43: {  	_ =	swait.ge [sflag:s9], $0x80  }
0x44: {  	[sflag:s9] =	ssyncset.done $0x0  }
0x45: {  	s31 =	sadd.s32 s19, s7;
	[sflag:s9] =	ssyncadd.s32 $0xFFFFFF80  }
0x46: {  	[tilespmem:s10], [sflag:$0x4] =	stream.linear.gather [hbm4b:s31+s3], $0x80, $0x38;
	[tilespmem:$0x12100] =	vst v63  }
0x47: {  	_ =	swait.ge [sflag:s9], $0x80  }
0x48: {  	[sflag:s9] =	ssyncset.done $0x0  }
0x49: {  	[sflag:s9] =	ssyncadd.s32 $0xFFFFFF80  }
0x4a: {  	[tilespmem:s11], [sflag:$0x1] =	stream.indirect.gather [hbm4b:s2+s10], $0x120, s3, s10, $0xb8;
	[tilespmem:$0x12100] =	vst v63  }
0x4b: {  	_ = 	snop  }
0x4c: {  	[tilespmem:s12], [sflag:$0x2] =	stream.indirect.gather [hbm4b:s2+s10], $0x120, s10, s10, $0xb8;
	[tilespmem:$0x12100] =	vst v63  }
0x4d: {  	_ =	swait.ge [sflag:s13], $0x9000  }
0x4e: {  	[sflag:s13] =	ssyncset.done $0x0  }
0x4f: {  	[sflag:s13] =	ssyncadd.s32 $0xFFFF7000  }
0x50: {  	_ =	swait.ge [sflag:s14], $0x9000  }
0x51: {  	[sflag:s14] =	ssyncset.done $0x0  }
0x52: {  	[sflag:s14] =	ssyncadd.s32 $0xFFFF7000  }
0x53: {  	[hbm4b:s18+s3] =	stream.linear.scatter [tilespmem:s11], [sflag:$0x4], $0x9000, $0x38;
	[tilespmem:$0x12100] =	vst v63  }
0x54: {  	s16 =	sadd.s32 $0x1, s16;
	_ =	swait.ge [sflag:s9], $0x9000  }
0x55: {  	p0 =	sne.s32 s16, s5;
	[sflag:s9] =	ssyncset.done $0x0  }
.Ltmp1:
0x56: {  	[sflag:s9] =	ssyncadd.s32 $0xFFFF7000;
	(pc) =	sbr.rel @p0 .LBB2_1-.Ltmp1, $4  }
0x57: {  	[hbm4b:s17+s3] =	stream.linear.scatter [tilespmem:s12], [sflag:$0x3], $0x9000, $0x38;
	[tilespmem:$0x12100] =	vst v63  }
0x58: {  	_ =	swait.ge [sflag:s15], $0x9000  }
0x59: {  	[sflag:s15] =	ssyncset.done $0x0  }
0x5a: {  	[sflag:s15] =	ssyncadd.s32 $0xFFFF7000  }
0x5b: {  	_ =	sfence.sel $0x180000  }
0x5c: {  	[bflag:$0x0] =	sbarrier.arrive $0xFFFF  }
0x5d: {  	p0 =	sne.s32 s1, $0x0;
	_ =	strace $0x9000004A  }
0x5e: {  	s0 =	sadd.s32 @!p0 $0x100000, s0;
	[bflag:$0x2] =	sbarrier.arrive $0xFFFF  }
0x5f: {  	[sflag:s0] =	ssyncadd.tile.s32 @!p0 $0x1;
	_ =	shalt  }
.Lfunc_end2:
_tile_overlayer_lowered:
.L_overlay_start_2:
0x60: {  	(tag) =	ssettag $0x2  }
0x61: {  	s0 =	rddreg [dreg:$0x0];
	s2 =	stileid.u32  }
0x62: {  	s1 =	rddreg [dreg:$0x1];
	p0 =	sne.s32 s2, $0x0  }
0x63: {  	s3 =	rddreg [dreg:$0x2];
	[bflag:$0x3] =	sbarrier.arrive $0xFFFF;
	s2 =	simm.s32 @!p0 $0x1C03  }
0x64: {  	[timem:s3], [sflag:s2] =	dma.local @!p0 [hbm:s0], s1  }
0x65: {  	s0 =	simm.s32 @!p0 $0x3  }
0x66: {  	_ =	swait.ge @!p0 [sflag:s0], s1  }
0x67: {  	s1 =	ssub.s32 @!p0 $0x0, s1;
	[sflag:s0] =	ssyncset.done @!p0 $0x0  }
0x68: {  	[sflag:s0] =	ssyncadd.s32 @!p0 s1  }
0x69: {  	[bflag:$0x3] =	sbarrier.arrive $0xFFFF  }
0x6a: {  	_ =	shalt  }

// kernel: kernel.25.cloned.1.call-start
scs
__scs_entry_jumppad:
0x0: {  	(pc) =	sbr.rel $0x88, $3  }
0x1: {  	(tag) =	ssettag $0x0;
	lr =	simm.s32 $0x1  }
0x2: {  	[smem:$0x3F91] =	sst lr;
	_ =	strace $0xD0000000  }
0x3: {  	_ = 	snop  }
0x4: {  	_ = 	snop  }
0x5: {  	_ = 	snop  }
0x6: {  	_ = 	snop  }
0x7: {  	_ = 	snop  }
__scs_overlays_trampoline_lowered:
0x8: {  	[smem:$0x3FA0] =	sst s0  }
0x9: {  	[smem:$0x3FA1] =	sst s1  }
0xa: {  	[smem:$0x3FA2] =	sst s2  }
0xb: {  	[smem:$0x3FA3] =	sst s3  }
0xc: {  	[smem:$0x3FA4] =	sst s4  }
0xd: {  	[smem:$0x3FA5] =	sst s5  }
0xe: {  	[smem:$0x3FA6] =	sst s6  }
0xf: {  	[smem:$0x3FA7] =	sst s7  }
0x10: {  	[smem:$0x3FA8] =	sst s8  }
0x11: {  	[smem:$0x3FA9] =	sst s9;
	s0 =	simm.s32 @!p0 $0x0  }
0x12: {  	s1 =	sld [smem:$0x3F8F];
	s0 =	simm.s32 @p0 $0x1  }
0x13: {  	[smem:$0x3FAA] =	sst s0;
	s0 =	simm.s32 @!p1 $0x0  }
0x14: {  	s2 =	sld [smem:$0x3F8E];
	s0 =	simm.s32 @p1 $0x1  }
0x15: {  	[smem:$0x3FAB] =	sst s0;
	s0 =	simm.s32 @!p2 $0x0  }
0x16: {  	s3 =	sld [smem:$0x3FDB];
	s0 =	simm.s32 @p2 $0x1  }
0x17: {  	s4 =	simm.s32 $0x1BF5;
	[smem:$0x3FAD] =	sst s0  }
0x18: {  	s0 =	sld [smem:$0x3F90];
	_ =	swait.ge [sflag:s4], $0x0  }
0x19: {  	s7 =	sld [smem:$0x3F91]  }
0x1a: {  	s8 =	sadd.s32 $0xFFFFE003, lr  }
0x1b: {  	s9 =	sadd.s32 $0xFFFFFEF7, lr;
	s5 =	simm.s32 $0xFFFFFFFF;
	p2 =	slt.u32 s8, $0xFFFFF086  }
0x1c: {  	p1 =	slt.u32 s9, $0xF7A;
	s5 =	simm.s32 @!p2 $0x0  }
0x1d: {  	s5 =	simm.s32 @p1 $0x1;
	p0 =	seq.s32 s7, s2  }
0x1e: {  	s7 =	smul.u32 @!p0 $0xF7A, s2;
	p2 =	seq.s32 @!p0 s5, $0x0  }
0x1f: {  	s9 =	smul.u32 $0xF7A, s1;
	s8 =	simm.s32 @!p0 $0x1BF5;
	p2 =	por !p2, p0  }
0x20: {  	[sflag:s8] =	ssyncset.s32 @!p0 $0xFFFFF086;
	s6 =	sadd.s32 @!p0 s3, s7;
	s7 =	simm.s32 @!p0 $0x108  }
0x21: {  	s3 =	sadd.s32 s3, s9;
	s6 =	sadd.s32 @!p0 $0x88, s6;
	s7 =	simm.s32 @p2 $0x1082  }
0x22: {  	[simem:s7], [sflag:s8] =	dma.local @!p0 [hbm:s6], $0xF7A  }
0x23: {  	s9 =	sor.u32 $0xD0000000, s2;
	s6 =	simm.s32 $0x108;
	_ =	swait.ge @!p0 [sflag:s8], $0x0  }
0x24: {  	s3 =	sadd.s32 $0x88, s3;
	s6 =	simm.s32 @!p1 $0x1082;
	[sflag:s4] =	ssyncset.s32 $0xFFFFF086  }
0x25: {  	[simem:s6], [sflag:s4] =	dma.local [hbm:s3], $0xF7A  }
0x26: {  	[smem:$0x3F91] =	sst s1;
	(tag) =	ssettag s2;
	_ =	strace s9  }
0x27: {  	s1 =	sld [smem:$0x3FA1]  }
0x28: {  	s2 =	sld [smem:$0x3FA2]  }
0x29: {  	s4 =	sld [smem:$0x3FA4]  }
0x2a: {  	p0 =	seq.s32 s5, $0x0;
	s5 =	sld [smem:$0x3FA5]  }
0x2b: {  	s6 =	sld [smem:$0x3FA6]  }
0x2c: {  	s7 =	sld [smem:$0x3FA7]  }
0x2d: {  	s3 =	simm.s32 $0x108;
	s8 =	sld [smem:$0x3FA8]  }
0x2e: {  	s3 =	simm.s32 @!p0 $0x1082;
	s9 =	sld [smem:$0x3FA9]  }
0x2f: {  	lr =	sadd.s32 s0, s3;
	s0 =	sld [smem:$0x3FA0]  }
0x30: {  	s3 =	sld [smem:$0x3FA3]  }
0x31: {  	[smem:$0x3FAC] =	sst s10  }
0x32: {  	s10 =	sld [smem:$0x3FAA];
	_ =	sdelay $0x3  }
0x33: {  	p0 =	seq.s32 s10, $0x1;
	s10 =	sld [smem:$0x3FAC];
	_ =	sdelay $0x3  }
0x34: {  	[smem:$0x3FAC] =	sst s10  }
0x35: {  	s10 =	sld [smem:$0x3FAB];
	_ =	sdelay $0x3  }
0x36: {  	p1 =	seq.s32 s10, $0x1;
	s10 =	sld [smem:$0x3FAC];
	_ =	sdelay $0x3  }
0x37: {  	[smem:$0x3FAC] =	sst s10  }
0x38: {  	s10 =	sld [smem:$0x3FAD]  }
0x39: {  	_ = 	snop;
	(pc) =	sbr.ind lr, $3  }
0x3a: {  	_ = 	snop  }
0x3b: {  	_ = 	snop  }
0x3c: {  	p2 =	seq.s32 s10, $0x1;
	s10 =	sld [smem:$0x3FAC]  }
0x3d: {  	_ =	shalt  }
0x3e: {  	_ =	shalt  }
0x3f: {  	_ =	shalt  }
0x40: {  	_ =	shalt  }
0x41: {  	_ =	shalt  }
0x42: {  	_ =	shalt  }
0x43: {  	_ =	shalt  }
0x44: {  	_ =	shalt  }
0x45: {  	_ =	shalt  }
0x46: {  	_ =	shalt  }
0x47: {  	_ =	shalt  }
0x48: {  	_ =	shalt  }
0x49: {  	_ =	shalt  }
0x4a: {  	_ =	shalt  }
0x4b: {  	_ =	shalt  }
0x4c: {  	_ =	shalt  }
0x4d: {  	_ =	shalt  }
0x4e: {  	_ =	shalt  }
0x4f: {  	_ =	shalt  }
0x50: {  	_ =	shalt  }
0x51: {  	_ =	shalt  }
0x52: {  	_ =	shalt  }
0x53: {  	_ =	shalt  }
0x54: {  	_ =	shalt  }
0x55: {  	_ =	shalt  }
0x56: {  	_ =	shalt  }
0x57: {  	_ =	shalt  }
0x58: {  	_ =	shalt  }
0x59: {  	_ =	shalt  }
0x5a: {  	_ =	shalt  }
0x5b: {  	_ =	shalt  }
0x5c: {  	_ =	shalt  }
0x5d: {  	_ =	shalt  }
0x5e: {  	_ =	shalt  }
0x5f: {  	_ =	shalt  }
0x60: {  	_ =	shalt  }
0x61: {  	_ =	shalt  }
0x62: {  	_ =	shalt  }
0x63: {  	_ =	shalt  }
0x64: {  	_ =	shalt  }
0x65: {  	_ =	shalt  }
0x66: {  	_ =	shalt  }
0x67: {  	_ =	shalt  }
0x68: {  	_ =	shalt  }
0x69: {  	_ =	shalt  }
0x6a: {  	_ =	shalt  }
0x6b: {  	_ =	shalt  }
0x6c: {  	_ =	shalt  }
0x6d: {  	_ =	shalt  }
0x6e: {  	_ =	shalt  }
0x6f: {  	_ =	shalt  }
0x70: {  	_ =	shalt  }
0x71: {  	_ =	shalt  }
0x72: {  	_ =	shalt  }
0x73: {  	_ =	shalt  }
0x74: {  	_ =	shalt  }
0x75: {  	_ =	shalt  }
0x76: {  	_ =	shalt  }
0x77: {  	_ =	shalt  }
0x78: {  	_ =	shalt  }
0x79: {  	_ =	shalt  }
0x7a: {  	_ =	shalt  }
0x7b: {  	_ =	shalt  }
0x7c: {  	_ =	shalt  }
0x7d: {  	_ =	shalt  }
0x7e: {  	_ =	shalt  }
0x7f: {  	_ =	shalt  }
0x80: {  	_ =	shalt  }
0x81: {  	_ =	shalt  }
0x82: {  	_ =	shalt  }
0x83: {  	_ =	shalt  }
0x84: {  	_ =	shalt  }
0x85: {  	_ =	shalt  }
0x86: {  	_ =	shalt  }
0x87: {  	_ =	shalt  }
.Lfunc_end0:
.L_simem_size_0:
called_computation.3_lowered:
.L_overlay_start_0:
0x88: {  	s2 =	sld [smem:$0x3FD9]  }
0x89: {  	s3 =	sld [smem:$0x3FFE];
	_ =	sdelay $0x1  }
0x8a: {  	s1 =	srdreg.scid  }
0x8b: {  	s0 =	sand.u32 $0x1, s1  }
0x8c: {  	s17 =	sshll.u32 s0, $0xA;
	s2 =	sadd.s32 s3, s2  }
0x8d: {  	s2 =	sadd.s32 s2, s17  }
0x8e: {  	[smem:$0x3FB8] =	sst s2  }
0x8f: {  	_ = 	snop  }
0x90: {  	s2 =	sld [smem:$0x3FD0];
	(tm) =	ssettm $0x1  }
0x91: {  	s18 =	sld [smem:$0x3FFB];
	_ =	sdelay $0x3  }
0x92: {  	_ =	strace s18  }
0x93: {  	s3 =	sld [smem:$0x3FFC];
	_ =	sdelay $0x3  }
0x94: {  	_ =	strace s3  }
0x95: {  	s3 =	sld [smem:$0x3FFD];
	_ =	sdelay $0x3  }
0x96: {  	_ =	strace s3  }
0x97: {  	_ =	strace $0x8FFFFFFF  }
0x98: {  	s19 =	sld [smem:$0x3FDB];
	_ =	sdelay $0x1  }
0x99: {  	s4 =	simm.s32 $_scs_section_size  }
0x9a: {  	s5 =	simm.s32 $_size__tile_overlayer_lowered;
	s6 =	simm.s32 $_tile_overlayer_lowered  }
0x9b: {  	s22 =	simm.s32 $0x1BFF;
	s21 =	sshll.u32 s6, $0x1;
	s3 =	sadd.s32 s4, s19  }
0x9c: {  	s7 =	simm.s32 $0x0;
	s20 =	sshll.u32 s5, $0x1;
	s5 =	sadd.s32 s21, s3  }
0x9d: {  	[timem:s7], [sflag:s22] =	dma.local [hbm:s5], s20  }
0x9e: {  	_ =	swait.ge [sflag:s22], s20  }
0x9f: {  	s4 =	ssub.s32 $0x0, s20;
	[sflag:s22] =	ssyncset.done $0x0  }
0xa0: {  	[sflag:s22] =	ssyncadd.s32 s4;
	_ =	sdelay $0x1  }
0xa1: {  	s23 =	simm.s32 $0x1B8B  }
0xa2: {  	_ =	swait.ge [sflag:s23], $0x1  }
0xa3: {  	[sflag:s23] =	ssyncset.done $0x0  }
0xa4: {  	s25 =	simm.s32 $0x1B8E;
	s24 =	sld [smem:$0x3FFE];
	[sflag:s23] =	ssyncadd.s32 $0xFFFFFFFF  }
0xa5: {  	s26 =	simm.s32 $execute0_lowered;
	[smem:$0x3FD2] =	sst s25  }
0xa6: {  	s5 =	sshll.u32 s26, $0x1;
	_ =	strace $0x80000046;
	[dreg:$0x1] =	wrdreg $0xFFFFFFFF  }
0xa7: {  	s28 =	simm.s32 $_size_execute0_lowered;
	s3 =	sadd.s32 s3, s5;
	[dreg:$0x0] =	wrdreg $0x0  }
0xa8: {  	s5 =	sshll.u32 s28, $0x1;
	[dreg:$0x2] =	wrdreg s3  }
0xa9: {  	[dreg:$0x3] =	wrdreg s5  }
0xaa: {  	[dreg:$0x4] =	wrdreg $0xC0  }
0xab: {  	_ =	task [dreg:s7], $0x5FFFF  }
0xac: {  	[dreg:$0x1] =	wrdreg $0xFFFFFFFF  }
0xad: {  	[dreg:$0x0] =	wrdreg $0x60  }
0xae: {  	[dreg:$0x2] =	wrdreg s2  }
0xaf: {  	[dreg:$0x3] =	wrdreg s24  }
0xb0: {  	[dreg:$0x4] =	wrdreg $0xA  }
0xb1: {  	_ =	task.clear_ibuf [dreg:s7], $0x5FFFF;
	_ =	strace $0x90000046  }
0xb2: {  	s29 =	simm.s32 $0xA;
	_ =	strace $0x80000048  }
0xb3: {  	_ =	swait.ge [sflag:s29], $0x1  }
0xb4: {  	[sflag:s29] =	ssyncadd.s32 $0xFFFFFFFF  }
0xb5: {  	_ =	strace $0x90000048  }
0xb6: {  	_ =	sfence  }
0xb7: {  	s30 =	sld [smem:$0x0];
	_ =	sdelay $0x2  }
0xb8: {  	s31 =	sshll.u32 s1, $0xD;
	s1 =	sshrl.u32 s1, $0x2  }
0xb9: {  	s3 =	sand.u32 $0x4000, s31;
	s1 =	sadd.s32 s1, s30  }
0xba: {  	s0 =	sor.u32 s3, s0;
	s1 =	sshll.u32 s1, $0x11  }
0xbb: {  	s0 =	sor.u32 s1, s0  }
0xbc: {  	s0 =	sadd.s32 $0x8F2B, s0  }
0xbd: {  	[sflag:s0] =	ssyncadd.remote.s32 $0x1  }
0xbe: {  	_ =	sfence.sel $0xFFFF  }
0xbf: {  	[dreg:$0x0] =	wrdreg $0xFFFFFFFF;
	(pc) =	sbr.abs _section_cstart, $3  }
0xc0: {  	[dreg:$0x1] =	wrdreg $0xFFFFFFFF  }
0xc1: {  	_ =	task.clear_ibuf [dreg:s7], $0x2FFFF;
	_ =	strace $0x9FFFFFFF  }
0xc2: {  	(tm) =	ssettm $0x7FFFFFFF  }
0xc3: {  	_ =	shalt  }
tec
execute0_lowered:
.L_overlay_start_1:
0x0: {  	(tag) =	ssettag $0x1  }
0x1: {  	s1 =	rddreg [dreg:$0x0]  }
0x2: {  	s4 =	rddreg [dreg:$0x1]  }
0x3: {  	s0 =	rddreg [dreg:$0x2];
	s3 =	simm.s32 $0x0;
	s5 =	srdreg.scid  }
0x4: {  	s2 =	stileid.u32;
	[smem:$0x7FF] =	sst s3;
	s5 =	sand.u32 $0x1, s5  }
0x5: {  	s6 =	sshll.u32 s2, $0x5;
	s7 =	smul.u32 $0x2400, s2;
	s8 =	ssub.s32 $0x2, s5  }
0x6: {  	s9 =	sadd.s32 s6, s4;
	s10 =	smul.u32 $0x1200, s5;
	_ =	strace $0x80000047  }
0x7: {  	s31 =	sshll.u32 s5, $0x4;
	s30 =	sshrl.u32 s8, $0x1;
	s7 =	sadd.s32 s7, s4  }
0x8: {  	s4 =	sshll.u32 s2, $0x1;
	s9 =	sadd.s32 s31, s9;
	s6 =	ssub.s32 s8, s30  }
0x9: {  	s7 =	sadd.s32 s10, s7;
	s8 =	sadd.s32 $0xE400, s9;
	s9 =	sadd.s32 $0xD000, s9  }
0xa: {  	s5 =	smax.u32 s6, $0x1;
	s6 =	sadd.s32 $0x1CB000, s7;
	s7 =	sadd.s32 $0x84C00, s7  }
.LBB2_1:
0xb: {  	p0 =	sgt.u32 s4, $0x121  }
0xc: {  	s12 =	simm.s32 @!p0 $0x0;
	s13 =	simm.s32 @!p0 $0x4;
	p0 =	por p0, p0  }
0xd: {  	[tilespmem:s12], [sflag:$0x4] =	stream.linear.gather @!p0 [hbm4b:s9+s12], $0x80, $0x38;
	[tilespmem:$0x12100] =	vst v63  }
0xe: {  	_ =	swait.ge @!p0 [sflag:s13], $0x80  }
0xf: {  	[sflag:s13] =	ssyncset.done @!p0 $0x0  }
0x10: {  	s10 =	simm.s32 @!p0 $0x80;
	[sflag:s13] =	ssyncadd.s32 @!p0 $0xFFFFFF80  }
0x11: {  	[tilespmem:s10], [sflag:$0x4] =	stream.linear.gather @!p0 [hbm4b:s8+s12], $0x80, $0x38;
	[tilespmem:$0x12100] =	vst v63  }
0x12: {  	_ =	swait.ge @!p0 [sflag:s13], $0x80  }
0x13: {  	[sflag:s13] =	ssyncset.done @!p0 $0x0  }
0x14: {  	s11 =	simm.s32 @!p0 $0x100;
	[sflag:s13] =	ssyncadd.s32 @!p0 $0xFFFFFF80  }
0x15: {  	[tilespmem:s11], [sflag:$0x1] =	stream.indirect.gather @!p0 [hbm4b:s1+s10], $0x120, s12, s10, $0xb8;
	[tilespmem:$0x12100] =	vst v63  }
0x16: {  	s14 =	simm.s32 @!p0 $0x9100;
	s15 =	simm.s32 @!p0 $0x1  }
0x17: {  	[tilespmem:s14], [sflag:$0x2] =	stream.indirect.gather @!p0 [hbm4b:s1+s10], $0x120, s10, s10, $0xb8;
	[tilespmem:$0x12100] =	vst v63  }
0x18: {  	_ =	swait.ge @!p0 [sflag:s15], $0x9000  }
0x19: {  	[sflag:s15] =	ssyncset.done @!p0 $0x0  }
0x1a: {  	s10 =	simm.s32 @!p0 $0x2;
	[sflag:s15] =	ssyncadd.s32 @!p0 $0xFFFF7000  }
0x1b: {  	_ =	swait.ge @!p0 [sflag:s10], $0x9000  }
0x1c: {  	[sflag:s10] =	ssyncset.done @!p0 $0x0  }
0x1d: {  	[sflag:s10] =	ssyncadd.s32 @!p0 $0xFFFF7000;
	s10 =	sadd.s32 @!p0 $0x0, s6  }
0x1e: {  	[hbm4b:s10+s12] =	stream.linear.scatter @!p0 [tilespmem:s11], [sflag:$0x4], $0x9000, $0x38;
	[tilespmem:$0x12100] =	vst v63  }
0x1f: {  	_ =	swait.ge @!p0 [sflag:s13], $0x9000  }
0x20: {  	s15 =	simm.s32 @!p0 $0x3;
	s10 =	simm.s32 $0x24000;
	[sflag:s13] =	ssyncset.done @!p0 $0x0  }
0x21: {  	s11 =	simm.s32 $0x48000;
	[sflag:s13] =	ssyncadd.s32 @!p0 $0xFFFF7000;
	s13 =	sadd.s32 @!p0 $0x0, s7  }
0x22: {  	[hbm4b:s13+s12] =	stream.linear.scatter @!p0 [tilespmem:s14], [sflag:$0x3], $0x9000, $0x38;
	[tilespmem:$0x12100] =	vst v63  }
0x23: {  	s13 =	sadd.s32 $0x200, s9;
	s14 =	sadd.s32 $0x20, s4;
	_ =	swait.ge @!p0 [sflag:s15], $0x9000  }
0x24: {  	s12 =	sadd.s32 $0x200, s8;
	p2 =	sgt.u32 s14, $0x121;
	[sflag:s15] =	ssyncset.done @!p0 $0x0  }
.LBB2_2:
0x25: {  	s16 =	simm.s32 @!p2 $0x0;
	s17 =	simm.s32 @!p2 $0x4;
	[sflag:s15] =	ssyncadd.s32 @!p0 $0xFFFF7000  }
0x26: {  	s15 =	smov.u32 s10;
	s10 =	smov.u32 s11;
	p0 =	por p2, p2  }
0x27: {  	[tilespmem:s16], [sflag:$0x4] =	stream.linear.gather @!p0 [hbm4b:s13+s16], $0x80, $0x38;
	[tilespmem:$0x12100] =	vst v63  }
0x28: {  	s11 =	sadd.s32 $0x24000, s11;
	_ =	swait.ge @!p0 [sflag:s17], $0x80  }
0x29: {  	p1 =	sne.s32 s11, $0x168000;
	[sflag:s17] =	ssyncset.done @!p0 $0x0  }
0x2a: {  	s18 =	simm.s32 @!p0 $0x80;
	[sflag:s17] =	ssyncadd.s32 @!p0 $0xFFFFFF80  }
0x2b: {  	[tilespmem:s18], [sflag:$0x4] =	stream.linear.gather @!p0 [hbm4b:s12+s16], $0x80, $0x38;
	[tilespmem:$0x12100] =	vst v63  }
0x2c: {  	_ =	swait.ge @!p0 [sflag:s17], $0x80  }
0x2d: {  	[sflag:s17] =	ssyncset.done @!p0 $0x0  }
0x2e: {  	s19 =	simm.s32 @!p0 $0x100;
	[sflag:s17] =	ssyncadd.s32 @!p0 $0xFFFFFF80  }
0x2f: {  	[tilespmem:s19], [sflag:$0x1] =	stream.indirect.gather @!p0 [hbm4b:s1+s18], $0x120, s16, s18, $0xb8;
	[tilespmem:$0x12100] =	vst v63  }
0x30: {  	s20 =	simm.s32 @!p0 $0x9100;
	s21 =	simm.s32 @!p0 $0x1  }
0x31: {  	[tilespmem:s20], [sflag:$0x2] =	stream.indirect.gather @!p0 [hbm4b:s1+s18], $0x120, s18, s18, $0xb8;
	[tilespmem:$0x12100] =	vst v63  }
0x32: {  	_ =	swait.ge @!p0 [sflag:s21], $0x9000  }
0x33: {  	[sflag:s21] =	ssyncset.done @!p0 $0x0  }
0x34: {  	s18 =	simm.s32 @!p0 $0x2;
	[sflag:s21] =	ssyncadd.s32 @!p0 $0xFFFF7000  }
0x35: {  	_ =	swait.ge @!p0 [sflag:s18], $0x9000  }
0x36: {  	[sflag:s18] =	ssyncset.done @!p0 $0x0  }
0x37: {  	[sflag:s18] =	ssyncadd.s32 @!p0 $0xFFFF7000;
	s18 =	sadd.s32 @!p0 s15, s6  }
0x38: {  	[hbm4b:s18+s16] =	stream.linear.scatter @!p0 [tilespmem:s19], [sflag:$0x4], $0x9000, $0x38;
	[tilespmem:$0x12100] =	vst v63  }
0x39: {  	_ =	swait.ge @!p0 [sflag:s17], $0x9000  }
.Ltmp0:
0x3a: {  	[sflag:s17] =	ssyncset.done @!p0 $0x0;
	(pc) =	sbr.rel @p1 .LBB2_2-.Ltmp0, $4  }
0x3b: {  	[sflag:s17] =	ssyncadd.s32 @!p0 $0xFFFF7000;
	s17 =	sadd.s32 @!p0 s15, s7;
	s15 =	simm.s32 @!p0 $0x3  }
0x3c: {  	[hbm4b:s17+s16] =	stream.linear.scatter @!p0 [tilespmem:s20], [sflag:$0x3], $0x9000, $0x38;
	[tilespmem:$0x12100] =	vst v63  }
0x3d: {  	s14 =	sadd.s32 $0x20, s14;
	s13 =	sadd.s32 $0x200, s13;
	_ =	swait.ge @!p0 [sflag:s15], $0x9000  }
0x3e: {  	p2 =	sgt.u32 s14, $0x121;
	s12 =	sadd.s32 $0x200, s12;
	[sflag:s15] =	ssyncset.done @!p0 $0x0  }
0x3f: {  	s11 =	simm.s32 @!p2 $0x0  }
0x40: {  	s14 =	simm.s32 @!p2 $0x4;
	[sflag:s15] =	ssyncadd.s32 @!p0 $0xFFFF7000;
	p0 =	por p2, p2  }
0x41: {  	[tilespmem:s11], [sflag:$0x4] =	stream.linear.gather @!p0 [hbm4b:s13+s11], $0x80, $0x38;
	[tilespmem:$0x12100] =	vst v63  }
0x42: {  	_ =	swait.ge @!p0 [sflag:s14], $0x80  }
0x43: {  	[sflag:s14] =	ssyncset.done @!p0 $0x0  }
0x44: {  	s13 =	simm.s32 @!p0 $0x80;
	[sflag:s14] =	ssyncadd.s32 @!p0 $0xFFFFFF80  }
0x45: {  	[tilespmem:s13], [sflag:$0x4] =	stream.linear.gather @!p0 [hbm4b:s12+s11], $0x80, $0x38;
	[tilespmem:$0x12100] =	vst v63  }
0x46: {  	_ =	swait.ge @!p0 [sflag:s14], $0x80  }
0x47: {  	[sflag:s14] =	ssyncset.done @!p0 $0x0  }
0x48: {  	s12 =	simm.s32 @!p0 $0x100;
	[sflag:s14] =	ssyncadd.s32 @!p0 $0xFFFFFF80  }
0x49: {  	[tilespmem:s12], [sflag:$0x1] =	stream.indirect.gather @!p0 [hbm4b:s1+s13], $0x120, s11, s13, $0xb8;
	[tilespmem:$0x12100] =	vst v63  }
0x4a: {  	s15 =	simm.s32 @!p0 $0x9100;
	s16 =	simm.s32 @!p0 $0x1  }
0x4b: {  	[tilespmem:s15], [sflag:$0x2] =	stream.indirect.gather @!p0 [hbm4b:s1+s13], $0x120, s13, s13, $0xb8;
	[tilespmem:$0x12100] =	vst v63  }
0x4c: {  	_ =	swait.ge @!p0 [sflag:s16], $0x9000  }
0x4d: {  	[sflag:s16] =	ssyncset.done @!p0 $0x0  }
0x4e: {  	s13 =	simm.s32 @!p0 $0x2;
	[sflag:s16] =	ssyncadd.s32 @!p0 $0xFFFF7000  }
0x4f: {  	_ =	swait.ge @!p0 [sflag:s13], $0x9000  }
0x50: {  	[sflag:s13] =	ssyncset.done @!p0 $0x0  }
0x51: {  	[sflag:s13] =	ssyncadd.s32 @!p0 $0xFFFF7000;
	s13 =	sadd.s32 @!p0 s10, s6  }
0x52: {  	[hbm4b:s13+s11] =	stream.linear.scatter @!p0 [tilespmem:s12], [sflag:$0x4], $0x9000, $0x38;
	[tilespmem:$0x12100] =	vst v63  }
0x53: {  	s3 =	sadd.s32 $0x1, s3;
	_ =	swait.ge @!p0 [sflag:s14], $0x9000  }
0x54: {  	p1 =	sne.s32 s3, s5;
	s10 =	sadd.s32 @!p0 s10, s7;
	[sflag:s14] =	ssyncset.done @!p0 $0x0  }
.Ltmp1:
0x55: {  	s12 =	simm.s32 @!p0 $0x3;
	[sflag:s14] =	ssyncadd.s32 @!p0 $0xFFFF7000;
	(pc) =	sbr.rel @p1 .LBB2_1-.Ltmp1, $4  }
0x56: {  	[hbm4b:s10+s11] =	stream.linear.scatter @!p0 [tilespmem:s15], [sflag:$0x3], $0x9000, $0x38;
	[tilespmem:$0x12100] =	vst v63  }
0x57: {  	_ =	swait.ge @!p0 [sflag:s12], $0x9000  }
0x58: {  	[sflag:s12] =	ssyncset.done @!p0 $0x0  }
0x59: {  	[sflag:s12] =	ssyncadd.s32 @!p0 $0xFFFF7000  }
0x5a: {  	_ =	sfence.sel $0x180000  }
0x5b: {  	[bflag:$0x0] =	sbarrier.arrive $0xFFFF  }
0x5c: {  	p0 =	sne.s32 s2, $0x0;
	_ =	strace $0x90000047  }
0x5d: {  	s0 =	sadd.s32 @!p0 $0x100000, s0;
	[bflag:$0x2] =	sbarrier.arrive $0xFFFF  }
0x5e: {  	[sflag:s0] =	ssyncadd.tile.s32 @!p0 $0x1;
	_ =	shalt  }
.Lfunc_end2:
_tile_overlayer_lowered:
.L_overlay_start_2:
0x5f: {  	(tag) =	ssettag $0x2  }
0x60: {  	s0 =	rddreg [dreg:$0x0];
	s2 =	stileid.u32  }
0x61: {  	s1 =	rddreg [dreg:$0x1];
	p0 =	sne.s32 s2, $0x0  }
0x62: {  	s3 =	rddreg [dreg:$0x2];
	[bflag:$0x3] =	sbarrier.arrive $0xFFFF;
	s2 =	simm.s32 @!p0 $0x1C03  }
0x63: {  	[timem:s3], [sflag:s2] =	dma.local @!p0 [hbm:s0], s1  }
0x64: {  	s0 =	simm.s32 @!p0 $0x3  }
0x65: {  	_ =	swait.ge @!p0 [sflag:s0], s1  }
0x66: {  	s1 =	ssub.s32 @!p0 $0x0, s1;
	[sflag:s0] =	ssyncset.done @!p0 $0x0  }
0x67: {  	[sflag:s0] =	ssyncadd.s32 @!p0 s1  }
0x68: {  	[bflag:$0x3] =	sbarrier.arrive $0xFFFF  }
0x69: {  	_ =	shalt  }

// kernel: kernel.28.cloned.1.call-start
scs
__scs_entry_jumppad:
0x0: {  	(pc) =	sbr.rel $0x88, $3  }
0x1: {  	(tag) =	ssettag $0x0;
	lr =	simm.s32 $0x1  }
0x2: {  	[smem:$0x3F91] =	sst lr;
	_ =	strace $0xD0000000  }
0x3: {  	_ = 	snop  }
0x4: {  	_ = 	snop  }
0x5: {  	_ = 	snop  }
0x6: {  	_ = 	snop  }
0x7: {  	_ = 	snop  }
__scs_overlays_trampoline_lowered:
0x8: {  	[smem:$0x3FA0] =	sst s0  }
0x9: {  	[smem:$0x3FA1] =	sst s1  }
0xa: {  	[smem:$0x3FA2] =	sst s2  }
0xb: {  	[smem:$0x3FA3] =	sst s3  }
0xc: {  	[smem:$0x3FA4] =	sst s4  }
0xd: {  	[smem:$0x3FA5] =	sst s5  }
0xe: {  	[smem:$0x3FA6] =	sst s6  }
0xf: {  	[smem:$0x3FA7] =	sst s7  }
0x10: {  	[smem:$0x3FA8] =	sst s8  }
0x11: {  	[smem:$0x3FA9] =	sst s9;
	s0 =	simm.s32 @!p0 $0x0  }
0x12: {  	s1 =	sld [smem:$0x3F8F];
	s0 =	simm.s32 @p0 $0x1  }
0x13: {  	[smem:$0x3FAA] =	sst s0;
	s0 =	simm.s32 @!p1 $0x0  }
0x14: {  	s2 =	sld [smem:$0x3F8E];
	s0 =	simm.s32 @p1 $0x1  }
0x15: {  	[smem:$0x3FAB] =	sst s0;
	s0 =	simm.s32 @!p2 $0x0  }
0x16: {  	s3 =	sld [smem:$0x3FDB];
	s0 =	simm.s32 @p2 $0x1  }
0x17: {  	s4 =	simm.s32 $0x1BF5;
	[smem:$0x3FAD] =	sst s0  }
0x18: {  	s0 =	sld [smem:$0x3F90];
	_ =	swait.ge [sflag:s4], $0x0  }
0x19: {  	s7 =	sld [smem:$0x3F91]  }
0x1a: {  	s8 =	sadd.s32 $0xFFFFE003, lr  }
0x1b: {  	s9 =	sadd.s32 $0xFFFFFEF7, lr;
	s5 =	simm.s32 $0xFFFFFFFF;
	p2 =	slt.u32 s8, $0xFFFFF086  }
0x1c: {  	p1 =	slt.u32 s9, $0xF7A;
	s5 =	simm.s32 @!p2 $0x0  }
0x1d: {  	s5 =	simm.s32 @p1 $0x1;
	p0 =	seq.s32 s7, s2  }
0x1e: {  	s7 =	smul.u32 @!p0 $0xF7A, s2;
	p2 =	seq.s32 @!p0 s5, $0x0  }
0x1f: {  	s9 =	smul.u32 $0xF7A, s1;
	s8 =	simm.s32 @!p0 $0x1BF5;
	p2 =	por !p2, p0  }
0x20: {  	[sflag:s8] =	ssyncset.s32 @!p0 $0xFFFFF086;
	s6 =	sadd.s32 @!p0 s3, s7;
	s7 =	simm.s32 @!p0 $0x108  }
0x21: {  	s3 =	sadd.s32 s3, s9;
	s6 =	sadd.s32 @!p0 $0x88, s6;
	s7 =	simm.s32 @p2 $0x1082  }
0x22: {  	[simem:s7], [sflag:s8] =	dma.local @!p0 [hbm:s6], $0xF7A  }
0x23: {  	s9 =	sor.u32 $0xD0000000, s2;
	s6 =	simm.s32 $0x108;
	_ =	swait.ge @!p0 [sflag:s8], $0x0  }
0x24: {  	s3 =	sadd.s32 $0x88, s3;
	s6 =	simm.s32 @!p1 $0x1082;
	[sflag:s4] =	ssyncset.s32 $0xFFFFF086  }
0x25: {  	[simem:s6], [sflag:s4] =	dma.local [hbm:s3], $0xF7A  }
0x26: {  	[smem:$0x3F91] =	sst s1;
	(tag) =	ssettag s2;
	_ =	strace s9  }
0x27: {  	s1 =	sld [smem:$0x3FA1]  }
0x28: {  	s2 =	sld [smem:$0x3FA2]  }
0x29: {  	s4 =	sld [smem:$0x3FA4]  }
0x2a: {  	p0 =	seq.s32 s5, $0x0;
	s5 =	sld [smem:$0x3FA5]  }
0x2b: {  	s6 =	sld [smem:$0x3FA6]  }
0x2c: {  	s7 =	sld [smem:$0x3FA7]  }
0x2d: {  	s3 =	simm.s32 $0x108;
	s8 =	sld [smem:$0x3FA8]  }
0x2e: {  	s3 =	simm.s32 @!p0 $0x1082;
	s9 =	sld [smem:$0x3FA9]  }
0x2f: {  	lr =	sadd.s32 s0, s3;
	s0 =	sld [smem:$0x3FA0]  }
0x30: {  	s3 =	sld [smem:$0x3FA3]  }
0x31: {  	[smem:$0x3FAC] =	sst s10  }
0x32: {  	s10 =	sld [smem:$0x3FAA];
	_ =	sdelay $0x3  }
0x33: {  	p0 =	seq.s32 s10, $0x1;
	s10 =	sld [smem:$0x3FAC];
	_ =	sdelay $0x3  }
0x34: {  	[smem:$0x3FAC] =	sst s10  }
0x35: {  	s10 =	sld [smem:$0x3FAB];
	_ =	sdelay $0x3  }
0x36: {  	p1 =	seq.s32 s10, $0x1;
	s10 =	sld [smem:$0x3FAC];
	_ =	sdelay $0x3  }
0x37: {  	[smem:$0x3FAC] =	sst s10  }
0x38: {  	s10 =	sld [smem:$0x3FAD]  }
0x39: {  	_ = 	snop;
	(pc) =	sbr.ind lr, $3  }
0x3a: {  	_ = 	snop  }
0x3b: {  	_ = 	snop  }
0x3c: {  	p2 =	seq.s32 s10, $0x1;
	s10 =	sld [smem:$0x3FAC]  }
0x3d: {  	_ =	shalt  }
0x3e: {  	_ =	shalt  }
0x3f: {  	_ =	shalt  }
0x40: {  	_ =	shalt  }
0x41: {  	_ =	shalt  }
0x42: {  	_ =	shalt  }
0x43: {  	_ =	shalt  }
0x44: {  	_ =	shalt  }
0x45: {  	_ =	shalt  }
0x46: {  	_ =	shalt  }
0x47: {  	_ =	shalt  }
0x48: {  	_ =	shalt  }
0x49: {  	_ =	shalt  }
0x4a: {  	_ =	shalt  }
0x4b: {  	_ =	shalt  }
0x4c: {  	_ =	shalt  }
0x4d: {  	_ =	shalt  }
0x4e: {  	_ =	shalt  }
0x4f: {  	_ =	shalt  }
0x50: {  	_ =	shalt  }
0x51: {  	_ =	shalt  }
0x52: {  	_ =	shalt  }
0x53: {  	_ =	shalt  }
0x54: {  	_ =	shalt  }
0x55: {  	_ =	shalt  }
0x56: {  	_ =	shalt  }
0x57: {  	_ =	shalt  }
0x58: {  	_ =	shalt  }
0x59: {  	_ =	shalt  }
0x5a: {  	_ =	shalt  }
0x5b: {  	_ =	shalt  }
0x5c: {  	_ =	shalt  }
0x5d: {  	_ =	shalt  }
0x5e: {  	_ =	shalt  }
0x5f: {  	_ =	shalt  }
0x60: {  	_ =	shalt  }
0x61: {  	_ =	shalt  }
0x62: {  	_ =	shalt  }
0x63: {  	_ =	shalt  }
0x64: {  	_ =	shalt  }
0x65: {  	_ =	shalt  }
0x66: {  	_ =	shalt  }
0x67: {  	_ =	shalt  }
0x68: {  	_ =	shalt  }
0x69: {  	_ =	shalt  }
0x6a: {  	_ =	shalt  }
0x6b: {  	_ =	shalt  }
0x6c: {  	_ =	shalt  }
0x6d: {  	_ =	shalt  }
0x6e: {  	_ =	shalt  }
0x6f: {  	_ =	shalt  }
0x70: {  	_ =	shalt  }
0x71: {  	_ =	shalt  }
0x72: {  	_ =	shalt  }
0x73: {  	_ =	shalt  }
0x74: {  	_ =	shalt  }
0x75: {  	_ =	shalt  }
0x76: {  	_ =	shalt  }
0x77: {  	_ =	shalt  }
0x78: {  	_ =	shalt  }
0x79: {  	_ =	shalt  }
0x7a: {  	_ =	shalt  }
0x7b: {  	_ =	shalt  }
0x7c: {  	_ =	shalt  }
0x7d: {  	_ =	shalt  }
0x7e: {  	_ =	shalt  }
0x7f: {  	_ =	shalt  }
0x80: {  	_ =	shalt  }
0x81: {  	_ =	shalt  }
0x82: {  	_ =	shalt  }
0x83: {  	_ =	shalt  }
0x84: {  	_ =	shalt  }
0x85: {  	_ =	shalt  }
0x86: {  	_ =	shalt  }
0x87: {  	_ =	shalt  }
.Lfunc_end0:
.L_simem_size_0:
called_computation.4_lowered:
.L_overlay_start_0:
0x88: {  	s2 =	sld [smem:$0x3FD9]  }
0x89: {  	s3 =	sld [smem:$0x3FFE];
	_ =	sdelay $0x1  }
0x8a: {  	s1 =	srdreg.scid  }
0x8b: {  	s0 =	sand.u32 $0x1, s1  }
0x8c: {  	s17 =	sshll.u32 s0, $0xA;
	s2 =	sadd.s32 s3, s2  }
0x8d: {  	s2 =	sadd.s32 s2, s17  }
0x8e: {  	[smem:$0x3FB8] =	sst s2  }
0x8f: {  	_ = 	snop  }
0x90: {  	s18 =	sld [smem:$0x3FD0];
	(tm) =	ssettm $0x1  }
0x91: {  	s19 =	sld [smem:$0x3FFB];
	_ =	sdelay $0x3  }
0x92: {  	_ =	strace s19  }
0x93: {  	s2 =	sld [smem:$0x3FFC];
	_ =	sdelay $0x3  }
0x94: {  	_ =	strace s2  }
0x95: {  	s2 =	sld [smem:$0x3FFD];
	_ =	sdelay $0x3  }
0x96: {  	_ =	strace s2  }
0x97: {  	_ =	strace $0x8FFFFFFF  }
0x98: {  	s20 =	sld [smem:$0x3FDB];
	_ =	sdelay $0x1  }
0x99: {  	s4 =	simm.s32 $_scs_section_size  }
0x9a: {  	s5 =	simm.s32 $_size__tile_overlayer_lowered;
	s6 =	simm.s32 $_tile_overlayer_lowered  }
0x9b: {  	s7 =	simm.s32 $0x1BFF;
	s21 =	sshll.u32 s6, $0x1;
	s4 =	sadd.s32 s4, s20  }
0x9c: {  	s22 =	simm.s32 $0x0;
	s5 =	sshll.u32 s5, $0x1;
	s6 =	sadd.s32 s21, s4  }
0x9d: {  	[timem:s22], [sflag:s7] =	dma.local [hbm:s6], s5  }
0x9e: {  	_ =	swait.ge [sflag:s7], s5  }
0x9f: {  	s5 =	ssub.s32 $0x0, s5;
	[sflag:s7] =	ssyncset.done $0x0  }
0xa0: {  	[sflag:s7] =	ssyncadd.s32 s5;
	_ =	sdelay $0x1  }
0xa1: {  	s23 =	simm.s32 $0x1B8B  }
0xa2: {  	_ =	swait.ge [sflag:s23], $0x1  }
0xa3: {  	[sflag:s23] =	ssyncset.done $0x0  }
0xa4: {  	[sflag:s23] =	ssyncadd.s32 $0xFFFFFFFF  }
0xa5: {  	s5 =	sld [smem:$0x0]  }
0xa6: {  	s6 =	sand.u32 $0xFFFFFFFE, s1  }
0xa7: {  	p0 =	sne.s32 s1, s6  }
0xa8: {  	s6 =	sshll.u32 @p0 s6, $0xE  }
0xa9: {  	s6 =	sadd.s32 @p0 $0x11B8D, s6;
	s7 =	sshll.u32 @p0 s5, $0x11  }
0xaa: {  	s6 =	sor.u32 @p0 s7, s6  }
0xab: {  	[sflag:s6] =	ssyncadd.remote.s32 @p0 $0x1;
	_ =	sdelay $0x1  }
0xac: {  	s6 =	simm.s32 @p0 $0x1B8D  }
0xad: {  	_ =	swait.eq @p0 [sflag:s6], $0x1  }
0xae: {  	[sflag:s6] =	ssyncadd.s32 @p0 $0xFFFFFFFF  }
0xaf: {  	s7 =	sshll.u32 @!p0 s1, $0xE  }
0xb0: {  	s7 =	sor.u32 @!p0 $0x4000, s7;
	s6 =	simm.s32 @!p0 $0x1B8D  }
0xb1: {  	s5 =	sshll.u32 @!p0 s5, $0x11;
	s7 =	sadd.s32 @!p0 $0x11B8D, s7;
	_ =	swait.eq @!p0 [sflag:s6], $0x1  }
0xb2: {  	s5 =	sor.u32 @!p0 s5, s7;
	[sflag:s6] =	ssyncadd.s32 @!p0 $0xFFFFFFFF  }
0xb3: {  	s25 =	simm.s32 $0x1B8E;
	s24 =	sld [smem:$0x3FFE];
	[sflag:s5] =	ssyncadd.remote.s32 @!p0 $0x1  }
0xb4: {  	s26 =	simm.s32 $execute0_lowered;
	[smem:$0x3FD2] =	sst s25  }
0xb5: {  	s6 =	sshll.u32 s26, $0x1;
	_ =	strace $0x8000005B;
	[dreg:$0x1] =	wrdreg $0xFFFFFFFF  }
0xb6: {  	s28 =	simm.s32 $_size_execute0_lowered;
	s4 =	sadd.s32 s4, s6;
	[dreg:$0x0] =	wrdreg $0x0  }
0xb7: {  	s6 =	sshll.u32 s28, $0x1;
	[dreg:$0x2] =	wrdreg s4  }
0xb8: {  	[dreg:$0x3] =	wrdreg s6  }
0xb9: {  	[dreg:$0x4] =	wrdreg $0xC0  }
0xba: {  	_ =	task [dreg:s22], $0x5FFFF  }
0xbb: {  	[dreg:$0x1] =	wrdreg $0xFFFFFFFF  }
0xbc: {  	[dreg:$0x0] =	wrdreg $0x60  }
0xbd: {  	[dreg:$0x2] =	wrdreg s24  }
0xbe: {  	[dreg:$0x3] =	wrdreg s18  }
0xbf: {  	[dreg:$0x4] =	wrdreg $0x48800  }
0xc0: {  	[dreg:$0x5] =	wrdreg $0x9  }
0xc1: {  	_ =	task.clear_ibuf [dreg:s22], $0x6FFFF;
	_ =	strace $0x9000005B  }
0xc2: {  	s29 =	simm.s32 $0x9;
	_ =	strace $0x8000005D  }
0xc3: {  	_ =	swait.ge [sflag:s29], $0x1  }
0xc4: {  	[sflag:s29] =	ssyncadd.s32 $0xFFFFFFFF  }
0xc5: {  	_ =	strace $0x9000005D  }
0xc6: {  	_ =	sfence  }
0xc7: {  	s30 =	sld [smem:$0x0];
	_ =	sdelay $0x2  }
0xc8: {  	s31 =	sshll.u32 s1, $0xD;
	s1 =	sshrl.u32 s1, $0x2  }
0xc9: {  	s4 =	sand.u32 $0x4000, s31;
	s1 =	sadd.s32 s1, s30  }
0xca: {  	s0 =	sor.u32 s4, s0;
	s1 =	sshll.u32 s1, $0x11  }
0xcb: {  	s0 =	sor.u32 s1, s0  }
0xcc: {  	s0 =	sadd.s32 $0x8F2B, s0  }
0xcd: {  	[sflag:s0] =	ssyncadd.remote.s32 $0x1  }
0xce: {  	_ =	sfence.sel $0xFFFF  }
0xcf: {  	[dreg:$0x0] =	wrdreg $0xFFFFFFFF;
	(pc) =	sbr.abs _section_cstart, $3  }
0xd0: {  	[dreg:$0x1] =	wrdreg $0xFFFFFFFF  }
0xd1: {  	_ =	task.clear_ibuf [dreg:s22], $0x2FFFF;
	_ =	strace $0x9FFFFFFF  }
0xd2: {  	(tm) =	ssettm $0x7FFFFFFF  }
0xd3: {  	_ =	shalt  }
tec
execute0_lowered:
.L_overlay_start_1:
0x0: {  	(tag) =	ssettag $0x1  }
0x1: {  	s4 =	rddreg [dreg:$0x0]  }
0x2: {  	s7 =	rddreg [dreg:$0x1]  }
0x3: {  	s0 =	srdreg.scid;
	s2 =	rddreg [dreg:$0x2]  }
0x4: {  	s1 =	rddreg [dreg:$0x3];
	s3 =	simm.s32 $0x0;
	s13 =	simm.s32 $0x24  }
0x5: {  	s14 =	simm.s32 $0x1;
	s15 =	simm.s32 $0x90;
	s5 =	sand.u32 $0x1, s0  }
0x6: {  	s16 =	simm.s32 $0x120;
	s0 =	stileid.u32;
	s6 =	smul.u32 $0x90, s5  }
0x7: {  	s17 =	simm.s32 $0x80;
	[smem:$0x7FF] =	sst s3;
	s8 =	smul.u32 $0x9000, s0  }
0x8: {  	s18 =	simm.s32 $0x0;
	s9 =	smul.u32 $0x2BF20, s0;
	_ =	strace $0x8000005C  }
0x9: {  	s29 =	sshll.u32 s0, $0x4;
	s30 =	smul.u32 $0x57E40, s0;
	s5 =	ssub.s32 $0x2, s5  }
0xa: {  	s31 =	sshll.u32 s0, $0x6;
	s11 =	sshrl.u32 s5, $0x1;
	s8 =	sor.u32 s6, s8  }
0xb: {  	s6 =	sadd.s32 s6, s9;
	s9 =	sshrl.u32 s30, $0x2;
	s11 =	ssub.s32 s5, s11  }
0xc: {  	s5 =	sor.u32 $0x1C01, s31;
	s8 =	sshrl.u32 s8, $0x3;
	s6 =	sshrl.u32 s6, $0x3  }
0xd: {  	s12 =	sadd.s32 s9, s2;
	s10 =	sadd.s32 s8, s4;
	s8 =	sadd.s32 s29, s4  }
0xe: {  	s4 =	sadd.s32 s6, s4;
	s6 =	sadd.s32 s7, s6;
	s7 =	smax.u32 s11, $0x1  }
0xf: {  	s11 =	simm.s32 $0x2;
	s4 =	sadd.s32 $0xB8E800, s4;
	s8 =	sadd.s32 $0x317800, s8  }
0x10: {  	s9 =	sadd.s32 $0xA20C00, s10;
	s10 =	sshrl.u32 s12, $0x3;
	s12 =	simm.s32 $0x12  }
.LBB2_1:
0x11: {  	[spmem:s10@s12], [sflag:s5] =	dma.strided [hbm:s4@s13], $0x2BF2, s11, $0x9   }
0x12: {  	_ =	swait.ge [sflag:s14], $0x2BF2  }
0x13: {  	[sflag:s14] =	ssyncset.done $0x0  }
0x14: {  	[sflag:s14] =	ssyncadd.s32 $0xFFFFD40E  }
0x15: {  	s19 =	sadd.s32 $0x0, s8;
	[bflag:$0x0] =	sbarrier.arrive $0xFFFF  }
0x16: {  	[tilespmem:s3], [sflag:$0x2] =	stream.linear.gather [hbm4b:s19+s3], $0x80, $0x38;
	[tilespmem:$0x1A810] =	vst v63  }
0x17: {  	_ =	swait.ge [sflag:s11], $0x80  }
0x18: {  	[sflag:s11] =	ssyncset.done $0x0  }
0x19: {  	[sflag:s11] =	ssyncadd.s32 $0xFFFFFF80  }
0x1a: {  	[tilespmem:s17], [sflag:$0x2] =	stream.strided.gather [hbm4b:s9+s15], $0x4800, s16, s15, $0x38;
	[tilespmem:$0x1A810] =	vst v63  }
0x1b: {  	_ =	swait.ge [sflag:s11], $0x4800  }
0x1c: {  	[sflag:s11] =	ssyncset.done $0x0  }
0x1d: {  	[sflag:s11] =	ssyncadd.s32 $0xFFFFB800  }
0x1e: {  	[spmem:s2] =	stream.indirect.scatter.add.f32 [tilespmem:s17], [sflag:$0x1], $0x90, s3, s17, $0xb8;
	[tilespmem:$0x1A810] =	vst v63  }
0x1f: {  	s20 =	simm.s32 $0x100;
	_ =	swait.ge [sflag:s14], $0x4800  }
0x20: {  	s21 =	simm.s32 $0x200;
	s19 =	sadd.s32 $0x12000, s9;
	[sflag:s14] =	ssyncset.done $0x0  }
.LBB2_2:
0x21: {  	s22 =	sadd.s32 s20, s8  }
0x22: {  	[sflag:s14] =	ssyncadd.s32 $0xFFFFB800;
	s20 =	smov.u32 s21;
	s23 =	sadd.s32 $0x100, s21  }
0x23: {  	[tilespmem:s3], [sflag:$0x2] =	stream.linear.gather [hbm4b:s22+s3], $0x80, $0x38;
	[tilespmem:$0x1A810] =	vst v63  }
0x24: {  	p0 =	sne.s32 s21, $0x1300;
	_ =	swait.ge [sflag:s11], $0x80  }
0x25: {  	[sflag:s11] =	ssyncset.done $0x0  }
0x26: {  	[sflag:s11] =	ssyncadd.s32 $0xFFFFFF80  }
0x27: {  	[tilespmem:s17], [sflag:$0x2] =	stream.strided.gather [hbm4b:s19+s15], $0x4800, s16, s15, $0x38;
	[tilespmem:$0x1A810] =	vst v63  }
0x28: {  	_ =	swait.ge [sflag:s11], $0x4800  }
.Ltmp0:
0x29: {  	[sflag:s11] =	ssyncset.done $0x0;
	(pc) =	sbr.rel @p0 .LBB2_2-.Ltmp0, $4  }
0x2a: {  	[sflag:s11] =	ssyncadd.s32 $0xFFFFB800  }
0x2b: {  	[spmem:s2] =	stream.indirect.scatter.add.f32 [tilespmem:s17], [sflag:$0x1], $0x90, s3, s17, $0xb8;
	[tilespmem:$0x1A810] =	vst v63  }
0x2c: {  	_ =	swait.ge [sflag:s14], $0x4800  }
0x2d: {  	s21 =	smov.u32 s23;
	s19 =	sadd.s32 $0x12000, s19;
	[sflag:s14] =	ssyncset.done $0x0  }
0x2e: {  	s20 =	sadd.s32 s20, s8;
	[sflag:s14] =	ssyncadd.s32 $0xFFFFB800  }
0x2f: {  	[tilespmem:s3], [sflag:$0x2] =	stream.linear.gather [hbm4b:s20+s3], $0x80, $0x38;
	[tilespmem:$0x1A810] =	vst v63  }
0x30: {  	_ =	swait.ge [sflag:s11], $0x80  }
0x31: {  	[sflag:s11] =	ssyncset.done $0x0  }
0x32: {  	[sflag:s11] =	ssyncadd.s32 $0xFFFFFF80  }
0x33: {  	[tilespmem:s17], [sflag:$0x2] =	stream.strided.gather [hbm4b:s19+s15], $0x4800, s16, s15, $0x38;
	[tilespmem:$0x1A810] =	vst v63  }
0x34: {  	_ =	swait.ge [sflag:s11], $0x4800  }
0x35: {  	[sflag:s11] =	ssyncset.done $0x0  }
0x36: {  	[sflag:s11] =	ssyncadd.s32 $0xFFFFB800  }
0x37: {  	[spmem:s2] =	stream.indirect.scatter.add.f32 [tilespmem:s17], [sflag:$0x1], $0x90, s3, s17, $0xb8;
	[tilespmem:$0x1A810] =	vst v63  }
0x38: {  	_ =	swait.ge [sflag:s14], $0x4800  }
0x39: {  	s18 =	sadd.s32 $0x1, s18;
	[sflag:s14] =	ssyncset.done $0x0  }
0x3a: {  	p0 =	sne.s32 s18, s7;
	[sflag:s14] =	ssyncadd.s32 $0xFFFFB800  }
.Ltmp1:
0x3b: {  	[bflag:$0x0] =	sbarrier.arrive $0xFFFF;
	(pc) =	sbr.rel @p0 .LBB2_1-.Ltmp1, $4  }
0x3c: {  	[hbm:s6@s13], [sflag:s5] =	dma.strided [spmem:s10@s12], $0x2BF2, s11, $0x9   }
0x3d: {  	_ =	swait.ge [sflag:s14], $0x2BF2  }
0x3e: {  	[sflag:s14] =	ssyncset.done $0x0  }
0x3f: {  	[sflag:s14] =	ssyncadd.s32 $0xFFFFD40E  }
0x40: {  	_ =	sfence.sel $0x180000  }
0x41: {  	[bflag:$0x0] =	sbarrier.arrive $0xFFFF  }
0x42: {  	p0 =	sne.s32 s0, $0x0;
	_ =	strace $0x9000005C  }
0x43: {  	s0 =	sadd.s32 @!p0 $0x100000, s1;
	[bflag:$0x2] =	sbarrier.arrive $0xFFFF  }
0x44: {  	[sflag:s0] =	ssyncadd.tile.s32 @!p0 $0x1;
	_ =	shalt  }
.Lfunc_end2:
_tile_overlayer_lowered:
.L_overlay_start_2:
0x45: {  	(tag) =	ssettag $0x2  }
0x46: {  	s0 =	rddreg [dreg:$0x0];
	s2 =	stileid.u32  }
0x47: {  	s1 =	rddreg [dreg:$0x1];
	p0 =	sne.s32 s2, $0x0  }
0x48: {  	s3 =	rddreg [dreg:$0x2];
	[bflag:$0x3] =	sbarrier.arrive $0xFFFF;
	s2 =	simm.s32 @!p0 $0x1C01  }
0x49: {  	[timem:s3], [sflag:s2] =	dma.local @!p0 [hbm:s0], s1  }
0x4a: {  	s0 =	simm.s32 @!p0 $0x1  }
0x4b: {  	_ =	swait.ge @!p0 [sflag:s0], s1  }
0x4c: {  	s1 =	ssub.s32 @!p0 $0x0, s1;
	[sflag:s0] =	ssyncset.done @!p0 $0x0  }
0x4d: {  	[sflag:s0] =	ssyncadd.s32 @!p0 s1  }
0x4e: {  	[bflag:$0x3] =	sbarrier.arrive $0xFFFF  }
0x4f: {  	_ =	shalt  }

// kernel: kernel.31.cloned.1.call-start
scs
__scs_entry_jumppad:
0x0: {  	(pc) =	sbr.rel $0x88, $3  }
0x1: {  	(tag) =	ssettag $0x0;
	lr =	simm.s32 $0x1  }
0x2: {  	[smem:$0x3F91] =	sst lr;
	_ =	strace $0xD0000000  }
0x3: {  	_ = 	snop  }
0x4: {  	_ = 	snop  }
0x5: {  	_ = 	snop  }
0x6: {  	_ = 	snop  }
0x7: {  	_ = 	snop  }
__scs_overlays_trampoline_lowered:
0x8: {  	[smem:$0x3FA0] =	sst s0  }
0x9: {  	[smem:$0x3FA1] =	sst s1  }
0xa: {  	[smem:$0x3FA2] =	sst s2  }
0xb: {  	[smem:$0x3FA3] =	sst s3  }
0xc: {  	[smem:$0x3FA4] =	sst s4  }
0xd: {  	[smem:$0x3FA5] =	sst s5  }
0xe: {  	[smem:$0x3FA6] =	sst s6  }
0xf: {  	[smem:$0x3FA7] =	sst s7  }
0x10: {  	[smem:$0x3FA8] =	sst s8  }
0x11: {  	[smem:$0x3FA9] =	sst s9;
	s0 =	simm.s32 @!p0 $0x0  }
0x12: {  	s1 =	sld [smem:$0x3F8F];
	s0 =	simm.s32 @p0 $0x1  }
0x13: {  	[smem:$0x3FAA] =	sst s0;
	s0 =	simm.s32 @!p1 $0x0  }
0x14: {  	s2 =	sld [smem:$0x3F8E];
	s0 =	simm.s32 @p1 $0x1  }
0x15: {  	[smem:$0x3FAB] =	sst s0;
	s0 =	simm.s32 @!p2 $0x0  }
0x16: {  	s3 =	sld [smem:$0x3FDB];
	s0 =	simm.s32 @p2 $0x1  }
0x17: {  	s4 =	simm.s32 $0x1BF5;
	[smem:$0x3FAD] =	sst s0  }
0x18: {  	s0 =	sld [smem:$0x3F90];
	_ =	swait.ge [sflag:s4], $0x0  }
0x19: {  	s7 =	sld [smem:$0x3F91]  }
0x1a: {  	s8 =	sadd.s32 $0xFFFFE003, lr  }
0x1b: {  	s9 =	sadd.s32 $0xFFFFFEF7, lr;
	s5 =	simm.s32 $0xFFFFFFFF;
	p2 =	slt.u32 s8, $0xFFFFF086  }
0x1c: {  	p1 =	slt.u32 s9, $0xF7A;
	s5 =	simm.s32 @!p2 $0x0  }
0x1d: {  	s5 =	simm.s32 @p1 $0x1;
	p0 =	seq.s32 s7, s2  }
0x1e: {  	s7 =	smul.u32 @!p0 $0xF7A, s2;
	p2 =	seq.s32 @!p0 s5, $0x0  }
0x1f: {  	s9 =	smul.u32 $0xF7A, s1;
	s8 =	simm.s32 @!p0 $0x1BF5;
	p2 =	por !p2, p0  }
0x20: {  	[sflag:s8] =	ssyncset.s32 @!p0 $0xFFFFF086;
	s6 =	sadd.s32 @!p0 s3, s7;
	s7 =	simm.s32 @!p0 $0x108  }
0x21: {  	s3 =	sadd.s32 s3, s9;
	s6 =	sadd.s32 @!p0 $0x88, s6;
	s7 =	simm.s32 @p2 $0x1082  }
0x22: {  	[simem:s7], [sflag:s8] =	dma.local @!p0 [hbm:s6], $0xF7A  }
0x23: {  	s9 =	sor.u32 $0xD0000000, s2;
	s6 =	simm.s32 $0x108;
	_ =	swait.ge @!p0 [sflag:s8], $0x0  }
0x24: {  	s3 =	sadd.s32 $0x88, s3;
	s6 =	simm.s32 @!p1 $0x1082;
	[sflag:s4] =	ssyncset.s32 $0xFFFFF086  }
0x25: {  	[simem:s6], [sflag:s4] =	dma.local [hbm:s3], $0xF7A  }
0x26: {  	[smem:$0x3F91] =	sst s1;
	(tag) =	ssettag s2;
	_ =	strace s9  }
0x27: {  	s1 =	sld [smem:$0x3FA1]  }
0x28: {  	s2 =	sld [smem:$0x3FA2]  }
0x29: {  	s4 =	sld [smem:$0x3FA4]  }
0x2a: {  	p0 =	seq.s32 s5, $0x0;
	s5 =	sld [smem:$0x3FA5]  }
0x2b: {  	s6 =	sld [smem:$0x3FA6]  }
0x2c: {  	s7 =	sld [smem:$0x3FA7]  }
0x2d: {  	s3 =	simm.s32 $0x108;
	s8 =	sld [smem:$0x3FA8]  }
0x2e: {  	s3 =	simm.s32 @!p0 $0x1082;
	s9 =	sld [smem:$0x3FA9]  }
0x2f: {  	lr =	sadd.s32 s0, s3;
	s0 =	sld [smem:$0x3FA0]  }
0x30: {  	s3 =	sld [smem:$0x3FA3]  }
0x31: {  	[smem:$0x3FAC] =	sst s10  }
0x32: {  	s10 =	sld [smem:$0x3FAA];
	_ =	sdelay $0x3  }
0x33: {  	p0 =	seq.s32 s10, $0x1;
	s10 =	sld [smem:$0x3FAC];
	_ =	sdelay $0x3  }
0x34: {  	[smem:$0x3FAC] =	sst s10  }
0x35: {  	s10 =	sld [smem:$0x3FAB];
	_ =	sdelay $0x3  }
0x36: {  	p1 =	seq.s32 s10, $0x1;
	s10 =	sld [smem:$0x3FAC];
	_ =	sdelay $0x3  }
0x37: {  	[smem:$0x3FAC] =	sst s10  }
0x38: {  	s10 =	sld [smem:$0x3FAD]  }
0x39: {  	_ = 	snop;
	(pc) =	sbr.ind lr, $3  }
0x3a: {  	_ = 	snop  }
0x3b: {  	_ = 	snop  }
0x3c: {  	p2 =	seq.s32 s10, $0x1;
	s10 =	sld [smem:$0x3FAC]  }
0x3d: {  	_ =	shalt  }
0x3e: {  	_ =	shalt  }
0x3f: {  	_ =	shalt  }
0x40: {  	_ =	shalt  }
0x41: {  	_ =	shalt  }
0x42: {  	_ =	shalt  }
0x43: {  	_ =	shalt  }
0x44: {  	_ =	shalt  }
0x45: {  	_ =	shalt  }
0x46: {  	_ =	shalt  }
0x47: {  	_ =	shalt  }
0x48: {  	_ =	shalt  }
0x49: {  	_ =	shalt  }
0x4a: {  	_ =	shalt  }
0x4b: {  	_ =	shalt  }
0x4c: {  	_ =	shalt  }
0x4d: {  	_ =	shalt  }
0x4e: {  	_ =	shalt  }
0x4f: {  	_ =	shalt  }
0x50: {  	_ =	shalt  }
0x51: {  	_ =	shalt  }
0x52: {  	_ =	shalt  }
0x53: {  	_ =	shalt  }
0x54: {  	_ =	shalt  }
0x55: {  	_ =	shalt  }
0x56: {  	_ =	shalt  }
0x57: {  	_ =	shalt  }
0x58: {  	_ =	shalt  }
0x59: {  	_ =	shalt  }
0x5a: {  	_ =	shalt  }
0x5b: {  	_ =	shalt  }
0x5c: {  	_ =	shalt  }
0x5d: {  	_ =	shalt  }
0x5e: {  	_ =	shalt  }
0x5f: {  	_ =	shalt  }
0x60: {  	_ =	shalt  }
0x61: {  	_ =	shalt  }
0x62: {  	_ =	shalt  }
0x63: {  	_ =	shalt  }
0x64: {  	_ =	shalt  }
0x65: {  	_ =	shalt  }
0x66: {  	_ =	shalt  }
0x67: {  	_ =	shalt  }
0x68: {  	_ =	shalt  }
0x69: {  	_ =	shalt  }
0x6a: {  	_ =	shalt  }
0x6b: {  	_ =	shalt  }
0x6c: {  	_ =	shalt  }
0x6d: {  	_ =	shalt  }
0x6e: {  	_ =	shalt  }
0x6f: {  	_ =	shalt  }
0x70: {  	_ =	shalt  }
0x71: {  	_ =	shalt  }
0x72: {  	_ =	shalt  }
0x73: {  	_ =	shalt  }
0x74: {  	_ =	shalt  }
0x75: {  	_ =	shalt  }
0x76: {  	_ =	shalt  }
0x77: {  	_ =	shalt  }
0x78: {  	_ =	shalt  }
0x79: {  	_ =	shalt  }
0x7a: {  	_ =	shalt  }
0x7b: {  	_ =	shalt  }
0x7c: {  	_ =	shalt  }
0x7d: {  	_ =	shalt  }
0x7e: {  	_ =	shalt  }
0x7f: {  	_ =	shalt  }
0x80: {  	_ =	shalt  }
0x81: {  	_ =	shalt  }
0x82: {  	_ =	shalt  }
0x83: {  	_ =	shalt  }
0x84: {  	_ =	shalt  }
0x85: {  	_ =	shalt  }
0x86: {  	_ =	shalt  }
0x87: {  	_ =	shalt  }
.Lfunc_end0:
.L_simem_size_0:
called_computation.5_lowered:
.L_overlay_start_0:
0x88: {  	s2 =	sld [smem:$0x3FD9]  }
0x89: {  	s3 =	sld [smem:$0x3FFE];
	_ =	sdelay $0x1  }
0x8a: {  	s1 =	srdreg.scid  }
0x8b: {  	s0 =	sand.u32 $0x1, s1  }
0x8c: {  	s17 =	sshll.u32 s0, $0xA;
	s2 =	sadd.s32 s3, s2  }
0x8d: {  	s2 =	sadd.s32 s2, s17  }
0x8e: {  	[smem:$0x3FB8] =	sst s2  }
0x8f: {  	_ = 	snop  }
0x90: {  	(tm) =	ssettm $0x1  }
0x91: {  	s18 =	sld [smem:$0x3FFB];
	_ =	sdelay $0x3  }
0x92: {  	_ =	strace s18  }
0x93: {  	s2 =	sld [smem:$0x3FFC];
	_ =	sdelay $0x3  }
0x94: {  	_ =	strace s2  }
0x95: {  	s2 =	sld [smem:$0x3FFD];
	_ =	sdelay $0x3  }
0x96: {  	_ =	strace s2  }
0x97: {  	_ =	strace $0x8FFFFFFF  }
0x98: {  	s19 =	sld [smem:$0x3FDB];
	_ =	sdelay $0x1  }
0x99: {  	s20 =	simm.s32 $_scs_section_size  }
0x9a: {  	s4 =	simm.s32 $_size__tile_overlayer_lowered;
	s5 =	simm.s32 $_tile_overlayer_lowered  }
0x9b: {  	s6 =	simm.s32 $0x1BFF;
	s21 =	sshll.u32 s5, $0x1;
	s3 =	sadd.s32 s20, s19  }
0x9c: {  	s22 =	simm.s32 $0x0;
	s4 =	sshll.u32 s4, $0x1;
	s5 =	sadd.s32 s21, s3  }
0x9d: {  	[timem:s22], [sflag:s6] =	dma.local [hbm:s5], s4  }
0x9e: {  	_ =	swait.ge [sflag:s6], s4  }
0x9f: {  	s4 =	ssub.s32 $0x0, s4;
	[sflag:s6] =	ssyncset.done $0x0  }
0xa0: {  	[sflag:s6] =	ssyncadd.s32 s4;
	_ =	sdelay $0x1  }
0xa1: {  	s23 =	simm.s32 $0x1B8B  }
0xa2: {  	_ =	swait.ge [sflag:s23], $0x1  }
0xa3: {  	[sflag:s23] =	ssyncset.done $0x0  }
0xa4: {  	[sflag:s23] =	ssyncadd.s32 $0xFFFFFFFF  }
0xa5: {  	s4 =	sld [smem:$0x0]  }
0xa6: {  	s5 =	sand.u32 $0xFFFFFFFE, s1  }
0xa7: {  	p0 =	sne.s32 s1, s5  }
0xa8: {  	s5 =	sshll.u32 @p0 s5, $0xE  }
0xa9: {  	s5 =	sadd.s32 @p0 $0x11B8D, s5;
	s6 =	sshll.u32 @p0 s4, $0x11  }
0xaa: {  	s5 =	sor.u32 @p0 s6, s5  }
0xab: {  	[sflag:s5] =	ssyncadd.remote.s32 @p0 $0x1;
	_ =	sdelay $0x1  }
0xac: {  	s5 =	simm.s32 @p0 $0x1B8D  }
0xad: {  	_ =	swait.eq @p0 [sflag:s5], $0x1  }
0xae: {  	[sflag:s5] =	ssyncadd.s32 @p0 $0xFFFFFFFF  }
0xaf: {  	s6 =	sshll.u32 @!p0 s1, $0xE  }
0xb0: {  	s6 =	sor.u32 @!p0 $0x4000, s6;
	s5 =	simm.s32 @!p0 $0x1B8D  }
0xb1: {  	s4 =	sshll.u32 @!p0 s4, $0x11;
	s6 =	sadd.s32 @!p0 $0x11B8D, s6;
	_ =	swait.eq @!p0 [sflag:s5], $0x1  }
0xb2: {  	s4 =	sor.u32 @!p0 s4, s6;
	[sflag:s5] =	ssyncadd.s32 @!p0 $0xFFFFFFFF  }
0xb3: {  	s25 =	simm.s32 $0x1B8E;
	s24 =	sld [smem:$0x3FFE];
	[sflag:s4] =	ssyncadd.remote.s32 @!p0 $0x1  }
0xb4: {  	s26 =	simm.s32 $execute0_lowered;
	[smem:$0x3FD2] =	sst s25  }
0xb5: {  	s5 =	sshll.u32 s26, $0x1;
	_ =	strace $0x80000058;
	[dreg:$0x1] =	wrdreg $0xFFFFFFFF  }
0xb6: {  	s28 =	simm.s32 $_size_execute0_lowered;
	s3 =	sadd.s32 s3, s5;
	[dreg:$0x0] =	wrdreg $0x0  }
0xb7: {  	s5 =	sshll.u32 s28, $0x1;
	[dreg:$0x2] =	wrdreg s3  }
0xb8: {  	[dreg:$0x3] =	wrdreg s5  }
0xb9: {  	[dreg:$0x4] =	wrdreg $0xC0  }
0xba: {  	_ =	task [dreg:s22], $0x5FFFF  }
0xbb: {  	[dreg:$0x1] =	wrdreg $0xFFFFFFFF  }
0xbc: {  	[dreg:$0x0] =	wrdreg $0x60  }
0xbd: {  	[dreg:$0x2] =	wrdreg s24  }
0xbe: {  	[dreg:$0x3] =	wrdreg $0x48800  }
0xbf: {  	[dreg:$0x4] =	wrdreg $0xB  }
0xc0: {  	_ =	task.clear_ibuf [dreg:s22], $0x5FFFF;
	_ =	strace $0x90000058  }
0xc1: {  	s29 =	simm.s32 $0xB;
	_ =	strace $0x8000005A  }
0xc2: {  	_ =	swait.ge [sflag:s29], $0x1  }
0xc3: {  	[sflag:s29] =	ssyncadd.s32 $0xFFFFFFFF  }
0xc4: {  	_ =	strace $0x9000005A  }
0xc5: {  	_ =	sfence  }
0xc6: {  	s30 =	sld [smem:$0x0];
	_ =	sdelay $0x2  }
0xc7: {  	s31 =	sshll.u32 s1, $0xD;
	s1 =	sshrl.u32 s1, $0x2  }
0xc8: {  	s4 =	sand.u32 $0x4000, s31;
	s1 =	sadd.s32 s1, s30  }
0xc9: {  	s0 =	sor.u32 s4, s0;
	s1 =	sshll.u32 s1, $0x11  }
0xca: {  	s0 =	sor.u32 s1, s0  }
0xcb: {  	s0 =	sadd.s32 $0x8F2B, s0  }
0xcc: {  	[sflag:s0] =	ssyncadd.remote.s32 $0x1  }
0xcd: {  	_ =	sfence.sel $0xFFFF  }
0xce: {  	[dreg:$0x0] =	wrdreg $0xFFFFFFFF;
	(pc) =	sbr.abs _section_cstart, $3  }
0xcf: {  	[dreg:$0x1] =	wrdreg $0xFFFFFFFF  }
0xd0: {  	_ =	task.clear_ibuf [dreg:s22], $0x2FFFF;
	_ =	strace $0x9FFFFFFF  }
0xd1: {  	(tm) =	ssettm $0x7FFFFFFF  }
tec
execute0_lowered:
.L_overlay_start_1:
0x0: {  	(tag) =	ssettag $0x1  }
0x1: {  	s6 =	rddreg [dreg:$0x0]  }
0x2: {  	s0 =	srdreg.scid;
	s2 =	rddreg [dreg:$0x1]  }
0x3: {  	s1 =	rddreg [dreg:$0x2];
	s3 =	simm.s32 $0x0;
	s12 =	simm.s32 $0x12  }
0x4: {  	s13 =	simm.s32 $0x24;
	s14 =	simm.s32 $0x1;
	s4 =	sand.u32 $0x1, s0  }
0x5: {  	s15 =	simm.s32 $0x90;
	s0 =	stileid.u32;
	s5 =	smul.u32 $0x90, s4  }
0x6: {  	s16 =	simm.s32 $0x120;
	s17 =	simm.s32 $0x80;
	s7 =	smul.u32 $0x9000, s0  }
0x7: {  	s18 =	simm.s32 $0x0;
	[smem:$0x7FF] =	sst s3;
	s8 =	smul.u32 $0x2BF20, s0  }
0x8: {  	_ =	strace $0x80000059;
	s26 =	sshll.u32 s0, $0x4;
	s4 =	ssub.s32 $0x2, s4  }
0x9: {  	s10 =	smul.u32 $0x57E40, s0;
	s31 =	sshll.u32 s0, $0x6;
	s28 =	sshrl.u32 s4, $0x1  }
0xa: {  	s11 =	sadd.s32 s26, s6;
	s7 =	sor.u32 s5, s7;
	s5 =	sadd.s32 s5, s8  }
0xb: {  	s29 =	ssub.s32 s4, s28;
	s30 =	sshrl.u32 s10, $0x2;
	s8 =	sadd.s32 $0x316400, s11  }
0xc: {  	s11 =	simm.s32 $0x2;
	s7 =	sshrl.u32 s7, $0x3;
	s5 =	sshrl.u32 s5, $0x3  }
0xd: {  	s10 =	sadd.s32 s30, s2;
	s9 =	sadd.s32 s7, s6;
	s6 =	sadd.s32 s5, s6  }
0xe: {  	s5 =	sor.u32 $0x1C01, s31;
	s7 =	smax.u32 s29, $0x1;
	s4 =	sadd.s32 $0xB8E800, s6  }
0xf: {  	s10 =	sshrl.u32 s10, $0x3;
	s6 =	sadd.s32 $0x17CC00, s6;
	s9 =	sadd.s32 $0x318C00, s9  }
.LBB2_1:
0x10: {  	[spmem:s10@s12], [sflag:s5] =	dma.strided [hbm:s4@s13], $0x2BF2, s11, $0x9   }
0x11: {  	_ =	swait.ge [sflag:s14], $0x2BF2  }
0x12: {  	[sflag:s14] =	ssyncset.done $0x0  }
0x13: {  	[sflag:s14] =	ssyncadd.s32 $0xFFFFD40E  }
0x14: {  	s19 =	sadd.s32 $0x0, s8;
	[bflag:$0x0] =	sbarrier.arrive $0xFFFF  }
0x15: {  	[tilespmem:s3], [sflag:$0x2] =	stream.linear.gather [hbm4b:s19+s3], $0x80, $0x38;
	[tilespmem:$0x1A810] =	vst v63  }
0x16: {  	_ =	swait.ge [sflag:s11], $0x80  }
0x17: {  	[sflag:s11] =	ssyncset.done $0x0  }
0x18: {  	[sflag:s11] =	ssyncadd.s32 $0xFFFFFF80  }
0x19: {  	[tilespmem:s17], [sflag:$0x2] =	stream.strided.gather [hbm4b:s9+s15], $0x4800, s16, s15, $0x38;
	[tilespmem:$0x1A810] =	vst v63  }
0x1a: {  	_ =	swait.ge [sflag:s11], $0x4800  }
0x1b: {  	[sflag:s11] =	ssyncset.done $0x0  }
0x1c: {  	[sflag:s11] =	ssyncadd.s32 $0xFFFFB800  }
0x1d: {  	[spmem:s2] =	stream.indirect.scatter.add.f32 [tilespmem:s17], [sflag:$0x1], $0x90, s3, s17, $0xb8;
	[tilespmem:$0x1A810] =	vst v63  }
0x1e: {  	s20 =	simm.s32 $0x100;
	_ =	swait.ge [sflag:s14], $0x4800  }
0x1f: {  	s21 =	simm.s32 $0x200;
	s19 =	sadd.s32 $0x12000, s9;
	[sflag:s14] =	ssyncset.done $0x0  }
.LBB2_2:
0x20: {  	s22 =	sadd.s32 s20, s8  }
0x21: {  	[sflag:s14] =	ssyncadd.s32 $0xFFFFB800;
	s20 =	smov.u32 s21;
	s23 =	sadd.s32 $0x100, s21  }
0x22: {  	[tilespmem:s3], [sflag:$0x2] =	stream.linear.gather [hbm4b:s22+s3], $0x80, $0x38;
	[tilespmem:$0x1A810] =	vst v63  }
0x23: {  	p0 =	sne.s32 s21, $0x1300;
	_ =	swait.ge [sflag:s11], $0x80  }
0x24: {  	[sflag:s11] =	ssyncset.done $0x0  }
0x25: {  	[sflag:s11] =	ssyncadd.s32 $0xFFFFFF80  }
0x26: {  	[tilespmem:s17], [sflag:$0x2] =	stream.strided.gather [hbm4b:s19+s15], $0x4800, s16, s15, $0x38;
	[tilespmem:$0x1A810] =	vst v63  }
0x27: {  	_ =	swait.ge [sflag:s11], $0x4800  }
.Ltmp0:
0x28: {  	[sflag:s11] =	ssyncset.done $0x0;
	(pc) =	sbr.rel @p0 .LBB2_2-.Ltmp0, $4  }
0x29: {  	[sflag:s11] =	ssyncadd.s32 $0xFFFFB800  }
0x2a: {  	[spmem:s2] =	stream.indirect.scatter.add.f32 [tilespmem:s17], [sflag:$0x1], $0x90, s3, s17, $0xb8;
	[tilespmem:$0x1A810] =	vst v63  }
0x2b: {  	_ =	swait.ge [sflag:s14], $0x4800  }
0x2c: {  	s21 =	smov.u32 s23;
	s19 =	sadd.s32 $0x12000, s19;
	[sflag:s14] =	ssyncset.done $0x0  }
0x2d: {  	s20 =	sadd.s32 s20, s8;
	[sflag:s14] =	ssyncadd.s32 $0xFFFFB800  }
0x2e: {  	[tilespmem:s3], [sflag:$0x2] =	stream.linear.gather [hbm4b:s20+s3], $0x80, $0x38;
	[tilespmem:$0x1A810] =	vst v63  }
0x2f: {  	_ =	swait.ge [sflag:s11], $0x80  }
0x30: {  	[sflag:s11] =	ssyncset.done $0x0  }
0x31: {  	[sflag:s11] =	ssyncadd.s32 $0xFFFFFF80  }
0x32: {  	[tilespmem:s17], [sflag:$0x2] =	stream.strided.gather [hbm4b:s19+s15], $0x4800, s16, s15, $0x38;
	[tilespmem:$0x1A810] =	vst v63  }
0x33: {  	_ =	swait.ge [sflag:s11], $0x4800  }
0x34: {  	[sflag:s11] =	ssyncset.done $0x0  }
0x35: {  	[sflag:s11] =	ssyncadd.s32 $0xFFFFB800  }
0x36: {  	[spmem:s2] =	stream.indirect.scatter.add.f32 [tilespmem:s17], [sflag:$0x1], $0x90, s3, s17, $0xb8;
	[tilespmem:$0x1A810] =	vst v63  }
0x37: {  	_ =	swait.ge [sflag:s14], $0x4800  }
0x38: {  	s18 =	sadd.s32 $0x1, s18;
	[sflag:s14] =	ssyncset.done $0x0  }
0x39: {  	p0 =	sne.s32 s18, s7;
	[sflag:s14] =	ssyncadd.s32 $0xFFFFB800  }
.Ltmp1:
0x3a: {  	[bflag:$0x0] =	sbarrier.arrive $0xFFFF;
	(pc) =	sbr.rel @p0 .LBB2_1-.Ltmp1, $4  }
0x3b: {  	[hbm:s6@s13], [sflag:s5] =	dma.strided [spmem:s10@s12], $0x2BF2, s11, $0x9   }
0x3c: {  	_ =	swait.ge [sflag:s14], $0x2BF2  }
0x3d: {  	[sflag:s14] =	ssyncset.done $0x0  }
0x3e: {  	[sflag:s14] =	ssyncadd.s32 $0xFFFFD40E  }
0x3f: {  	_ =	sfence.sel $0x180000  }
0x40: {  	[bflag:$0x0] =	sbarrier.arrive $0xFFFF  }
0x41: {  	p0 =	sne.s32 s0, $0x0;
	_ =	strace $0x90000059  }
0x42: {  	s0 =	sadd.s32 @!p0 $0x100000, s1;
	[bflag:$0x2] =	sbarrier.arrive $0xFFFF  }
0x43: {  	[sflag:s0] =	ssyncadd.tile.s32 @!p0 $0x1;
	_ =	shalt  }
.Lfunc_end2:
_tile_overlayer_lowered:
.L_overlay_start_2:
0x44: {  	(tag) =	ssettag $0x2  }
0x45: {  	s0 =	rddreg [dreg:$0x0];
	s2 =	stileid.u32  }
0x46: {  	s1 =	rddreg [dreg:$0x1];
	p0 =	sne.s32 s2, $0x0  }
0x47: {  	s3 =	rddreg [dreg:$0x2];
	[bflag:$0x3] =	sbarrier.arrive $0xFFFF;
	s2 =	simm.s32 @!p0 $0x1C01  }
0x48: {  	[timem:s3], [sflag:s2] =	dma.local @!p0 [hbm:s0], s1  }
0x49: {  	s0 =	simm.s32 @!p0 $0x1  }
0x4a: {  	_ =	swait.ge @!p0 [sflag:s0], s1  }
0x4b: {  	s1 =	ssub.s32 @!p0 $0x0, s1;
	[sflag:s0] =	ssyncset.done @!p0 $0x0  }
0x4c: {  	[sflag:s0] =	ssyncadd.s32 @!p0 s1  }
0x4d: {  	[bflag:$0x3] =	sbarrier.arrive $0xFFFF  }
0x4e: {  	_ =	shalt  }

// kernel: kernel.34.cloned.1.call-start
scs
__scs_entry_jumppad:
0x0: {  	(pc) =	sbr.rel $0x88, $3  }
0x1: {  	(tag) =	ssettag $0x0;
	lr =	simm.s32 $0x1  }
0x2: {  	[smem:$0x3F91] =	sst lr;
	_ =	strace $0xD0000000  }
0x3: {  	_ = 	snop  }
0x4: {  	_ = 	snop  }
0x5: {  	_ = 	snop  }
0x6: {  	_ = 	snop  }
0x7: {  	_ = 	snop  }
__scs_overlays_trampoline_lowered:
0x8: {  	[smem:$0x3FA0] =	sst s0  }
0x9: {  	[smem:$0x3FA1] =	sst s1  }
0xa: {  	[smem:$0x3FA2] =	sst s2  }
0xb: {  	[smem:$0x3FA3] =	sst s3  }
0xc: {  	[smem:$0x3FA4] =	sst s4  }
0xd: {  	[smem:$0x3FA5] =	sst s5  }
0xe: {  	[smem:$0x3FA6] =	sst s6  }
0xf: {  	[smem:$0x3FA7] =	sst s7  }
0x10: {  	[smem:$0x3FA8] =	sst s8  }
0x11: {  	[smem:$0x3FA9] =	sst s9;
	s0 =	simm.s32 @!p0 $0x0  }
0x12: {  	s1 =	sld [smem:$0x3F8F];
	s0 =	simm.s32 @p0 $0x1  }
0x13: {  	[smem:$0x3FAA] =	sst s0;
	s0 =	simm.s32 @!p1 $0x0  }
0x14: {  	s2 =	sld [smem:$0x3F8E];
	s0 =	simm.s32 @p1 $0x1  }
0x15: {  	[smem:$0x3FAB] =	sst s0;
	s0 =	simm.s32 @!p2 $0x0  }
0x16: {  	s3 =	sld [smem:$0x3FDB];
	s0 =	simm.s32 @p2 $0x1  }
0x17: {  	s4 =	simm.s32 $0x1BF5;
	[smem:$0x3FAD] =	sst s0  }
0x18: {  	s0 =	sld [smem:$0x3F90];
	_ =	swait.ge [sflag:s4], $0x0  }
0x19: {  	s7 =	sld [smem:$0x3F91]  }
0x1a: {  	s8 =	sadd.s32 $0xFFFFE003, lr  }
0x1b: {  	s9 =	sadd.s32 $0xFFFFFEF7, lr;
	s5 =	simm.s32 $0xFFFFFFFF;
	p2 =	slt.u32 s8, $0xFFFFF086  }
0x1c: {  	p1 =	slt.u32 s9, $0xF7A;
	s5 =	simm.s32 @!p2 $0x0  }
0x1d: {  	s5 =	simm.s32 @p1 $0x1;
	p0 =	seq.s32 s7, s2  }
0x1e: {  	s7 =	smul.u32 @!p0 $0xF7A, s2;
	p2 =	seq.s32 @!p0 s5, $0x0  }
0x1f: {  	s9 =	smul.u32 $0xF7A, s1;
	s8 =	simm.s32 @!p0 $0x1BF5;
	p2 =	por !p2, p0  }
0x20: {  	[sflag:s8] =	ssyncset.s32 @!p0 $0xFFFFF086;
	s6 =	sadd.s32 @!p0 s3, s7;
	s7 =	simm.s32 @!p0 $0x108  }
0x21: {  	s3 =	sadd.s32 s3, s9;
	s6 =	sadd.s32 @!p0 $0x88, s6;
	s7 =	simm.s32 @p2 $0x1082  }
0x22: {  	[simem:s7], [sflag:s8] =	dma.local @!p0 [hbm:s6], $0xF7A  }
0x23: {  	s9 =	sor.u32 $0xD0000000, s2;
	s6 =	simm.s32 $0x108;
	_ =	swait.ge @!p0 [sflag:s8], $0x0  }
0x24: {  	s3 =	sadd.s32 $0x88, s3;
	s6 =	simm.s32 @!p1 $0x1082;
	[sflag:s4] =	ssyncset.s32 $0xFFFFF086  }
0x25: {  	[simem:s6], [sflag:s4] =	dma.local [hbm:s3], $0xF7A  }
0x26: {  	[smem:$0x3F91] =	sst s1;
	(tag) =	ssettag s2;
	_ =	strace s9  }
0x27: {  	s1 =	sld [smem:$0x3FA1]  }
0x28: {  	s2 =	sld [smem:$0x3FA2]  }
0x29: {  	s4 =	sld [smem:$0x3FA4]  }
0x2a: {  	p0 =	seq.s32 s5, $0x0;
	s5 =	sld [smem:$0x3FA5]  }
0x2b: {  	s6 =	sld [smem:$0x3FA6]  }
0x2c: {  	s7 =	sld [smem:$0x3FA7]  }
0x2d: {  	s3 =	simm.s32 $0x108;
	s8 =	sld [smem:$0x3FA8]  }
0x2e: {  	s3 =	simm.s32 @!p0 $0x1082;
	s9 =	sld [smem:$0x3FA9]  }
0x2f: {  	lr =	sadd.s32 s0, s3;
	s0 =	sld [smem:$0x3FA0]  }
0x30: {  	s3 =	sld [smem:$0x3FA3]  }
0x31: {  	[smem:$0x3FAC] =	sst s10  }
0x32: {  	s10 =	sld [smem:$0x3FAA];
	_ =	sdelay $0x3  }
0x33: {  	p0 =	seq.s32 s10, $0x1;
	s10 =	sld [smem:$0x3FAC];
	_ =	sdelay $0x3  }
0x34: {  	[smem:$0x3FAC] =	sst s10  }
0x35: {  	s10 =	sld [smem:$0x3FAB];
	_ =	sdelay $0x3  }
0x36: {  	p1 =	seq.s32 s10, $0x1;
	s10 =	sld [smem:$0x3FAC];
	_ =	sdelay $0x3  }
0x37: {  	[smem:$0x3FAC] =	sst s10  }
0x38: {  	s10 =	sld [smem:$0x3FAD]  }
0x39: {  	_ = 	snop;
	(pc) =	sbr.ind lr, $3  }
0x3a: {  	_ = 	snop  }
0x3b: {  	_ = 	snop  }
0x3c: {  	p2 =	seq.s32 s10, $0x1;
	s10 =	sld [smem:$0x3FAC]  }
0x3d: {  	_ =	shalt  }
0x3e: {  	_ =	shalt  }
0x3f: {  	_ =	shalt  }
0x40: {  	_ =	shalt  }
0x41: {  	_ =	shalt  }
0x42: {  	_ =	shalt  }
0x43: {  	_ =	shalt  }
0x44: {  	_ =	shalt  }
0x45: {  	_ =	shalt  }
0x46: {  	_ =	shalt  }
0x47: {  	_ =	shalt  }
0x48: {  	_ =	shalt  }
0x49: {  	_ =	shalt  }
0x4a: {  	_ =	shalt  }
0x4b: {  	_ =	shalt  }
0x4c: {  	_ =	shalt  }
0x4d: {  	_ =	shalt  }
0x4e: {  	_ =	shalt  }
0x4f: {  	_ =	shalt  }
0x50: {  	_ =	shalt  }
0x51: {  	_ =	shalt  }
0x52: {  	_ =	shalt  }
0x53: {  	_ =	shalt  }
0x54: {  	_ =	shalt  }
0x55: {  	_ =	shalt  }
0x56: {  	_ =	shalt  }
0x57: {  	_ =	shalt  }
0x58: {  	_ =	shalt  }
0x59: {  	_ =	shalt  }
0x5a: {  	_ =	shalt  }
0x5b: {  	_ =	shalt  }
0x5c: {  	_ =	shalt  }
0x5d: {  	_ =	shalt  }
0x5e: {  	_ =	shalt  }
0x5f: {  	_ =	shalt  }
0x60: {  	_ =	shalt  }
0x61: {  	_ =	shalt  }
0x62: {  	_ =	shalt  }
0x63: {  	_ =	shalt  }
0x64: {  	_ =	shalt  }
0x65: {  	_ =	shalt  }
0x66: {  	_ =	shalt  }
0x67: {  	_ =	shalt  }
0x68: {  	_ =	shalt  }
0x69: {  	_ =	shalt  }
0x6a: {  	_ =	shalt  }
0x6b: {  	_ =	shalt  }
0x6c: {  	_ =	shalt  }
0x6d: {  	_ =	shalt  }
0x6e: {  	_ =	shalt  }
0x6f: {  	_ =	shalt  }
0x70: {  	_ =	shalt  }
0x71: {  	_ =	shalt  }
0x72: {  	_ =	shalt  }
0x73: {  	_ =	shalt  }
0x74: {  	_ =	shalt  }
0x75: {  	_ =	shalt  }
0x76: {  	_ =	shalt  }
0x77: {  	_ =	shalt  }
0x78: {  	_ =	shalt  }
0x79: {  	_ =	shalt  }
0x7a: {  	_ =	shalt  }
0x7b: {  	_ =	shalt  }
0x7c: {  	_ =	shalt  }
0x7d: {  	_ =	shalt  }
0x7e: {  	_ =	shalt  }
0x7f: {  	_ =	shalt  }
0x80: {  	_ =	shalt  }
0x81: {  	_ =	shalt  }
0x82: {  	_ =	shalt  }
0x83: {  	_ =	shalt  }
0x84: {  	_ =	shalt  }
0x85: {  	_ =	shalt  }
0x86: {  	_ =	shalt  }
0x87: {  	_ =	shalt  }
.Lfunc_end0:
.L_simem_size_0:
called_computation.6_lowered:
.L_overlay_start_0:
0x88: {  	s2 =	sld [smem:$0x3FD9]  }
0x89: {  	s3 =	sld [smem:$0x3FFE];
	_ =	sdelay $0x1  }
0x8a: {  	s1 =	srdreg.scid  }
0x8b: {  	s0 =	sand.u32 $0x1, s1  }
0x8c: {  	s17 =	sshll.u32 s0, $0xA;
	s2 =	sadd.s32 s3, s2  }
0x8d: {  	s2 =	sadd.s32 s2, s17  }
0x8e: {  	[smem:$0x3FB8] =	sst s2  }
0x8f: {  	_ = 	snop  }
0x90: {  	(tm) =	ssettm $0x1  }
0x91: {  	s18 =	sld [smem:$0x3FFB];
	_ =	sdelay $0x3  }
0x92: {  	_ =	strace s18  }
0x93: {  	s2 =	sld [smem:$0x3FFC];
	_ =	sdelay $0x3  }
0x94: {  	_ =	strace s2  }
0x95: {  	s2 =	sld [smem:$0x3FFD];
	_ =	sdelay $0x3  }
0x96: {  	_ =	strace s2  }
0x97: {  	_ =	strace $0x8FFFFFFF  }
0x98: {  	s19 =	sld [smem:$0x3FDB];
	_ =	sdelay $0x1  }
0x99: {  	s20 =	simm.s32 $_scs_section_size  }
0x9a: {  	s4 =	simm.s32 $_size__tile_overlayer_lowered;
	s5 =	simm.s32 $_tile_overlayer_lowered  }
0x9b: {  	s6 =	simm.s32 $0x1BFF;
	s21 =	sshll.u32 s5, $0x1;
	s3 =	sadd.s32 s20, s19  }
0x9c: {  	s22 =	simm.s32 $0x0;
	s4 =	sshll.u32 s4, $0x1;
	s5 =	sadd.s32 s21, s3  }
0x9d: {  	[timem:s22], [sflag:s6] =	dma.local [hbm:s5], s4  }
0x9e: {  	_ =	swait.ge [sflag:s6], s4  }
0x9f: {  	s4 =	ssub.s32 $0x0, s4;
	[sflag:s6] =	ssyncset.done $0x0  }
0xa0: {  	[sflag:s6] =	ssyncadd.s32 s4;
	_ =	sdelay $0x1  }
0xa1: {  	s23 =	simm.s32 $0x1B8B  }
0xa2: {  	_ =	swait.ge [sflag:s23], $0x1  }
0xa3: {  	[sflag:s23] =	ssyncset.done $0x0  }
0xa4: {  	[sflag:s23] =	ssyncadd.s32 $0xFFFFFFFF  }
0xa5: {  	s4 =	sld [smem:$0x0]  }
0xa6: {  	s5 =	sand.u32 $0xFFFFFFFE, s1  }
0xa7: {  	p0 =	sne.s32 s1, s5  }
0xa8: {  	s5 =	sshll.u32 @p0 s5, $0xE  }
0xa9: {  	s5 =	sadd.s32 @p0 $0x11B8D, s5;
	s6 =	sshll.u32 @p0 s4, $0x11  }
0xaa: {  	s5 =	sor.u32 @p0 s6, s5  }
0xab: {  	[sflag:s5] =	ssyncadd.remote.s32 @p0 $0x1;
	_ =	sdelay $0x1  }
0xac: {  	s5 =	simm.s32 @p0 $0x1B8D  }
0xad: {  	_ =	swait.eq @p0 [sflag:s5], $0x1  }
0xae: {  	[sflag:s5] =	ssyncadd.s32 @p0 $0xFFFFFFFF  }
0xaf: {  	s6 =	sshll.u32 @!p0 s1, $0xE  }
0xb0: {  	s6 =	sor.u32 @!p0 $0x4000, s6;
	s5 =	simm.s32 @!p0 $0x1B8D  }
0xb1: {  	s4 =	sshll.u32 @!p0 s4, $0x11;
	s6 =	sadd.s32 @!p0 $0x11B8D, s6;
	_ =	swait.eq @!p0 [sflag:s5], $0x1  }
0xb2: {  	s4 =	sor.u32 @!p0 s4, s6;
	[sflag:s5] =	ssyncadd.s32 @!p0 $0xFFFFFFFF  }
0xb3: {  	s25 =	simm.s32 $0x1B8E;
	s24 =	sld [smem:$0x3FFE];
	[sflag:s4] =	ssyncadd.remote.s32 @!p0 $0x1  }
0xb4: {  	s26 =	simm.s32 $execute0_lowered;
	[smem:$0x3FD2] =	sst s25  }
0xb5: {  	s5 =	sshll.u32 s26, $0x1;
	_ =	strace $0x80000055;
	[dreg:$0x1] =	wrdreg $0xFFFFFFFF  }
0xb6: {  	s28 =	simm.s32 $_size_execute0_lowered;
	s3 =	sadd.s32 s3, s5;
	[dreg:$0x0] =	wrdreg $0x0  }
0xb7: {  	s5 =	sshll.u32 s28, $0x1;
	[dreg:$0x2] =	wrdreg s3  }
0xb8: {  	[dreg:$0x3] =	wrdreg s5  }
0xb9: {  	[dreg:$0x4] =	wrdreg $0xC0  }
0xba: {  	_ =	task [dreg:s22], $0x5FFFF  }
0xbb: {  	[dreg:$0x1] =	wrdreg $0xFFFFFFFF  }
0xbc: {  	[dreg:$0x0] =	wrdreg $0x60  }
0xbd: {  	[dreg:$0x2] =	wrdreg s24  }
0xbe: {  	[dreg:$0x3] =	wrdreg $0x48800  }
0xbf: {  	[dreg:$0x4] =	wrdreg $0xC  }
0xc0: {  	_ =	task.clear_ibuf [dreg:s22], $0x5FFFF;
	_ =	strace $0x90000055  }
0xc1: {  	s29 =	simm.s32 $0xC;
	_ =	strace $0x80000057  }
0xc2: {  	_ =	swait.ge [sflag:s29], $0x1  }
0xc3: {  	[sflag:s29] =	ssyncadd.s32 $0xFFFFFFFF  }
0xc4: {  	_ =	strace $0x90000057  }
0xc5: {  	_ =	sfence  }
0xc6: {  	s30 =	sld [smem:$0x0];
	_ =	sdelay $0x2  }
0xc7: {  	s31 =	sshll.u32 s1, $0xD;
	s1 =	sshrl.u32 s1, $0x2  }
0xc8: {  	s4 =	sand.u32 $0x4000, s31;
	s1 =	sadd.s32 s1, s30  }
0xc9: {  	s0 =	sor.u32 s4, s0;
	s1 =	sshll.u32 s1, $0x11  }
0xca: {  	s0 =	sor.u32 s1, s0  }
0xcb: {  	s0 =	sadd.s32 $0x8F2B, s0  }
0xcc: {  	[sflag:s0] =	ssyncadd.remote.s32 $0x1  }
0xcd: {  	_ =	sfence.sel $0xFFFF  }
0xce: {  	[dreg:$0x0] =	wrdreg $0xFFFFFFFF;
	(pc) =	sbr.abs _section_cstart, $3  }
0xcf: {  	[dreg:$0x1] =	wrdreg $0xFFFFFFFF  }
0xd0: {  	_ =	task.clear_ibuf [dreg:s22], $0x2FFFF;
	_ =	strace $0x9FFFFFFF  }
0xd1: {  	(tm) =	ssettm $0x7FFFFFFF  }
tec
execute0_lowered:
.L_overlay_start_1:
0x0: {  	(tag) =	ssettag $0x1  }
0x1: {  	s6 =	rddreg [dreg:$0x0]  }
0x2: {  	s0 =	srdreg.scid;
	s2 =	rddreg [dreg:$0x1]  }
0x3: {  	s1 =	rddreg [dreg:$0x2];
	s3 =	simm.s32 $0x0;
	s12 =	simm.s32 $0x12  }
0x4: {  	s13 =	simm.s32 $0x24;
	s14 =	simm.s32 $0x1;
	s4 =	sand.u32 $0x1, s0  }
0x5: {  	s15 =	simm.s32 $0x90;
	s0 =	stileid.u32;
	s5 =	smul.u32 $0x90, s4  }
0x6: {  	s16 =	simm.s32 $0x120;
	s17 =	simm.s32 $0x80;
	s7 =	smul.u32 $0x9000, s0  }
0x7: {  	s18 =	simm.s32 $0x0;
	[smem:$0x7FF] =	sst s3;
	s8 =	smul.u32 $0x2BF20, s0  }
0x8: {  	_ =	strace $0x80000056;
	s26 =	sshll.u32 s0, $0x4;
	s4 =	ssub.s32 $0x2, s4  }
0x9: {  	s10 =	smul.u32 $0x57E40, s0;
	s31 =	sshll.u32 s0, $0x6;
	s28 =	sshrl.u32 s4, $0x1  }
0xa: {  	s11 =	sadd.s32 s26, s6;
	s7 =	sor.u32 s5, s7;
	s5 =	sadd.s32 s5, s8  }
0xb: {  	s29 =	ssub.s32 s4, s28;
	s30 =	sshrl.u32 s10, $0x2;
	s8 =	sadd.s32 $0x315000, s11  }
0xc: {  	s11 =	simm.s32 $0x2;
	s7 =	sshrl.u32 s7, $0x3;
	s5 =	sshrl.u32 s5, $0x3  }
0xd: {  	s10 =	sadd.s32 s30, s2;
	s9 =	sadd.s32 s7, s6;
	s6 =	sadd.s32 s5, s6  }
0xe: {  	s5 =	sor.u32 $0x1C01, s31;
	s7 =	smax.u32 s29, $0x1;
	s4 =	sadd.s32 $0xB8E800, s6  }
0xf: {  	s10 =	sshrl.u32 s10, $0x3;
	s6 =	sadd.s32 $0xD4E800, s6;
	s9 =	sadd.s32 $0xBE6800, s9  }
.LBB2_1:
0x10: {  	[spmem:s10@s12], [sflag:s5] =	dma.strided [hbm:s4@s13], $0x2BF2, s11, $0x9   }
0x11: {  	_ =	swait.ge [sflag:s14], $0x2BF2  }
0x12: {  	[sflag:s14] =	ssyncset.done $0x0  }
0x13: {  	[sflag:s14] =	ssyncadd.s32 $0xFFFFD40E  }
0x14: {  	s19 =	sadd.s32 $0x0, s8;
	[bflag:$0x0] =	sbarrier.arrive $0xFFFF  }
0x15: {  	[tilespmem:s3], [sflag:$0x2] =	stream.linear.gather [hbm4b:s19+s3], $0x80, $0x38;
	[tilespmem:$0x1A810] =	vst v63  }
0x16: {  	_ =	swait.ge [sflag:s11], $0x80  }
0x17: {  	[sflag:s11] =	ssyncset.done $0x0  }
0x18: {  	[sflag:s11] =	ssyncadd.s32 $0xFFFFFF80  }
0x19: {  	[tilespmem:s17], [sflag:$0x2] =	stream.strided.gather [hbm4b:s9+s15], $0x4800, s16, s15, $0x38;
	[tilespmem:$0x1A810] =	vst v63  }
0x1a: {  	_ =	swait.ge [sflag:s11], $0x4800  }
0x1b: {  	[sflag:s11] =	ssyncset.done $0x0  }
0x1c: {  	[sflag:s11] =	ssyncadd.s32 $0xFFFFB800  }
0x1d: {  	[spmem:s2] =	stream.indirect.scatter.add.f32 [tilespmem:s17], [sflag:$0x1], $0x90, s3, s17, $0xb8;
	[tilespmem:$0x1A810] =	vst v63  }
0x1e: {  	s20 =	simm.s32 $0x100;
	_ =	swait.ge [sflag:s14], $0x4800  }
0x1f: {  	s21 =	simm.s32 $0x200;
	s19 =	sadd.s32 $0x12000, s9;
	[sflag:s14] =	ssyncset.done $0x0  }
.LBB2_2:
0x20: {  	s22 =	sadd.s32 s20, s8  }
0x21: {  	[sflag:s14] =	ssyncadd.s32 $0xFFFFB800;
	s20 =	smov.u32 s21;
	s23 =	sadd.s32 $0x100, s21  }
0x22: {  	[tilespmem:s3], [sflag:$0x2] =	stream.linear.gather [hbm4b:s22+s3], $0x80, $0x38;
	[tilespmem:$0x1A810] =	vst v63  }
0x23: {  	p0 =	sne.s32 s21, $0x1300;
	_ =	swait.ge [sflag:s11], $0x80  }
0x24: {  	[sflag:s11] =	ssyncset.done $0x0  }
0x25: {  	[sflag:s11] =	ssyncadd.s32 $0xFFFFFF80  }
0x26: {  	[tilespmem:s17], [sflag:$0x2] =	stream.strided.gather [hbm4b:s19+s15], $0x4800, s16, s15, $0x38;
	[tilespmem:$0x1A810] =	vst v63  }
0x27: {  	_ =	swait.ge [sflag:s11], $0x4800  }
.Ltmp0:
0x28: {  	[sflag:s11] =	ssyncset.done $0x0;
	(pc) =	sbr.rel @p0 .LBB2_2-.Ltmp0, $4  }
0x29: {  	[sflag:s11] =	ssyncadd.s32 $0xFFFFB800  }
0x2a: {  	[spmem:s2] =	stream.indirect.scatter.add.f32 [tilespmem:s17], [sflag:$0x1], $0x90, s3, s17, $0xb8;
	[tilespmem:$0x1A810] =	vst v63  }
0x2b: {  	_ =	swait.ge [sflag:s14], $0x4800  }
0x2c: {  	s21 =	smov.u32 s23;
	s19 =	sadd.s32 $0x12000, s19;
	[sflag:s14] =	ssyncset.done $0x0  }
0x2d: {  	s20 =	sadd.s32 s20, s8;
	[sflag:s14] =	ssyncadd.s32 $0xFFFFB800  }
0x2e: {  	[tilespmem:s3], [sflag:$0x2] =	stream.linear.gather [hbm4b:s20+s3], $0x80, $0x38;
	[tilespmem:$0x1A810] =	vst v63  }
0x2f: {  	_ =	swait.ge [sflag:s11], $0x80  }
0x30: {  	[sflag:s11] =	ssyncset.done $0x0  }
0x31: {  	[sflag:s11] =	ssyncadd.s32 $0xFFFFFF80  }
0x32: {  	[tilespmem:s17], [sflag:$0x2] =	stream.strided.gather [hbm4b:s19+s15], $0x4800, s16, s15, $0x38;
	[tilespmem:$0x1A810] =	vst v63  }
0x33: {  	_ =	swait.ge [sflag:s11], $0x4800  }
0x34: {  	[sflag:s11] =	ssyncset.done $0x0  }
0x35: {  	[sflag:s11] =	ssyncadd.s32 $0xFFFFB800  }
0x36: {  	[spmem:s2] =	stream.indirect.scatter.add.f32 [tilespmem:s17], [sflag:$0x1], $0x90, s3, s17, $0xb8;
	[tilespmem:$0x1A810] =	vst v63  }
0x37: {  	_ =	swait.ge [sflag:s14], $0x4800  }
0x38: {  	s18 =	sadd.s32 $0x1, s18;
	[sflag:s14] =	ssyncset.done $0x0  }
0x39: {  	p0 =	sne.s32 s18, s7;
	[sflag:s14] =	ssyncadd.s32 $0xFFFFB800  }
.Ltmp1:
0x3a: {  	[bflag:$0x0] =	sbarrier.arrive $0xFFFF;
	(pc) =	sbr.rel @p0 .LBB2_1-.Ltmp1, $4  }
0x3b: {  	[hbm:s6@s13], [sflag:s5] =	dma.strided [spmem:s10@s12], $0x2BF2, s11, $0x9   }
0x3c: {  	_ =	swait.ge [sflag:s14], $0x2BF2  }
0x3d: {  	[sflag:s14] =	ssyncset.done $0x0  }
0x3e: {  	[sflag:s14] =	ssyncadd.s32 $0xFFFFD40E  }
0x3f: {  	_ =	sfence.sel $0x180000  }
0x40: {  	[bflag:$0x0] =	sbarrier.arrive $0xFFFF  }
0x41: {  	p0 =	sne.s32 s0, $0x0;
	_ =	strace $0x90000056  }
0x42: {  	s0 =	sadd.s32 @!p0 $0x100000, s1;
	[bflag:$0x2] =	sbarrier.arrive $0xFFFF  }
0x43: {  	[sflag:s0] =	ssyncadd.tile.s32 @!p0 $0x1;
	_ =	shalt  }
.Lfunc_end2:
_tile_overlayer_lowered:
.L_overlay_start_2:
0x44: {  	(tag) =	ssettag $0x2  }
0x45: {  	s0 =	rddreg [dreg:$0x0];
	s2 =	stileid.u32  }
0x46: {  	s1 =	rddreg [dreg:$0x1];
	p0 =	sne.s32 s2, $0x0  }
0x47: {  	s3 =	rddreg [dreg:$0x2];
	[bflag:$0x3] =	sbarrier.arrive $0xFFFF;
	s2 =	simm.s32 @!p0 $0x1C01  }
0x48: {  	[timem:s3], [sflag:s2] =	dma.local @!p0 [hbm:s0], s1  }
0x49: {  	s0 =	simm.s32 @!p0 $0x1  }
0x4a: {  	_ =	swait.ge @!p0 [sflag:s0], s1  }
0x4b: {  	s1 =	ssub.s32 @!p0 $0x0, s1;
	[sflag:s0] =	ssyncset.done @!p0 $0x0  }
0x4c: {  	[sflag:s0] =	ssyncadd.s32 @!p0 s1  }
0x4d: {  	[bflag:$0x3] =	sbarrier.arrive $0xFFFF  }
0x4e: {  	_ =	shalt  }

// kernel: kernel.37.cloned.1.call-start
scs
__scs_entry_jumppad:
0x0: {  	(pc) =	sbr.rel $0x88, $3  }
0x1: {  	(tag) =	ssettag $0x0;
	lr =	simm.s32 $0x1  }
0x2: {  	[smem:$0x3F91] =	sst lr;
	_ =	strace $0xD0000000  }
0x3: {  	_ = 	snop  }
0x4: {  	_ = 	snop  }
0x5: {  	_ = 	snop  }
0x6: {  	_ = 	snop  }
0x7: {  	_ = 	snop  }
__scs_overlays_trampoline_lowered:
0x8: {  	[smem:$0x3FA0] =	sst s0  }
0x9: {  	[smem:$0x3FA1] =	sst s1  }
0xa: {  	[smem:$0x3FA2] =	sst s2  }
0xb: {  	[smem:$0x3FA3] =	sst s3  }
0xc: {  	[smem:$0x3FA4] =	sst s4  }
0xd: {  	[smem:$0x3FA5] =	sst s5  }
0xe: {  	[smem:$0x3FA6] =	sst s6  }
0xf: {  	[smem:$0x3FA7] =	sst s7  }
0x10: {  	[smem:$0x3FA8] =	sst s8  }
0x11: {  	[smem:$0x3FA9] =	sst s9;
	s0 =	simm.s32 @!p0 $0x0  }
0x12: {  	s1 =	sld [smem:$0x3F8F];
	s0 =	simm.s32 @p0 $0x1  }
0x13: {  	[smem:$0x3FAA] =	sst s0;
	s0 =	simm.s32 @!p1 $0x0  }
0x14: {  	s2 =	sld [smem:$0x3F8E];
	s0 =	simm.s32 @p1 $0x1  }
0x15: {  	[smem:$0x3FAB] =	sst s0;
	s0 =	simm.s32 @!p2 $0x0  }
0x16: {  	s3 =	sld [smem:$0x3FDB];
	s0 =	simm.s32 @p2 $0x1  }
0x17: {  	s4 =	simm.s32 $0x1BF5;
	[smem:$0x3FAD] =	sst s0  }
0x18: {  	s0 =	sld [smem:$0x3F90];
	_ =	swait.ge [sflag:s4], $0x0  }
0x19: {  	s7 =	sld [smem:$0x3F91]  }
0x1a: {  	s8 =	sadd.s32 $0xFFFFE003, lr  }
0x1b: {  	s9 =	sadd.s32 $0xFFFFFEF7, lr;
	s5 =	simm.s32 $0xFFFFFFFF;
	p2 =	slt.u32 s8, $0xFFFFF086  }
0x1c: {  	p1 =	slt.u32 s9, $0xF7A;
	s5 =	simm.s32 @!p2 $0x0  }
0x1d: {  	s5 =	simm.s32 @p1 $0x1;
	p0 =	seq.s32 s7, s2  }
0x1e: {  	s7 =	smul.u32 @!p0 $0xF7A, s2;
	p2 =	seq.s32 @!p0 s5, $0x0  }
0x1f: {  	s9 =	smul.u32 $0xF7A, s1;
	s8 =	simm.s32 @!p0 $0x1BF5;
	p2 =	por !p2, p0  }
0x20: {  	[sflag:s8] =	ssyncset.s32 @!p0 $0xFFFFF086;
	s6 =	sadd.s32 @!p0 s3, s7;
	s7 =	simm.s32 @!p0 $0x108  }
0x21: {  	s3 =	sadd.s32 s3, s9;
	s6 =	sadd.s32 @!p0 $0x88, s6;
	s7 =	simm.s32 @p2 $0x1082  }
0x22: {  	[simem:s7], [sflag:s8] =	dma.local @!p0 [hbm:s6], $0xF7A  }
0x23: {  	s9 =	sor.u32 $0xD0000000, s2;
	s6 =	simm.s32 $0x108;
	_ =	swait.ge @!p0 [sflag:s8], $0x0  }
0x24: {  	s3 =	sadd.s32 $0x88, s3;
	s6 =	simm.s32 @!p1 $0x1082;
	[sflag:s4] =	ssyncset.s32 $0xFFFFF086  }
0x25: {  	[simem:s6], [sflag:s4] =	dma.local [hbm:s3], $0xF7A  }
0x26: {  	[smem:$0x3F91] =	sst s1;
	(tag) =	ssettag s2;
	_ =	strace s9  }
0x27: {  	s1 =	sld [smem:$0x3FA1]  }
0x28: {  	s2 =	sld [smem:$0x3FA2]  }
0x29: {  	s4 =	sld [smem:$0x3FA4]  }
0x2a: {  	p0 =	seq.s32 s5, $0x0;
	s5 =	sld [smem:$0x3FA5]  }
0x2b: {  	s6 =	sld [smem:$0x3FA6]  }
0x2c: {  	s7 =	sld [smem:$0x3FA7]  }
0x2d: {  	s3 =	simm.s32 $0x108;
	s8 =	sld [smem:$0x3FA8]  }
0x2e: {  	s3 =	simm.s32 @!p0 $0x1082;
	s9 =	sld [smem:$0x3FA9]  }
0x2f: {  	lr =	sadd.s32 s0, s3;
	s0 =	sld [smem:$0x3FA0]  }
0x30: {  	s3 =	sld [smem:$0x3FA3]  }
0x31: {  	[smem:$0x3FAC] =	sst s10  }
0x32: {  	s10 =	sld [smem:$0x3FAA];
	_ =	sdelay $0x3  }
0x33: {  	p0 =	seq.s32 s10, $0x1;
	s10 =	sld [smem:$0x3FAC];
	_ =	sdelay $0x3  }
0x34: {  	[smem:$0x3FAC] =	sst s10  }
0x35: {  	s10 =	sld [smem:$0x3FAB];
	_ =	sdelay $0x3  }
0x36: {  	p1 =	seq.s32 s10, $0x1;
	s10 =	sld [smem:$0x3FAC];
	_ =	sdelay $0x3  }
0x37: {  	[smem:$0x3FAC] =	sst s10  }
0x38: {  	s10 =	sld [smem:$0x3FAD]  }
0x39: {  	_ = 	snop;
	(pc) =	sbr.ind lr, $3  }
0x3a: {  	_ = 	snop  }
0x3b: {  	_ = 	snop  }
0x3c: {  	p2 =	seq.s32 s10, $0x1;
	s10 =	sld [smem:$0x3FAC]  }
0x3d: {  	_ =	shalt  }
0x3e: {  	_ =	shalt  }
0x3f: {  	_ =	shalt  }
0x40: {  	_ =	shalt  }
0x41: {  	_ =	shalt  }
0x42: {  	_ =	shalt  }
0x43: {  	_ =	shalt  }
0x44: {  	_ =	shalt  }
0x45: {  	_ =	shalt  }
0x46: {  	_ =	shalt  }
0x47: {  	_ =	shalt  }
0x48: {  	_ =	shalt  }
0x49: {  	_ =	shalt  }
0x4a: {  	_ =	shalt  }
0x4b: {  	_ =	shalt  }
0x4c: {  	_ =	shalt  }
0x4d: {  	_ =	shalt  }
0x4e: {  	_ =	shalt  }
0x4f: {  	_ =	shalt  }
0x50: {  	_ =	shalt  }
0x51: {  	_ =	shalt  }
0x52: {  	_ =	shalt  }
0x53: {  	_ =	shalt  }
0x54: {  	_ =	shalt  }
0x55: {  	_ =	shalt  }
0x56: {  	_ =	shalt  }
0x57: {  	_ =	shalt  }
0x58: {  	_ =	shalt  }
0x59: {  	_ =	shalt  }
0x5a: {  	_ =	shalt  }
0x5b: {  	_ =	shalt  }
0x5c: {  	_ =	shalt  }
0x5d: {  	_ =	shalt  }
0x5e: {  	_ =	shalt  }
0x5f: {  	_ =	shalt  }
0x60: {  	_ =	shalt  }
0x61: {  	_ =	shalt  }
0x62: {  	_ =	shalt  }
0x63: {  	_ =	shalt  }
0x64: {  	_ =	shalt  }
0x65: {  	_ =	shalt  }
0x66: {  	_ =	shalt  }
0x67: {  	_ =	shalt  }
0x68: {  	_ =	shalt  }
0x69: {  	_ =	shalt  }
0x6a: {  	_ =	shalt  }
0x6b: {  	_ =	shalt  }
0x6c: {  	_ =	shalt  }
0x6d: {  	_ =	shalt  }
0x6e: {  	_ =	shalt  }
0x6f: {  	_ =	shalt  }
0x70: {  	_ =	shalt  }
0x71: {  	_ =	shalt  }
0x72: {  	_ =	shalt  }
0x73: {  	_ =	shalt  }
0x74: {  	_ =	shalt  }
0x75: {  	_ =	shalt  }
0x76: {  	_ =	shalt  }
0x77: {  	_ =	shalt  }
0x78: {  	_ =	shalt  }
0x79: {  	_ =	shalt  }
0x7a: {  	_ =	shalt  }
0x7b: {  	_ =	shalt  }
0x7c: {  	_ =	shalt  }
0x7d: {  	_ =	shalt  }
0x7e: {  	_ =	shalt  }
0x7f: {  	_ =	shalt  }
0x80: {  	_ =	shalt  }
0x81: {  	_ =	shalt  }
0x82: {  	_ =	shalt  }
0x83: {  	_ =	shalt  }
0x84: {  	_ =	shalt  }
0x85: {  	_ =	shalt  }
0x86: {  	_ =	shalt  }
0x87: {  	_ =	shalt  }
.Lfunc_end0:
.L_simem_size_0:
called_computation.7_lowered:
.L_overlay_start_0:
0x88: {  	s2 =	sld [smem:$0x3FD9]  }
0x89: {  	s3 =	sld [smem:$0x3FFE];
	_ =	sdelay $0x1  }
0x8a: {  	s1 =	srdreg.scid  }
0x8b: {  	s0 =	sand.u32 $0x1, s1  }
0x8c: {  	s17 =	sshll.u32 s0, $0xA;
	s2 =	sadd.s32 s3, s2  }
0x8d: {  	s2 =	sadd.s32 s2, s17  }
0x8e: {  	[smem:$0x3FB8] =	sst s2  }
0x8f: {  	_ = 	snop  }
0x90: {  	(tm) =	ssettm $0x1  }
0x91: {  	s18 =	sld [smem:$0x3FFB];
	_ =	sdelay $0x3  }
0x92: {  	_ =	strace s18  }
0x93: {  	s2 =	sld [smem:$0x3FFC];
	_ =	sdelay $0x3  }
0x94: {  	_ =	strace s2  }
0x95: {  	s2 =	sld [smem:$0x3FFD];
	_ =	sdelay $0x3  }
0x96: {  	_ =	strace s2  }
0x97: {  	_ =	strace $0x8FFFFFFF  }
0x98: {  	s19 =	sld [smem:$0x3FDB];
	_ =	sdelay $0x1  }
0x99: {  	s20 =	simm.s32 $_scs_section_size  }
0x9a: {  	s4 =	simm.s32 $_size__tile_overlayer_lowered;
	s5 =	simm.s32 $_tile_overlayer_lowered  }
0x9b: {  	s6 =	simm.s32 $0x1BFF;
	s21 =	sshll.u32 s5, $0x1;
	s3 =	sadd.s32 s20, s19  }
0x9c: {  	s22 =	simm.s32 $0x0;
	s4 =	sshll.u32 s4, $0x1;
	s5 =	sadd.s32 s21, s3  }
0x9d: {  	[timem:s22], [sflag:s6] =	dma.local [hbm:s5], s4  }
0x9e: {  	_ =	swait.ge [sflag:s6], s4  }
0x9f: {  	s4 =	ssub.s32 $0x0, s4;
	[sflag:s6] =	ssyncset.done $0x0  }
0xa0: {  	[sflag:s6] =	ssyncadd.s32 s4;
	_ =	sdelay $0x1  }
0xa1: {  	s23 =	simm.s32 $0x1B8B  }
0xa2: {  	_ =	swait.ge [sflag:s23], $0x1  }
0xa3: {  	[sflag:s23] =	ssyncset.done $0x0  }
0xa4: {  	[sflag:s23] =	ssyncadd.s32 $0xFFFFFFFF  }
0xa5: {  	s4 =	sld [smem:$0x0]  }
0xa6: {  	s5 =	sand.u32 $0xFFFFFFFE, s1  }
0xa7: {  	p0 =	sne.s32 s1, s5  }
0xa8: {  	s5 =	sshll.u32 @p0 s5, $0xE  }
0xa9: {  	s5 =	sadd.s32 @p0 $0x11B8D, s5;
	s6 =	sshll.u32 @p0 s4, $0x11  }
0xaa: {  	s5 =	sor.u32 @p0 s6, s5  }
0xab: {  	[sflag:s5] =	ssyncadd.remote.s32 @p0 $0x1;
	_ =	sdelay $0x1  }
0xac: {  	s5 =	simm.s32 @p0 $0x1B8D  }
0xad: {  	_ =	swait.eq @p0 [sflag:s5], $0x1  }
0xae: {  	[sflag:s5] =	ssyncadd.s32 @p0 $0xFFFFFFFF  }
0xaf: {  	s6 =	sshll.u32 @!p0 s1, $0xE  }
0xb0: {  	s6 =	sor.u32 @!p0 $0x4000, s6;
	s5 =	simm.s32 @!p0 $0x1B8D  }
0xb1: {  	s4 =	sshll.u32 @!p0 s4, $0x11;
	s6 =	sadd.s32 @!p0 $0x11B8D, s6;
	_ =	swait.eq @!p0 [sflag:s5], $0x1  }
0xb2: {  	s4 =	sor.u32 @!p0 s4, s6;
	[sflag:s5] =	ssyncadd.s32 @!p0 $0xFFFFFFFF  }
0xb3: {  	s25 =	simm.s32 $0x1B8E;
	s24 =	sld [smem:$0x3FFE];
	[sflag:s4] =	ssyncadd.remote.s32 @!p0 $0x1  }
0xb4: {  	s26 =	simm.s32 $execute0_lowered;
	[smem:$0x3FD2] =	sst s25  }
0xb5: {  	s5 =	sshll.u32 s26, $0x1;
	_ =	strace $0x80000052;
	[dreg:$0x1] =	wrdreg $0xFFFFFFFF  }
0xb6: {  	s28 =	simm.s32 $_size_execute0_lowered;
	s3 =	sadd.s32 s3, s5;
	[dreg:$0x0] =	wrdreg $0x0  }
0xb7: {  	s5 =	sshll.u32 s28, $0x1;
	[dreg:$0x2] =	wrdreg s3  }
0xb8: {  	[dreg:$0x3] =	wrdreg s5  }
0xb9: {  	[dreg:$0x4] =	wrdreg $0xC0  }
0xba: {  	_ =	task [dreg:s22], $0x5FFFF  }
0xbb: {  	[dreg:$0x1] =	wrdreg $0xFFFFFFFF  }
0xbc: {  	[dreg:$0x0] =	wrdreg $0x60  }
0xbd: {  	[dreg:$0x2] =	wrdreg s24  }
0xbe: {  	[dreg:$0x3] =	wrdreg $0x48800  }
0xbf: {  	[dreg:$0x4] =	wrdreg $0xA  }
0xc0: {  	_ =	task.clear_ibuf [dreg:s22], $0x5FFFF;
	_ =	strace $0x90000052  }
0xc1: {  	s29 =	simm.s32 $0xA;
	_ =	strace $0x80000054  }
0xc2: {  	_ =	swait.ge [sflag:s29], $0x1  }
0xc3: {  	[sflag:s29] =	ssyncadd.s32 $0xFFFFFFFF  }
0xc4: {  	_ =	strace $0x90000054  }
0xc5: {  	_ =	sfence  }
0xc6: {  	s30 =	sld [smem:$0x0];
	_ =	sdelay $0x2  }
0xc7: {  	s31 =	sshll.u32 s1, $0xD;
	s1 =	sshrl.u32 s1, $0x2  }
0xc8: {  	s4 =	sand.u32 $0x4000, s31;
	s1 =	sadd.s32 s1, s30  }
0xc9: {  	s0 =	sor.u32 s4, s0;
	s1 =	sshll.u32 s1, $0x11  }
0xca: {  	s0 =	sor.u32 s1, s0  }
0xcb: {  	s0 =	sadd.s32 $0x8F2B, s0  }
0xcc: {  	[sflag:s0] =	ssyncadd.remote.s32 $0x1  }
0xcd: {  	_ =	sfence.sel $0xFFFF  }
0xce: {  	[dreg:$0x0] =	wrdreg $0xFFFFFFFF;
	(pc) =	sbr.abs _section_cstart, $3  }
0xcf: {  	[dreg:$0x1] =	wrdreg $0xFFFFFFFF  }
0xd0: {  	_ =	task.clear_ibuf [dreg:s22], $0x2FFFF;
	_ =	strace $0x9FFFFFFF  }
0xd1: {  	(tm) =	ssettm $0x7FFFFFFF  }
tec
execute0_lowered:
.L_overlay_start_1:
0x0: {  	(tag) =	ssettag $0x1  }
0x1: {  	s4 =	rddreg [dreg:$0x0]  }
0x2: {  	s0 =	srdreg.scid;
	s2 =	rddreg [dreg:$0x1]  }
0x3: {  	s1 =	rddreg [dreg:$0x2];
	s5 =	sand.u32 $0x1, s0  }
0x4: {  	s3 =	simm.s32 $0x0;
	s0 =	stileid.u32;
	s6 =	smul.u32 $0x90, s5  }
0x5: {  	s12 =	simm.s32 $0x12;
	s13 =	simm.s32 $0x24;
	s7 =	smul.u32 $0x9000, s0  }
0x6: {  	s14 =	simm.s32 $0x1;
	[smem:$0x7FF] =	sst s3;
	s8 =	smul.u32 $0x2BF20, s0  }
0x7: {  	_ =	strace $0x80000053;
	s25 =	sshll.u32 s0, $0x4;
	s5 =	ssub.s32 $0x2, s5  }
0x8: {  	s26 =	smul.u32 $0x57E40, s0;
	s31 =	sshll.u32 s0, $0x6;
	s10 =	sadd.s32 s25, s4  }
0x9: {  	s28 =	sshrl.u32 s5, $0x1;
	s7 =	sor.u32 s6, s7;
	s6 =	sadd.s32 s6, s8  }
0xa: {  	s29 =	ssub.s32 s5, s28;
	s30 =	sshrl.u32 s26, $0x2;
	s5 =	sor.u32 $0x1C01, s31  }
0xb: {  	s8 =	sadd.s32 $0xE400, s10;
	s7 =	sshrl.u32 s7, $0x3;
	s6 =	sshrl.u32 s6, $0x3  }
0xc: {  	s11 =	sadd.s32 s30, s2;
	s9 =	sadd.s32 s7, s4;
	s6 =	sadd.s32 s6, s4  }
0xd: {  	s7 =	smax.u32 s29, $0x1;
	s10 =	sshrl.u32 s11, $0x3;
	s4 =	sadd.s32 $0xB8E800, s6  }
0xe: {  	s11 =	simm.s32 $0x2;
	s6 =	sadd.s32 $0x84C00, s6;
	s9 =	sadd.s32 $0xDCD800, s9  }
.LBB2_1:
0xf: {  	[spmem:s10@s12], [sflag:s5] =	dma.strided [hbm:s4@s13], $0x2BF2, s11, $0x9   }
0x10: {  	_ =	swait.ge [sflag:s14], $0x2BF2  }
0x11: {  	s15 =	sadd.s32 $0x0, s0;
	[sflag:s14] =	ssyncset.done $0x0  }
0x12: {  	p0 =	sgt.u32 s15, $0x121;
	[sflag:s14] =	ssyncadd.s32 $0xFFFFD40E  }
0x13: {  	s15 =	simm.s32 @!p0 $0x0;
	s17 =	simm.s32 @!p0 $0x2;
	[bflag:$0x0] =	sbarrier.arrive $0xFFFF  }
0x14: {  	[tilespmem:s15], [sflag:$0x2] =	stream.linear.gather @!p0 [hbm4b:s8+s15], $0x80, $0x38;
	[tilespmem:$0x1A810] =	vst v63  }
0x15: {  	_ =	swait.ge @!p0 [sflag:s17], $0x80  }
0x16: {  	s19 =	simm.s32 @!p0 $0x80;
	[sflag:s17] =	ssyncset.done @!p0 $0x0  }
0x17: {  	s16 =	simm.s32 @!p0 $0x90;
	s18 =	simm.s32 @!p0 $0x120;
	[sflag:s17] =	ssyncadd.s32 @!p0 $0xFFFFFF80  }
0x18: {  	[tilespmem:s19], [sflag:$0x2] =	stream.strided.gather @!p0 [hbm4b:s9+s16], $0x4800, s18, s16, $0x38;
	[tilespmem:$0x1A810] =	vst v63  }
0x19: {  	p1 =	por p0, p0;
	_ =	swait.ge @!p0 [sflag:s17], $0x4800  }
0x1a: {  	[sflag:s17] =	ssyncset.done @!p1 $0x0  }
0x1b: {  	s31 =	sadd.s32 $0x10, s0;
	s18 =	simm.s32 @!p1 $0x1;
	[sflag:s17] =	ssyncadd.s32 @!p1 $0xFFFFB800  }
0x1c: {  	[spmem:s2] =	stream.indirect.scatter.add.f32 @!p1 [tilespmem:s19], [sflag:$0x1], $0x90, s15, s19, $0xb8;
	[tilespmem:$0x1A810] =	vst v63  }
0x1d: {  	s16 =	simm.s32 $0x20;
	p0 =	sgt.u32 s31, $0x121;
	_ =	swait.ge @!p1 [sflag:s18], $0x4800  }
0x1e: {  	s17 =	sadd.s32 $0x100, s8;
	s15 =	sadd.s32 $0x12000, s9;
	[sflag:s18] =	ssyncset.done @!p1 $0x0  }
.LBB2_2:
0x1f: {  	s19 =	simm.s32 @!p0 $0x0;
	s20 =	simm.s32 @!p0 $0x2;
	[sflag:s18] =	ssyncadd.s32 @!p1 $0xFFFFB800  }
0x20: {  	[tilespmem:s19], [sflag:$0x2] =	stream.linear.gather @!p0 [hbm4b:s17+s19], $0x80, $0x38;
	[tilespmem:$0x1A810] =	vst v63  }
0x21: {  	s21 =	smov.u32 s16;
	s16 =	sadd.s32 $0x10, s16;
	_ =	swait.ge @!p0 [sflag:s20], $0x80  }
0x22: {  	s22 =	simm.s32 @!p0 $0x80;
	p2 =	sne.s32 s16, $0x130;
	[sflag:s20] =	ssyncset.done @!p0 $0x0  }
0x23: {  	s18 =	simm.s32 @!p0 $0x90;
	s23 =	simm.s32 @!p0 $0x120;
	[sflag:s20] =	ssyncadd.s32 @!p0 $0xFFFFFF80  }
0x24: {  	[tilespmem:s22], [sflag:$0x2] =	stream.strided.gather @!p0 [hbm4b:s15+s18], $0x4800, s23, s18, $0x38;
	[tilespmem:$0x1A810] =	vst v63  }
0x25: {  	p1 =	por p0, p0;
	_ =	swait.ge @!p0 [sflag:s20], $0x4800  }
.Ltmp0:
0x26: {  	[sflag:s20] =	ssyncset.done @!p1 $0x0;
	(pc) =	sbr.rel @p2 .LBB2_2-.Ltmp0, $4  }
0x27: {  	s18 =	simm.s32 @!p1 $0x1;
	[sflag:s20] =	ssyncadd.s32 @!p1 $0xFFFFB800  }
0x28: {  	[spmem:s2] =	stream.indirect.scatter.add.f32 @!p1 [tilespmem:s22], [sflag:$0x1], $0x90, s19, s22, $0xb8;
	[tilespmem:$0x1A810] =	vst v63  }
0x29: {  	s15 =	sadd.s32 $0x12000, s15;
	s19 =	sadd.s32 s21, s0;
	_ =	swait.ge @!p1 [sflag:s18], $0x4800  }
0x2a: {  	s17 =	sadd.s32 $0x100, s17;
	p0 =	sgt.u32 s19, $0x121;
	[sflag:s18] =	ssyncset.done @!p1 $0x0  }
0x2b: {  	s16 =	simm.s32 @!p0 $0x0;
	s19 =	simm.s32 @!p0 $0x2;
	[sflag:s18] =	ssyncadd.s32 @!p1 $0xFFFFB800  }
0x2c: {  	[tilespmem:s16], [sflag:$0x2] =	stream.linear.gather @!p0 [hbm4b:s17+s16], $0x80, $0x38;
	[tilespmem:$0x1A810] =	vst v63  }
0x2d: {  	_ =	swait.ge @!p0 [sflag:s19], $0x80  }
0x2e: {  	s18 =	simm.s32 @!p0 $0x90;
	[sflag:s19] =	ssyncset.done @!p0 $0x0  }
0x2f: {  	s20 =	simm.s32 @!p0 $0x120;
	s17 =	simm.s32 @!p0 $0x80;
	[sflag:s19] =	ssyncadd.s32 @!p0 $0xFFFFFF80  }
0x30: {  	[tilespmem:s17], [sflag:$0x2] =	stream.strided.gather @!p0 [hbm4b:s15+s18], $0x4800, s20, s18, $0x38;
	[tilespmem:$0x1A810] =	vst v63  }
0x31: {  	_ =	swait.ge @!p0 [sflag:s19], $0x4800;
	p0 =	por p0, p0  }
0x32: {  	[sflag:s19] =	ssyncset.done @!p0 $0x0  }
0x33: {  	s15 =	simm.s32 @!p0 $0x1;
	[sflag:s19] =	ssyncadd.s32 @!p0 $0xFFFFB800  }
0x34: {  	[spmem:s2] =	stream.indirect.scatter.add.f32 @!p0 [tilespmem:s17], [sflag:$0x1], $0x90, s16, s17, $0xb8;
	[tilespmem:$0x1A810] =	vst v63  }
0x35: {  	_ =	swait.ge @!p0 [sflag:s15], $0x4800  }
0x36: {  	s3 =	sadd.s32 $0x1, s3;
	[sflag:s15] =	ssyncset.done @!p0 $0x0  }
0x37: {  	[sflag:s15] =	ssyncadd.s32 @!p0 $0xFFFFB800;
	p0 =	sne.s32 s3, s7  }
.Ltmp1:
0x38: {  	[bflag:$0x0] =	sbarrier.arrive $0xFFFF;
	(pc) =	sbr.rel @p0 .LBB2_1-.Ltmp1, $4  }
0x39: {  	[hbm:s6@s13], [sflag:s5] =	dma.strided [spmem:s10@s12], $0x2BF2, s11, $0x9   }
0x3a: {  	_ =	swait.ge [sflag:s14], $0x2BF2  }
0x3b: {  	[sflag:s14] =	ssyncset.done $0x0  }
0x3c: {  	[sflag:s14] =	ssyncadd.s32 $0xFFFFD40E  }
0x3d: {  	_ =	sfence.sel $0x180000  }
0x3e: {  	[bflag:$0x0] =	sbarrier.arrive $0xFFFF  }
0x3f: {  	p0 =	sne.s32 s0, $0x0;
	_ =	strace $0x90000053  }
0x40: {  	s0 =	sadd.s32 @!p0 $0x100000, s1;
	[bflag:$0x2] =	sbarrier.arrive $0xFFFF  }
0x41: {  	[sflag:s0] =	ssyncadd.tile.s32 @!p0 $0x1;
	_ =	shalt  }
.Lfunc_end2:
_tile_overlayer_lowered:
.L_overlay_start_2:
0x42: {  	(tag) =	ssettag $0x2  }
0x43: {  	s0 =	rddreg [dreg:$0x0];
	s2 =	stileid.u32  }
0x44: {  	s1 =	rddreg [dreg:$0x1];
	p0 =	sne.s32 s2, $0x0  }
0x45: {  	s3 =	rddreg [dreg:$0x2];
	[bflag:$0x3] =	sbarrier.arrive $0xFFFF;
	s2 =	simm.s32 @!p0 $0x1C01  }
0x46: {  	[timem:s3], [sflag:s2] =	dma.local @!p0 [hbm:s0], s1  }
0x47: {  	s0 =	simm.s32 @!p0 $0x1  }
0x48: {  	_ =	swait.ge @!p0 [sflag:s0], s1  }
0x49: {  	s1 =	ssub.s32 @!p0 $0x0, s1;
	[sflag:s0] =	ssyncset.done @!p0 $0x0  }
0x4a: {  	[sflag:s0] =	ssyncadd.s32 @!p0 s1  }
0x4b: {  	[bflag:$0x3] =	sbarrier.arrive $0xFFFF  }
0x4c: {  	_ =	shalt  }

</sc_bundles>
